<compile_context>
chip_gen: v7x
topology: tpu7x:2x2x1
jax: 0.10.2.dev20260603
libtpu: 0.0.44.dev20260713+nightly
codegen_flags: <defaults>
</compile_context>

<pallas_src>
import functools

import jax
import jax.numpy as jnp
from jax import lax
from jax.experimental import pallas as pl
from jax.experimental.pallas import tpu as pltpu
from jax.experimental.pallas import tpu_sc as plsc

N = 10000
E = 320000
N_PAD = 10240
NC = 2
NS = 16
NW = NC * NS
EPW = E // NW
CH = N_PAD // NS

B = 128
NBUF = 10
EPT = 10240
NB = EPT // B
E_PAD = NW * EPT
DUMMY_DST = N_PAD - 8

_sc_mesh = plsc.VectorSubcoreMesh(
    core_axis_name="c", subcore_axis_name="s", num_cores=NC, num_subcores=NS)


@functools.partial(
    pl.kernel,
    out_type=jax.ShapeDtypeStruct((NC, N_PAD), jnp.float32),
    mesh=_sc_mesh,
    scratch_types=[
        pltpu.VMEM((EPW,), jnp.int32),
        pltpu.VMEM((EPW,), jnp.float32),
        pltpu.VMEM_SHARED((N_PAD,), jnp.float32),
    ],
)
def _deg_kernel(dst_hbm, ones_hbm, zeros_hbm, out_hbm, idx_v, ones_v, deg_sh):
    c = lax.axis_index("c")
    s = lax.axis_index("s")
    wid = s * NC + c
    pltpu.sync_copy(zeros_hbm.at[pl.ds(s * CH, CH)], deg_sh.at[pl.ds(s * CH, CH)])
    pltpu.sync_copy(dst_hbm.at[pl.ds(wid * EPW, EPW)], idx_v)
    pltpu.sync_copy(ones_hbm, ones_v)
    plsc.subcore_barrier()
    pltpu.sync_copy(ones_v, deg_sh.at[idx_v], add=True)
    plsc.subcore_barrier()
    pltpu.sync_copy(deg_sh.at[pl.ds(s * CH, CH)], out_hbm.at[c, pl.ds(s * CH, CH)])


NBT = 2 * NB
DH = 64
SLAB = 160
NCHUNK = NBT // SLAB


AGG_DT = jnp.bfloat16


def _make_agg_kernel():

    @functools.partial(
        pl.kernel,
        out_type=jax.ShapeDtypeStruct((NC, N_PAD, DH), AGG_DT),
        mesh=_sc_mesh,
        compiler_params=pltpu.CompilerParams(use_tc_tiling_on_sc=False),
        scratch_types=[
            pltpu.VMEM((SLAB, B), jnp.int32),
            pltpu.VMEM((SLAB, B), jnp.int32),
            [pltpu.VMEM((B, DH), AGG_DT) for _ in range(NBUF)],
            pltpu.VMEM_SHARED((N_PAD, DH), AGG_DT),
            pltpu.VMEM_SHARED((N_PAD, DH), AGG_DT),
            [pltpu.SemaphoreType.DMA for _ in range(NBUF)],
        ],
    )
    def _agg(y_hbm, src_hbm, dst_hbm, out_hbm,
             src_v, dst_v, rows, y_sh, acc_sh, sems):
        c = lax.axis_index("c")
        s = lax.axis_index("s")

        pltpu.sync_copy(y_hbm.at[c, pl.ds(s * CH, CH), :],
                        y_sh.at[pl.ds(s * CH, CH), :])

        zlanes = 16 * 4 // jnp.dtype(AGG_DT).itemsize
        zv = jnp.zeros((zlanes,), AGG_DT)

        def zrow(i, carry):
            for q in range(DH // zlanes):
                rows[0][i, pl.ds(q * zlanes, zlanes)] = zv
            return carry

        lax.fori_loop(0, B, zrow, 0)

        def zbody(k, carry):
            pltpu.sync_copy(rows[0], acc_sh.at[pl.ds(s * CH + k * B, B), :])
            return carry

        lax.fori_loop(0, CH // B, zbody, 0)
        plsc.subcore_barrier()

        for c2 in range(NCHUNK):
            pltpu.sync_copy(src_hbm.at[s, pl.ds(c2 * SLAB, SLAB)], src_v)
            pltpu.sync_copy(dst_hbm.at[s, pl.ds(c2 * SLAB, SLAB)], dst_v)
            for k in range(NBUF):
                pltpu.async_copy(y_sh.at[src_v.at[k]], rows[k], sems[k])

            def body(j, carry):
                for k in range(NBUF):
                    b = j * NBUF + k
                    pltpu.make_async_copy(y_sh.at[src_v.at[b]], rows[k],
                                          sems[k]).wait()
                    pltpu.sync_copy(rows[k], acc_sh.at[dst_v.at[b]], add=True)
                    pltpu.async_copy(y_sh.at[src_v.at[b + NBUF]], rows[k],
                                     sems[k])
                return carry

            lax.fori_loop(0, SLAB // NBUF - 1, body, 0)
            for k in range(NBUF):
                b = SLAB - NBUF + k
                pltpu.make_async_copy(y_sh.at[src_v.at[b]], rows[k],
                                      sems[k]).wait()
                pltpu.sync_copy(rows[k], acc_sh.at[dst_v.at[b]], add=True)

        plsc.subcore_barrier()
        pltpu.sync_copy(acc_sh.at[pl.ds(s * CH, CH), :],
                        out_hbm.at[c, pl.ds(s * CH, CH), :])

    return _agg


_agg_half = _make_agg_kernel()


BM = 1024
GRID = N_PAD // BM


def _split(y):
    return jnp.stack([y[:, :DH], y[:, DH:]], axis=0).astype(AGG_DT)


def _y1_body(deg_ref, x_ref, w_ref, y_ref):
    d = deg_ref[0, :] + deg_ref[1, :] + 1.0
    dis = lax.rsqrt(d)
    xw = jnp.dot(x_ref[...], w_ref[...], preferred_element_type=jnp.float32)
    y_ref[...] = _split(xw * dis[:, None])


def _y1_call(degp, x_pad, W1):
    return pl.pallas_call(
        _y1_body,
        grid=(GRID,),
        in_specs=[
            pl.BlockSpec((2, BM), lambda i: (0, i)),
            pl.BlockSpec((BM, 128), lambda i: (i, 0)),
            pl.BlockSpec((128, 128), lambda i: (0, 0)),
        ],
        out_specs=pl.BlockSpec((2, BM, DH), lambda i: (0, i, 0)),
        out_shape=jax.ShapeDtypeStruct((2, N_PAD, DH), AGG_DT),
    )(degp, x_pad, W1)


def _y2_body(deg_ref, a_ref, y1_ref, b1_ref, w2_ref, y2_ref):
    d = deg_ref[0, :] + deg_ref[1, :] + 1.0
    dis = lax.rsqrt(d)
    acc = jnp.concatenate(
        [a_ref[0].astype(jnp.float32) + y1_ref[0].astype(jnp.float32),
         a_ref[1].astype(jnp.float32) + y1_ref[1].astype(jnp.float32)], axis=1)
    pre = acc * dis[:, None] + b1_ref[0, :]
    h = jnp.maximum(pre, 0.0)
    hw = jnp.dot(h, w2_ref[...], preferred_element_type=jnp.float32)
    y2_ref[...] = _split(hw * dis[:, None])


def _y2_call(degp, acc1, y1, b1, W2p):
    return pl.pallas_call(
        _y2_body,
        grid=(GRID,),
        in_specs=[
            pl.BlockSpec((2, BM), lambda i: (0, i)),
            pl.BlockSpec((2, BM, DH), lambda i: (0, i, 0)),
            pl.BlockSpec((2, BM, DH), lambda i: (0, i, 0)),
            pl.BlockSpec((1, 128), lambda i: (0, 0)),
            pl.BlockSpec((128, 128), lambda i: (0, 0)),
        ],
        out_specs=pl.BlockSpec((2, BM, DH), lambda i: (0, i, 0)),
        out_shape=jax.ShapeDtypeStruct((2, N_PAD, DH), AGG_DT),
    )(degp, acc1, y1, b1, W2p)


def _out_body(deg_ref, a_ref, y2_ref, b2_ref, o_ref):
    d = deg_ref[0, :] + deg_ref[1, :] + 1.0
    dis = lax.rsqrt(d)
    acc = jnp.concatenate(
        [a_ref[0].astype(jnp.float32) + y2_ref[0].astype(jnp.float32),
         a_ref[1].astype(jnp.float32) + y2_ref[1].astype(jnp.float32)], axis=1)
    o_ref[...] = acc * dis[:, None] + b2_ref[0, :]


def _out_call(degp, acc2, y2, b2p):
    return pl.pallas_call(
        _out_body,
        grid=(GRID,),
        in_specs=[
            pl.BlockSpec((2, BM), lambda i: (0, i)),
            pl.BlockSpec((2, BM, DH), lambda i: (0, i, 0)),
            pl.BlockSpec((2, BM, DH), lambda i: (0, i, 0)),
            pl.BlockSpec((1, 128), lambda i: (0, 0)),
        ],
        out_specs=pl.BlockSpec((BM, 128), lambda i: (i, 0)),
        out_shape=jax.ShapeDtypeStruct((N_PAD, 128), jnp.float32),
    )(degp, acc2, y2, b2p)


def kernel(in_feat, edge_index, W1, b1, W2, b2):
    src = edge_index[0]
    dst = edge_index[1]
    ones_e = jnp.ones((EPW,), jnp.float32)
    zeros_n = jnp.zeros((N_PAD,), jnp.float32)
    degp = _deg_kernel(dst, ones_e, zeros_n)

    epad = jnp.zeros((E_PAD - E,), jnp.int32)
    src3 = jnp.concatenate([src, epad]).reshape(NS, NBT, B)
    dst3 = jnp.concatenate([dst, epad + DUMMY_DST]).reshape(NS, NBT, B)
    x_pad = jnp.zeros((N_PAD, 128), jnp.float32).at[:N].set(in_feat)
    W2p = jnp.zeros((128, 128), jnp.float32).at[:, :40].set(W2)
    b2p = jnp.zeros((1, 128), jnp.float32).at[0, :40].set(b2)

    y1 = _y1_call(degp, x_pad, W1)
    a1 = _agg_half(y1, src3, dst3)
    y2 = _y2_call(degp, a1, y1, b1.reshape(1, 128), W2p)
    a2 = _agg_half(y2, src3, dst3)
    out = _out_call(degp, a2, y2, b2p)
    return out[:N, :40]

# --- scband reference (transcript-rebuilt; emitter-appended) ---
"""Pipeline reference for scband-magnet-82197084110904 (READ-ONLY COPY).

The authoritative reference and input builder live on the scoring server;
editing this copy changes nothing except your own understanding.
"""

import jax, jax.numpy as jnp
import numpy as np

N = 10000
E = 320000
D_IN = 128
D_H = 128
N_CLASSES = 40


def setup_inputs(seed: int = 0) -> dict:
    key = jax.random.key(seed)
    k1, k2, k3, k4, k5, k6 = jax.random.split(key, 6)
    x = jax.random.normal(k1, (N, D_IN), dtype=jnp.float32)
    edge_index = jax.random.randint(k2, (2, E), 0, N, dtype=jnp.int32)
    W1 = jax.random.normal(k3, (D_IN, D_H), dtype=jnp.float32) * (1.0 / np.sqrt(D_IN))
    b1 = jnp.zeros((D_H,), dtype=jnp.float32)
    W2 = jax.random.normal(k4, (D_H, N_CLASSES), dtype=jnp.float32) * (1.0 / np.sqrt(D_H))
    b2 = jnp.zeros((N_CLASSES,), dtype=jnp.float32)
    return {"in_feat": x, "edge_index": edge_index, "W1": W1, "b1": b1, "W2": W2, "b2": b2}


def _gcn_conv(x, src, dst, W, b):
    n = x.shape[0]
    # symmetric normalization with self-loops (PyG GCNConv default)
    ones = jnp.ones_like(dst, dtype=jnp.float32)
    deg = jnp.zeros((n,), dtype=jnp.float32).at[dst].add(ones)
    deg_inv_sqrt = jnp.where(deg > 0, jax.lax.rsqrt(jnp.maximum(deg, 1e-12)), 0.0)
    coef = deg_inv_sqrt[src] * deg_inv_sqrt[dst]
    xw = x @ W
    msg = xw[src] * coef[:, None]
    out = jnp.zeros((n, xw.shape[1]), dtype=xw.dtype).at[dst].add(msg)
    return out + b[None, :]


def reference(in_feat, edge_index, W1, b1, W2, b2):
    n = in_feat.shape[0]
    loop = jnp.arange(n, dtype=edge_index.dtype)
    src = jnp.concatenate([edge_index[0], loop])
    dst = jnp.concatenate([edge_index[1], loop])
    h = _gcn_conv(in_feat, src, dst, W1, b1)
    h = jax.nn.relu(h)
    out = _gcn_conv(h, src, dst, W2, b2)
    return out

if __name__ == "__main__":
    import jax
    _d = setup_inputs()
    print(jax.jit(kernel)(*tuple(_d.values())))

</pallas_src>

<mosaic_0001>
#map = affine_map<(d0, d1) -> (0, 0, 0)>
module attributes {stable_mosaic.version = 14 : i64} {
  func.func @_agg(%arg0: i32, %arg1: i32, %arg2: memref<2x10240x64xbf16, #tpu.memory_space<hbm>>, %arg3: memref<16x160x128xi32, #tpu.memory_space<hbm>>, %arg4: memref<16x160x128xi32, #tpu.memory_space<hbm>>, %arg5: memref<2x10240x64xbf16, #tpu.memory_space<hbm>>, %arg6: memref<160x128xi32, #tpu.memory_space<vmem>>, %arg7: memref<160x128xi32, #tpu.memory_space<vmem>>, %arg8: memref<128x64xbf16, #tpu.memory_space<vmem>>, %arg9: memref<128x64xbf16, #tpu.memory_space<vmem>>, %arg10: memref<128x64xbf16, #tpu.memory_space<vmem>>, %arg11: memref<128x64xbf16, #tpu.memory_space<vmem>>, %arg12: memref<128x64xbf16, #tpu.memory_space<vmem>>, %arg13: memref<128x64xbf16, #tpu.memory_space<vmem>>, %arg14: memref<128x64xbf16, #tpu.memory_space<vmem>>, %arg15: memref<128x64xbf16, #tpu.memory_space<vmem>>, %arg16: memref<128x64xbf16, #tpu.memory_space<vmem>>, %arg17: memref<128x64xbf16, #tpu.memory_space<vmem>>, %arg18: memref<10240x64xbf16, #tpu.memory_space<vmem_shared>>, %arg19: memref<10240x64xbf16, #tpu.memory_space<vmem_shared>>, %arg20: memref<!tpu.dma_semaphore, #tpu.memory_space<semaphore_mem>>, %arg21: memref<!tpu.dma_semaphore, #tpu.memory_space<semaphore_mem>>, %arg22: memref<!tpu.dma_semaphore, #tpu.memory_space<semaphore_mem>>, %arg23: memref<!tpu.dma_semaphore, #tpu.memory_space<semaphore_mem>>, %arg24: memref<!tpu.dma_semaphore, #tpu.memory_space<semaphore_mem>>, %arg25: memref<!tpu.dma_semaphore, #tpu.memory_space<semaphore_mem>>, %arg26: memref<!tpu.dma_semaphore, #tpu.memory_space<semaphore_mem>>, %arg27: memref<!tpu.dma_semaphore, #tpu.memory_space<semaphore_mem>>, %arg28: memref<!tpu.dma_semaphore, #tpu.memory_space<semaphore_mem>>, %arg29: memref<!tpu.dma_semaphore, #tpu.memory_space<semaphore_mem>>) attributes {dimension_semantics = [#tpu.dimension_semantics<core_parallel>, #tpu.dimension_semantics<subcore_parallel>], iteration_bounds = array<i64: 2, 16>, scalar_prefetch = 0 : i64, scratch_operands = 24 : i64, tpu.core_type = #tpu.core_type<sc_vector_subcore>, window_params = [{transform_indices = #map}, {transform_indices = #map}, {transform_indices = #map}, {transform_indices = #map}]} {
    %mul3A = arith.constant 640 : i32
    %mul3A_0 = arith.muli %arg1, %mul3A : i32
    %mul3A_1 = arith.constant 640 : i32
    %mul3A_2 = arith.muli %arg1, %mul3A_1 : i32
    "tpu.region"() ({
      %run_scoped3A_173 = tpu.sem_alloc : memref<!tpu.dma_semaphore, #tpu.memory_space<semaphore_mem>>
      %dma_start3A_174 = arith.constant 0 : i32
      %dma_start3A_175 = tpu.memref_slice %arg18[%mul3A_2, %dma_start3A_174] : memref<10240x64xbf16, #tpu.memory_space<vmem_shared>> -> memref<640x64xbf16, #tpu.memory_space<vmem_shared>>
      %dma_start3A_176 = arith.constant 0 : i32
      %dma_start3A_177 = tpu.memref_slice %arg2[%arg0, %mul3A_0, %dma_start3A_176] : memref<2x10240x64xbf16, #tpu.memory_space<hbm>> -> memref<1x640x64xbf16, #tpu.memory_space<hbm>>
      %dma_start3A_178 = tpu.memref_squeeze %dma_start3A_177 : memref<1x640x64xbf16, #tpu.memory_space<hbm>> -> memref<640x64xbf16, #tpu.memory_space<hbm>>
      tpu.enqueue_dma source(%dma_start3A_178 : memref<640x64xbf16, #tpu.memory_space<hbm>>) target(%dma_start3A_175 : memref<640x64xbf16, #tpu.memory_space<vmem_shared>>) target_semaphore(%run_scoped3A_173 : memref<!tpu.dma_semaphore, #tpu.memory_space<semaphore_mem>>)
      %dma_wait3A_179 = arith.constant 0 : i32
      %dma_wait3A_180 = tpu.memref_slice %arg18[%mul3A_2, %dma_wait3A_179] : memref<10240x64xbf16, #tpu.memory_space<vmem_shared>> -> memref<640x64xbf16, #tpu.memory_space<vmem_shared>>
      %dma_wait3A_181 = arith.constant 0 : i32
      %dma_wait3A_182 = tpu.memref_slice %arg2[%arg0, %mul3A_0, %dma_wait3A_181] : memref<2x10240x64xbf16, #tpu.memory_space<hbm>> -> memref<1x640x64xbf16, #tpu.memory_space<hbm>>
      %dma_wait3A_183 = tpu.memref_squeeze %dma_wait3A_182 : memref<1x640x64xbf16, #tpu.memory_space<hbm>> -> memref<640x64xbf16, #tpu.memory_space<hbm>>
      tpu.wait_dma2 semaphore(%run_scoped3A_173 : memref<!tpu.dma_semaphore, #tpu.memory_space<semaphore_mem>>) src(%dma_wait3A_183 : memref<640x64xbf16, #tpu.memory_space<hbm>>) dst(%dma_wait3A_180 : memref<640x64xbf16, #tpu.memory_space<vmem_shared>>)
      tpu.yield
    }) : () -> ()
    %broadcast_in_dim3A = arith.constant 0.000000e+00 : bf16
    %broadcast_in_dim3A_3 = vector.broadcast %broadcast_in_dim3A : bf16 to vector<32xbf16>
    %scan3A = arith.constant 0 : i32
    %scan3A_4 = arith.constant 0 : i32
    %scan3A_5 = arith.constant 128 : i32
    %scan3A_6 = arith.addi %scan3A_4, %scan3A_5 : i32
    %scan3A_7 = arith.constant 1 : i32
    scf.for %scan3A_173 = %scan3A_4 to %scan3A_6 step %scan3A_7  : i32 {
      %swap3A = arith.index_cast %scan3A_173 : i32 to index
      %swap3A_174 = arith.constant 0 : index
      %swap3A_175 = tpu.vector_load %arg8[%swap3A, %swap3A_174] {strides = array<i32>} : memref<128x64xbf16, #tpu.memory_space<vmem>>, vector<1x32xbf16>,
      %swap3A_176 = vector.shape_cast %swap3A_175 : vector<1x32xbf16> to vector<32xbf16>
      %swap3A_177 = vector.shape_cast %broadcast_in_dim3A_3 : vector<32xbf16> to vector<1x32xbf16>
      tpu.vector_store %arg8[%swap3A, %swap3A_174], %swap3A_177 {strides = array<i32>} : memref<128x64xbf16, #tpu.memory_space<vmem>>, vector<1x32xbf16>,
      %swap3A_178 = arith.index_cast %scan3A_173 : i32 to index
      %swap3A_179 = arith.constant 32 : index
      %swap3A_180 = tpu.vector_load %arg8[%swap3A_178, %swap3A_179] {strides = array<i32>} : memref<128x64xbf16, #tpu.memory_space<vmem>>, vector<1x32xbf16>,
      %swap3A_181 = vector.shape_cast %swap3A_180 : vector<1x32xbf16> to vector<32xbf16>
      %swap3A_182 = vector.shape_cast %broadcast_in_dim3A_3 : vector<32xbf16> to vector<1x32xbf16>
      tpu.vector_store %arg8[%swap3A_178, %swap3A_179], %swap3A_182 {strides = array<i32>} : memref<128x64xbf16, #tpu.memory_space<vmem>>, vector<1x32xbf16>,
    }
    %scan3A_8 = arith.constant 128 : i32
    %scan3A_9 = arith.constant 0 : i32
    %scan3A_10 = arith.constant 0 : i32
    %scan3A_11 = arith.constant 5 : i32
    %scan3A_12 = arith.addi %scan3A_10, %scan3A_11 : i32
    %scan3A_13 = arith.constant 1 : i32
    scf.for %scan3A_173 = %scan3A_10 to %scan3A_12 step %scan3A_13  : i32 {
      %mul3A_174 = arith.constant 640 : i32
      %mul3A_175 = arith.muli %arg1, %mul3A_174 : i32
      %mul3A_176 = arith.constant 128 : i32
      %mul3A_177 = arith.muli %scan3A_173, %mul3A_176 : i32
      %add3A = arith.addi %mul3A_175, %mul3A_177 : i32
      "tpu.region"() ({
        %run_scoped3A_178 = tpu.sem_alloc : memref<!tpu.dma_semaphore, #tpu.memory_space<semaphore_mem>>
        %dma_start3A_179 = arith.constant 0 : i32
        %dma_start3A_180 = tpu.memref_slice %arg19[%add3A, %dma_start3A_179] : memref<10240x64xbf16, #tpu.memory_space<vmem_shared>> -> memref<128x64xbf16, #tpu.memory_space<vmem_shared>>
        %dma_start3A_181 = arith.constant 0 : i32
        %dma_start3A_182 = tpu.memref_slice %arg19[%add3A, %dma_start3A_181] : memref<10240x64xbf16, #tpu.memory_space<vmem_shared>> -> memref<128x64xbf16, #tpu.memory_space<vmem_shared>>
        tpu.enqueue_dma source(%arg8 : memref<128x64xbf16, #tpu.memory_space<vmem>>) target(%dma_start3A_182 : memref<128x64xbf16, #tpu.memory_space<vmem_shared>>) target_semaphore(%run_scoped3A_178 : memref<!tpu.dma_semaphore, #tpu.memory_space<semaphore_mem>>)
        %dma_wait3A_183 = arith.constant 0 : i32
        %dma_wait3A_184 = tpu.memref_slice %arg19[%add3A, %dma_wait3A_183] : memref<10240x64xbf16, #tpu.memory_space<vmem_shared>> -> memref<128x64xbf16, #tpu.memory_space<vmem_shared>>
        %dma_wait3A_185 = arith.constant 0 : i32
        %dma_wait3A_186 = tpu.memref_slice %arg19[%add3A, %dma_wait3A_185] : memref<10240x64xbf16, #tpu.memory_space<vmem_shared>> -> memref<128x64xbf16, #tpu.memory_space<vmem_shared>>
        tpu.wait_dma2 semaphore(%run_scoped3A_178 : memref<!tpu.dma_semaphore, #tpu.memory_space<semaphore_mem>>) src(%arg8 : memref<128x64xbf16, #tpu.memory_space<vmem>>) dst(%dma_wait3A_186 : memref<128x64xbf16, #tpu.memory_space<vmem_shared>>)
        tpu.yield
      }) : () -> ()
    }
    %scan3A_14 = arith.constant 5 : i32
    %barrier3A = arith.constant 0 : index
    tpu.barrier barrier_id(%barrier3A)
    "tpu.region"() ({
      %run_scoped3A_173 = tpu.sem_alloc : memref<!tpu.dma_semaphore, #tpu.memory_space<semaphore_mem>>
      %dma_start3A_174 = arith.constant 0 : i32
      %dma_start3A_175 = arith.constant 0 : i32
      %dma_start3A_176 = tpu.memref_slice %arg3[%arg1, %dma_start3A_174, %dma_start3A_175] : memref<16x160x128xi32, #tpu.memory_space<hbm>> -> memref<1x160x128xi32, #tpu.memory_space<hbm>>
      %dma_start3A_177 = tpu.memref_squeeze %dma_start3A_176 : memref<1x160x128xi32, #tpu.memory_space<hbm>> -> memref<160x128xi32, #tpu.memory_space<hbm>>
      %dma_start3A_178 = arith.constant 0 : i32
      %dma_start3A_179 = arith.constant 0 : i32
      %dma_start3A_180 = tpu.memref_slice %arg3[%arg1, %dma_start3A_178, %dma_start3A_179] : memref<16x160x128xi32, #tpu.memory_space<hbm>> -> memref<1x160x128xi32, #tpu.memory_space<hbm>>
      %dma_start3A_181 = tpu.memref_squeeze %dma_start3A_180 : memref<1x160x128xi32, #tpu.memory_space<hbm>> -> memref<160x128xi32, #tpu.memory_space<hbm>>
      tpu.enqueue_dma source(%dma_start3A_181 : memref<160x128xi32, #tpu.memory_space<hbm>>) target(%arg6 : memref<160x128xi32, #tpu.memory_space<vmem>>) target_semaphore(%run_scoped3A_173 : memref<!tpu.dma_semaphore, #tpu.memory_space<semaphore_mem>>)
      %dma_wait3A_182 = arith.constant 0 : i32
      %dma_wait3A_183 = arith.constant 0 : i32
      %dma_wait3A_184 = tpu.memref_slice %arg3[%arg1, %dma_wait3A_182, %dma_wait3A_183] : memref<16x160x128xi32, #tpu.memory_space<hbm>> -> memref<1x160x128xi32, #tpu.memory_space<hbm>>
      %dma_wait3A_185 = tpu.memref_squeeze %dma_wait3A_184 : memref<1x160x128xi32, #tpu.memory_space<hbm>> -> memref<160x128xi32, #tpu.memory_space<hbm>>
      %dma_wait3A_186 = arith.constant 0 : i32
      %dma_wait3A_187 = arith.constant 0 : i32
      %dma_wait3A_188 = tpu.memref_slice %arg3[%arg1, %dma_wait3A_186, %dma_wait3A_187] : memref<16x160x128xi32, #tpu.memory_space<hbm>> -> memref<1x160x128xi32, #tpu.memory_space<hbm>>
      %dma_wait3A_189 = tpu.memref_squeeze %dma_wait3A_188 : memref<1x160x128xi32, #tpu.memory_space<hbm>> -> memref<160x128xi32, #tpu.memory_space<hbm>>
      tpu.wait_dma2 semaphore(%run_scoped3A_173 : memref<!tpu.dma_semaphore, #tpu.memory_space<semaphore_mem>>) src(%dma_wait3A_189 : memref<160x128xi32, #tpu.memory_space<hbm>>) dst(%arg6 : memref<160x128xi32, #tpu.memory_space<vmem>>)
      tpu.yield
    }) : () -> ()
    "tpu.region"() ({
      %run_scoped3A_173 = tpu.sem_alloc : memref<!tpu.dma_semaphore, #tpu.memory_space<semaphore_mem>>
      %dma_start3A_174 = arith.constant 0 : i32
      %dma_start3A_175 = arith.constant 0 : i32
      %dma_start3A_176 = tpu.memref_slice %arg4[%arg1, %dma_start3A_174, %dma_start3A_175] : memref<16x160x128xi32, #tpu.memory_space<hbm>> -> memref<1x160x128xi32, #tpu.memory_space<hbm>>
      %dma_start3A_177 = tpu.memref_squeeze %dma_start3A_176 : memref<1x160x128xi32, #tpu.memory_space<hbm>> -> memref<160x128xi32, #tpu.memory_space<hbm>>
      %dma_start3A_178 = arith.constant 0 : i32
      %dma_start3A_179 = arith.constant 0 : i32
      %dma_start3A_180 = tpu.memref_slice %arg4[%arg1, %dma_start3A_178, %dma_start3A_179] : memref<16x160x128xi32, #tpu.memory_space<hbm>> -> memref<1x160x128xi32, #tpu.memory_space<hbm>>
      %dma_start3A_181 = tpu.memref_squeeze %dma_start3A_180 : memref<1x160x128xi32, #tpu.memory_space<hbm>> -> memref<160x128xi32, #tpu.memory_space<hbm>>
      tpu.enqueue_dma source(%dma_start3A_181 : memref<160x128xi32, #tpu.memory_space<hbm>>) target(%arg7 : memref<160x128xi32, #tpu.memory_space<vmem>>) target_semaphore(%run_scoped3A_173 : memref<!tpu.dma_semaphore, #tpu.memory_space<semaphore_mem>>)
      %dma_wait3A_182 = arith.constant 0 : i32
      %dma_wait3A_183 = arith.constant 0 : i32
      %dma_wait3A_184 = tpu.memref_slice %arg4[%arg1, %dma_wait3A_182, %dma_wait3A_183] : memref<16x160x128xi32, #tpu.memory_space<hbm>> -> memref<1x160x128xi32, #tpu.memory_space<hbm>>
      %dma_wait3A_185 = tpu.memref_squeeze %dma_wait3A_184 : memref<1x160x128xi32, #tpu.memory_space<hbm>> -> memref<160x128xi32, #tpu.memory_space<hbm>>
      %dma_wait3A_186 = arith.constant 0 : i32
      %dma_wait3A_187 = arith.constant 0 : i32
      %dma_wait3A_188 = tpu.memref_slice %arg4[%arg1, %dma_wait3A_186, %dma_wait3A_187] : memref<16x160x128xi32, #tpu.memory_space<hbm>> -> memref<1x160x128xi32, #tpu.memory_space<hbm>>
      %dma_wait3A_189 = tpu.memref_squeeze %dma_wait3A_188 : memref<1x160x128xi32, #tpu.memory_space<hbm>> -> memref<160x128xi32, #tpu.memory_space<hbm>>
      tpu.wait_dma2 semaphore(%run_scoped3A_173 : memref<!tpu.dma_semaphore, #tpu.memory_space<semaphore_mem>>) src(%dma_wait3A_189 : memref<160x128xi32, #tpu.memory_space<hbm>>) dst(%arg7 : memref<160x128xi32, #tpu.memory_space<vmem>>)
      tpu.yield
    }) : () -> ()
    %dma_start3A = arith.constant 0 : i32
    %dma_start3A_15 = arith.constant 0 : i32
    %dma_start3A_16 = tpu.memref_slice %arg6[%dma_start3A, %dma_start3A_15] : memref<160x128xi32, #tpu.memory_space<vmem>> -> memref<1x128xi32, #tpu.memory_space<vmem>>
    %dma_start3A_17 = tpu.memref_squeeze %dma_start3A_16 : memref<1x128xi32, #tpu.memory_space<vmem>> -> memref<128xi32, #tpu.memory_space<vmem>>
    %dma_start3A_18 = arith.constant 0 : i32
    %dma_start3A_19 = arith.constant 0 : i32
    %dma_start3A_20 = tpu.memref_slice %arg18[%dma_start3A_18, %dma_start3A_19] : memref<10240x64xbf16, #tpu.memory_space<vmem_shared>> -> memref<10240x64xbf16, #tpu.memory_space<vmem_shared>>
    tpu.enqueue_indirect_dma source(%dma_start3A_20 : memref<10240x64xbf16, #tpu.memory_space<vmem_shared>>) target(%arg8 : memref<128x64xbf16, #tpu.memory_space<vmem>>) offsets(%dma_start3A_17 : memref<128xi32, #tpu.memory_space<vmem>>) semaphore(%arg20 : memref<!tpu.dma_semaphore, #tpu.memory_space<semaphore_mem>>)
    %dma_start3A_21 = arith.constant 1 : i32
    %dma_start3A_22 = arith.constant 0 : i32
    %dma_start3A_23 = tpu.memref_slice %arg6[%dma_start3A_21, %dma_start3A_22] : memref<160x128xi32, #tpu.memory_space<vmem>> -> memref<1x128xi32, #tpu.memory_space<vmem>>
    %dma_start3A_24 = tpu.memref_squeeze %dma_start3A_23 : memref<1x128xi32, #tpu.memory_space<vmem>> -> memref<128xi32, #tpu.memory_space<vmem>>
    %dma_start3A_25 = arith.constant 0 : i32
    %dma_start3A_26 = arith.constant 0 : i32
    %dma_start3A_27 = tpu.memref_slice %arg18[%dma_start3A_25, %dma_start3A_26] : memref<10240x64xbf16, #tpu.memory_space<vmem_shared>> -> memref<10240x64xbf16, #tpu.memory_space<vmem_shared>>
    tpu.enqueue_indirect_dma source(%dma_start3A_27 : memref<10240x64xbf16, #tpu.memory_space<vmem_shared>>) target(%arg9 : memref<128x64xbf16, #tpu.memory_space<vmem>>) offsets(%dma_start3A_24 : memref<128xi32, #tpu.memory_space<vmem>>) semaphore(%arg21 : memref<!tpu.dma_semaphore, #tpu.memory_space<semaphore_mem>>)
    %dma_start3A_28 = arith.constant 2 : i32
    %dma_start3A_29 = arith.constant 0 : i32
    %dma_start3A_30 = tpu.memref_slice %arg6[%dma_start3A_28, %dma_start3A_29] : memref<160x128xi32, #tpu.memory_space<vmem>> -> memref<1x128xi32, #tpu.memory_space<vmem>>
    %dma_start3A_31 = tpu.memref_squeeze %dma_start3A_30 : memref<1x128xi32, #tpu.memory_space<vmem>> -> memref<128xi32, #tpu.memory_space<vmem>>
    %dma_start3A_32 = arith.constant 0 : i32
    %dma_start3A_33 = arith.constant 0 : i32
    %dma_start3A_34 = tpu.memref_slice %arg18[%dma_start3A_32, %dma_start3A_33] : memref<10240x64xbf16, #tpu.memory_space<vmem_shared>> -> memref<10240x64xbf16, #tpu.memory_space<vmem_shared>>
    tpu.enqueue_indirect_dma source(%dma_start3A_34 : memref<10240x64xbf16, #tpu.memory_space<vmem_shared>>) target(%arg10 : memref<128x64xbf16, #tpu.memory_space<vmem>>) offsets(%dma_start3A_31 : memref<128xi32, #tpu.memory_space<vmem>>) semaphore(%arg22 : memref<!tpu.dma_semaphore, #tpu.memory_space<semaphore_mem>>)
    %dma_start3A_35 = arith.constant 3 : i32
    %dma_start3A_36 = arith.constant 0 : i32
    %dma_start3A_37 = tpu.memref_slice %arg6[%dma_start3A_35, %dma_start3A_36] : memref<160x128xi32, #tpu.memory_space<vmem>> -> memref<1x128xi32, #tpu.memory_space<vmem>>
    %dma_start3A_38 = tpu.memref_squeeze %dma_start3A_37 : memref<1x128xi32, #tpu.memory_space<vmem>> -> memref<128xi32, #tpu.memory_space<vmem>>
    %dma_start3A_39 = arith.constant 0 : i32
    %dma_start3A_40 = arith.constant 0 : i32
    %dma_start3A_41 = tpu.memref_slice %arg18[%dma_start3A_39, %dma_start3A_40] : memref<10240x64xbf16, #tpu.memory_space<vmem_shared>> -> memref<10240x64xbf16, #tpu.memory_space<vmem_shared>>
    tpu.enqueue_indirect_dma source(%dma_start3A_41 : memref<10240x64xbf16, #tpu.memory_space<vmem_shared>>) target(%arg11 : memref<128x64xbf16, #tpu.memory_space<vmem>>) offsets(%dma_start3A_38 : memref<128xi32, #tpu.memory_space<vmem>>) semaphore(%arg23 : memref<!tpu.dma_semaphore, #tpu.memory_space<semaphore_mem>>)
    %dma_start3A_42 = arith.constant 4 : i32
    %dma_start3A_43 = arith.constant 0 : i32
    %dma_start3A_44 = tpu.memref_slice %arg6[%dma_start3A_42, %dma_start3A_43] : memref<160x128xi32, #tpu.memory_space<vmem>> -> memref<1x128xi32, #tpu.memory_space<vmem>>
    %dma_start3A_45 = tpu.memref_squeeze %dma_start3A_44 : memref<1x128xi32, #tpu.memory_space<vmem>> -> memref<128xi32, #tpu.memory_space<vmem>>
    %dma_start3A_46 = arith.constant 0 : i32
    %dma_start3A_47 = arith.constant 0 : i32
    %dma_start3A_48 = tpu.memref_slice %arg18[%dma_start3A_46, %dma_start3A_47] : memref<10240x64xbf16, #tpu.memory_space<vmem_shared>> -> memref<10240x64xbf16, #tpu.memory_space<vmem_shared>>
    tpu.enqueue_indirect_dma source(%dma_start3A_48 : memref<10240x64xbf16, #tpu.memory_space<vmem_shared>>) target(%arg12 : memref<128x64xbf16, #tpu.memory_space<vmem>>) offsets(%dma_start3A_45 : memref<128xi32, #tpu.memory_space<vmem>>) semaphore(%arg24 : memref<!tpu.dma_semaphore, #tpu.memory_space<semaphore_mem>>)
    %dma_start3A_49 = arith.constant 5 : i32
    %dma_start3A_50 = arith.constant 0 : i32
    %dma_start3A_51 = tpu.memref_slice %arg6[%dma_start3A_49, %dma_start3A_50] : memref<160x128xi32, #tpu.memory_space<vmem>> -> memref<1x128xi32, #tpu.memory_space<vmem>>
    %dma_start3A_52 = tpu.memref_squeeze %dma_start3A_51 : memref<1x128xi32, #tpu.memory_space<vmem>> -> memref<128xi32, #tpu.memory_space<vmem>>
    %dma_start3A_53 = arith.constant 0 : i32
    %dma_start3A_54 = arith.constant 0 : i32
    %dma_start3A_55 = tpu.memref_slice %arg18[%dma_start3A_53, %dma_start3A_54] : memref<10240x64xbf16, #tpu.memory_space<vmem_shared>> -> memref<10240x64xbf16, #tpu.memory_space<vmem_shared>>
    tpu.enqueue_indirect_dma source(%dma_start3A_55 : memref<10240x64xbf16, #tpu.memory_space<vmem_shared>>) target(%arg13 : memref<128x64xbf16, #tpu.memory_space<vmem>>) offsets(%dma_start3A_52 : memref<128xi32, #tpu.memory_space<vmem>>) semaphore(%arg25 : memref<!tpu.dma_semaphore, #tpu.memory_space<semaphore_mem>>)
    %dma_start3A_56 = arith.constant 6 : i32
    %dma_start3A_57 = arith.constant 0 : i32
    %dma_start3A_58 = tpu.memref_slice %arg6[%dma_start3A_56, %dma_start3A_57] : memref<160x128xi32, #tpu.memory_space<vmem>> -> memref<1x128xi32, #tpu.memory_space<vmem>>
    %dma_start3A_59 = tpu.memref_squeeze %dma_start3A_58 : memref<1x128xi32, #tpu.memory_space<vmem>> -> memref<128xi32, #tpu.memory_space<vmem>>
    %dma_start3A_60 = arith.constant 0 : i32
    %dma_start3A_61 = arith.constant 0 : i32
    %dma_start3A_62 = tpu.memref_slice %arg18[%dma_start3A_60, %dma_start3A_61] : memref<10240x64xbf16, #tpu.memory_space<vmem_shared>> -> memref<10240x64xbf16, #tpu.memory_space<vmem_shared>>
    tpu.enqueue_indirect_dma source(%dma_start3A_62 : memref<10240x64xbf16, #tpu.memory_space<vmem_shared>>) target(%arg14 : memref<128x64xbf16, #tpu.memory_space<vmem>>) offsets(%dma_start3A_59 : memref<128xi32, #tpu.memory_space<vmem>>) semaphore(%arg26 : memref<!tpu.dma_semaphore, #tpu.memory_space<semaphore_mem>>)
    %dma_start3A_63 = arith.constant 7 : i32
    %dma_start3A_64 = arith.constant 0 : i32
    %dma_start3A_65 = tpu.memref_slice %arg6[%dma_start3A_63, %dma_start3A_64] : memref<160x128xi32, #tpu.memory_space<vmem>> -> memref<1x128xi32, #tpu.memory_space<vmem>>
    %dma_start3A_66 = tpu.memref_squeeze %dma_start3A_65 : memref<1x128xi32, #tpu.memory_space<vmem>> -> memref<128xi32, #tpu.memory_space<vmem>>
    %dma_start3A_67 = arith.constant 0 : i32
    %dma_start3A_68 = arith.constant 0 : i32
    %dma_start3A_69 = tpu.memref_slice %arg18[%dma_start3A_67, %dma_start3A_68] : memref<10240x64xbf16, #tpu.memory_space<vmem_shared>> -> memref<10240x64xbf16, #tpu.memory_space<vmem_shared>>
    tpu.enqueue_indirect_dma source(%dma_start3A_69 : memref<10240x64xbf16, #tpu.memory_space<vmem_shared>>) target(%arg15 : memref<128x64xbf16, #tpu.memory_space<vmem>>) offsets(%dma_start3A_66 : memref<128xi32, #tpu.memory_space<vmem>>) semaphore(%arg27 : memref<!tpu.dma_semaphore, #tpu.memory_space<semaphore_mem>>)
    %dma_start3A_70 = arith.constant 8 : i32
    %dma_start3A_71 = arith.constant 0 : i32
    %dma_start3A_72 = tpu.memref_slice %arg6[%dma_start3A_70, %dma_start3A_71] : memref<160x128xi32, #tpu.memory_space<vmem>> -> memref<1x128xi32, #tpu.memory_space<vmem>>
    %dma_start3A_73 = tpu.memref_squeeze %dma_start3A_72 : memref<1x128xi32, #tpu.memory_space<vmem>> -> memref<128xi32, #tpu.memory_space<vmem>>
    %dma_start3A_74 = arith.constant 0 : i32
    %dma_start3A_75 = arith.constant 0 : i32
    %dma_start3A_76 = tpu.memref_slice %arg18[%dma_start3A_74, %dma_start3A_75] : memref<10240x64xbf16, #tpu.memory_space<vmem_shared>> -> memref<10240x64xbf16, #tpu.memory_space<vmem_shared>>
    tpu.enqueue_indirect_dma source(%dma_start3A_76 : memref<10240x64xbf16, #tpu.memory_space<vmem_shared>>) target(%arg16 : memref<128x64xbf16, #tpu.memory_space<vmem>>) offsets(%dma_start3A_73 : memref<128xi32, #tpu.memory_space<vmem>>) semaphore(%arg28 : memref<!tpu.dma_semaphore, #tpu.memory_space<semaphore_mem>>)
    %dma_start3A_77 = arith.constant 9 : i32
    %dma_start3A_78 = arith.constant 0 : i32
    %dma_start3A_79 = tpu.memref_slice %arg6[%dma_start3A_77, %dma_start3A_78] : memref<160x128xi32, #tpu.memory_space<vmem>> -> memref<1x128xi32, #tpu.memory_space<vmem>>
    %dma_start3A_80 = tpu.memref_squeeze %dma_start3A_79 : memref<1x128xi32, #tpu.memory_space<vmem>> -> memref<128xi32, #tpu.memory_space<vmem>>
    %dma_start3A_81 = arith.constant 0 : i32
    %dma_start3A_82 = arith.constant 0 : i32
    %dma_start3A_83 = tpu.memref_slice %arg18[%dma_start3A_81, %dma_start3A_82] : memref<10240x64xbf16, #tpu.memory_space<vmem_shared>> -> memref<10240x64xbf16, #tpu.memory_space<vmem_shared>>
    tpu.enqueue_indirect_dma source(%dma_start3A_83 : memref<10240x64xbf16, #tpu.memory_space<vmem_shared>>) target(%arg17 : memref<128x64xbf16, #tpu.memory_space<vmem>>) offsets(%dma_start3A_80 : memref<128xi32, #tpu.memory_space<vmem>>) semaphore(%arg29 : memref<!tpu.dma_semaphore, #tpu.memory_space<semaphore_mem>>)
    %scan3A_84 = arith.constant 0 : i32
    %scan3A_85 = arith.constant 0 : i32
    %scan3A_86 = arith.constant 15 : i32
    %scan3A_87 = arith.addi %scan3A_85, %scan3A_86 : i32
    %scan3A_88 = arith.constant 1 : i32
    scf.for %scan3A_173 = %scan3A_85 to %scan3A_87 step %scan3A_88  : i32 {
      %mul3A_174 = arith.constant 10 : i32
      %mul3A_175 = arith.muli %scan3A_173, %mul3A_174 : i32
      %add3A = arith.constant 0 : i32
      %add3A_176 = arith.addi %mul3A_175, %add3A : i32
      %dma_wait3A_177 = arith.constant 0 : i32
      %dma_wait3A_178 = tpu.memref_slice %arg6[%add3A_176, %dma_wait3A_177] : memref<160x128xi32, #tpu.memory_space<vmem>> -> memref<1x128xi32, #tpu.memory_space<vmem>>
      %dma_wait3A_179 = tpu.memref_squeeze %dma_wait3A_178 : memref<1x128xi32, #tpu.memory_space<vmem>> -> memref<128xi32, #tpu.memory_space<vmem>>
      %dma_wait3A_180 = arith.constant 0 : i32
      %dma_wait3A_181 = arith.constant 0 : i32
      %dma_wait3A_182 = tpu.memref_slice %arg18[%dma_wait3A_180, %dma_wait3A_181] : memref<10240x64xbf16, #tpu.memory_space<vmem_shared>> -> memref<10240x64xbf16, #tpu.memory_space<vmem_shared>>
      tpu.wait_indirect_dma semaphore(%arg20 : memref<!tpu.dma_semaphore, #tpu.memory_space<semaphore_mem>>) src(%dma_wait3A_182 : memref<10240x64xbf16, #tpu.memory_space<vmem_shared>>) dst(%arg8 : memref<128x64xbf16, #tpu.memory_space<vmem>>)
      "tpu.region"() ({
        %run_scoped3A_353 = tpu.sem_alloc : memref<!tpu.dma_semaphore, #tpu.memory_space<semaphore_mem>>
        %dma_start3A_354 = arith.constant 0 : i32
        %dma_start3A_355 = tpu.memref_slice %arg7[%add3A_176, %dma_start3A_354] : memref<160x128xi32, #tpu.memory_space<vmem>> -> memref<1x128xi32, #tpu.memory_space<vmem>>
        %dma_start3A_356 = tpu.memref_squeeze %dma_start3A_355 : memref<1x128xi32, #tpu.memory_space<vmem>> -> memref<128xi32, #tpu.memory_space<vmem>>
        %dma_start3A_357 = arith.constant 0 : i32
        %dma_start3A_358 = arith.constant 0 : i32
        %dma_start3A_359 = tpu.memref_slice %arg19[%dma_start3A_357, %dma_start3A_358] : memref<10240x64xbf16, #tpu.memory_space<vmem_shared>> -> memref<10240x64xbf16, #tpu.memory_space<vmem_shared>>
        tpu.enqueue_indirect_dma source(%arg8 : memref<128x64xbf16, #tpu.memory_space<vmem>>) target(%dma_start3A_359 : memref<10240x64xbf16, #tpu.memory_space<vmem_shared>>) offsets(%dma_start3A_356 : memref<128xi32, #tpu.memory_space<vmem>>) semaphore(%run_scoped3A_353 : memref<!tpu.dma_semaphore, #tpu.memory_space<semaphore_mem>>) {add = true}
        %dma_wait3A_360 = arith.constant 0 : i32
        %dma_wait3A_361 = tpu.memref_slice %arg7[%add3A_176, %dma_wait3A_360] : memref<160x128xi32, #tpu.memory_space<vmem>> -> memref<1x128xi32, #tpu.memory_space<vmem>>
        %dma_wait3A_362 = tpu.memref_squeeze %dma_wait3A_361 : memref<1x128xi32, #tpu.memory_space<vmem>> -> memref<128xi32, #tpu.memory_space<vmem>>
        %dma_wait3A_363 = arith.constant 0 : i32
        %dma_wait3A_364 = arith.constant 0 : i32
        %dma_wait3A_365 = tpu.memref_slice %arg19[%dma_wait3A_363, %dma_wait3A_364] : memref<10240x64xbf16, #tpu.memory_space<vmem_shared>> -> memref<10240x64xbf16, #tpu.memory_space<vmem_shared>>
        tpu.wait_indirect_dma semaphore(%run_scoped3A_353 : memref<!tpu.dma_semaphore, #tpu.memory_space<semaphore_mem>>) src(%arg8 : memref<128x64xbf16, #tpu.memory_space<vmem>>) dst(%dma_wait3A_365 : memref<10240x64xbf16, #tpu.memory_space<vmem_shared>>)
        tpu.yield
      }) : () -> ()
      %add3A_183 = arith.constant 10 : i32
      %add3A_184 = arith.addi %add3A_176, %add3A_183 : i32
      %dma_start3A_185 = arith.constant 0 : i32
      %dma_start3A_186 = tpu.memref_slice %arg6[%add3A_184, %dma_start3A_185] : memref<160x128xi32, #tpu.memory_space<vmem>> -> memref<1x128xi32, #tpu.memory_space<vmem>>
      %dma_start3A_187 = tpu.memref_squeeze %dma_start3A_186 : memref<1x128xi32, #tpu.memory_space<vmem>> -> memref<128xi32, #tpu.memory_space<vmem>>
      %dma_start3A_188 = arith.constant 0 : i32
      %dma_start3A_189 = arith.constant 0 : i32
      %dma_start3A_190 = tpu.memref_slice %arg18[%dma_start3A_188, %dma_start3A_189] : memref<10240x64xbf16, #tpu.memory_space<vmem_shared>> -> memref<10240x64xbf16, #tpu.memory_space<vmem_shared>>
      tpu.enqueue_indirect_dma source(%dma_start3A_190 : memref<10240x64xbf16, #tpu.memory_space<vmem_shared>>) target(%arg8 : memref<128x64xbf16, #tpu.memory_space<vmem>>) offsets(%dma_start3A_187 : memref<128xi32, #tpu.memory_space<vmem>>) semaphore(%arg20 : memref<!tpu.dma_semaphore, #tpu.memory_space<semaphore_mem>>)
      %mul3A_191 = arith.constant 10 : i32
      %mul3A_192 = arith.muli %scan3A_173, %mul3A_191 : i32
      %add3A_193 = arith.constant 1 : i32
      %add3A_194 = arith.addi %mul3A_192, %add3A_193 : i32
      %dma_wait3A_195 = arith.constant 0 : i32
      %dma_wait3A_196 = tpu.memref_slice %arg6[%add3A_194, %dma_wait3A_195] : memref<160x128xi32, #tpu.memory_space<vmem>> -> memref<1x128xi32, #tpu.memory_space<vmem>>
      %dma_wait3A_197 = tpu.memref_squeeze %dma_wait3A_196 : memref<1x128xi32, #tpu.memory_space<vmem>> -> memref<128xi32, #tpu.memory_space<vmem>>
      %dma_wait3A_198 = arith.constant 0 : i32
      %dma_wait3A_199 = arith.constant 0 : i32
      %dma_wait3A_200 = tpu.memref_slice %arg18[%dma_wait3A_198, %dma_wait3A_199] : memref<10240x64xbf16, #tpu.memory_space<vmem_shared>> -> memref<10240x64xbf16, #tpu.memory_space<vmem_shared>>
      tpu.wait_indirect_dma semaphore(%arg21 : memref<!tpu.dma_semaphore, #tpu.memory_space<semaphore_mem>>) src(%dma_wait3A_200 : memref<10240x64xbf16, #tpu.memory_space<vmem_shared>>) dst(%arg9 : memref<128x64xbf16, #tpu.memory_space<vmem>>)
      "tpu.region"() ({
        %run_scoped3A_353 = tpu.sem_alloc : memref<!tpu.dma_semaphore, #tpu.memory_space<semaphore_mem>>
        %dma_start3A_354 = arith.constant 0 : i32
        %dma_start3A_355 = tpu.memref_slice %arg7[%add3A_194, %dma_start3A_354] : memref<160x128xi32, #tpu.memory_space<vmem>> -> memref<1x128xi32, #tpu.memory_space<vmem>>
        %dma_start3A_356 = tpu.memref_squeeze %dma_start3A_355 : memref<1x128xi32, #tpu.memory_space<vmem>> -> memref<128xi32, #tpu.memory_space<vmem>>
        %dma_start3A_357 = arith.constant 0 : i32
        %dma_start3A_358 = arith.constant 0 : i32
        %dma_start3A_359 = tpu.memref_slice %arg19[%dma_start3A_357, %dma_start3A_358] : memref<10240x64xbf16, #tpu.memory_space<vmem_shared>> -> memref<10240x64xbf16, #tpu.memory_space<vmem_shared>>
        tpu.enqueue_indirect_dma source(%arg9 : memref<128x64xbf16, #tpu.memory_space<vmem>>) target(%dma_start3A_359 : memref<10240x64xbf16, #tpu.memory_space<vmem_shared>>) offsets(%dma_start3A_356 : memref<128xi32, #tpu.memory_space<vmem>>) semaphore(%run_scoped3A_353 : memref<!tpu.dma_semaphore, #tpu.memory_space<semaphore_mem>>) {add = true}
        %dma_wait3A_360 = arith.constant 0 : i32
        %dma_wait3A_361 = tpu.memref_slice %arg7[%add3A_194, %dma_wait3A_360] : memref<160x128xi32, #tpu.memory_space<vmem>> -> memref<1x128xi32, #tpu.memory_space<vmem>>
        %dma_wait3A_362 = tpu.memref_squeeze %dma_wait3A_361 : memref<1x128xi32, #tpu.memory_space<vmem>> -> memref<128xi32, #tpu.memory_space<vmem>>
        %dma_wait3A_363 = arith.constant 0 : i32
        %dma_wait3A_364 = arith.constant 0 : i32
        %dma_wait3A_365 = tpu.memref_slice %arg19[%dma_wait3A_363, %dma_wait3A_364] : memref<10240x64xbf16, #tpu.memory_space<vmem_shared>> -> memref<10240x64xbf16, #tpu.memory_space<vmem_shared>>
        tpu.wait_indirect_dma semaphore(%run_scoped3A_353 : memref<!tpu.dma_semaphore, #tpu.memory_space<semaphore_mem>>) src(%arg9 : memref<128x64xbf16, #tpu.memory_space<vmem>>) dst(%dma_wait3A_365 : memref<10240x64xbf16, #tpu.memory_space<vmem_shared>>)
        tpu.yield
      }) : () -> ()
      %add3A_201 = arith.constant 10 : i32
      %add3A_202 = arith.addi %add3A_194, %add3A_201 : i32
      %dma_start3A_203 = arith.constant 0 : i32
      %dma_start3A_204 = tpu.memref_slice %arg6[%add3A_202, %dma_start3A_203] : memref<160x128xi32, #tpu.memory_space<vmem>> -> memref<1x128xi32, #tpu.memory_space<vmem>>
      %dma_start3A_205 = tpu.memref_squeeze %dma_start3A_204 : memref<1x128xi32, #tpu.memory_space<vmem>> -> memref<128xi32, #tpu.memory_space<vmem>>
      %dma_start3A_206 = arith.constant 0 : i32
      %dma_start3A_207 = arith.constant 0 : i32
      %dma_start3A_208 = tpu.memref_slice %arg18[%dma_start3A_206, %dma_start3A_207] : memref<10240x64xbf16, #tpu.memory_space<vmem_shared>> -> memref<10240x64xbf16, #tpu.memory_space<vmem_shared>>
      tpu.enqueue_indirect_dma source(%dma_start3A_208 : memref<10240x64xbf16, #tpu.memory_space<vmem_shared>>) target(%arg9 : memref<128x64xbf16, #tpu.memory_space<vmem>>) offsets(%dma_start3A_205 : memref<128xi32, #tpu.memory_space<vmem>>) semaphore(%arg21 : memref<!tpu.dma_semaphore, #tpu.memory_space<semaphore_mem>>)
      %mul3A_209 = arith.constant 10 : i32
      %mul3A_210 = arith.muli %scan3A_173, %mul3A_209 : i32
      %add3A_211 = arith.constant 2 : i32
      %add3A_212 = arith.addi %mul3A_210, %add3A_211 : i32
      %dma_wait3A_213 = arith.constant 0 : i32
      %dma_wait3A_214 = tpu.memref_slice %arg6[%add3A_212, %dma_wait3A_213] : memref<160x128xi32, #tpu.memory_space<vmem>> -> memref<1x128xi32, #tpu.memory_space<vmem>>
      %dma_wait3A_215 = tpu.memref_squeeze %dma_wait3A_214 : memref<1x128xi32, #tpu.memory_space<vmem>> -> memref<128xi32, #tpu.memory_space<vmem>>
      %dma_wait3A_216 = arith.constant 0 : i32
      %dma_wait3A_217 = arith.constant 0 : i32
      %dma_wait3A_218 = tpu.memref_slice %arg18[%dma_wait3A_216, %dma_wait3A_217] : memref<10240x64xbf16, #tpu.memory_space<vmem_shared>> -> memref<10240x64xbf16, #tpu.memory_space<vmem_shared>>
      tpu.wait_indirect_dma semaphore(%arg22 : memref<!tpu.dma_semaphore, #tpu.memory_space<semaphore_mem>>) src(%dma_wait3A_218 : memref<10240x64xbf16, #tpu.memory_space<vmem_shared>>) dst(%arg10 : memref<128x64xbf16, #tpu.memory_space<vmem>>)
      "tpu.region"() ({
        %run_scoped3A_353 = tpu.sem_alloc : memref<!tpu.dma_semaphore, #tpu.memory_space<semaphore_mem>>
        %dma_start3A_354 = arith.constant 0 : i32
        %dma_start3A_355 = tpu.memref_slice %arg7[%add3A_212, %dma_start3A_354] : memref<160x128xi32, #tpu.memory_space<vmem>> -> memref<1x128xi32, #tpu.memory_space<vmem>>
        %dma_start3A_356 = tpu.memref_squeeze %dma_start3A_355 : memref<1x128xi32, #tpu.memory_space<vmem>> -> memref<128xi32, #tpu.memory_space<vmem>>
        %dma_start3A_357 = arith.constant 0 : i32
        %dma_start3A_358 = arith.constant 0 : i32
        %dma_start3A_359 = tpu.memref_slice %arg19[%dma_start3A_357, %dma_start3A_358] : memref<10240x64xbf16, #tpu.memory_space<vmem_shared>> -> memref<10240x64xbf16, #tpu.memory_space<vmem_shared>>
        tpu.enqueue_indirect_dma source(%arg10 : memref<128x64xbf16, #tpu.memory_space<vmem>>) target(%dma_start3A_359 : memref<10240x64xbf16, #tpu.memory_space<vmem_shared>>) offsets(%dma_start3A_356 : memref<128xi32, #tpu.memory_space<vmem>>) semaphore(%run_scoped3A_353 : memref<!tpu.dma_semaphore, #tpu.memory_space<semaphore_mem>>) {add = true}
        %dma_wait3A_360 = arith.constant 0 : i32
        %dma_wait3A_361 = tpu.memref_slice %arg7[%add3A_212, %dma_wait3A_360] : memref<160x128xi32, #tpu.memory_space<vmem>> -> memref<1x128xi32, #tpu.memory_space<vmem>>
        %dma_wait3A_362 = tpu.memref_squeeze %dma_wait3A_361 : memref<1x128xi32, #tpu.memory_space<vmem>> -> memref<128xi32, #tpu.memory_space<vmem>>
        %dma_wait3A_363 = arith.constant 0 : i32
        %dma_wait3A_364 = arith.constant 0 : i32
        %dma_wait3A_365 = tpu.memref_slice %arg19[%dma_wait3A_363, %dma_wait3A_364] : memref<10240x64xbf16, #tpu.memory_space<vmem_shared>> -> memref<10240x64xbf16, #tpu.memory_space<vmem_shared>>
        tpu.wait_indirect_dma semaphore(%run_scoped3A_353 : memref<!tpu.dma_semaphore, #tpu.memory_space<semaphore_mem>>) src(%arg10 : memref<128x64xbf16, #tpu.memory_space<vmem>>) dst(%dma_wait3A_365 : memref<10240x64xbf16, #tpu.memory_space<vmem_shared>>)
        tpu.yield
      }) : () -> ()
      %add3A_219 = arith.constant 10 : i32
      %add3A_220 = arith.addi %add3A_212, %add3A_219 : i32
      %dma_start3A_221 = arith.constant 0 : i32
      %dma_start3A_222 = tpu.memref_slice %arg6[%add3A_220, %dma_start3A_221] : memref<160x128xi32, #tpu.memory_space<vmem>> -> memref<1x128xi32, #tpu.memory_space<vmem>>
      %dma_start3A_223 = tpu.memref_squeeze %dma_start3A_222 : memref<1x128xi32, #tpu.memory_space<vmem>> -> memref<128xi32, #tpu.memory_space<vmem>>
      %dma_start3A_224 = arith.constant 0 : i32
      %dma_start3A_225 = arith.constant 0 : i32
      %dma_start3A_226 = tpu.memref_slice %arg18[%dma_start3A_224, %dma_start3A_225] : memref<10240x64xbf16, #tpu.memory_space<vmem_shared>> -> memref<10240x64xbf16, #tpu.memory_space<vmem_shared>>
      tpu.enqueue_indirect_dma source(%dma_start3A_226 : memref<10240x64xbf16, #tpu.memory_space<vmem_shared>>) target(%arg10 : memref<128x64xbf16, #tpu.memory_space<vmem>>) offsets(%dma_start3A_223 : memref<128xi32, #tpu.memory_space<vmem>>) semaphore(%arg22 : memref<!tpu.dma_semaphore, #tpu.memory_space<semaphore_mem>>)
      %mul3A_227 = arith.constant 10 : i32
      %mul3A_228 = arith.muli %scan3A_173, %mul3A_227 : i32
      %add3A_229 = arith.constant 3 : i32
      %add3A_230 = arith.addi %mul3A_228, %add3A_229 : i32
      %dma_wait3A_231 = arith.constant 0 : i32
      %dma_wait3A_232 = tpu.memref_slice %arg6[%add3A_230, %dma_wait3A_231] : memref<160x128xi32, #tpu.memory_space<vmem>> -> memref<1x128xi32, #tpu.memory_space<vmem>>
      %dma_wait3A_233 = tpu.memref_squeeze %dma_wait3A_232 : memref<1x128xi32, #tpu.memory_space<vmem>> -> memref<128xi32, #tpu.memory_space<vmem>>
      %dma_wait3A_234 = arith.constant 0 : i32
      %dma_wait3A_235 = arith.constant 0 : i32
      %dma_wait3A_236 = tpu.memref_slice %arg18[%dma_wait3A_234, %dma_wait3A_235] : memref<10240x64xbf16, #tpu.memory_space<vmem_shared>> -> memref<10240x64xbf16, #tpu.memory_space<vmem_shared>>
      tpu.wait_indirect_dma semaphore(%arg23 : memref<!tpu.dma_semaphore, #tpu.memory_space<semaphore_mem>>) src(%dma_wait3A_236 : memref<10240x64xbf16, #tpu.memory_space<vmem_shared>>) dst(%arg11 : memref<128x64xbf16, #tpu.memory_space<vmem>>)
      "tpu.region"() ({
        %run_scoped3A_353 = tpu.sem_alloc : memref<!tpu.dma_semaphore, #tpu.memory_space<semaphore_mem>>
        %dma_start3A_354 = arith.constant 0 : i32
        %dma_start3A_355 = tpu.memref_slice %arg7[%add3A_230, %dma_start3A_354] : memref<160x128xi32, #tpu.memory_space<vmem>> -> memref<1x128xi32, #tpu.memory_space<vmem>>
        %dma_start3A_356 = tpu.memref_squeeze %dma_start3A_355 : memref<1x128xi32, #tpu.memory_space<vmem>> -> memref<128xi32, #tpu.memory_space<vmem>>
        %dma_start3A_357 = arith.constant 0 : i32
        %dma_start3A_358 = arith.constant 0 : i32
        %dma_start3A_359 = tpu.memref_slice %arg19[%dma_start3A_357, %dma_start3A_358] : memref<10240x64xbf16, #tpu.memory_space<vmem_shared>> -> memref<10240x64xbf16, #tpu.memory_space<vmem_shared>>
        tpu.enqueue_indirect_dma source(%arg11 : memref<128x64xbf16, #tpu.memory_space<vmem>>) target(%dma_start3A_359 : memref<10240x64xbf16, #tpu.memory_space<vmem_shared>>) offsets(%dma_start3A_356 : memref<128xi32, #tpu.memory_space<vmem>>) semaphore(%run_scoped3A_353 : memref<!tpu.dma_semaphore, #tpu.memory_space<semaphore_mem>>) {add = true}
        %dma_wait3A_360 = arith.constant 0 : i32
        %dma_wait3A_361 = tpu.memref_slice %arg7[%add3A_230, %dma_wait3A_360] : memref<160x128xi32, #tpu.memory_space<vmem>> -> memref<1x128xi32, #tpu.memory_space<vmem>>
        %dma_wait3A_362 = tpu.memref_squeeze %dma_wait3A_361 : memref<1x128xi32, #tpu.memory_space<vmem>> -> memref<128xi32, #tpu.memory_space<vmem>>
        %dma_wait3A_363 = arith.constant 0 : i32
        %dma_wait3A_364 = arith.constant 0 : i32
        %dma_wait3A_365 = tpu.memref_slice %arg19[%dma_wait3A_363, %dma_wait3A_364] : memref<10240x64xbf16, #tpu.memory_space<vmem_shared>> -> memref<10240x64xbf16, #tpu.memory_space<vmem_shared>>
        tpu.wait_indirect_dma semaphore(%run_scoped3A_353 : memref<!tpu.dma_semaphore, #tpu.memory_space<semaphore_mem>>) src(%arg11 : memref<128x64xbf16, #tpu.memory_space<vmem>>) dst(%dma_wait3A_365 : memref<10240x64xbf16, #tpu.memory_space<vmem_shared>>)
        tpu.yield
      }) : () -> ()
      %add3A_237 = arith.constant 10 : i32
      %add3A_238 = arith.addi %add3A_230, %add3A_237 : i32
      %dma_start3A_239 = arith.constant 0 : i32
      %dma_start3A_240 = tpu.memref_slice %arg6[%add3A_238, %dma_start3A_239] : memref<160x128xi32, #tpu.memory_space<vmem>> -> memref<1x128xi32, #tpu.memory_space<vmem>>
      %dma_start3A_241 = tpu.memref_squeeze %dma_start3A_240 : memref<1x128xi32, #tpu.memory_space<vmem>> -> memref<128xi32, #tpu.memory_space<vmem>>
      %dma_start3A_242 = arith.constant 0 : i32
      %dma_start3A_243 = arith.constant 0 : i32
      %dma_start3A_244 = tpu.memref_slice %arg18[%dma_start3A_242, %dma_start3A_243] : memref<10240x64xbf16, #tpu.memory_space<vmem_shared>> -> memref<10240x64xbf16, #tpu.memory_space<vmem_shared>>
      tpu.enqueue_indirect_dma source(%dma_start3A_244 : memref<10240x64xbf16, #tpu.memory_space<vmem_shared>>) target(%arg11 : memref<128x64xbf16, #tpu.memory_space<vmem>>) offsets(%dma_start3A_241 : memref<128xi32, #tpu.memory_space<vmem>>) semaphore(%arg23 : memref<!tpu.dma_semaphore, #tpu.memory_space<semaphore_mem>>)
      %mul3A_245 = arith.constant 10 : i32
      %mul3A_246 = arith.muli %scan3A_173, %mul3A_245 : i32
      %add3A_247 = arith.constant 4 : i32
      %add3A_248 = arith.addi %mul3A_246, %add3A_247 : i32
      %dma_wait3A_249 = arith.constant 0 : i32
      %dma_wait3A_250 = tpu.memref_slice %arg6[%add3A_248, %dma_wait3A_249] : memref<160x128xi32, #tpu.memory_space<vmem>> -> memref<1x128xi32, #tpu.memory_space<vmem>>
      %dma_wait3A_251 = tpu.memref_squeeze %dma_wait3A_250 : memref<1x128xi32, #tpu.memory_space<vmem>> -> memref<128xi32, #tpu.memory_space<vmem>>
      %dma_wait3A_252 = arith.constant 0 : i32
      %dma_wait3A_253 = arith.constant 0 : i32
      %dma_wait3A_254 = tpu.memref_slice %arg18[%dma_wait3A_252, %dma_wait3A_253] : memref<10240x64xbf16, #tpu.memory_space<vmem_shared>> -> memref<10240x64xbf16, #tpu.memory_space<vmem_shared>>
      tpu.wait_indirect_dma semaphore(%arg24 : memref<!tpu.dma_semaphore, #tpu.memory_space<semaphore_mem>>) src(%dma_wait3A_254 : memref<10240x64xbf16, #tpu.memory_space<vmem_shared>>) dst(%arg12 : memref<128x64xbf16, #tpu.memory_space<vmem>>)
      "tpu.region"() ({
        %run_scoped3A_353 = tpu.sem_alloc : memref<!tpu.dma_semaphore, #tpu.memory_space<semaphore_mem>>
        %dma_start3A_354 = arith.constant 0 : i32
        %dma_start3A_355 = tpu.memref_slice %arg7[%add3A_248, %dma_start3A_354] : memref<160x128xi32, #tpu.memory_space<vmem>> -> memref<1x128xi32, #tpu.memory_space<vmem>>
        %dma_start3A_356 = tpu.memref_squeeze %dma_start3A_355 : memref<1x128xi32, #tpu.memory_space<vmem>> -> memref<128xi32, #tpu.memory_space<vmem>>
        %dma_start3A_357 = arith.constant 0 : i32
        %dma_start3A_358 = arith.constant 0 : i32
        %dma_start3A_359 = tpu.memref_slice %arg19[%dma_start3A_357, %dma_start3A_358] : memref<10240x64xbf16, #tpu.memory_space<vmem_shared>> -> memref<10240x64xbf16, #tpu.memory_space<vmem_shared>>
        tpu.enqueue_indirect_dma source(%arg12 : memref<128x64xbf16, #tpu.memory_space<vmem>>) target(%dma_start3A_359 : memref<10240x64xbf16, #tpu.memory_space<vmem_shared>>) offsets(%dma_start3A_356 : memref<128xi32, #tpu.memory_space<vmem>>) semaphore(%run_scoped3A_353 : memref<!tpu.dma_semaphore, #tpu.memory_space<semaphore_mem>>) {add = true}
        %dma_wait3A_360 = arith.constant 0 : i32
        %dma_wait3A_361 = tpu.memref_slice %arg7[%add3A_248, %dma_wait3A_360] : memref<160x128xi32, #tpu.memory_space<vmem>> -> memref<1x128xi32, #tpu.memory_space<vmem>>
        %dma_wait3A_362 = tpu.memref_squeeze %dma_wait3A_361 : memref<1x128xi32, #tpu.memory_space<vmem>> -> memref<128xi32, #tpu.memory_space<vmem>>
        %dma_wait3A_363 = arith.constant 0 : i32
        %dma_wait3A_364 = arith.constant 0 : i32
        %dma_wait3A_365 = tpu.memref_slice %arg19[%dma_wait3A_363, %dma_wait3A_364] : memref<10240x64xbf16, #tpu.memory_space<vmem_shared>> -> memref<10240x64xbf16, #tpu.memory_space<vmem_shared>>
        tpu.wait_indirect_dma semaphore(%run_scoped3A_353 : memref<!tpu.dma_semaphore, #tpu.memory_space<semaphore_mem>>) src(%arg12 : memref<128x64xbf16, #tpu.memory_space<vmem>>) dst(%dma_wait3A_365 : memref<10240x64xbf16, #tpu.memory_space<vmem_shared>>)
        tpu.yield
      }) : () -> ()
      %add3A_255 = arith.constant 10 : i32
      %add3A_256 = arith.addi %add3A_248, %add3A_255 : i32
      %dma_start3A_257 = arith.constant 0 : i32
      %dma_start3A_258 = tpu.memref_slice %arg6[%add3A_256, %dma_start3A_257] : memref<160x128xi32, #tpu.memory_space<vmem>> -> memref<1x128xi32, #tpu.memory_space<vmem>>
      %dma_start3A_259 = tpu.memref_squeeze %dma_start3A_258 : memref<1x128xi32, #tpu.memory_space<vmem>> -> memref<128xi32, #tpu.memory_space<vmem>>
      %dma_start3A_260 = arith.constant 0 : i32
      %dma_start3A_261 = arith.constant 0 : i32
      %dma_start3A_262 = tpu.memref_slice %arg18[%dma_start3A_260, %dma_start3A_261] : memref<10240x64xbf16, #tpu.memory_space<vmem_shared>> -> memref<10240x64xbf16, #tpu.memory_space<vmem_shared>>
      tpu.enqueue_indirect_dma source(%dma_start3A_262 : memref<10240x64xbf16, #tpu.memory_space<vmem_shared>>) target(%arg12 : memref<128x64xbf16, #tpu.memory_space<vmem>>) offsets(%dma_start3A_259 : memref<128xi32, #tpu.memory_space<vmem>>) semaphore(%arg24 : memref<!tpu.dma_semaphore, #tpu.memory_space<semaphore_mem>>)
      %mul3A_263 = arith.constant 10 : i32
      %mul3A_264 = arith.muli %scan3A_173, %mul3A_263 : i32
      %add3A_265 = arith.constant 5 : i32
      %add3A_266 = arith.addi %mul3A_264, %add3A_265 : i32
      %dma_wait3A_267 = arith.constant 0 : i32
      %dma_wait3A_268 = tpu.memref_slice %arg6[%add3A_266, %dma_wait3A_267] : memref<160x128xi32, #tpu.memory_space<vmem>> -> memref<1x128xi32, #tpu.memory_space<vmem>>
      %dma_wait3A_269 = tpu.memref_squeeze %dma_wait3A_268 : memref<1x128xi32, #tpu.memory_space<vmem>> -> memref<128xi32, #tpu.memory_space<vmem>>
      %dma_wait3A_270 = arith.constant 0 : i32
      %dma_wait3A_271 = arith.constant 0 : i32
      %dma_wait3A_272 = tpu.memref_slice %arg18[%dma_wait3A_270, %dma_wait3A_271] : memref<10240x64xbf16, #tpu.memory_space<vmem_shared>> -> memref<10240x64xbf16, #tpu.memory_space<vmem_shared>>
      tpu.wait_indirect_dma semaphore(%arg25 : memref<!tpu.dma_semaphore, #tpu.memory_space<semaphore_mem>>) src(%dma_wait3A_272 : memref<10240x64xbf16, #tpu.memory_space<vmem_shared>>) dst(%arg13 : memref<128x64xbf16, #tpu.memory_space<vmem>>)
      "tpu.region"() ({
        %run_scoped3A_353 = tpu.sem_alloc : memref<!tpu.dma_semaphore, #tpu.memory_space<semaphore_mem>>
        %dma_start3A_354 = arith.constant 0 : i32
        %dma_start3A_355 = tpu.memref_slice %arg7[%add3A_266, %dma_start3A_354] : memref<160x128xi32, #tpu.memory_space<vmem>> -> memref<1x128xi32, #tpu.memory_space<vmem>>
        %dma_start3A_356 = tpu.memref_squeeze %dma_start3A_355 : memref<1x128xi32, #tpu.memory_space<vmem>> -> memref<128xi32, #tpu.memory_space<vmem>>
        %dma_start3A_357 = arith.constant 0 : i32
        %dma_start3A_358 = arith.constant 0 : i32
        %dma_start3A_359 = tpu.memref_slice %arg19[%dma_start3A_357, %dma_start3A_358] : memref<10240x64xbf16, #tpu.memory_space<vmem_shared>> -> memref<10240x64xbf16, #tpu.memory_space<vmem_shared>>
        tpu.enqueue_indirect_dma source(%arg13 : memref<128x64xbf16, #tpu.memory_space<vmem>>) target(%dma_start3A_359 : memref<10240x64xbf16, #tpu.memory_space<vmem_shared>>) offsets(%dma_start3A_356 : memref<128xi32, #tpu.memory_space<vmem>>) semaphore(%run_scoped3A_353 : memref<!tpu.dma_semaphore, #tpu.memory_space<semaphore_mem>>) {add = true}
        %dma_wait3A_360 = arith.constant 0 : i32
        %dma_wait3A_361 = tpu.memref_slice %arg7[%add3A_266, %dma_wait3A_360] : memref<160x128xi32, #tpu.memory_space<vmem>> -> memref<1x128xi32, #tpu.memory_space<vmem>>
        %dma_wait3A_362 = tpu.memref_squeeze %dma_wait3A_361 : memref<1x128xi32, #tpu.memory_space<vmem>> -> memref<128xi32, #tpu.memory_space<vmem>>
        %dma_wait3A_363 = arith.constant 0 : i32
        %dma_wait3A_364 = arith.constant 0 : i32
        %dma_wait3A_365 = tpu.memref_slice %arg19[%dma_wait3A_363, %dma_wait3A_364] : memref<10240x64xbf16, #tpu.memory_space<vmem_shared>> -> memref<10240x64xbf16, #tpu.memory_space<vmem_shared>>
        tpu.wait_indirect_dma semaphore(%run_scoped3A_353 : memref<!tpu.dma_semaphore, #tpu.memory_space<semaphore_mem>>) src(%arg13 : memref<128x64xbf16, #tpu.memory_space<vmem>>) dst(%dma_wait3A_365 : memref<10240x64xbf16, #tpu.memory_space<vmem_shared>>)
        tpu.yield
      }) : () -> ()
      %add3A_273 = arith.constant 10 : i32
      %add3A_274 = arith.addi %add3A_266, %add3A_273 : i32
      %dma_start3A_275 = arith.constant 0 : i32
      %dma_start3A_276 = tpu.memref_slice %arg6[%add3A_274, %dma_start3A_275] : memref<160x128xi32, #tpu.memory_space<vmem>> -> memref<1x128xi32, #tpu.memory_space<vmem>>
      %dma_start3A_277 = tpu.memref_squeeze %dma_start3A_276 : memref<1x128xi32, #tpu.memory_space<vmem>> -> memref<128xi32, #tpu.memory_space<vmem>>
      %dma_start3A_278 = arith.constant 0 : i32
      %dma_start3A_279 = arith.constant 0 : i32
      %dma_start3A_280 = tpu.memref_slice %arg18[%dma_start3A_278, %dma_start3A_279] : memref<10240x64xbf16, #tpu.memory_space<vmem_shared>> -> memref<10240x64xbf16, #tpu.memory_space<vmem_shared>>
      tpu.enqueue_indirect_dma source(%dma_start3A_280 : memref<10240x64xbf16, #tpu.memory_space<vmem_shared>>) target(%arg13 : memref<128x64xbf16, #tpu.memory_space<vmem>>) offsets(%dma_start3A_277 : memref<128xi32, #tpu.memory_space<vmem>>) semaphore(%arg25 : memref<!tpu.dma_semaphore, #tpu.memory_space<semaphore_mem>>)
      %mul3A_281 = arith.constant 10 : i32
      %mul3A_282 = arith.muli %scan3A_173, %mul3A_281 : i32
      %add3A_283 = arith.constant 6 : i32
      %add3A_284 = arith.addi %mul3A_282, %add3A_283 : i32
      %dma_wait3A_285 = arith.constant 0 : i32
      %dma_wait3A_286 = tpu.memref_slice %arg6[%add3A_284, %dma_wait3A_285] : memref<160x128xi32, #tpu.memory_space<vmem>> -> memref<1x128xi32, #tpu.memory_space<vmem>>
      %dma_wait3A_287 = tpu.memref_squeeze %dma_wait3A_286 : memref<1x128xi32, #tpu.memory_space<vmem>> -> memref<128xi32, #tpu.memory_space<vmem>>
      %dma_wait3A_288 = arith.constant 0 : i32
      %dma_wait3A_289 = arith.constant 0 : i32
      %dma_wait3A_290 = tpu.memref_slice %arg18[%dma_wait3A_288, %dma_wait3A_289] : memref<10240x64xbf16, #tpu.memory_space<vmem_shared>> -> memref<10240x64xbf16, #tpu.memory_space<vmem_shared>>
      tpu.wait_indirect_dma semaphore(%arg26 : memref<!tpu.dma_semaphore, #tpu.memory_space<semaphore_mem>>) src(%dma_wait3A_290 : memref<10240x64xbf16, #tpu.memory_space<vmem_shared>>) dst(%arg14 : memref<128x64xbf16, #tpu.memory_space<vmem>>)
      "tpu.region"() ({
        %run_scoped3A_353 = tpu.sem_alloc : memref<!tpu.dma_semaphore, #tpu.memory_space<semaphore_mem>>
        %dma_start3A_354 = arith.constant 0 : i32
        %dma_start3A_355 = tpu.memref_slice %arg7[%add3A_284, %dma_start3A_354] : memref<160x128xi32, #tpu.memory_space<vmem>> -> memref<1x128xi32, #tpu.memory_space<vmem>>
        %dma_start3A_356 = tpu.memref_squeeze %dma_start3A_355 : memref<1x128xi32, #tpu.memory_space<vmem>> -> memref<128xi32, #tpu.memory_space<vmem>>
        %dma_start3A_357 = arith.constant 0 : i32
        %dma_start3A_358 = arith.constant 0 : i32
        %dma_start3A_359 = tpu.memref_slice %arg19[%dma_start3A_357, %dma_start3A_358] : memref<10240x64xbf16, #tpu.memory_space<vmem_shared>> -> memref<10240x64xbf16, #tpu.memory_space<vmem_shared>>
        tpu.enqueue_indirect_dma source(%arg14 : memref<128x64xbf16, #tpu.memory_space<vmem>>) target(%dma_start3A_359 : memref<10240x64xbf16, #tpu.memory_space<vmem_shared>>) offsets(%dma_start3A_356 : memref<128xi32, #tpu.memory_space<vmem>>) semaphore(%run_scoped3A_353 : memref<!tpu.dma_semaphore, #tpu.memory_space<semaphore_mem>>) {add = true}
        %dma_wait3A_360 = arith.constant 0 : i32
        %dma_wait3A_361 = tpu.memref_slice %arg7[%add3A_284, %dma_wait3A_360] : memref<160x128xi32, #tpu.memory_space<vmem>> -> memref<1x128xi32, #tpu.memory_space<vmem>>
        %dma_wait3A_362 = tpu.memref_squeeze %dma_wait3A_361 : memref<1x128xi32, #tpu.memory_space<vmem>> -> memref<128xi32, #tpu.memory_space<vmem>>
        %dma_wait3A_363 = arith.constant 0 : i32
        %dma_wait3A_364 = arith.constant 0 : i32
        %dma_wait3A_365 = tpu.memref_slice %arg19[%dma_wait3A_363, %dma_wait3A_364] : memref<10240x64xbf16, #tpu.memory_space<vmem_shared>> -> memref<10240x64xbf16, #tpu.memory_space<vmem_shared>>
        tpu.wait_indirect_dma semaphore(%run_scoped3A_353 : memref<!tpu.dma_semaphore, #tpu.memory_space<semaphore_mem>>) src(%arg14 : memref<128x64xbf16, #tpu.memory_space<vmem>>) dst(%dma_wait3A_365 : memref<10240x64xbf16, #tpu.memory_space<vmem_shared>>)
        tpu.yield
      }) : () -> ()
      %add3A_291 = arith.constant 10 : i32
      %add3A_292 = arith.addi %add3A_284, %add3A_291 : i32
      %dma_start3A_293 = arith.constant 0 : i32
      %dma_start3A_294 = tpu.memref_slice %arg6[%add3A_292, %dma_start3A_293] : memref<160x128xi32, #tpu.memory_space<vmem>> -> memref<1x128xi32, #tpu.memory_space<vmem>>
      %dma_start3A_295 = tpu.memref_squeeze %dma_start3A_294 : memref<1x128xi32, #tpu.memory_space<vmem>> -> memref<128xi32, #tpu.memory_space<vmem>>
      %dma_start3A_296 = arith.constant 0 : i32
      %dma_start3A_297 = arith.constant 0 : i32
      %dma_start3A_298 = tpu.memref_slice %arg18[%dma_start3A_296, %dma_start3A_297] : memref<10240x64xbf16, #tpu.memory_space<vmem_shared>> -> memref<10240x64xbf16, #tpu.memory_space<vmem_shared>>
      tpu.enqueue_indirect_dma source(%dma_start3A_298 : memref<10240x64xbf16, #tpu.memory_space<vmem_shared>>) target(%arg14 : memref<128x64xbf16, #tpu.memory_space<vmem>>) offsets(%dma_start3A_295 : memref<128xi32, #tpu.memory_space<vmem>>) semaphore(%arg26 : memref<!tpu.dma_semaphore, #tpu.memory_space<semaphore_mem>>)
      %mul3A_299 = arith.constant 10 : i32
      %mul3A_300 = arith.muli %scan3A_173, %mul3A_299 : i32
      %add3A_301 = arith.constant 7 : i32
      %add3A_302 = arith.addi %mul3A_300, %add3A_301 : i32
      %dma_wait3A_303 = arith.constant 0 : i32
      %dma_wait3A_304 = tpu.memref_slice %arg6[%add3A_302, %dma_wait3A_303] : memref<160x128xi32, #tpu.memory_space<vmem>> -> memref<1x128xi32, #tpu.memory_space<vmem>>
      %dma_wait3A_305 = tpu.memref_squeeze %dma_wait3A_304 : memref<1x128xi32, #tpu.memory_space<vmem>> -> memref<128xi32, #tpu.memory_space<vmem>>
      %dma_wait3A_306 = arith.constant 0 : i32
      %dma_wait3A_307 = arith.constant 0 : i32
      %dma_wait3A_308 = tpu.memref_slice %arg18[%dma_wait3A_306, %dma_wait3A_307] : memref<10240x64xbf16, #tpu.memory_space<vmem_shared>> -> memref<10240x64xbf16, #tpu.memory_space<vmem_shared>>
      tpu.wait_indirect_dma semaphore(%arg27 : memref<!tpu.dma_semaphore, #tpu.memory_space<semaphore_mem>>) src(%dma_wait3A_308 : memref<10240x64xbf16, #tpu.memory_space<vmem_shared>>) dst(%arg15 : memref<128x64xbf16, #tpu.memory_space<vmem>>)
      "tpu.region"() ({
        %run_scoped3A_353 = tpu.sem_alloc : memref<!tpu.dma_semaphore, #tpu.memory_space<semaphore_mem>>
        %dma_start3A_354 = arith.constant 0 : i32
        %dma_start3A_355 = tpu.memref_slice %arg7[%add3A_302, %dma_start3A_354] : memref<160x128xi32, #tpu.memory_space<vmem>> -> memref<1x128xi32, #tpu.memory_space<vmem>>
        %dma_start3A_356 = tpu.memref_squeeze %dma_start3A_355 : memref<1x128xi32, #tpu.memory_space<vmem>> -> memref<128xi32, #tpu.memory_space<vmem>>
        %dma_start3A_357 = arith.constant 0 : i32
        %dma_start3A_358 = arith.constant 0 : i32
        %dma_start3A_359 = tpu.memref_slice %arg19[%dma_start3A_357, %dma_start3A_358] : memref<10240x64xbf16, #tpu.memory_space<vmem_shared>> -> memref<10240x64xbf16, #tpu.memory_space<vmem_shared>>
        tpu.enqueue_indirect_dma source(%arg15 : memref<128x64xbf16, #tpu.memory_space<vmem>>) target(%dma_start3A_359 : memref<10240x64xbf16, #tpu.memory_space<vmem_shared>>) offsets(%dma_start3A_356 : memref<128xi32, #tpu.memory_space<vmem>>) semaphore(%run_scoped3A_353 : memref<!tpu.dma_semaphore, #tpu.memory_space<semaphore_mem>>) {add = true}
        %dma_wait3A_360 = arith.constant 0 : i32
        %dma_wait3A_361 = tpu.memref_slice %arg7[%add3A_302, %dma_wait3A_360] : memref<160x128xi32, #tpu.memory_space<vmem>> -> memref<1x128xi32, #tpu.memory_space<vmem>>
        %dma_wait3A_362 = tpu.memref_squeeze %dma_wait3A_361 : memref<1x128xi32, #tpu.memory_space<vmem>> -> memref<128xi32, #tpu.memory_space<vmem>>
        %dma_wait3A_363 = arith.constant 0 : i32
        %dma_wait3A_364 = arith.constant 0 : i32
        %dma_wait3A_365 = tpu.memref_slice %arg19[%dma_wait3A_363, %dma_wait3A_364] : memref<10240x64xbf16, #tpu.memory_space<vmem_shared>> -> memref<10240x64xbf16, #tpu.memory_space<vmem_shared>>
        tpu.wait_indirect_dma semaphore(%run_scoped3A_353 : memref<!tpu.dma_semaphore, #tpu.memory_space<semaphore_mem>>) src(%arg15 : memref<128x64xbf16, #tpu.memory_space<vmem>>) dst(%dma_wait3A_365 : memref<10240x64xbf16, #tpu.memory_space<vmem_shared>>)
        tpu.yield
      }) : () -> ()
      %add3A_309 = arith.constant 10 : i32
      %add3A_310 = arith.addi %add3A_302, %add3A_309 : i32
      %dma_start3A_311 = arith.constant 0 : i32
      %dma_start3A_312 = tpu.memref_slice %arg6[%add3A_310, %dma_start3A_311] : memref<160x128xi32, #tpu.memory_space<vmem>> -> memref<1x128xi32, #tpu.memory_space<vmem>>
      %dma_start3A_313 = tpu.memref_squeeze %dma_start3A_312 : memref<1x128xi32, #tpu.memory_space<vmem>> -> memref<128xi32, #tpu.memory_space<vmem>>
      %dma_start3A_314 = arith.constant 0 : i32
      %dma_start3A_315 = arith.constant 0 : i32
      %dma_start3A_316 = tpu.memref_slice %arg18[%dma_start3A_314, %dma_start3A_315] : memref<10240x64xbf16, #tpu.memory_space<vmem_shared>> -> memref<10240x64xbf16, #tpu.memory_space<vmem_shared>>
      tpu.enqueue_indirect_dma source(%dma_start3A_316 : memref<10240x64xbf16, #tpu.memory_space<vmem_shared>>) target(%arg15 : memref<128x64xbf16, #tpu.memory_space<vmem>>) offsets(%dma_start3A_313 : memref<128xi32, #tpu.memory_space<vmem>>) semaphore(%arg27 : memref<!tpu.dma_semaphore, #tpu.memory_space<semaphore_mem>>)
      %mul3A_317 = arith.constant 10 : i32
      %mul3A_318 = arith.muli %scan3A_173, %mul3A_317 : i32
      %add3A_319 = arith.constant 8 : i32
      %add3A_320 = arith.addi %mul3A_318, %add3A_319 : i32
      %dma_wait3A_321 = arith.constant 0 : i32
      %dma_wait3A_322 = tpu.memref_slice %arg6[%add3A_320, %dma_wait3A_321] : memref<160x128xi32, #tpu.memory_space<vmem>> -> memref<1x128xi32, #tpu.memory_space<vmem>>
      %dma_wait3A_323 = tpu.memref_squeeze %dma_wait3A_322 : memref<1x128xi32, #tpu.memory_space<vmem>> -> memref<128xi32, #tpu.memory_space<vmem>>
      %dma_wait3A_324 = arith.constant 0 : i32
      %dma_wait3A_325 = arith.constant 0 : i32
      %dma_wait3A_326 = tpu.memref_slice %arg18[%dma_wait3A_324, %dma_wait3A_325] : memref<10240x64xbf16, #tpu.memory_space<vmem_shared>> -> memref<10240x64xbf16, #tpu.memory_space<vmem_shared>>
      tpu.wait_indirect_dma semaphore(%arg28 : memref<!tpu.dma_semaphore, #tpu.memory_space<semaphore_mem>>) src(%dma_wait3A_326 : memref<10240x64xbf16, #tpu.memory_space<vmem_shared>>) dst(%arg16 : memref<128x64xbf16, #tpu.memory_space<vmem>>)
      "tpu.region"() ({
        %run_scoped3A_353 = tpu.sem_alloc : memref<!tpu.dma_semaphore, #tpu.memory_space<semaphore_mem>>
        %dma_start3A_354 = arith.constant 0 : i32
        %dma_start3A_355 = tpu.memref_slice %arg7[%add3A_320, %dma_start3A_354] : memref<160x128xi32, #tpu.memory_space<vmem>> -> memref<1x128xi32, #tpu.memory_space<vmem>>
        %dma_start3A_356 = tpu.memref_squeeze %dma_start3A_355 : memref<1x128xi32, #tpu.memory_space<vmem>> -> memref<128xi32, #tpu.memory_space<vmem>>
        %dma_start3A_357 = arith.constant 0 : i32
        %dma_start3A_358 = arith.constant 0 : i32
        %dma_start3A_359 = tpu.memref_slice %arg19[%dma_start3A_357, %dma_start3A_358] : memref<10240x64xbf16, #tpu.memory_space<vmem_shared>> -> memref<10240x64xbf16, #tpu.memory_space<vmem_shared>>
        tpu.enqueue_indirect_dma source(%arg16 : memref<128x64xbf16, #tpu.memory_space<vmem>>) target(%dma_start3A_359 : memref<10240x64xbf16, #tpu.memory_space<vmem_shared>>) offsets(%dma_start3A_356 : memref<128xi32, #tpu.memory_space<vmem>>) semaphore(%run_scoped3A_353 : memref<!tpu.dma_semaphore, #tpu.memory_space<semaphore_mem>>) {add = true}
        %dma_wait3A_360 = arith.constant 0 : i32
        %dma_wait3A_361 = tpu.memref_slice %arg7[%add3A_320, %dma_wait3A_360] : memref<160x128xi32, #tpu.memory_space<vmem>> -> memref<1x128xi32, #tpu.memory_space<vmem>>
        %dma_wait3A_362 = tpu.memref_squeeze %dma_wait3A_361 : memref<1x128xi32, #tpu.memory_space<vmem>> -> memref<128xi32, #tpu.memory_space<vmem>>
        %dma_wait3A_363 = arith.constant 0 : i32
        %dma_wait3A_364 = arith.constant 0 : i32
        %dma_wait3A_365 = tpu.memref_slice %arg19[%dma_wait3A_363, %dma_wait3A_364] : memref<10240x64xbf16, #tpu.memory_space<vmem_shared>> -> memref<10240x64xbf16, #tpu.memory_space<vmem_shared>>
        tpu.wait_indirect_dma semaphore(%run_scoped3A_353 : memref<!tpu.dma_semaphore, #tpu.memory_space<semaphore_mem>>) src(%arg16 : memref<128x64xbf16, #tpu.memory_space<vmem>>) dst(%dma_wait3A_365 : memref<10240x64xbf16, #tpu.memory_space<vmem_shared>>)
        tpu.yield
      }) : () -> ()
      %add3A_327 = arith.constant 10 : i32
      %add3A_328 = arith.addi %add3A_320, %add3A_327 : i32
      %dma_start3A_329 = arith.constant 0 : i32
      %dma_start3A_330 = tpu.memref_slice %arg6[%add3A_328, %dma_start3A_329] : memref<160x128xi32, #tpu.memory_space<vmem>> -> memref<1x128xi32, #tpu.memory_space<vmem>>
      %dma_start3A_331 = tpu.memref_squeeze %dma_start3A_330 : memref<1x128xi32, #tpu.memory_space<vmem>> -> memref<128xi32, #tpu.memory_space<vmem>>
      %dma_start3A_332 = arith.constant 0 : i32
      %dma_start3A_333 = arith.constant 0 : i32
      %dma_start3A_334 = tpu.memref_slice %arg18[%dma_start3A_332, %dma_start3A_333] : memref<10240x64xbf16, #tpu.memory_space<vmem_shared>> -> memref<10240x64xbf16, #tpu.memory_space<vmem_shared>>
      tpu.enqueue_indirect_dma source(%dma_start3A_334 : memref<10240x64xbf16, #tpu.memory_space<vmem_shared>>) target(%arg16 : memref<128x64xbf16, #tpu.memory_space<vmem>>) offsets(%dma_start3A_331 : memref<128xi32, #tpu.memory_space<vmem>>) semaphore(%arg28 : memref<!tpu.dma_semaphore, #tpu.memory_space<semaphore_mem>>)
      %mul3A_335 = arith.constant 10 : i32
      %mul3A_336 = arith.muli %scan3A_173, %mul3A_335 : i32
      %add3A_337 = arith.constant 9 : i32
      %add3A_338 = arith.addi %mul3A_336, %add3A_337 : i32
      %dma_wait3A_339 = arith.constant 0 : i32
      %dma_wait3A_340 = tpu.memref_slice %arg6[%add3A_338, %dma_wait3A_339] : memref<160x128xi32, #tpu.memory_space<vmem>> -> memref<1x128xi32, #tpu.memory_space<vmem>>
      %dma_wait3A_341 = tpu.memref_squeeze %dma_wait3A_340 : memref<1x128xi32, #tpu.memory_space<vmem>> -> memref<128xi32, #tpu.memory_space<vmem>>
      %dma_wait3A_342 = arith.constant 0 : i32
      %dma_wait3A_343 = arith.constant 0 : i32
      %dma_wait3A_344 = tpu.memref_slice %arg18[%dma_wait3A_342, %dma_wait3A_343] : memref<10240x64xbf16, #tpu.memory_space<vmem_shared>> -> memref<10240x64xbf16, #tpu.memory_space<vmem_shared>>
      tpu.wait_indirect_dma semaphore(%arg29 : memref<!tpu.dma_semaphore, #tpu.memory_space<semaphore_mem>>) src(%dma_wait3A_344 : memref<10240x64xbf16, #tpu.memory_space<vmem_shared>>) dst(%arg17 : memref<128x64xbf16, #tpu.memory_space<vmem>>)
      "tpu.region"() ({
        %run_scoped3A_353 = tpu.sem_alloc : memref<!tpu.dma_semaphore, #tpu.memory_space<semaphore_mem>>
        %dma_start3A_354 = arith.constant 0 : i32
        %dma_start3A_355 = tpu.memref_slice %arg7[%add3A_338, %dma_start3A_354] : memref<160x128xi32, #tpu.memory_space<vmem>> -> memref<1x128xi32, #tpu.memory_space<vmem>>
        %dma_start3A_356 = tpu.memref_squeeze %dma_start3A_355 : memref<1x128xi32, #tpu.memory_space<vmem>> -> memref<128xi32, #tpu.memory_space<vmem>>
        %dma_start3A_357 = arith.constant 0 : i32
        %dma_start3A_358 = arith.constant 0 : i32
        %dma_start3A_359 = tpu.memref_slice %arg19[%dma_start3A_357, %dma_start3A_358] : memref<10240x64xbf16, #tpu.memory_space<vmem_shared>> -> memref<10240x64xbf16, #tpu.memory_space<vmem_shared>>
        tpu.enqueue_indirect_dma source(%arg17 : memref<128x64xbf16, #tpu.memory_space<vmem>>) target(%dma_start3A_359 : memref<10240x64xbf16, #tpu.memory_space<vmem_shared>>) offsets(%dma_start3A_356 : memref<128xi32, #tpu.memory_space<vmem>>) semaphore(%run_scoped3A_353 : memref<!tpu.dma_semaphore, #tpu.memory_space<semaphore_mem>>) {add = true}
        %dma_wait3A_360 = arith.constant 0 : i32
        %dma_wait3A_361 = tpu.memref_slice %arg7[%add3A_338, %dma_wait3A_360] : memref<160x128xi32, #tpu.memory_space<vmem>> -> memref<1x128xi32, #tpu.memory_space<vmem>>
        %dma_wait3A_362 = tpu.memref_squeeze %dma_wait3A_361 : memref<1x128xi32, #tpu.memory_space<vmem>> -> memref<128xi32, #tpu.memory_space<vmem>>
        %dma_wait3A_363 = arith.constant 0 : i32
        %dma_wait3A_364 = arith.constant 0 : i32
        %dma_wait3A_365 = tpu.memref_slice %arg19[%dma_wait3A_363, %dma_wait3A_364] : memref<10240x64xbf16, #tpu.memory_space<vmem_shared>> -> memref<10240x64xbf16, #tpu.memory_space<vmem_shared>>
        tpu.wait_indirect_dma semaphore(%run_scoped3A_353 : memref<!tpu.dma_semaphore, #tpu.memory_space<semaphore_mem>>) src(%arg17 : memref<128x64xbf16, #tpu.memory_space<vmem>>) dst(%dma_wait3A_365 : memref<10240x64xbf16, #tpu.memory_space<vmem_shared>>)
        tpu.yield
      }) : () -> ()
      %add3A_345 = arith.constant 10 : i32
      %add3A_346 = arith.addi %add3A_338, %add3A_345 : i32
      %dma_start3A_347 = arith.constant 0 : i32
      %dma_start3A_348 = tpu.memref_slice %arg6[%add3A_346, %dma_start3A_347] : memref<160x128xi32, #tpu.memory_space<vmem>> -> memref<1x128xi32, #tpu.memory_space<vmem>>
      %dma_start3A_349 = tpu.memref_squeeze %dma_start3A_348 : memref<1x128xi32, #tpu.memory_space<vmem>> -> memref<128xi32, #tpu.memory_space<vmem>>
      %dma_start3A_350 = arith.constant 0 : i32
      %dma_start3A_351 = arith.constant 0 : i32
      %dma_start3A_352 = tpu.memref_slice %arg18[%dma_start3A_350, %dma_start3A_351] : memref<10240x64xbf16, #tpu.memory_space<vmem_shared>> -> memref<10240x64xbf16, #tpu.memory_space<vmem_shared>>
      tpu.enqueue_indirect_dma source(%dma_start3A_352 : memref<10240x64xbf16, #tpu.memory_space<vmem_shared>>) target(%arg17 : memref<128x64xbf16, #tpu.memory_space<vmem>>) offsets(%dma_start3A_349 : memref<128xi32, #tpu.memory_space<vmem>>) semaphore(%arg29 : memref<!tpu.dma_semaphore, #tpu.memory_space<semaphore_mem>>)
    }
    %scan3A_89 = arith.constant 15 : i32
    %dma_wait3A = arith.constant 150 : i32
    %dma_wait3A_90 = arith.constant 0 : i32
    %dma_wait3A_91 = tpu.memref_slice %arg6[%dma_wait3A, %dma_wait3A_90] : memref<160x128xi32, #tpu.memory_space<vmem>> -> memref<1x128xi32, #tpu.memory_space<vmem>>
    %dma_wait3A_92 = tpu.memref_squeeze %dma_wait3A_91 : memref<1x128xi32, #tpu.memory_space<vmem>> -> memref<128xi32, #tpu.memory_space<vmem>>
    %dma_wait3A_93 = arith.constant 0 : i32
    %dma_wait3A_94 = arith.constant 0 : i32
    %dma_wait3A_95 = tpu.memref_slice %arg18[%dma_wait3A_93, %dma_wait3A_94] : memref<10240x64xbf16, #tpu.memory_space<vmem_shared>> -> memref<10240x64xbf16, #tpu.memory_space<vmem_shared>>
    tpu.wait_indirect_dma semaphore(%arg20 : memref<!tpu.dma_semaphore, #tpu.memory_space<semaphore_mem>>) src(%dma_wait3A_95 : memref<10240x64xbf16, #tpu.memory_space<vmem_shared>>) dst(%arg8 : memref<128x64xbf16, #tpu.memory_space<vmem>>)
    %run_scoped3A = arith.constant 150 : i32
    "tpu.region"() ({
      %run_scoped3A_173 = tpu.sem_alloc : memref<!tpu.dma_semaphore, #tpu.memory_space<semaphore_mem>>
      %dma_start3A_174 = arith.constant 0 : i32
      %dma_start3A_175 = tpu.memref_slice %arg7[%run_scoped3A, %dma_start3A_174] : memref<160x128xi32, #tpu.memory_space<vmem>> -> memref<1x128xi32, #tpu.memory_space<vmem>>
      %dma_start3A_176 = tpu.memref_squeeze %dma_start3A_175 : memref<1x128xi32, #tpu.memory_space<vmem>> -> memref<128xi32, #tpu.memory_space<vmem>>
      %dma_start3A_177 = arith.constant 0 : i32
      %dma_start3A_178 = arith.constant 0 : i32
      %dma_start3A_179 = tpu.memref_slice %arg19[%dma_start3A_177, %dma_start3A_178] : memref<10240x64xbf16, #tpu.memory_space<vmem_shared>> -> memref<10240x64xbf16, #tpu.memory_space<vmem_shared>>
      tpu.enqueue_indirect_dma source(%arg8 : memref<128x64xbf16, #tpu.memory_space<vmem>>) target(%dma_start3A_179 : memref<10240x64xbf16, #tpu.memory_space<vmem_shared>>) offsets(%dma_start3A_176 : memref<128xi32, #tpu.memory_space<vmem>>) semaphore(%run_scoped3A_173 : memref<!tpu.dma_semaphore, #tpu.memory_space<semaphore_mem>>) {add = true}
      %dma_wait3A_180 = arith.constant 0 : i32
      %dma_wait3A_181 = tpu.memref_slice %arg7[%run_scoped3A, %dma_wait3A_180] : memref<160x128xi32, #tpu.memory_space<vmem>> -> memref<1x128xi32, #tpu.memory_space<vmem>>
      %dma_wait3A_182 = tpu.memref_squeeze %dma_wait3A_181 : memref<1x128xi32, #tpu.memory_space<vmem>> -> memref<128xi32, #tpu.memory_space<vmem>>
      %dma_wait3A_183 = arith.constant 0 : i32
      %dma_wait3A_184 = arith.constant 0 : i32
      %dma_wait3A_185 = tpu.memref_slice %arg19[%dma_wait3A_183, %dma_wait3A_184] : memref<10240x64xbf16, #tpu.memory_space<vmem_shared>> -> memref<10240x64xbf16, #tpu.memory_space<vmem_shared>>
      tpu.wait_indirect_dma semaphore(%run_scoped3A_173 : memref<!tpu.dma_semaphore, #tpu.memory_space<semaphore_mem>>) src(%arg8 : memref<128x64xbf16, #tpu.memory_space<vmem>>) dst(%dma_wait3A_185 : memref<10240x64xbf16, #tpu.memory_space<vmem_shared>>)
      tpu.yield
    }) : () -> ()
    %dma_wait3A_96 = arith.constant 151 : i32
    %dma_wait3A_97 = arith.constant 0 : i32
    %dma_wait3A_98 = tpu.memref_slice %arg6[%dma_wait3A_96, %dma_wait3A_97] : memref<160x128xi32, #tpu.memory_space<vmem>> -> memref<1x128xi32, #tpu.memory_space<vmem>>
    %dma_wait3A_99 = tpu.memref_squeeze %dma_wait3A_98 : memref<1x128xi32, #tpu.memory_space<vmem>> -> memref<128xi32, #tpu.memory_space<vmem>>
    %dma_wait3A_100 = arith.constant 0 : i32
    %dma_wait3A_101 = arith.constant 0 : i32
    %dma_wait3A_102 = tpu.memref_slice %arg18[%dma_wait3A_100, %dma_wait3A_101] : memref<10240x64xbf16, #tpu.memory_space<vmem_shared>> -> memref<10240x64xbf16, #tpu.memory_space<vmem_shared>>
    tpu.wait_indirect_dma semaphore(%arg21 : memref<!tpu.dma_semaphore, #tpu.memory_space<semaphore_mem>>) src(%dma_wait3A_102 : memref<10240x64xbf16, #tpu.memory_space<vmem_shared>>) dst(%arg9 : memref<128x64xbf16, #tpu.memory_space<vmem>>)
    %run_scoped3A_103 = arith.constant 151 : i32
    "tpu.region"() ({
      %run_scoped3A_173 = tpu.sem_alloc : memref<!tpu.dma_semaphore, #tpu.memory_space<semaphore_mem>>
      %dma_start3A_174 = arith.constant 0 : i32
      %dma_start3A_175 = tpu.memref_slice %arg7[%run_scoped3A_103, %dma_start3A_174] : memref<160x128xi32, #tpu.memory_space<vmem>> -> memref<1x128xi32, #tpu.memory_space<vmem>>
      %dma_start3A_176 = tpu.memref_squeeze %dma_start3A_175 : memref<1x128xi32, #tpu.memory_space<vmem>> -> memref<128xi32, #tpu.memory_space<vmem>>
      %dma_start3A_177 = arith.constant 0 : i32
      %dma_start3A_178 = arith.constant 0 : i32
      %dma_start3A_179 = tpu.memref_slice %arg19[%dma_start3A_177, %dma_start3A_178] : memref<10240x64xbf16, #tpu.memory_space<vmem_shared>> -> memref<10240x64xbf16, #tpu.memory_space<vmem_shared>>
      tpu.enqueue_indirect_dma source(%arg9 : memref<128x64xbf16, #tpu.memory_space<vmem>>) target(%dma_start3A_179 : memref<10240x64xbf16, #tpu.memory_space<vmem_shared>>) offsets(%dma_start3A_176 : memref<128xi32, #tpu.memory_space<vmem>>) semaphore(%run_scoped3A_173 : memref<!tpu.dma_semaphore, #tpu.memory_space<semaphore_mem>>) {add = true}
      %dma_wait3A_180 = arith.constant 0 : i32
      %dma_wait3A_181 = tpu.memref_slice %arg7[%run_scoped3A_103, %dma_wait3A_180] : memref<160x128xi32, #tpu.memory_space<vmem>> -> memref<1x128xi32, #tpu.memory_space<vmem>>
      %dma_wait3A_182 = tpu.memref_squeeze %dma_wait3A_181 : memref<1x128xi32, #tpu.memory_space<vmem>> -> memref<128xi32, #tpu.memory_space<vmem>>
      %dma_wait3A_183 = arith.constant 0 : i32
      %dma_wait3A_184 = arith.constant 0 : i32
      %dma_wait3A_185 = tpu.memref_slice %arg19[%dma_wait3A_183, %dma_wait3A_184] : memref<10240x64xbf16, #tpu.memory_space<vmem_shared>> -> memref<10240x64xbf16, #tpu.memory_space<vmem_shared>>
      tpu.wait_indirect_dma semaphore(%run_scoped3A_173 : memref<!tpu.dma_semaphore, #tpu.memory_space<semaphore_mem>>) src(%arg9 : memref<128x64xbf16, #tpu.memory_space<vmem>>) dst(%dma_wait3A_185 : memref<10240x64xbf16, #tpu.memory_space<vmem_shared>>)
      tpu.yield
    }) : () -> ()
    %dma_wait3A_104 = arith.constant 152 : i32
    %dma_wait3A_105 = arith.constant 0 : i32
    %dma_wait3A_106 = tpu.memref_slice %arg6[%dma_wait3A_104, %dma_wait3A_105] : memref<160x128xi32, #tpu.memory_space<vmem>> -> memref<1x128xi32, #tpu.memory_space<vmem>>
    %dma_wait3A_107 = tpu.memref_squeeze %dma_wait3A_106 : memref<1x128xi32, #tpu.memory_space<vmem>> -> memref<128xi32, #tpu.memory_space<vmem>>
    %dma_wait3A_108 = arith.constant 0 : i32
    %dma_wait3A_109 = arith.constant 0 : i32
    %dma_wait3A_110 = tpu.memref_slice %arg18[%dma_wait3A_108, %dma_wait3A_109] : memref<10240x64xbf16, #tpu.memory_space<vmem_shared>> -> memref<10240x64xbf16, #tpu.memory_space<vmem_shared>>
    tpu.wait_indirect_dma semaphore(%arg22 : memref<!tpu.dma_semaphore, #tpu.memory_space<semaphore_mem>>) src(%dma_wait3A_110 : memref<10240x64xbf16, #tpu.memory_space<vmem_shared>>) dst(%arg10 : memref<128x64xbf16, #tpu.memory_space<vmem>>)
    %run_scoped3A_111 = arith.constant 152 : i32
    "tpu.region"() ({
      %run_scoped3A_173 = tpu.sem_alloc : memref<!tpu.dma_semaphore, #tpu.memory_space<semaphore_mem>>
      %dma_start3A_174 = arith.constant 0 : i32
      %dma_start3A_175 = tpu.memref_slice %arg7[%run_scoped3A_111, %dma_start3A_174] : memref<160x128xi32, #tpu.memory_space<vmem>> -> memref<1x128xi32, #tpu.memory_space<vmem>>
      %dma_start3A_176 = tpu.memref_squeeze %dma_start3A_175 : memref<1x128xi32, #tpu.memory_space<vmem>> -> memref<128xi32, #tpu.memory_space<vmem>>
      %dma_start3A_177 = arith.constant 0 : i32
      %dma_start3A_178 = arith.constant 0 : i32
      %dma_start3A_179 = tpu.memref_slice %arg19[%dma_start3A_177, %dma_start3A_178] : memref<10240x64xbf16, #tpu.memory_space<vmem_shared>> -> memref<10240x64xbf16, #tpu.memory_space<vmem_shared>>
      tpu.enqueue_indirect_dma source(%arg10 : memref<128x64xbf16, #tpu.memory_space<vmem>>) target(%dma_start3A_179 : memref<10240x64xbf16, #tpu.memory_space<vmem_shared>>) offsets(%dma_start3A_176 : memref<128xi32, #tpu.memory_space<vmem>>) semaphore(%run_scoped3A_173 : memref<!tpu.dma_semaphore, #tpu.memory_space<semaphore_mem>>) {add = true}
      %dma_wait3A_180 = arith.constant 0 : i32
      %dma_wait3A_181 = tpu.memref_slice %arg7[%run_scoped3A_111, %dma_wait3A_180] : memref<160x128xi32, #tpu.memory_space<vmem>> -> memref<1x128xi32, #tpu.memory_space<vmem>>
      %dma_wait3A_182 = tpu.memref_squeeze %dma_wait3A_181 : memref<1x128xi32, #tpu.memory_space<vmem>> -> memref<128xi32, #tpu.memory_space<vmem>>
      %dma_wait3A_183 = arith.constant 0 : i32
      %dma_wait3A_184 = arith.constant 0 : i32
      %dma_wait3A_185 = tpu.memref_slice %arg19[%dma_wait3A_183, %dma_wait3A_184] : memref<10240x64xbf16, #tpu.memory_space<vmem_shared>> -> memref<10240x64xbf16, #tpu.memory_space<vmem_shared>>
      tpu.wait_indirect_dma semaphore(%run_scoped3A_173 : memref<!tpu.dma_semaphore, #tpu.memory_space<semaphore_mem>>) src(%arg10 : memref<128x64xbf16, #tpu.memory_space<vmem>>) dst(%dma_wait3A_185 : memref<10240x64xbf16, #tpu.memory_space<vmem_shared>>)
      tpu.yield
    }) : () -> ()
    %dma_wait3A_112 = arith.constant 153 : i32
    %dma_wait3A_113 = arith.constant 0 : i32
    %dma_wait3A_114 = tpu.memref_slice %arg6[%dma_wait3A_112, %dma_wait3A_113] : memref<160x128xi32, #tpu.memory_space<vmem>> -> memref<1x128xi32, #tpu.memory_space<vmem>>
    %dma_wait3A_115 = tpu.memref_squeeze %dma_wait3A_114 : memref<1x128xi32, #tpu.memory_space<vmem>> -> memref<128xi32, #tpu.memory_space<vmem>>
    %dma_wait3A_116 = arith.constant 0 : i32
    %dma_wait3A_117 = arith.constant 0 : i32
    %dma_wait3A_118 = tpu.memref_slice %arg18[%dma_wait3A_116, %dma_wait3A_117] : memref<10240x64xbf16, #tpu.memory_space<vmem_shared>> -> memref<10240x64xbf16, #tpu.memory_space<vmem_shared>>
    tpu.wait_indirect_dma semaphore(%arg23 : memref<!tpu.dma_semaphore, #tpu.memory_space<semaphore_mem>>) src(%dma_wait3A_118 : memref<10240x64xbf16, #tpu.memory_space<vmem_shared>>) dst(%arg11 : memref<128x64xbf16, #tpu.memory_space<vmem>>)
    %run_scoped3A_119 = arith.constant 153 : i32
    "tpu.region"() ({
      %run_scoped3A_173 = tpu.sem_alloc : memref<!tpu.dma_semaphore, #tpu.memory_space<semaphore_mem>>
      %dma_start3A_174 = arith.constant 0 : i32
      %dma_start3A_175 = tpu.memref_slice %arg7[%run_scoped3A_119, %dma_start3A_174] : memref<160x128xi32, #tpu.memory_space<vmem>> -> memref<1x128xi32, #tpu.memory_space<vmem>>
      %dma_start3A_176 = tpu.memref_squeeze %dma_start3A_175 : memref<1x128xi32, #tpu.memory_space<vmem>> -> memref<128xi32, #tpu.memory_space<vmem>>
      %dma_start3A_177 = arith.constant 0 : i32
      %dma_start3A_178 = arith.constant 0 : i32
      %dma_start3A_179 = tpu.memref_slice %arg19[%dma_start3A_177, %dma_start3A_178] : memref<10240x64xbf16, #tpu.memory_space<vmem_shared>> -> memref<10240x64xbf16, #tpu.memory_space<vmem_shared>>
      tpu.enqueue_indirect_dma source(%arg11 : memref<128x64xbf16, #tpu.memory_space<vmem>>) target(%dma_start3A_179 : memref<10240x64xbf16, #tpu.memory_space<vmem_shared>>) offsets(%dma_start3A_176 : memref<128xi32, #tpu.memory_space<vmem>>) semaphore(%run_scoped3A_173 : memref<!tpu.dma_semaphore, #tpu.memory_space<semaphore_mem>>) {add = true}
      %dma_wait3A_180 = arith.constant 0 : i32
      %dma_wait3A_181 = tpu.memref_slice %arg7[%run_scoped3A_119, %dma_wait3A_180] : memref<160x128xi32, #tpu.memory_space<vmem>> -> memref<1x128xi32, #tpu.memory_space<vmem>>
      %dma_wait3A_182 = tpu.memref_squeeze %dma_wait3A_181 : memref<1x128xi32, #tpu.memory_space<vmem>> -> memref<128xi32, #tpu.memory_space<vmem>>
      %dma_wait3A_183 = arith.constant 0 : i32
      %dma_wait3A_184 = arith.constant 0 : i32
      %dma_wait3A_185 = tpu.memref_slice %arg19[%dma_wait3A_183, %dma_wait3A_184] : memref<10240x64xbf16, #tpu.memory_space<vmem_shared>> -> memref<10240x64xbf16, #tpu.memory_space<vmem_shared>>
      tpu.wait_indirect_dma semaphore(%run_scoped3A_173 : memref<!tpu.dma_semaphore, #tpu.memory_space<semaphore_mem>>) src(%arg11 : memref<128x64xbf16, #tpu.memory_space<vmem>>) dst(%dma_wait3A_185 : memref<10240x64xbf16, #tpu.memory_space<vmem_shared>>)
      tpu.yield
    }) : () -> ()
    %dma_wait3A_120 = arith.constant 154 : i32
    %dma_wait3A_121 = arith.constant 0 : i32
    %dma_wait3A_122 = tpu.memref_slice %arg6[%dma_wait3A_120, %dma_wait3A_121] : memref<160x128xi32, #tpu.memory_space<vmem>> -> memref<1x128xi32, #tpu.memory_space<vmem>>
    %dma_wait3A_123 = tpu.memref_squeeze %dma_wait3A_122 : memref<1x128xi32, #tpu.memory_space<vmem>> -> memref<128xi32, #tpu.memory_space<vmem>>
    %dma_wait3A_124 = arith.constant 0 : i32
    %dma_wait3A_125 = arith.constant 0 : i32
    %dma_wait3A_126 = tpu.memref_slice %arg18[%dma_wait3A_124, %dma_wait3A_125] : memref<10240x64xbf16, #tpu.memory_space<vmem_shared>> -> memref<10240x64xbf16, #tpu.memory_space<vmem_shared>>
    tpu.wait_indirect_dma semaphore(%arg24 : memref<!tpu.dma_semaphore, #tpu.memory_space<semaphore_mem>>) src(%dma_wait3A_126 : memref<10240x64xbf16, #tpu.memory_space<vmem_shared>>) dst(%arg12 : memref<128x64xbf16, #tpu.memory_space<vmem>>)
    %run_scoped3A_127 = arith.constant 154 : i32
    "tpu.region"() ({
      %run_scoped3A_173 = tpu.sem_alloc : memref<!tpu.dma_semaphore, #tpu.memory_space<semaphore_mem>>
      %dma_start3A_174 = arith.constant 0 : i32
      %dma_start3A_175 = tpu.memref_slice %arg7[%run_scoped3A_127, %dma_start3A_174] : memref<160x128xi32, #tpu.memory_space<vmem>> -> memref<1x128xi32, #tpu.memory_space<vmem>>
      %dma_start3A_176 = tpu.memref_squeeze %dma_start3A_175 : memref<1x128xi32, #tpu.memory_space<vmem>> -> memref<128xi32, #tpu.memory_space<vmem>>
      %dma_start3A_177 = arith.constant 0 : i32
      %dma_start3A_178 = arith.constant 0 : i32
      %dma_start3A_179 = tpu.memref_slice %arg19[%dma_start3A_177, %dma_start3A_178] : memref<10240x64xbf16, #tpu.memory_space<vmem_shared>> -> memref<10240x64xbf16, #tpu.memory_space<vmem_shared>>
      tpu.enqueue_indirect_dma source(%arg12 : memref<128x64xbf16, #tpu.memory_space<vmem>>) target(%dma_start3A_179 : memref<10240x64xbf16, #tpu.memory_space<vmem_shared>>) offsets(%dma_start3A_176 : memref<128xi32, #tpu.memory_space<vmem>>) semaphore(%run_scoped3A_173 : memref<!tpu.dma_semaphore, #tpu.memory_space<semaphore_mem>>) {add = true}
      %dma_wait3A_180 = arith.constant 0 : i32
      %dma_wait3A_181 = tpu.memref_slice %arg7[%run_scoped3A_127, %dma_wait3A_180] : memref<160x128xi32, #tpu.memory_space<vmem>> -> memref<1x128xi32, #tpu.memory_space<vmem>>
      %dma_wait3A_182 = tpu.memref_squeeze %dma_wait3A_181 : memref<1x128xi32, #tpu.memory_space<vmem>> -> memref<128xi32, #tpu.memory_space<vmem>>
      %dma_wait3A_183 = arith.constant 0 : i32
      %dma_wait3A_184 = arith.constant 0 : i32
      %dma_wait3A_185 = tpu.memref_slice %arg19[%dma_wait3A_183, %dma_wait3A_184] : memref<10240x64xbf16, #tpu.memory_space<vmem_shared>> -> memref<10240x64xbf16, #tpu.memory_space<vmem_shared>>
      tpu.wait_indirect_dma semaphore(%run_scoped3A_173 : memref<!tpu.dma_semaphore, #tpu.memory_space<semaphore_mem>>) src(%arg12 : memref<128x64xbf16, #tpu.memory_space<vmem>>) dst(%dma_wait3A_185 : memref<10240x64xbf16, #tpu.memory_space<vmem_shared>>)
      tpu.yield
    }) : () -> ()
    %dma_wait3A_128 = arith.constant 155 : i32
    %dma_wait3A_129 = arith.constant 0 : i32
    %dma_wait3A_130 = tpu.memref_slice %arg6[%dma_wait3A_128, %dma_wait3A_129] : memref<160x128xi32, #tpu.memory_space<vmem>> -> memref<1x128xi32, #tpu.memory_space<vmem>>
    %dma_wait3A_131 = tpu.memref_squeeze %dma_wait3A_130 : memref<1x128xi32, #tpu.memory_space<vmem>> -> memref<128xi32, #tpu.memory_space<vmem>>
    %dma_wait3A_132 = arith.constant 0 : i32
    %dma_wait3A_133 = arith.constant 0 : i32
    %dma_wait3A_134 = tpu.memref_slice %arg18[%dma_wait3A_132, %dma_wait3A_133] : memref<10240x64xbf16, #tpu.memory_space<vmem_shared>> -> memref<10240x64xbf16, #tpu.memory_space<vmem_shared>>
    tpu.wait_indirect_dma semaphore(%arg25 : memref<!tpu.dma_semaphore, #tpu.memory_space<semaphore_mem>>) src(%dma_wait3A_134 : memref<10240x64xbf16, #tpu.memory_space<vmem_shared>>) dst(%arg13 : memref<128x64xbf16, #tpu.memory_space<vmem>>)
    %run_scoped3A_135 = arith.constant 155 : i32
    "tpu.region"() ({
      %run_scoped3A_173 = tpu.sem_alloc : memref<!tpu.dma_semaphore, #tpu.memory_space<semaphore_mem>>
      %dma_start3A_174 = arith.constant 0 : i32
      %dma_start3A_175 = tpu.memref_slice %arg7[%run_scoped3A_135, %dma_start3A_174] : memref<160x128xi32, #tpu.memory_space<vmem>> -> memref<1x128xi32, #tpu.memory_space<vmem>>
      %dma_start3A_176 = tpu.memref_squeeze %dma_start3A_175 : memref<1x128xi32, #tpu.memory_space<vmem>> -> memref<128xi32, #tpu.memory_space<vmem>>
      %dma_start3A_177 = arith.constant 0 : i32
      %dma_start3A_178 = arith.constant 0 : i32
      %dma_start3A_179 = tpu.memref_slice %arg19[%dma_start3A_177, %dma_start3A_178] : memref<10240x64xbf16, #tpu.memory_space<vmem_shared>> -> memref<10240x64xbf16, #tpu.memory_space<vmem_shared>>
      tpu.enqueue_indirect_dma source(%arg13 : memref<128x64xbf16, #tpu.memory_space<vmem>>) target(%dma_start3A_179 : memref<10240x64xbf16, #tpu.memory_space<vmem_shared>>) offsets(%dma_start3A_176 : memref<128xi32, #tpu.memory_space<vmem>>) semaphore(%run_scoped3A_173 : memref<!tpu.dma_semaphore, #tpu.memory_space<semaphore_mem>>) {add = true}
      %dma_wait3A_180 = arith.constant 0 : i32
      %dma_wait3A_181 = tpu.memref_slice %arg7[%run_scoped3A_135, %dma_wait3A_180] : memref<160x128xi32, #tpu.memory_space<vmem>> -> memref<1x128xi32, #tpu.memory_space<vmem>>
      %dma_wait3A_182 = tpu.memref_squeeze %dma_wait3A_181 : memref<1x128xi32, #tpu.memory_space<vmem>> -> memref<128xi32, #tpu.memory_space<vmem>>
      %dma_wait3A_183 = arith.constant 0 : i32
      %dma_wait3A_184 = arith.constant 0 : i32
      %dma_wait3A_185 = tpu.memref_slice %arg19[%dma_wait3A_183, %dma_wait3A_184] : memref<10240x64xbf16, #tpu.memory_space<vmem_shared>> -> memref<10240x64xbf16, #tpu.memory_space<vmem_shared>>
      tpu.wait_indirect_dma semaphore(%run_scoped3A_173 : memref<!tpu.dma_semaphore, #tpu.memory_space<semaphore_mem>>) src(%arg13 : memref<128x64xbf16, #tpu.memory_space<vmem>>) dst(%dma_wait3A_185 : memref<10240x64xbf16, #tpu.memory_space<vmem_shared>>)
      tpu.yield
    }) : () -> ()
    %dma_wait3A_136 = arith.constant 156 : i32
    %dma_wait3A_137 = arith.constant 0 : i32
    %dma_wait3A_138 = tpu.memref_slice %arg6[%dma_wait3A_136, %dma_wait3A_137] : memref<160x128xi32, #tpu.memory_space<vmem>> -> memref<1x128xi32, #tpu.memory_space<vmem>>
    %dma_wait3A_139 = tpu.memref_squeeze %dma_wait3A_138 : memref<1x128xi32, #tpu.memory_space<vmem>> -> memref<128xi32, #tpu.memory_space<vmem>>
    %dma_wait3A_140 = arith.constant 0 : i32
    %dma_wait3A_141 = arith.constant 0 : i32
    %dma_wait3A_142 = tpu.memref_slice %arg18[%dma_wait3A_140, %dma_wait3A_141] : memref<10240x64xbf16, #tpu.memory_space<vmem_shared>> -> memref<10240x64xbf16, #tpu.memory_space<vmem_shared>>
    tpu.wait_indirect_dma semaphore(%arg26 : memref<!tpu.dma_semaphore, #tpu.memory_space<semaphore_mem>>) src(%dma_wait3A_142 : memref<10240x64xbf16, #tpu.memory_space<vmem_shared>>) dst(%arg14 : memref<128x64xbf16, #tpu.memory_space<vmem>>)
    %run_scoped3A_143 = arith.constant 156 : i32
    "tpu.region"() ({
      %run_scoped3A_173 = tpu.sem_alloc : memref<!tpu.dma_semaphore, #tpu.memory_space<semaphore_mem>>
      %dma_start3A_174 = arith.constant 0 : i32
      %dma_start3A_175 = tpu.memref_slice %arg7[%run_scoped3A_143, %dma_start3A_174] : memref<160x128xi32, #tpu.memory_space<vmem>> -> memref<1x128xi32, #tpu.memory_space<vmem>>
      %dma_start3A_176 = tpu.memref_squeeze %dma_start3A_175 : memref<1x128xi32, #tpu.memory_space<vmem>> -> memref<128xi32, #tpu.memory_space<vmem>>
      %dma_start3A_177 = arith.constant 0 : i32
      %dma_start3A_178 = arith.constant 0 : i32
      %dma_start3A_179 = tpu.memref_slice %arg19[%dma_start3A_177, %dma_start3A_178] : memref<10240x64xbf16, #tpu.memory_space<vmem_shared>> -> memref<10240x64xbf16, #tpu.memory_space<vmem_shared>>
      tpu.enqueue_indirect_dma source(%arg14 : memref<128x64xbf16, #tpu.memory_space<vmem>>) target(%dma_start3A_179 : memref<10240x64xbf16, #tpu.memory_space<vmem_shared>>) offsets(%dma_start3A_176 : memref<128xi32, #tpu.memory_space<vmem>>) semaphore(%run_scoped3A_173 : memref<!tpu.dma_semaphore, #tpu.memory_space<semaphore_mem>>) {add = true}
      %dma_wait3A_180 = arith.constant 0 : i32
      %dma_wait3A_181 = tpu.memref_slice %arg7[%run_scoped3A_143, %dma_wait3A_180] : memref<160x128xi32, #tpu.memory_space<vmem>> -> memref<1x128xi32, #tpu.memory_space<vmem>>
      %dma_wait3A_182 = tpu.memref_squeeze %dma_wait3A_181 : memref<1x128xi32, #tpu.memory_space<vmem>> -> memref<128xi32, #tpu.memory_space<vmem>>
      %dma_wait3A_183 = arith.constant 0 : i32
      %dma_wait3A_184 = arith.constant 0 : i32
      %dma_wait3A_185 = tpu.memref_slice %arg19[%dma_wait3A_183, %dma_wait3A_184] : memref<10240x64xbf16, #tpu.memory_space<vmem_shared>> -> memref<10240x64xbf16, #tpu.memory_space<vmem_shared>>
      tpu.wait_indirect_dma semaphore(%run_scoped3A_173 : memref<!tpu.dma_semaphore, #tpu.memory_space<semaphore_mem>>) src(%arg14 : memref<128x64xbf16, #tpu.memory_space<vmem>>) dst(%dma_wait3A_185 : memref<10240x64xbf16, #tpu.memory_space<vmem_shared>>)
      tpu.yield
    }) : () -> ()
    %dma_wait3A_144 = arith.constant 157 : i32
    %dma_wait3A_145 = arith.constant 0 : i32
    %dma_wait3A_146 = tpu.memref_slice %arg6[%dma_wait3A_144, %dma_wait3A_145] : memref<160x128xi32, #tpu.memory_space<vmem>> -> memref<1x128xi32, #tpu.memory_space<vmem>>
    %dma_wait3A_147 = tpu.memref_squeeze %dma_wait3A_146 : memref<1x128xi32, #tpu.memory_space<vmem>> -> memref<128xi32, #tpu.memory_space<vmem>>
    %dma_wait3A_148 = arith.constant 0 : i32
    %dma_wait3A_149 = arith.constant 0 : i32
    %dma_wait3A_150 = tpu.memref_slice %arg18[%dma_wait3A_148, %dma_wait3A_149] : memref<10240x64xbf16, #tpu.memory_space<vmem_shared>> -> memref<10240x64xbf16, #tpu.memory_space<vmem_shared>>
    tpu.wait_indirect_dma semaphore(%arg27 : memref<!tpu.dma_semaphore, #tpu.memory_space<semaphore_mem>>) src(%dma_wait3A_150 : memref<10240x64xbf16, #tpu.memory_space<vmem_shared>>) dst(%arg15 : memref<128x64xbf16, #tpu.memory_space<vmem>>)
    %run_scoped3A_151 = arith.constant 157 : i32
    "tpu.region"() ({
      %run_scoped3A_173 = tpu.sem_alloc : memref<!tpu.dma_semaphore, #tpu.memory_space<semaphore_mem>>
      %dma_start3A_174 = arith.constant 0 : i32
      %dma_start3A_175 = tpu.memref_slice %arg7[%run_scoped3A_151, %dma_start3A_174] : memref<160x128xi32, #tpu.memory_space<vmem>> -> memref<1x128xi32, #tpu.memory_space<vmem>>
      %dma_start3A_176 = tpu.memref_squeeze %dma_start3A_175 : memref<1x128xi32, #tpu.memory_space<vmem>> -> memref<128xi32, #tpu.memory_space<vmem>>
      %dma_start3A_177 = arith.constant 0 : i32
      %dma_start3A_178 = arith.constant 0 : i32
      %dma_start3A_179 = tpu.memref_slice %arg19[%dma_start3A_177, %dma_start3A_178] : memref<10240x64xbf16, #tpu.memory_space<vmem_shared>> -> memref<10240x64xbf16, #tpu.memory_space<vmem_shared>>
      tpu.enqueue_indirect_dma source(%arg15 : memref<128x64xbf16, #tpu.memory_space<vmem>>) target(%dma_start3A_179 : memref<10240x64xbf16, #tpu.memory_space<vmem_shared>>) offsets(%dma_start3A_176 : memref<128xi32, #tpu.memory_space<vmem>>) semaphore(%run_scoped3A_173 : memref<!tpu.dma_semaphore, #tpu.memory_space<semaphore_mem>>) {add = true}
      %dma_wait3A_180 = arith.constant 0 : i32
      %dma_wait3A_181 = tpu.memref_slice %arg7[%run_scoped3A_151, %dma_wait3A_180] : memref<160x128xi32, #tpu.memory_space<vmem>> -> memref<1x128xi32, #tpu.memory_space<vmem>>
      %dma_wait3A_182 = tpu.memref_squeeze %dma_wait3A_181 : memref<1x128xi32, #tpu.memory_space<vmem>> -> memref<128xi32, #tpu.memory_space<vmem>>
      %dma_wait3A_183 = arith.constant 0 : i32
      %dma_wait3A_184 = arith.constant 0 : i32
      %dma_wait3A_185 = tpu.memref_slice %arg19[%dma_wait3A_183, %dma_wait3A_184] : memref<10240x64xbf16, #tpu.memory_space<vmem_shared>> -> memref<10240x64xbf16, #tpu.memory_space<vmem_shared>>
      tpu.wait_indirect_dma semaphore(%run_scoped3A_173 : memref<!tpu.dma_semaphore, #tpu.memory_space<semaphore_mem>>) src(%arg15 : memref<128x64xbf16, #tpu.memory_space<vmem>>) dst(%dma_wait3A_185 : memref<10240x64xbf16, #tpu.memory_space<vmem_shared>>)
      tpu.yield
    }) : () -> ()
    %dma_wait3A_152 = arith.constant 158 : i32
    %dma_wait3A_153 = arith.constant 0 : i32
    %dma_wait3A_154 = tpu.memref_slice %arg6[%dma_wait3A_152, %dma_wait3A_153] : memref<160x128xi32, #tpu.memory_space<vmem>> -> memref<1x128xi32, #tpu.memory_space<vmem>>
    %dma_wait3A_155 = tpu.memref_squeeze %dma_wait3A_154 : memref<1x128xi32, #tpu.memory_space<vmem>> -> memref<128xi32, #tpu.memory_space<vmem>>
    %dma_wait3A_156 = arith.constant 0 : i32
    %dma_wait3A_157 = arith.constant 0 : i32
    %dma_wait3A_158 = tpu.memref_slice %arg18[%dma_wait3A_156, %dma_wait3A_157] : memref<10240x64xbf16, #tpu.memory_space<vmem_shared>> -> memref<10240x64xbf16, #tpu.memory_space<vmem_shared>>
    tpu.wait_indirect_dma semaphore(%arg28 : memref<!tpu.dma_semaphore, #tpu.memory_space<semaphore_mem>>) src(%dma_wait3A_158 : memref<10240x64xbf16, #tpu.memory_space<vmem_shared>>) dst(%arg16 : memref<128x64xbf16, #tpu.memory_space<vmem>>)
    %run_scoped3A_159 = arith.constant 158 : i32
    "tpu.region"() ({
      %run_scoped3A_173 = tpu.sem_alloc : memref<!tpu.dma_semaphore, #tpu.memory_space<semaphore_mem>>
      %dma_start3A_174 = arith.constant 0 : i32
      %dma_start3A_175 = tpu.memref_slice %arg7[%run_scoped3A_159, %dma_start3A_174] : memref<160x128xi32, #tpu.memory_space<vmem>> -> memref<1x128xi32, #tpu.memory_space<vmem>>
      %dma_start3A_176 = tpu.memref_squeeze %dma_start3A_175 : memref<1x128xi32, #tpu.memory_space<vmem>> -> memref<128xi32, #tpu.memory_space<vmem>>
      %dma_start3A_177 = arith.constant 0 : i32
      %dma_start3A_178 = arith.constant 0 : i32
      %dma_start3A_179 = tpu.memref_slice %arg19[%dma_start3A_177, %dma_start3A_178] : memref<10240x64xbf16, #tpu.memory_space<vmem_shared>> -> memref<10240x64xbf16, #tpu.memory_space<vmem_shared>>
      tpu.enqueue_indirect_dma source(%arg16 : memref<128x64xbf16, #tpu.memory_space<vmem>>) target(%dma_start3A_179 : memref<10240x64xbf16, #tpu.memory_space<vmem_shared>>) offsets(%dma_start3A_176 : memref<128xi32, #tpu.memory_space<vmem>>) semaphore(%run_scoped3A_173 : memref<!tpu.dma_semaphore, #tpu.memory_space<semaphore_mem>>) {add = true}
      %dma_wait3A_180 = arith.constant 0 : i32
      %dma_wait3A_181 = tpu.memref_slice %arg7[%run_scoped3A_159, %dma_wait3A_180] : memref<160x128xi32, #tpu.memory_space<vmem>> -> memref<1x128xi32, #tpu.memory_space<vmem>>
      %dma_wait3A_182 = tpu.memref_squeeze %dma_wait3A_181 : memref<1x128xi32, #tpu.memory_space<vmem>> -> memref<128xi32, #tpu.memory_space<vmem>>
      %dma_wait3A_183 = arith.constant 0 : i32
      %dma_wait3A_184 = arith.constant 0 : i32
      %dma_wait3A_185 = tpu.memref_slice %arg19[%dma_wait3A_183, %dma_wait3A_184] : memref<10240x64xbf16, #tpu.memory_space<vmem_shared>> -> memref<10240x64xbf16, #tpu.memory_space<vmem_shared>>
      tpu.wait_indirect_dma semaphore(%run_scoped3A_173 : memref<!tpu.dma_semaphore, #tpu.memory_space<semaphore_mem>>) src(%arg16 : memref<128x64xbf16, #tpu.memory_space<vmem>>) dst(%dma_wait3A_185 : memref<10240x64xbf16, #tpu.memory_space<vmem_shared>>)
      tpu.yield
    }) : () -> ()
    %dma_wait3A_160 = arith.constant 159 : i32
    %dma_wait3A_161 = arith.constant 0 : i32
    %dma_wait3A_162 = tpu.memref_slice %arg6[%dma_wait3A_160, %dma_wait3A_161] : memref<160x128xi32, #tpu.memory_space<vmem>> -> memref<1x128xi32, #tpu.memory_space<vmem>>
    %dma_wait3A_163 = tpu.memref_squeeze %dma_wait3A_162 : memref<1x128xi32, #tpu.memory_space<vmem>> -> memref<128xi32, #tpu.memory_space<vmem>>
    %dma_wait3A_164 = arith.constant 0 : i32
    %dma_wait3A_165 = arith.constant 0 : i32
    %dma_wait3A_166 = tpu.memref_slice %arg18[%dma_wait3A_164, %dma_wait3A_165] : memref<10240x64xbf16, #tpu.memory_space<vmem_shared>> -> memref<10240x64xbf16, #tpu.memory_space<vmem_shared>>
    tpu.wait_indirect_dma semaphore(%arg29 : memref<!tpu.dma_semaphore, #tpu.memory_space<semaphore_mem>>) src(%dma_wait3A_166 : memref<10240x64xbf16, #tpu.memory_space<vmem_shared>>) dst(%arg17 : memref<128x64xbf16, #tpu.memory_space<vmem>>)
    %run_scoped3A_167 = arith.constant 159 : i32
    "tpu.region"() ({
      %run_scoped3A_173 = tpu.sem_alloc : memref<!tpu.dma_semaphore, #tpu.memory_space<semaphore_mem>>
      %dma_start3A_174 = arith.constant 0 : i32
      %dma_start3A_175 = tpu.memref_slice %arg7[%run_scoped3A_167, %dma_start3A_174] : memref<160x128xi32, #tpu.memory_space<vmem>> -> memref<1x128xi32, #tpu.memory_space<vmem>>
      %dma_start3A_176 = tpu.memref_squeeze %dma_start3A_175 : memref<1x128xi32, #tpu.memory_space<vmem>> -> memref<128xi32, #tpu.memory_space<vmem>>
      %dma_start3A_177 = arith.constant 0 : i32
      %dma_start3A_178 = arith.constant 0 : i32
      %dma_start3A_179 = tpu.memref_slice %arg19[%dma_start3A_177, %dma_start3A_178] : memref<10240x64xbf16, #tpu.memory_space<vmem_shared>> -> memref<10240x64xbf16, #tpu.memory_space<vmem_shared>>
      tpu.enqueue_indirect_dma source(%arg17 : memref<128x64xbf16, #tpu.memory_space<vmem>>) target(%dma_start3A_179 : memref<10240x64xbf16, #tpu.memory_space<vmem_shared>>) offsets(%dma_start3A_176 : memref<128xi32, #tpu.memory_space<vmem>>) semaphore(%run_scoped3A_173 : memref<!tpu.dma_semaphore, #tpu.memory_space<semaphore_mem>>) {add = true}
      %dma_wait3A_180 = arith.constant 0 : i32
      %dma_wait3A_181 = tpu.memref_slice %arg7[%run_scoped3A_167, %dma_wait3A_180] : memref<160x128xi32, #tpu.memory_space<vmem>> -> memref<1x128xi32, #tpu.memory_space<vmem>>
      %dma_wait3A_182 = tpu.memref_squeeze %dma_wait3A_181 : memref<1x128xi32, #tpu.memory_space<vmem>> -> memref<128xi32, #tpu.memory_space<vmem>>
      %dma_wait3A_183 = arith.constant 0 : i32
      %dma_wait3A_184 = arith.constant 0 : i32
      %dma_wait3A_185 = tpu.memref_slice %arg19[%dma_wait3A_183, %dma_wait3A_184] : memref<10240x64xbf16, #tpu.memory_space<vmem_shared>> -> memref<10240x64xbf16, #tpu.memory_space<vmem_shared>>
      tpu.wait_indirect_dma semaphore(%run_scoped3A_173 : memref<!tpu.dma_semaphore, #tpu.memory_space<semaphore_mem>>) src(%arg17 : memref<128x64xbf16, #tpu.memory_space<vmem>>) dst(%dma_wait3A_185 : memref<10240x64xbf16, #tpu.memory_space<vmem_shared>>)
      tpu.yield
    }) : () -> ()
    %barrier3A_168 = arith.constant 0 : index
    tpu.barrier barrier_id(%barrier3A_168)
    %mul3A_169 = arith.constant 640 : i32
    %mul3A_170 = arith.muli %arg1, %mul3A_169 : i32
    %mul3A_171 = arith.constant 640 : i32
    %mul3A_172 = arith.muli %arg1, %mul3A_171 : i32
    "tpu.region"() ({
      %run_scoped3A_173 = tpu.sem_alloc : memref<!tpu.dma_semaphore, #tpu.memory_space<semaphore_mem>>
      %dma_start3A_174 = arith.constant 0 : i32
      %dma_start3A_175 = tpu.memref_slice %arg5[%arg0, %mul3A_172, %dma_start3A_174] : memref<2x10240x64xbf16, #tpu.memory_space<hbm>> -> memref<1x640x64xbf16, #tpu.memory_space<hbm>>
      %dma_start3A_176 = tpu.memref_squeeze %dma_start3A_175 : memref<1x640x64xbf16, #tpu.memory_space<hbm>> -> memref<640x64xbf16, #tpu.memory_space<hbm>>
      %dma_start3A_177 = arith.constant 0 : i32
      %dma_start3A_178 = tpu.memref_slice %arg19[%mul3A_170, %dma_start3A_177] : memref<10240x64xbf16, #tpu.memory_space<vmem_shared>> -> memref<640x64xbf16, #tpu.memory_space<vmem_shared>>
      tpu.enqueue_dma source(%dma_start3A_178 : memref<640x64xbf16, #tpu.memory_space<vmem_shared>>) target(%dma_start3A_176 : memref<640x64xbf16, #tpu.memory_space<hbm>>) target_semaphore(%run_scoped3A_173 : memref<!tpu.dma_semaphore, #tpu.memory_space<semaphore_mem>>)
      %dma_wait3A_179 = arith.constant 0 : i32
      %dma_wait3A_180 = tpu.memref_slice %arg5[%arg0, %mul3A_172, %dma_wait3A_179] : memref<2x10240x64xbf16, #tpu.memory_space<hbm>> -> memref<1x640x64xbf16, #tpu.memory_space<hbm>>
      %dma_wait3A_181 = tpu.memref_squeeze %dma_wait3A_180 : memref<1x640x64xbf16, #tpu.memory_space<hbm>> -> memref<640x64xbf16, #tpu.memory_space<hbm>>
      %dma_wait3A_182 = arith.constant 0 : i32
      %dma_wait3A_183 = tpu.memref_slice %arg19[%mul3A_170, %dma_wait3A_182] : memref<10240x64xbf16, #tpu.memory_space<vmem_shared>> -> memref<640x64xbf16, #tpu.memory_space<vmem_shared>>
      tpu.wait_dma2 semaphore(%run_scoped3A_173 : memref<!tpu.dma_semaphore, #tpu.memory_space<semaphore_mem>>) src(%dma_wait3A_183 : memref<640x64xbf16, #tpu.memory_space<vmem_shared>>) dst(%dma_wait3A_181 : memref<640x64xbf16, #tpu.memory_space<hbm>>)
      tpu.yield
    }) : () -> ()
    return
  }
}

#map = affine_map<(d0, d1) -> (0, 0, 0)>
module attributes {stable_mosaic.version = 14 : i64} {
  func.func @_agg(%arg0: i32, %arg1: i32, %arg2: memref<2x10240x64xbf16, #tpu.memory_space<hbm>>, %arg3: memref<16x160x128xi32, #tpu.memory_space<hbm>>, %arg4: memref<16x160x128xi32, #tpu.memory_space<hbm>>, %arg5: memref<2x10240x64xbf16, #tpu.memory_space<hbm>>, %arg6: memref<160x128xi32, #tpu.memory_space<vmem>>, %arg7: memref<160x128xi32, #tpu.memory_space<vmem>>, %arg8: memref<128x64xbf16, #tpu.memory_space<vmem>>, %arg9: memref<128x64xbf16, #tpu.memory_space<vmem>>, %arg10: memref<128x64xbf16, #tpu.memory_space<vmem>>, %arg11: memref<128x64xbf16, #tpu.memory_space<vmem>>, %arg12: memref<128x64xbf16, #tpu.memory_space<vmem>>, %arg13: memref<128x64xbf16, #tpu.memory_space<vmem>>, %arg14: memref<128x64xbf16, #tpu.memory_space<vmem>>, %arg15: memref<128x64xbf16, #tpu.memory_space<vmem>>, %arg16: memref<128x64xbf16, #tpu.memory_space<vmem>>, %arg17: memref<128x64xbf16, #tpu.memory_space<vmem>>, %arg18: memref<10240x64xbf16, #tpu.memory_space<vmem_shared>>, %arg19: memref<10240x64xbf16, #tpu.memory_space<vmem_shared>>, %arg20: memref<!tpu.dma_semaphore, #tpu.memory_space<semaphore_mem>>, %arg21: memref<!tpu.dma_semaphore, #tpu.memory_space<semaphore_mem>>, %arg22: memref<!tpu.dma_semaphore, #tpu.memory_space<semaphore_mem>>, %arg23: memref<!tpu.dma_semaphore, #tpu.memory_space<semaphore_mem>>, %arg24: memref<!tpu.dma_semaphore, #tpu.memory_space<semaphore_mem>>, %arg25: memref<!tpu.dma_semaphore, #tpu.memory_space<semaphore_mem>>, %arg26: memref<!tpu.dma_semaphore, #tpu.memory_space<semaphore_mem>>, %arg27: memref<!tpu.dma_semaphore, #tpu.memory_space<semaphore_mem>>, %arg28: memref<!tpu.dma_semaphore, #tpu.memory_space<semaphore_mem>>, %arg29: memref<!tpu.dma_semaphore, #tpu.memory_space<semaphore_mem>>) attributes {dimension_semantics = [#tpu.dimension_semantics<core_parallel>, #tpu.dimension_semantics<subcore_parallel>], iteration_bounds = array<i64: 2, 16>, scalar_prefetch = 0 : i64, scratch_operands = 24 : i64, tpu.core_type = #tpu.core_type<sc_vector_subcore>, window_params = [{transform_indices = #map}, {transform_indices = #map}, {transform_indices = #map}, {transform_indices = #map}]} {
    %mul3A = arith.constant 640 : i32
    %mul3A_0 = arith.muli %arg1, %mul3A : i32
    %mul3A_1 = arith.constant 640 : i32
    %mul3A_2 = arith.muli %arg1, %mul3A_1 : i32
    "tpu.region"() ({
      %run_scoped3A_173 = tpu.sem_alloc : memref<!tpu.dma_semaphore, #tpu.memory_space<semaphore_mem>>
      %dma_start3A_174 = arith.constant 0 : i32
      %dma_start3A_175 = tpu.memref_slice %arg18[%mul3A_2, %dma_start3A_174] : memref<10240x64xbf16, #tpu.memory_space<vmem_shared>> -> memref<640x64xbf16, #tpu.memory_space<vmem_shared>>
      %dma_start3A_176 = arith.constant 0 : i32
      %dma_start3A_177 = tpu.memref_slice %arg2[%arg0, %mul3A_0, %dma_start3A_176] : memref<2x10240x64xbf16, #tpu.memory_space<hbm>> -> memref<1x640x64xbf16, #tpu.memory_space<hbm>>
      %dma_start3A_178 = tpu.memref_squeeze %dma_start3A_177 : memref<1x640x64xbf16, #tpu.memory_space<hbm>> -> memref<640x64xbf16, #tpu.memory_space<hbm>>
      tpu.enqueue_dma source(%dma_start3A_178 : memref<640x64xbf16, #tpu.memory_space<hbm>>) target(%dma_start3A_175 : memref<640x64xbf16, #tpu.memory_space<vmem_shared>>) target_semaphore(%run_scoped3A_173 : memref<!tpu.dma_semaphore, #tpu.memory_space<semaphore_mem>>)
      %dma_wait3A_179 = arith.constant 0 : i32
      %dma_wait3A_180 = tpu.memref_slice %arg18[%mul3A_2, %dma_wait3A_179] : memref<10240x64xbf16, #tpu.memory_space<vmem_shared>> -> memref<640x64xbf16, #tpu.memory_space<vmem_shared>>
      %dma_wait3A_181 = arith.constant 0 : i32
      %dma_wait3A_182 = tpu.memref_slice %arg2[%arg0, %mul3A_0, %dma_wait3A_181] : memref<2x10240x64xbf16, #tpu.memory_space<hbm>> -> memref<1x640x64xbf16, #tpu.memory_space<hbm>>
      %dma_wait3A_183 = tpu.memref_squeeze %dma_wait3A_182 : memref<1x640x64xbf16, #tpu.memory_space<hbm>> -> memref<640x64xbf16, #tpu.memory_space<hbm>>
      tpu.wait_dma2 semaphore(%run_scoped3A_173 : memref<!tpu.dma_semaphore, #tpu.memory_space<semaphore_mem>>) src(%dma_wait3A_183 : memref<640x64xbf16, #tpu.memory_space<hbm>>) dst(%dma_wait3A_180 : memref<640x64xbf16, #tpu.memory_space<vmem_shared>>)
      tpu.yield
    }) : () -> ()
    %broadcast_in_dim3A = arith.constant 0.000000e+00 : bf16
    %broadcast_in_dim3A_3 = vector.broadcast %broadcast_in_dim3A : bf16 to vector<32xbf16>
    %scan3A = arith.constant 0 : i32
    %scan3A_4 = arith.constant 0 : i32
    %scan3A_5 = arith.constant 128 : i32
    %scan3A_6 = arith.addi %scan3A_4, %scan3A_5 : i32
    %scan3A_7 = arith.constant 1 : i32
    scf.for %scan3A_173 = %scan3A_4 to %scan3A_6 step %scan3A_7  : i32 {
      %swap3A = arith.index_cast %scan3A_173 : i32 to index
      %swap3A_174 = arith.constant 0 : index
      %swap3A_175 = tpu.vector_load %arg8[%swap3A, %swap3A_174] {strides = array<i32>} : memref<128x64xbf16, #tpu.memory_space<vmem>>, vector<1x32xbf16>,
      %swap3A_176 = vector.shape_cast %swap3A_175 : vector<1x32xbf16> to vector<32xbf16>
      %swap3A_177 = vector.shape_cast %broadcast_in_dim3A_3 : vector<32xbf16> to vector<1x32xbf16>
      tpu.vector_store %arg8[%swap3A, %swap3A_174], %swap3A_177 {strides = array<i32>} : memref<128x64xbf16, #tpu.memory_space<vmem>>, vector<1x32xbf16>,
      %swap3A_178 = arith.index_cast %scan3A_173 : i32 to index
      %swap3A_179 = arith.constant 32 : index
      %swap3A_180 = tpu.vector_load %arg8[%swap3A_178, %swap3A_179] {strides = array<i32>} : memref<128x64xbf16, #tpu.memory_space<vmem>>, vector<1x32xbf16>,
      %swap3A_181 = vector.shape_cast %swap3A_180 : vector<1x32xbf16> to vector<32xbf16>
      %swap3A_182 = vector.shape_cast %broadcast_in_dim3A_3 : vector<32xbf16> to vector<1x32xbf16>
      tpu.vector_store %arg8[%swap3A_178, %swap3A_179], %swap3A_182 {strides = array<i32>} : memref<128x64xbf16, #tpu.memory_space<vmem>>, vector<1x32xbf16>,
    }
    %scan3A_8 = arith.constant 128 : i32
    %scan3A_9 = arith.constant 0 : i32
    %scan3A_10 = arith.constant 0 : i32
    %scan3A_11 = arith.constant 5 : i32
    %scan3A_12 = arith.addi %scan3A_10, %scan3A_11 : i32
    %scan3A_13 = arith.constant 1 : i32
    scf.for %scan3A_173 = %scan3A_10 to %scan3A_12 step %scan3A_13  : i32 {
      %mul3A_174 = arith.constant 640 : i32
      %mul3A_175 = arith.muli %arg1, %mul3A_174 : i32
      %mul3A_176 = arith.constant 128 : i32
      %mul3A_177 = arith.muli %scan3A_173, %mul3A_176 : i32
      %add3A = arith.addi %mul3A_175, %mul3A_177 : i32
      "tpu.region"() ({
        %run_scoped3A_178 = tpu.sem_alloc : memref<!tpu.dma_semaphore, #tpu.memory_space<semaphore_mem>>
        %dma_start3A_179 = arith.constant 0 : i32
        %dma_start3A_180 = tpu.memref_slice %arg19[%add3A, %dma_start3A_179] : memref<10240x64xbf16, #tpu.memory_space<vmem_shared>> -> memref<128x64xbf16, #tpu.memory_space<vmem_shared>>
        %dma_start3A_181 = arith.constant 0 : i32
        %dma_start3A_182 = tpu.memref_slice %arg19[%add3A, %dma_start3A_181] : memref<10240x64xbf16, #tpu.memory_space<vmem_shared>> -> memref<128x64xbf16, #tpu.memory_space<vmem_shared>>
        tpu.enqueue_dma source(%arg8 : memref<128x64xbf16, #tpu.memory_space<vmem>>) target(%dma_start3A_182 : memref<128x64xbf16, #tpu.memory_space<vmem_shared>>) target_semaphore(%run_scoped3A_178 : memref<!tpu.dma_semaphore, #tpu.memory_space<semaphore_mem>>)
        %dma_wait3A_183 = arith.constant 0 : i32
        %dma_wait3A_184 = tpu.memref_slice %arg19[%add3A, %dma_wait3A_183] : memref<10240x64xbf16, #tpu.memory_space<vmem_shared>> -> memref<128x64xbf16, #tpu.memory_space<vmem_shared>>
        %dma_wait3A_185 = arith.constant 0 : i32
        %dma_wait3A_186 = tpu.memref_slice %arg19[%add3A, %dma_wait3A_185] : memref<10240x64xbf16, #tpu.memory_space<vmem_shared>> -> memref<128x64xbf16, #tpu.memory_space<vmem_shared>>
        tpu.wait_dma2 semaphore(%run_scoped3A_178 : memref<!tpu.dma_semaphore, #tpu.memory_space<semaphore_mem>>) src(%arg8 : memref<128x64xbf16, #tpu.memory_space<vmem>>) dst(%dma_wait3A_186 : memref<128x64xbf16, #tpu.memory_space<vmem_shared>>)
        tpu.yield
      }) : () -> ()
    }
    %scan3A_14 = arith.constant 5 : i32
    %barrier3A = arith.constant 0 : index
    tpu.barrier barrier_id(%barrier3A)
    "tpu.region"() ({
      %run_scoped3A_173 = tpu.sem_alloc : memref<!tpu.dma_semaphore, #tpu.memory_space<semaphore_mem>>
      %dma_start3A_174 = arith.constant 0 : i32
      %dma_start3A_175 = arith.constant 0 : i32
      %dma_start3A_176 = tpu.memref_slice %arg3[%arg1, %dma_start3A_174, %dma_start3A_175] : memref<16x160x128xi32, #tpu.memory_space<hbm>> -> memref<1x160x128xi32, #tpu.memory_space<hbm>>
      %dma_start3A_177 = tpu.memref_squeeze %dma_start3A_176 : memref<1x160x128xi32, #tpu.memory_space<hbm>> -> memref<160x128xi32, #tpu.memory_space<hbm>>
      %dma_start3A_178 = arith.constant 0 : i32
      %dma_start3A_179 = arith.constant 0 : i32
      %dma_start3A_180 = tpu.memref_slice %arg3[%arg1, %dma_start3A_178, %dma_start3A_179] : memref<16x160x128xi32, #tpu.memory_space<hbm>> -> memref<1x160x128xi32, #tpu.memory_space<hbm>>
      %dma_start3A_181 = tpu.memref_squeeze %dma_start3A_180 : memref<1x160x128xi32, #tpu.memory_space<hbm>> -> memref<160x128xi32, #tpu.memory_space<hbm>>
      tpu.enqueue_dma source(%dma_start3A_181 : memref<160x128xi32, #tpu.memory_space<hbm>>) target(%arg6 : memref<160x128xi32, #tpu.memory_space<vmem>>) target_semaphore(%run_scoped3A_173 : memref<!tpu.dma_semaphore, #tpu.memory_space<semaphore_mem>>)
      %dma_wait3A_182 = arith.constant 0 : i32
      %dma_wait3A_183 = arith.constant 0 : i32
      %dma_wait3A_184 = tpu.memref_slice %arg3[%arg1, %dma_wait3A_182, %dma_wait3A_183] : memref<16x160x128xi32, #tpu.memory_space<hbm>> -> memref<1x160x128xi32, #tpu.memory_space<hbm>>
      %dma_wait3A_185 = tpu.memref_squeeze %dma_wait3A_184 : memref<1x160x128xi32, #tpu.memory_space<hbm>> -> memref<160x128xi32, #tpu.memory_space<hbm>>
      %dma_wait3A_186 = arith.constant 0 : i32
      %dma_wait3A_187 = arith.constant 0 : i32
      %dma_wait3A_188 = tpu.memref_slice %arg3[%arg1, %dma_wait3A_186, %dma_wait3A_187] : memref<16x160x128xi32, #tpu.memory_space<hbm>> -> memref<1x160x128xi32, #tpu.memory_space<hbm>>
      %dma_wait3A_189 = tpu.memref_squeeze %dma_wait3A_188 : memref<1x160x128xi32, #tpu.memory_space<hbm>> -> memref<160x128xi32, #tpu.memory_space<hbm>>
      tpu.wait_dma2 semaphore(%run_scoped3A_173 : memref<!tpu.dma_semaphore, #tpu.memory_space<semaphore_mem>>) src(%dma_wait3A_189 : memref<160x128xi32, #tpu.memory_space<hbm>>) dst(%arg6 : memref<160x128xi32, #tpu.memory_space<vmem>>)
      tpu.yield
    }) : () -> ()
    "tpu.region"() ({
      %run_scoped3A_173 = tpu.sem_alloc : memref<!tpu.dma_semaphore, #tpu.memory_space<semaphore_mem>>
      %dma_start3A_174 = arith.constant 0 : i32
      %dma_start3A_175 = arith.constant 0 : i32
      %dma_start3A_176 = tpu.memref_slice %arg4[%arg1, %dma_start3A_174, %dma_start3A_175] : memref<16x160x128xi32, #tpu.memory_space<hbm>> -> memref<1x160x128xi32, #tpu.memory_space<hbm>>
      %dma_start3A_177 = tpu.memref_squeeze %dma_start3A_176 : memref<1x160x128xi32, #tpu.memory_space<hbm>> -> memref<160x128xi32, #tpu.memory_space<hbm>>
      %dma_start3A_178 = arith.constant 0 : i32
      %dma_start3A_179 = arith.constant 0 : i32
      %dma_start3A_180 = tpu.memref_slice %arg4[%arg1, %dma_start3A_178, %dma_start3A_179] : memref<16x160x128xi32, #tpu.memory_space<hbm>> -> memref<1x160x128xi32, #tpu.memory_space<hbm>>
      %dma_start3A_181 = tpu.memref_squeeze %dma_start3A_180 : memref<1x160x128xi32, #tpu.memory_space<hbm>> -> memref<160x128xi32, #tpu.memory_space<hbm>>
      tpu.enqueue_dma source(%dma_start3A_181 : memref<160x128xi32, #tpu.memory_space<hbm>>) target(%arg7 : memref<160x128xi32, #tpu.memory_space<vmem>>) target_semaphore(%run_scoped3A_173 : memref<!tpu.dma_semaphore, #tpu.memory_space<semaphore_mem>>)
      %dma_wait3A_182 = arith.constant 0 : i32
      %dma_wait3A_183 = arith.constant 0 : i32
      %dma_wait3A_184 = tpu.memref_slice %arg4[%arg1, %dma_wait3A_182, %dma_wait3A_183] : memref<16x160x128xi32, #tpu.memory_space<hbm>> -> memref<1x160x128xi32, #tpu.memory_space<hbm>>
      %dma_wait3A_185 = tpu.memref_squeeze %dma_wait3A_184 : memref<1x160x128xi32, #tpu.memory_space<hbm>> -> memref<160x128xi32, #tpu.memory_space<hbm>>
      %dma_wait3A_186 = arith.constant 0 : i32
      %dma_wait3A_187 = arith.constant 0 : i32
      %dma_wait3A_188 = tpu.memref_slice %arg4[%arg1, %dma_wait3A_186, %dma_wait3A_187] : memref<16x160x128xi32, #tpu.memory_space<hbm>> -> memref<1x160x128xi32, #tpu.memory_space<hbm>>
      %dma_wait3A_189 = tpu.memref_squeeze %dma_wait3A_188 : memref<1x160x128xi32, #tpu.memory_space<hbm>> -> memref<160x128xi32, #tpu.memory_space<hbm>>
      tpu.wait_dma2 semaphore(%run_scoped3A_173 : memref<!tpu.dma_semaphore, #tpu.memory_space<semaphore_mem>>) src(%dma_wait3A_189 : memref<160x128xi32, #tpu.memory_space<hbm>>) dst(%arg7 : memref<160x128xi32, #tpu.memory_space<vmem>>)
      tpu.yield
    }) : () -> ()
    %dma_start3A = arith.constant 0 : i32
    %dma_start3A_15 = arith.constant 0 : i32
    %dma_start3A_16 = tpu.memref_slice %arg6[%dma_start3A, %dma_start3A_15] : memref<160x128xi32, #tpu.memory_space<vmem>> -> memref<1x128xi32, #tpu.memory_space<vmem>>
    %dma_start3A_17 = tpu.memref_squeeze %dma_start3A_16 : memref<1x128xi32, #tpu.memory_space<vmem>> -> memref<128xi32, #tpu.memory_space<vmem>>
    %dma_start3A_18 = arith.constant 0 : i32
    %dma_start3A_19 = arith.constant 0 : i32
    %dma_start3A_20 = tpu.memref_slice %arg18[%dma_start3A_18, %dma_start3A_19] : memref<10240x64xbf16, #tpu.memory_space<vmem_shared>> -> memref<10240x64xbf16, #tpu.memory_space<vmem_shared>>
    tpu.enqueue_indirect_dma source(%dma_start3A_20 : memref<10240x64xbf16, #tpu.memory_space<vmem_shared>>) target(%arg8 : memref<128x64xbf16, #tpu.memory_space<vmem>>) offsets(%dma_start3A_17 : memref<128xi32, #tpu.memory_space<vmem>>) semaphore(%arg20 : memref<!tpu.dma_semaphore, #tpu.memory_space<semaphore_mem>>)
    %dma_start3A_21 = arith.constant 1 : i32
    %dma_start3A_22 = arith.constant 0 : i32
    %dma_start3A_23 = tpu.memref_slice %arg6[%dma_start3A_21, %dma_start3A_22] : memref<160x128xi32, #tpu.memory_space<vmem>> -> memref<1x128xi32, #tpu.memory_space<vmem>>
    %dma_start3A_24 = tpu.memref_squeeze %dma_start3A_23 : memref<1x128xi32, #tpu.memory_space<vmem>> -> memref<128xi32, #tpu.memory_space<vmem>>
    %dma_start3A_25 = arith.constant 0 : i32
    %dma_start3A_26 = arith.constant 0 : i32
    %dma_start3A_27 = tpu.memref_slice %arg18[%dma_start3A_25, %dma_start3A_26] : memref<10240x64xbf16, #tpu.memory_space<vmem_shared>> -> memref<10240x64xbf16, #tpu.memory_space<vmem_shared>>
    tpu.enqueue_indirect_dma source(%dma_start3A_27 : memref<10240x64xbf16, #tpu.memory_space<vmem_shared>>) target(%arg9 : memref<128x64xbf16, #tpu.memory_space<vmem>>) offsets(%dma_start3A_24 : memref<128xi32, #tpu.memory_space<vmem>>) semaphore(%arg21 : memref<!tpu.dma_semaphore, #tpu.memory_space<semaphore_mem>>)
    %dma_start3A_28 = arith.constant 2 : i32
    %dma_start3A_29 = arith.constant 0 : i32
    %dma_start3A_30 = tpu.memref_slice %arg6[%dma_start3A_28, %dma_start3A_29] : memref<160x128xi32, #tpu.memory_space<vmem>> -> memref<1x128xi32, #tpu.memory_space<vmem>>
    %dma_start3A_31 = tpu.memref_squeeze %dma_start3A_30 : memref<1x128xi32, #tpu.memory_space<vmem>> -> memref<128xi32, #tpu.memory_space<vmem>>
    %dma_start3A_32 = arith.constant 0 : i32
    %dma_start3A_33 = arith.constant 0 : i32
    %dma_start3A_34 = tpu.memref_slice %arg18[%dma_start3A_32, %dma_start3A_33] : memref<10240x64xbf16, #tpu.memory_space<vmem_shared>> -> memref<10240x64xbf16, #tpu.memory_space<vmem_shared>>
    tpu.enqueue_indirect_dma source(%dma_start3A_34 : memref<10240x64xbf16, #tpu.memory_space<vmem_shared>>) target(%arg10 : memref<128x64xbf16, #tpu.memory_space<vmem>>) offsets(%dma_start3A_31 : memref<128xi32, #tpu.memory_space<vmem>>) semaphore(%arg22 : memref<!tpu.dma_semaphore, #tpu.memory_space<semaphore_mem>>)
    %dma_start3A_35 = arith.constant 3 : i32
    %dma_start3A_36 = arith.constant 0 : i32
    %dma_start3A_37 = tpu.memref_slice %arg6[%dma_start3A_35, %dma_start3A_36] : memref<160x128xi32, #tpu.memory_space<vmem>> -> memref<1x128xi32, #tpu.memory_space<vmem>>
    %dma_start3A_38 = tpu.memref_squeeze %dma_start3A_37 : memref<1x128xi32, #tpu.memory_space<vmem>> -> memref<128xi32, #tpu.memory_space<vmem>>
    %dma_start3A_39 = arith.constant 0 : i32
    %dma_start3A_40 = arith.constant 0 : i32
    %dma_start3A_41 = tpu.memref_slice %arg18[%dma_start3A_39, %dma_start3A_40] : memref<10240x64xbf16, #tpu.memory_space<vmem_shared>> -> memref<10240x64xbf16, #tpu.memory_space<vmem_shared>>
    tpu.enqueue_indirect_dma source(%dma_start3A_41 : memref<10240x64xbf16, #tpu.memory_space<vmem_shared>>) target(%arg11 : memref<128x64xbf16, #tpu.memory_space<vmem>>) offsets(%dma_start3A_38 : memref<128xi32, #tpu.memory_space<vmem>>) semaphore(%arg23 : memref<!tpu.dma_semaphore, #tpu.memory_space<semaphore_mem>>)
    %dma_start3A_42 = arith.constant 4 : i32
    %dma_start3A_43 = arith.constant 0 : i32
    %dma_start3A_44 = tpu.memref_slice %arg6[%dma_start3A_42, %dma_start3A_43] : memref<160x128xi32, #tpu.memory_space<vmem>> -> memref<1x128xi32, #tpu.memory_space<vmem>>
    %dma_start3A_45 = tpu.memref_squeeze %dma_start3A_44 : memref<1x128xi32, #tpu.memory_space<vmem>> -> memref<128xi32, #tpu.memory_space<vmem>>
    %dma_start3A_46 = arith.constant 0 : i32
    %dma_start3A_47 = arith.constant 0 : i32
    %dma_start3A_48 = tpu.memref_slice %arg18[%dma_start3A_46, %dma_start3A_47] : memref<10240x64xbf16, #tpu.memory_space<vmem_shared>> -> memref<10240x64xbf16, #tpu.memory_space<vmem_shared>>
    tpu.enqueue_indirect_dma source(%dma_start3A_48 : memref<10240x64xbf16, #tpu.memory_space<vmem_shared>>) target(%arg12 : memref<128x64xbf16, #tpu.memory_space<vmem>>) offsets(%dma_start3A_45 : memref<128xi32, #tpu.memory_space<vmem>>) semaphore(%arg24 : memref<!tpu.dma_semaphore, #tpu.memory_space<semaphore_mem>>)
    %dma_start3A_49 = arith.constant 5 : i32
    %dma_start3A_50 = arith.constant 0 : i32
    %dma_start3A_51 = tpu.memref_slice %arg6[%dma_start3A_49, %dma_start3A_50] : memref<160x128xi32, #tpu.memory_space<vmem>> -> memref<1x128xi32, #tpu.memory_space<vmem>>
    %dma_start3A_52 = tpu.memref_squeeze %dma_start3A_51 : memref<1x128xi32, #tpu.memory_space<vmem>> -> memref<128xi32, #tpu.memory_space<vmem>>
    %dma_start3A_53 = arith.constant 0 : i32
    %dma_start3A_54 = arith.constant 0 : i32
    %dma_start3A_55 = tpu.memref_slice %arg18[%dma_start3A_53, %dma_start3A_54] : memref<10240x64xbf16, #tpu.memory_space<vmem_shared>> -> memref<10240x64xbf16, #tpu.memory_space<vmem_shared>>
    tpu.enqueue_indirect_dma source(%dma_start3A_55 : memref<10240x64xbf16, #tpu.memory_space<vmem_shared>>) target(%arg13 : memref<128x64xbf16, #tpu.memory_space<vmem>>) offsets(%dma_start3A_52 : memref<128xi32, #tpu.memory_space<vmem>>) semaphore(%arg25 : memref<!tpu.dma_semaphore, #tpu.memory_space<semaphore_mem>>)
    %dma_start3A_56 = arith.constant 6 : i32
    %dma_start3A_57 = arith.constant 0 : i32
    %dma_start3A_58 = tpu.memref_slice %arg6[%dma_start3A_56, %dma_start3A_57] : memref<160x128xi32, #tpu.memory_space<vmem>> -> memref<1x128xi32, #tpu.memory_space<vmem>>
    %dma_start3A_59 = tpu.memref_squeeze %dma_start3A_58 : memref<1x128xi32, #tpu.memory_space<vmem>> -> memref<128xi32, #tpu.memory_space<vmem>>
    %dma_start3A_60 = arith.constant 0 : i32
    %dma_start3A_61 = arith.constant 0 : i32
    %dma_start3A_62 = tpu.memref_slice %arg18[%dma_start3A_60, %dma_start3A_61] : memref<10240x64xbf16, #tpu.memory_space<vmem_shared>> -> memref<10240x64xbf16, #tpu.memory_space<vmem_shared>>
    tpu.enqueue_indirect_dma source(%dma_start3A_62 : memref<10240x64xbf16, #tpu.memory_space<vmem_shared>>) target(%arg14 : memref<128x64xbf16, #tpu.memory_space<vmem>>) offsets(%dma_start3A_59 : memref<128xi32, #tpu.memory_space<vmem>>) semaphore(%arg26 : memref<!tpu.dma_semaphore, #tpu.memory_space<semaphore_mem>>)
    %dma_start3A_63 = arith.constant 7 : i32
    %dma_start3A_64 = arith.constant 0 : i32
    %dma_start3A_65 = tpu.memref_slice %arg6[%dma_start3A_63, %dma_start3A_64] : memref<160x128xi32, #tpu.memory_space<vmem>> -> memref<1x128xi32, #tpu.memory_space<vmem>>
    %dma_start3A_66 = tpu.memref_squeeze %dma_start3A_65 : memref<1x128xi32, #tpu.memory_space<vmem>> -> memref<128xi32, #tpu.memory_space<vmem>>
    %dma_start3A_67 = arith.constant 0 : i32
    %dma_start3A_68 = arith.constant 0 : i32
    %dma_start3A_69 = tpu.memref_slice %arg18[%dma_start3A_67, %dma_start3A_68] : memref<10240x64xbf16, #tpu.memory_space<vmem_shared>> -> memref<10240x64xbf16, #tpu.memory_space<vmem_shared>>
    tpu.enqueue_indirect_dma source(%dma_start3A_69 : memref<10240x64xbf16, #tpu.memory_space<vmem_shared>>) target(%arg15 : memref<128x64xbf16, #tpu.memory_space<vmem>>) offsets(%dma_start3A_66 : memref<128xi32, #tpu.memory_space<vmem>>) semaphore(%arg27 : memref<!tpu.dma_semaphore, #tpu.memory_space<semaphore_mem>>)
    %dma_start3A_70 = arith.constant 8 : i32
    %dma_start3A_71 = arith.constant 0 : i32
    %dma_start3A_72 = tpu.memref_slice %arg6[%dma_start3A_70, %dma_start3A_71] : memref<160x128xi32, #tpu.memory_space<vmem>> -> memref<1x128xi32, #tpu.memory_space<vmem>>
    %dma_start3A_73 = tpu.memref_squeeze %dma_start3A_72 : memref<1x128xi32, #tpu.memory_space<vmem>> -> memref<128xi32, #tpu.memory_space<vmem>>
    %dma_start3A_74 = arith.constant 0 : i32
    %dma_start3A_75 = arith.constant 0 : i32
    %dma_start3A_76 = tpu.memref_slice %arg18[%dma_start3A_74, %dma_start3A_75] : memref<10240x64xbf16, #tpu.memory_space<vmem_shared>> -> memref<10240x64xbf16, #tpu.memory_space<vmem_shared>>
    tpu.enqueue_indirect_dma source(%dma_start3A_76 : memref<10240x64xbf16, #tpu.memory_space<vmem_shared>>) target(%arg16 : memref<128x64xbf16, #tpu.memory_space<vmem>>) offsets(%dma_start3A_73 : memref<128xi32, #tpu.memory_space<vmem>>) semaphore(%arg28 : memref<!tpu.dma_semaphore, #tpu.memory_space<semaphore_mem>>)
    %dma_start3A_77 = arith.constant 9 : i32
    %dma_start3A_78 = arith.constant 0 : i32
    %dma_start3A_79 = tpu.memref_slice %arg6[%dma_start3A_77, %dma_start3A_78] : memref<160x128xi32, #tpu.memory_space<vmem>> -> memref<1x128xi32, #tpu.memory_space<vmem>>
    %dma_start3A_80 = tpu.memref_squeeze %dma_start3A_79 : memref<1x128xi32, #tpu.memory_space<vmem>> -> memref<128xi32, #tpu.memory_space<vmem>>
    %dma_start3A_81 = arith.constant 0 : i32
    %dma_start3A_82 = arith.constant 0 : i32
    %dma_start3A_83 = tpu.memref_slice %arg18[%dma_start3A_81, %dma_start3A_82] : memref<10240x64xbf16, #tpu.memory_space<vmem_shared>> -> memref<10240x64xbf16, #tpu.memory_space<vmem_shared>>
    tpu.enqueue_indirect_dma source(%dma_start3A_83 : memref<10240x64xbf16, #tpu.memory_space<vmem_shared>>) target(%arg17 : memref<128x64xbf16, #tpu.memory_space<vmem>>) offsets(%dma_start3A_80 : memref<128xi32, #tpu.memory_space<vmem>>) semaphore(%arg29 : memref<!tpu.dma_semaphore, #tpu.memory_space<semaphore_mem>>)
    %scan3A_84 = arith.constant 0 : i32
    %scan3A_85 = arith.constant 0 : i32
    %scan3A_86 = arith.constant 15 : i32
    %scan3A_87 = arith.addi %scan3A_85, %scan3A_86 : i32
    %scan3A_88 = arith.constant 1 : i32
    scf.for %scan3A_173 = %scan3A_85 to %scan3A_87 step %scan3A_88  : i32 {
      %mul3A_174 = arith.constant 10 : i32
      %mul3A_175 = arith.muli %scan3A_173, %mul3A_174 : i32
      %add3A = arith.constant 0 : i32
      %add3A_176 = arith.addi %mul3A_175, %add3A : i32
      %dma_wait3A_177 = arith.constant 0 : i32
      %dma_wait3A_178 = tpu.memref_slice %arg6[%add3A_176, %dma_wait3A_177] : memref<160x128xi32, #tpu.memory_space<vmem>> -> memref<1x128xi32, #tpu.memory_space<vmem>>
      %dma_wait3A_179 = tpu.memref_squeeze %dma_wait3A_178 : memref<1x128xi32, #tpu.memory_space<vmem>> -> memref<128xi32, #tpu.memory_space<vmem>>
      %dma_wait3A_180 = arith.constant 0 : i32
      %dma_wait3A_181 = arith.constant 0 : i32
      %dma_wait3A_182 = tpu.memref_slice %arg18[%dma_wait3A_180, %dma_wait3A_181] : memref<10240x64xbf16, #tpu.memory_space<vmem_shared>> -> memref<10240x64xbf16, #tpu.memory_space<vmem_shared>>
      tpu.wait_indirect_dma semaphore(%arg20 : memref<!tpu.dma_semaphore, #tpu.memory_space<semaphore_mem>>) src(%dma_wait3A_182 : memref<10240x64xbf16, #tpu.memory_space<vmem_shared>>) dst(%arg8 : memref<128x64xbf16, #tpu.memory_space<vmem>>)
      "tpu.region"() ({
        %run_scoped3A_353 = tpu.sem_alloc : memref<!tpu.dma_semaphore, #tpu.memory_space<semaphore_mem>>
        %dma_start3A_354 = arith.constant 0 : i32
        %dma_start3A_355 = tpu.memref_slice %arg7[%add3A_176, %dma_start3A_354] : memref<160x128xi32, #tpu.memory_space<vmem>> -> memref<1x128xi32, #tpu.memory_space<vmem>>
        %dma_start3A_356 = tpu.memref_squeeze %dma_start3A_355 : memref<1x128xi32, #tpu.memory_space<vmem>> -> memref<128xi32, #tpu.memory_space<vmem>>
        %dma_start3A_357 = arith.constant 0 : i32
        %dma_start3A_358 = arith.constant 0 : i32
        %dma_start3A_359 = tpu.memref_slice %arg19[%dma_start3A_357, %dma_start3A_358] : memref<10240x64xbf16, #tpu.memory_space<vmem_shared>> -> memref<10240x64xbf16, #tpu.memory_space<vmem_shared>>
        tpu.enqueue_indirect_dma source(%arg8 : memref<128x64xbf16, #tpu.memory_space<vmem>>) target(%dma_start3A_359 : memref<10240x64xbf16, #tpu.memory_space<vmem_shared>>) offsets(%dma_start3A_356 : memref<128xi32, #tpu.memory_space<vmem>>) semaphore(%run_scoped3A_353 : memref<!tpu.dma_semaphore, #tpu.memory_space<semaphore_mem>>) {add = true}
        %dma_wait3A_360 = arith.constant 0 : i32
        %dma_wait3A_361 = tpu.memref_slice %arg7[%add3A_176, %dma_wait3A_360] : memref<160x128xi32, #tpu.memory_space<vmem>> -> memref<1x128xi32, #tpu.memory_space<vmem>>
        %dma_wait3A_362 = tpu.memref_squeeze %dma_wait3A_361 : memref<1x128xi32, #tpu.memory_space<vmem>> -> memref<128xi32, #tpu.memory_space<vmem>>
        %dma_wait3A_363 = arith.constant 0 : i32
        %dma_wait3A_364 = arith.constant 0 : i32
        %dma_wait3A_365 = tpu.memref_slice %arg19[%dma_wait3A_363, %dma_wait3A_364] : memref<10240x64xbf16, #tpu.memory_space<vmem_shared>> -> memref<10240x64xbf16, #tpu.memory_space<vmem_shared>>
        tpu.wait_indirect_dma semaphore(%run_scoped3A_353 : memref<!tpu.dma_semaphore, #tpu.memory_space<semaphore_mem>>) src(%arg8 : memref<128x64xbf16, #tpu.memory_space<vmem>>) dst(%dma_wait3A_365 : memref<10240x64xbf16, #tpu.memory_space<vmem_shared>>)
        tpu.yield
      }) : () -> ()
      %add3A_183 = arith.constant 10 : i32
      %add3A_184 = arith.addi %add3A_176, %add3A_183 : i32
      %dma_start3A_185 = arith.constant 0 : i32
      %dma_start3A_186 = tpu.memref_slice %arg6[%add3A_184, %dma_start3A_185] : memref<160x128xi32, #tpu.memory_space<vmem>> -> memref<1x128xi32, #tpu.memory_space<vmem>>
      %dma_start3A_187 = tpu.memref_squeeze %dma_start3A_186 : memref<1x128xi32, #tpu.memory_space<vmem>> -> memref<128xi32, #tpu.memory_space<vmem>>
      %dma_start3A_188 = arith.constant 0 : i32
      %dma_start3A_189 = arith.constant 0 : i32
      %dma_start3A_190 = tpu.memref_slice %arg18[%dma_start3A_188, %dma_start3A_189] : memref<10240x64xbf16, #tpu.memory_space<vmem_shared>> -> memref<10240x64xbf16, #tpu.memory_space<vmem_shared>>
      tpu.enqueue_indirect_dma source(%dma_start3A_190 : memref<10240x64xbf16, #tpu.memory_space<vmem_shared>>) target(%arg8 : memref<128x64xbf16, #tpu.memory_space<vmem>>) offsets(%dma_start3A_187 : memref<128xi32, #tpu.memory_space<vmem>>) semaphore(%arg20 : memref<!tpu.dma_semaphore, #tpu.memory_space<semaphore_mem>>)
      %mul3A_191 = arith.constant 10 : i32
      %mul3A_192 = arith.muli %scan3A_173, %mul3A_191 : i32
      %add3A_193 = arith.constant 1 : i32
      %add3A_194 = arith.addi %mul3A_192, %add3A_193 : i32
      %dma_wait3A_195 = arith.constant 0 : i32
      %dma_wait3A_196 = tpu.memref_slice %arg6[%add3A_194, %dma_wait3A_195] : memref<160x128xi32, #tpu.memory_space<vmem>> -> memref<1x128xi32, #tpu.memory_space<vmem>>
      %dma_wait3A_197 = tpu.memref_squeeze %dma_wait3A_196 : memref<1x128xi32, #tpu.memory_space<vmem>> -> memref<128xi32, #tpu.memory_space<vmem>>
      %dma_wait3A_198 = arith.constant 0 : i32
      %dma_wait3A_199 = arith.constant 0 : i32
      %dma_wait3A_200 = tpu.memref_slice %arg18[%dma_wait3A_198, %dma_wait3A_199] : memref<10240x64xbf16, #tpu.memory_space<vmem_shared>> -> memref<10240x64xbf16, #tpu.memory_space<vmem_shared>>
      tpu.wait_indirect_dma semaphore(%arg21 : memref<!tpu.dma_semaphore, #tpu.memory_space<semaphore_mem>>) src(%dma_wait3A_200 : memref<10240x64xbf16, #tpu.memory_space<vmem_shared>>) dst(%arg9 : memref<128x64xbf16, #tpu.memory_space<vmem>>)
      "tpu.region"() ({
        %run_scoped3A_353 = tpu.sem_alloc : memref<!tpu.dma_semaphore, #tpu.memory_space<semaphore_mem>>
        %dma_start3A_354 = arith.constant 0 : i32
        %dma_start3A_355 = tpu.memref_slice %arg7[%add3A_194, %dma_start3A_354] : memref<160x128xi32, #tpu.memory_space<vmem>> -> memref<1x128xi32, #tpu.memory_space<vmem>>
        %dma_start3A_356 = tpu.memref_squeeze %dma_start3A_355 : memref<1x128xi32, #tpu.memory_space<vmem>> -> memref<128xi32, #tpu.memory_space<vmem>>
        %dma_start3A_357 = arith.constant 0 : i32
        %dma_start3A_358 = arith.constant 0 : i32
        %dma_start3A_359 = tpu.memref_slice %arg19[%dma_start3A_357, %dma_start3A_358] : memref<10240x64xbf16, #tpu.memory_space<vmem_shared>> -> memref<10240x64xbf16, #tpu.memory_space<vmem_shared>>
        tpu.enqueue_indirect_dma source(%arg9 : memref<128x64xbf16, #tpu.memory_space<vmem>>) target(%dma_start3A_359 : memref<10240x64xbf16, #tpu.memory_space<vmem_shared>>) offsets(%dma_start3A_356 : memref<128xi32, #tpu.memory_space<vmem>>) semaphore(%run_scoped3A_353 : memref<!tpu.dma_semaphore, #tpu.memory_space<semaphore_mem>>) {add = true}
        %dma_wait3A_360 = arith.constant 0 : i32
        %dma_wait3A_361 = tpu.memref_slice %arg7[%add3A_194, %dma_wait3A_360] : memref<160x128xi32, #tpu.memory_space<vmem>> -> memref<1x128xi32, #tpu.memory_space<vmem>>
        %dma_wait3A_362 = tpu.memref_squeeze %dma_wait3A_361 : memref<1x128xi32, #tpu.memory_space<vmem>> -> memref<128xi32, #tpu.memory_space<vmem>>
        %dma_wait3A_363 = arith.constant 0 : i32
        %dma_wait3A_364 = arith.constant 0 : i32
        %dma_wait3A_365 = tpu.memref_slice %arg19[%dma_wait3A_363, %dma_wait3A_364] : memref<10240x64xbf16, #tpu.memory_space<vmem_shared>> -> memref<10240x64xbf16, #tpu.memory_space<vmem_shared>>
        tpu.wait_indirect_dma semaphore(%run_scoped3A_353 : memref<!tpu.dma_semaphore, #tpu.memory_space<semaphore_mem>>) src(%arg9 : memref<128x64xbf16, #tpu.memory_space<vmem>>) dst(%dma_wait3A_365 : memref<10240x64xbf16, #tpu.memory_space<vmem_shared>>)
        tpu.yield
      }) : () -> ()
      %add3A_201 = arith.constant 10 : i32
      %add3A_202 = arith.addi %add3A_194, %add3A_201 : i32
      %dma_start3A_203 = arith.constant 0 : i32
      %dma_start3A_204 = tpu.memref_slice %arg6[%add3A_202, %dma_start3A_203] : memref<160x128xi32, #tpu.memory_space<vmem>> -> memref<1x128xi32, #tpu.memory_space<vmem>>
      %dma_start3A_205 = tpu.memref_squeeze %dma_start3A_204 : memref<1x128xi32, #tpu.memory_space<vmem>> -> memref<128xi32, #tpu.memory_space<vmem>>
      %dma_start3A_206 = arith.constant 0 : i32
      %dma_start3A_207 = arith.constant 0 : i32
      %dma_start3A_208 = tpu.memref_slice %arg18[%dma_start3A_206, %dma_start3A_207] : memref<10240x64xbf16, #tpu.memory_space<vmem_shared>> -> memref<10240x64xbf16, #tpu.memory_space<vmem_shared>>
      tpu.enqueue_indirect_dma source(%dma_start3A_208 : memref<10240x64xbf16, #tpu.memory_space<vmem_shared>>) target(%arg9 : memref<128x64xbf16, #tpu.memory_space<vmem>>) offsets(%dma_start3A_205 : memref<128xi32, #tpu.memory_space<vmem>>) semaphore(%arg21 : memref<!tpu.dma_semaphore, #tpu.memory_space<semaphore_mem>>)
      %mul3A_209 = arith.constant 10 : i32
      %mul3A_210 = arith.muli %scan3A_173, %mul3A_209 : i32
      %add3A_211 = arith.constant 2 : i32
      %add3A_212 = arith.addi %mul3A_210, %add3A_211 : i32
      %dma_wait3A_213 = arith.constant 0 : i32
      %dma_wait3A_214 = tpu.memref_slice %arg6[%add3A_212, %dma_wait3A_213] : memref<160x128xi32, #tpu.memory_space<vmem>> -> memref<1x128xi32, #tpu.memory_space<vmem>>
      %dma_wait3A_215 = tpu.memref_squeeze %dma_wait3A_214 : memref<1x128xi32, #tpu.memory_space<vmem>> -> memref<128xi32, #tpu.memory_space<vmem>>
      %dma_wait3A_216 = arith.constant 0 : i32
      %dma_wait3A_217 = arith.constant 0 : i32
      %dma_wait3A_218 = tpu.memref_slice %arg18[%dma_wait3A_216, %dma_wait3A_217] : memref<10240x64xbf16, #tpu.memory_space<vmem_shared>> -> memref<10240x64xbf16, #tpu.memory_space<vmem_shared>>
      tpu.wait_indirect_dma semaphore(%arg22 : memref<!tpu.dma_semaphore, #tpu.memory_space<semaphore_mem>>) src(%dma_wait3A_218 : memref<10240x64xbf16, #tpu.memory_space<vmem_shared>>) dst(%arg10 : memref<128x64xbf16, #tpu.memory_space<vmem>>)
      "tpu.region"() ({
        %run_scoped3A_353 = tpu.sem_alloc : memref<!tpu.dma_semaphore, #tpu.memory_space<semaphore_mem>>
        %dma_start3A_354 = arith.constant 0 : i32
        %dma_start3A_355 = tpu.memref_slice %arg7[%add3A_212, %dma_start3A_354] : memref<160x128xi32, #tpu.memory_space<vmem>> -> memref<1x128xi32, #tpu.memory_space<vmem>>
        %dma_start3A_356 = tpu.memref_squeeze %dma_start3A_355 : memref<1x128xi32, #tpu.memory_space<vmem>> -> memref<128xi32, #tpu.memory_space<vmem>>
        %dma_start3A_357 = arith.constant 0 : i32
        %dma_start3A_358 = arith.constant 0 : i32
        %dma_start3A_359 = tpu.memref_slice %arg19[%dma_start3A_357, %dma_start3A_358] : memref<10240x64xbf16, #tpu.memory_space<vmem_shared>> -> memref<10240x64xbf16, #tpu.memory_space<vmem_shared>>
        tpu.enqueue_indirect_dma source(%arg10 : memref<128x64xbf16, #tpu.memory_space<vmem>>) target(%dma_start3A_359 : memref<10240x64xbf16, #tpu.memory_space<vmem_shared>>) offsets(%dma_start3A_356 : memref<128xi32, #tpu.memory_space<vmem>>) semaphore(%run_scoped3A_353 : memref<!tpu.dma_semaphore, #tpu.memory_space<semaphore_mem>>) {add = true}
        %dma_wait3A_360 = arith.constant 0 : i32
        %dma_wait3A_361 = tpu.memref_slice %arg7[%add3A_212, %dma_wait3A_360] : memref<160x128xi32, #tpu.memory_space<vmem>> -> memref<1x128xi32, #tpu.memory_space<vmem>>
        %dma_wait3A_362 = tpu.memref_squeeze %dma_wait3A_361 : memref<1x128xi32, #tpu.memory_space<vmem>> -> memref<128xi32, #tpu.memory_space<vmem>>
        %dma_wait3A_363 = arith.constant 0 : i32
        %dma_wait3A_364 = arith.constant 0 : i32
        %dma_wait3A_365 = tpu.memref_slice %arg19[%dma_wait3A_363, %dma_wait3A_364] : memref<10240x64xbf16, #tpu.memory_space<vmem_shared>> -> memref<10240x64xbf16, #tpu.memory_space<vmem_shared>>
        tpu.wait_indirect_dma semaphore(%run_scoped3A_353 : memref<!tpu.dma_semaphore, #tpu.memory_space<semaphore_mem>>) src(%arg10 : memref<128x64xbf16, #tpu.memory_space<vmem>>) dst(%dma_wait3A_365 : memref<10240x64xbf16, #tpu.memory_space<vmem_shared>>)
        tpu.yield
      }) : () -> ()
      %add3A_219 = arith.constant 10 : i32
      %add3A_220 = arith.addi %add3A_212, %add3A_219 : i32
      %dma_start3A_221 = arith.constant 0 : i32
      %dma_start3A_222 = tpu.memref_slice %arg6[%add3A_220, %dma_start3A_221] : memref<160x128xi32, #tpu.memory_space<vmem>> -> memref<1x128xi32, #tpu.memory_space<vmem>>
      %dma_start3A_223 = tpu.memref_squeeze %dma_start3A_222 : memref<1x128xi32, #tpu.memory_space<vmem>> -> memref<128xi32, #tpu.memory_space<vmem>>
      %dma_start3A_224 = arith.constant 0 : i32
      %dma_start3A_225 = arith.constant 0 : i32
      %dma_start3A_226 = tpu.memref_slice %arg18[%dma_start3A_224, %dma_start3A_225] : memref<10240x64xbf16, #tpu.memory_space<vmem_shared>> -> memref<10240x64xbf16, #tpu.memory_space<vmem_shared>>
      tpu.enqueue_indirect_dma source(%dma_start3A_226 : memref<10240x64xbf16, #tpu.memory_space<vmem_shared>>) target(%arg10 : memref<128x64xbf16, #tpu.memory_space<vmem>>) offsets(%dma_start3A_223 : memref<128xi32, #tpu.memory_space<vmem>>) semaphore(%arg22 : memref<!tpu.dma_semaphore, #tpu.memory_space<semaphore_mem>>)
      %mul3A_227 = arith.constant 10 : i32
      %mul3A_228 = arith.muli %scan3A_173, %mul3A_227 : i32
      %add3A_229 = arith.constant 3 : i32
      %add3A_230 = arith.addi %mul3A_228, %add3A_229 : i32
      %dma_wait3A_231 = arith.constant 0 : i32
      %dma_wait3A_232 = tpu.memref_slice %arg6[%add3A_230, %dma_wait3A_231] : memref<160x128xi32, #tpu.memory_space<vmem>> -> memref<1x128xi32, #tpu.memory_space<vmem>>
      %dma_wait3A_233 = tpu.memref_squeeze %dma_wait3A_232 : memref<1x128xi32, #tpu.memory_space<vmem>> -> memref<128xi32, #tpu.memory_space<vmem>>
      %dma_wait3A_234 = arith.constant 0 : i32
      %dma_wait3A_235 = arith.constant 0 : i32
      %dma_wait3A_236 = tpu.memref_slice %arg18[%dma_wait3A_234, %dma_wait3A_235] : memref<10240x64xbf16, #tpu.memory_space<vmem_shared>> -> memref<10240x64xbf16, #tpu.memory_space<vmem_shared>>
      tpu.wait_indirect_dma semaphore(%arg23 : memref<!tpu.dma_semaphore, #tpu.memory_space<semaphore_mem>>) src(%dma_wait3A_236 : memref<10240x64xbf16, #tpu.memory_space<vmem_shared>>) dst(%arg11 : memref<128x64xbf16, #tpu.memory_space<vmem>>)
      "tpu.region"() ({
        %run_scoped3A_353 = tpu.sem_alloc : memref<!tpu.dma_semaphore, #tpu.memory_space<semaphore_mem>>
        %dma_start3A_354 = arith.constant 0 : i32
        %dma_start3A_355 = tpu.memref_slice %arg7[%add3A_230, %dma_start3A_354] : memref<160x128xi32, #tpu.memory_space<vmem>> -> memref<1x128xi32, #tpu.memory_space<vmem>>
        %dma_start3A_356 = tpu.memref_squeeze %dma_start3A_355 : memref<1x128xi32, #tpu.memory_space<vmem>> -> memref<128xi32, #tpu.memory_space<vmem>>
        %dma_start3A_357 = arith.constant 0 : i32
        %dma_start3A_358 = arith.constant 0 : i32
        %dma_start3A_359 = tpu.memref_slice %arg19[%dma_start3A_357, %dma_start3A_358] : memref<10240x64xbf16, #tpu.memory_space<vmem_shared>> -> memref<10240x64xbf16, #tpu.memory_space<vmem_shared>>
        tpu.enqueue_indirect_dma source(%arg11 : memref<128x64xbf16, #tpu.memory_space<vmem>>) target(%dma_start3A_359 : memref<10240x64xbf16, #tpu.memory_space<vmem_shared>>) offsets(%dma_start3A_356 : memref<128xi32, #tpu.memory_space<vmem>>) semaphore(%run_scoped3A_353 : memref<!tpu.dma_semaphore, #tpu.memory_space<semaphore_mem>>) {add = true}
        %dma_wait3A_360 = arith.constant 0 : i32
        %dma_wait3A_361 = tpu.memref_slice %arg7[%add3A_230, %dma_wait3A_360] : memref<160x128xi32, #tpu.memory_space<vmem>> -> memref<1x128xi32, #tpu.memory_space<vmem>>
        %dma_wait3A_362 = tpu.memref_squeeze %dma_wait3A_361 : memref<1x128xi32, #tpu.memory_space<vmem>> -> memref<128xi32, #tpu.memory_space<vmem>>
        %dma_wait3A_363 = arith.constant 0 : i32
        %dma_wait3A_364 = arith.constant 0 : i32
        %dma_wait3A_365 = tpu.memref_slice %arg19[%dma_wait3A_363, %dma_wait3A_364] : memref<10240x64xbf16, #tpu.memory_space<vmem_shared>> -> memref<10240x64xbf16, #tpu.memory_space<vmem_shared>>
        tpu.wait_indirect_dma semaphore(%run_scoped3A_353 : memref<!tpu.dma_semaphore, #tpu.memory_space<semaphore_mem>>) src(%arg11 : memref<128x64xbf16, #tpu.memory_space<vmem>>) dst(%dma_wait3A_365 : memref<10240x64xbf16, #tpu.memory_space<vmem_shared>>)
        tpu.yield
      }) : () -> ()
      %add3A_237 = arith.constant 10 : i32
      %add3A_238 = arith.addi %add3A_230, %add3A_237 : i32
      %dma_start3A_239 = arith.constant 0 : i32
      %dma_start3A_240 = tpu.memref_slice %arg6[%add3A_238, %dma_start3A_239] : memref<160x128xi32, #tpu.memory_space<vmem>> -> memref<1x128xi32, #tpu.memory_space<vmem>>
      %dma_start3A_241 = tpu.memref_squeeze %dma_start3A_240 : memref<1x128xi32, #tpu.memory_space<vmem>> -> memref<128xi32, #tpu.memory_space<vmem>>
      %dma_start3A_242 = arith.constant 0 : i32
      %dma_start3A_243 = arith.constant 0 : i32
      %dma_start3A_244 = tpu.memref_slice %arg18[%dma_start3A_242, %dma_start3A_243] : memref<10240x64xbf16, #tpu.memory_space<vmem_shared>> -> memref<10240x64xbf16, #tpu.memory_space<vmem_shared>>
      tpu.enqueue_indirect_dma source(%dma_start3A_244 : memref<10240x64xbf16, #tpu.memory_space<vmem_shared>>) target(%arg11 : memref<128x64xbf16, #tpu.memory_space<vmem>>) offsets(%dma_start3A_241 : memref<128xi32, #tpu.memory_space<vmem>>) semaphore(%arg23 : memref<!tpu.dma_semaphore, #tpu.memory_space<semaphore_mem>>)
      %mul3A_245 = arith.constant 10 : i32
      %mul3A_246 = arith.muli %scan3A_173, %mul3A_245 : i32
      %add3A_247 = arith.constant 4 : i32
      %add3A_248 = arith.addi %mul3A_246, %add3A_247 : i32
      %dma_wait3A_249 = arith.constant 0 : i32
      %dma_wait3A_250 = tpu.memref_slice %arg6[%add3A_248, %dma_wait3A_249] : memref<160x128xi32, #tpu.memory_space<vmem>> -> memref<1x128xi32, #tpu.memory_space<vmem>>
      %dma_wait3A_251 = tpu.memref_squeeze %dma_wait3A_250 : memref<1x128xi32, #tpu.memory_space<vmem>> -> memref<128xi32, #tpu.memory_space<vmem>>
      %dma_wait3A_252 = arith.constant 0 : i32
      %dma_wait3A_253 = arith.constant 0 : i32
      %dma_wait3A_254 = tpu.memref_slice %arg18[%dma_wait3A_252, %dma_wait3A_253] : memref<10240x64xbf16, #tpu.memory_space<vmem_shared>> -> memref<10240x64xbf16, #tpu.memory_space<vmem_shared>>
      tpu.wait_indirect_dma semaphore(%arg24 : memref<!tpu.dma_semaphore, #tpu.memory_space<semaphore_mem>>) src(%dma_wait3A_254 : memref<10240x64xbf16, #tpu.memory_space<vmem_shared>>) dst(%arg12 : memref<128x64xbf16, #tpu.memory_space<vmem>>)
      "tpu.region"() ({
        %run_scoped3A_353 = tpu.sem_alloc : memref<!tpu.dma_semaphore, #tpu.memory_space<semaphore_mem>>
        %dma_start3A_354 = arith.constant 0 : i32
        %dma_start3A_355 = tpu.memref_slice %arg7[%add3A_248, %dma_start3A_354] : memref<160x128xi32, #tpu.memory_space<vmem>> -> memref<1x128xi32, #tpu.memory_space<vmem>>
        %dma_start3A_356 = tpu.memref_squeeze %dma_start3A_355 : memref<1x128xi32, #tpu.memory_space<vmem>> -> memref<128xi32, #tpu.memory_space<vmem>>
        %dma_start3A_357 = arith.constant 0 : i32
        %dma_start3A_358 = arith.constant 0 : i32
        %dma_start3A_359 = tpu.memref_slice %arg19[%dma_start3A_357, %dma_start3A_358] : memref<10240x64xbf16, #tpu.memory_space<vmem_shared>> -> memref<10240x64xbf16, #tpu.memory_space<vmem_shared>>
        tpu.enqueue_indirect_dma source(%arg12 : memref<128x64xbf16, #tpu.memory_space<vmem>>) target(%dma_start3A_359 : memref<10240x64xbf16, #tpu.memory_space<vmem_shared>>) offsets(%dma_start3A_356 : memref<128xi32, #tpu.memory_space<vmem>>) semaphore(%run_scoped3A_353 : memref<!tpu.dma_semaphore, #tpu.memory_space<semaphore_mem>>) {add = true}
        %dma_wait3A_360 = arith.constant 0 : i32
        %dma_wait3A_361 = tpu.memref_slice %arg7[%add3A_248, %dma_wait3A_360] : memref<160x128xi32, #tpu.memory_space<vmem>> -> memref<1x128xi32, #tpu.memory_space<vmem>>
        %dma_wait3A_362 = tpu.memref_squeeze %dma_wait3A_361 : memref<1x128xi32, #tpu.memory_space<vmem>> -> memref<128xi32, #tpu.memory_space<vmem>>
        %dma_wait3A_363 = arith.constant 0 : i32
        %dma_wait3A_364 = arith.constant 0 : i32
        %dma_wait3A_365 = tpu.memref_slice %arg19[%dma_wait3A_363, %dma_wait3A_364] : memref<10240x64xbf16, #tpu.memory_space<vmem_shared>> -> memref<10240x64xbf16, #tpu.memory_space<vmem_shared>>
        tpu.wait_indirect_dma semaphore(%run_scoped3A_353 : memref<!tpu.dma_semaphore, #tpu.memory_space<semaphore_mem>>) src(%arg12 : memref<128x64xbf16, #tpu.memory_space<vmem>>) dst(%dma_wait3A_365 : memref<10240x64xbf16, #tpu.memory_space<vmem_shared>>)
        tpu.yield
      }) : () -> ()
      %add3A_255 = arith.constant 10 : i32
      %add3A_256 = arith.addi %add3A_248, %add3A_255 : i32
      %dma_start3A_257 = arith.constant 0 : i32
      %dma_start3A_258 = tpu.memref_slice %arg6[%add3A_256, %dma_start3A_257] : memref<160x128xi32, #tpu.memory_space<vmem>> -> memref<1x128xi32, #tpu.memory_space<vmem>>
      %dma_start3A_259 = tpu.memref_squeeze %dma_start3A_258 : memref<1x128xi32, #tpu.memory_space<vmem>> -> memref<128xi32, #tpu.memory_space<vmem>>
      %dma_start3A_260 = arith.constant 0 : i32
      %dma_start3A_261 = arith.constant 0 : i32
      %dma_start3A_262 = tpu.memref_slice %arg18[%dma_start3A_260, %dma_start3A_261] : memref<10240x64xbf16, #tpu.memory_space<vmem_shared>> -> memref<10240x64xbf16, #tpu.memory_space<vmem_shared>>
      tpu.enqueue_indirect_dma source(%dma_start3A_262 : memref<10240x64xbf16, #tpu.memory_space<vmem_shared>>) target(%arg12 : memref<128x64xbf16, #tpu.memory_space<vmem>>) offsets(%dma_start3A_259 : memref<128xi32, #tpu.memory_space<vmem>>) semaphore(%arg24 : memref<!tpu.dma_semaphore, #tpu.memory_space<semaphore_mem>>)
      %mul3A_263 = arith.constant 10 : i32
      %mul3A_264 = arith.muli %scan3A_173, %mul3A_263 : i32
      %add3A_265 = arith.constant 5 : i32
      %add3A_266 = arith.addi %mul3A_264, %add3A_265 : i32
      %dma_wait3A_267 = arith.constant 0 : i32
      %dma_wait3A_268 = tpu.memref_slice %arg6[%add3A_266, %dma_wait3A_267] : memref<160x128xi32, #tpu.memory_space<vmem>> -> memref<1x128xi32, #tpu.memory_space<vmem>>
      %dma_wait3A_269 = tpu.memref_squeeze %dma_wait3A_268 : memref<1x128xi32, #tpu.memory_space<vmem>> -> memref<128xi32, #tpu.memory_space<vmem>>
      %dma_wait3A_270 = arith.constant 0 : i32
      %dma_wait3A_271 = arith.constant 0 : i32
      %dma_wait3A_272 = tpu.memref_slice %arg18[%dma_wait3A_270, %dma_wait3A_271] : memref<10240x64xbf16, #tpu.memory_space<vmem_shared>> -> memref<10240x64xbf16, #tpu.memory_space<vmem_shared>>
      tpu.wait_indirect_dma semaphore(%arg25 : memref<!tpu.dma_semaphore, #tpu.memory_space<semaphore_mem>>) src(%dma_wait3A_272 : memref<10240x64xbf16, #tpu.memory_space<vmem_shared>>) dst(%arg13 : memref<128x64xbf16, #tpu.memory_space<vmem>>)
      "tpu.region"() ({
        %run_scoped3A_353 = tpu.sem_alloc : memref<!tpu.dma_semaphore, #tpu.memory_space<semaphore_mem>>
        %dma_start3A_354 = arith.constant 0 : i32
        %dma_start3A_355 = tpu.memref_slice %arg7[%add3A_266, %dma_start3A_354] : memref<160x128xi32, #tpu.memory_space<vmem>> -> memref<1x128xi32, #tpu.memory_space<vmem>>
        %dma_start3A_356 = tpu.memref_squeeze %dma_start3A_355 : memref<1x128xi32, #tpu.memory_space<vmem>> -> memref<128xi32, #tpu.memory_space<vmem>>
        %dma_start3A_357 = arith.constant 0 : i32
        %dma_start3A_358 = arith.constant 0 : i32
        %dma_start3A_359 = tpu.memref_slice %arg19[%dma_start3A_357, %dma_start3A_358] : memref<10240x64xbf16, #tpu.memory_space<vmem_shared>> -> memref<10240x64xbf16, #tpu.memory_space<vmem_shared>>
        tpu.enqueue_indirect_dma source(%arg13 : memref<128x64xbf16, #tpu.memory_space<vmem>>) target(%dma_start3A_359 : memref<10240x64xbf16, #tpu.memory_space<vmem_shared>>) offsets(%dma_start3A_356 : memref<128xi32, #tpu.memory_space<vmem>>) semaphore(%run_scoped3A_353 : memref<!tpu.dma_semaphore, #tpu.memory_space<semaphore_mem>>) {add = true}
        %dma_wait3A_360 = arith.constant 0 : i32
        %dma_wait3A_361 = tpu.memref_slice %arg7[%add3A_266, %dma_wait3A_360] : memref<160x128xi32, #tpu.memory_space<vmem>> -> memref<1x128xi32, #tpu.memory_space<vmem>>
        %dma_wait3A_362 = tpu.memref_squeeze %dma_wait3A_361 : memref<1x128xi32, #tpu.memory_space<vmem>> -> memref<128xi32, #tpu.memory_space<vmem>>
        %dma_wait3A_363 = arith.constant 0 : i32
        %dma_wait3A_364 = arith.constant 0 : i32
        %dma_wait3A_365 = tpu.memref_slice %arg19[%dma_wait3A_363, %dma_wait3A_364] : memref<10240x64xbf16, #tpu.memory_space<vmem_shared>> -> memref<10240x64xbf16, #tpu.memory_space<vmem_shared>>
        tpu.wait_indirect_dma semaphore(%run_scoped3A_353 : memref<!tpu.dma_semaphore, #tpu.memory_space<semaphore_mem>>) src(%arg13 : memref<128x64xbf16, #tpu.memory_space<vmem>>) dst(%dma_wait3A_365 : memref<10240x64xbf16, #tpu.memory_space<vmem_shared>>)
        tpu.yield
      }) : () -> ()
      %add3A_273 = arith.constant 10 : i32
      %add3A_274 = arith.addi %add3A_266, %add3A_273 : i32
      %dma_start3A_275 = arith.constant 0 : i32
      %dma_start3A_276 = tpu.memref_slice %arg6[%add3A_274, %dma_start3A_275] : memref<160x128xi32, #tpu.memory_space<vmem>> -> memref<1x128xi32, #tpu.memory_space<vmem>>
      %dma_start3A_277 = tpu.memref_squeeze %dma_start3A_276 : memref<1x128xi32, #tpu.memory_space<vmem>> -> memref<128xi32, #tpu.memory_space<vmem>>
      %dma_start3A_278 = arith.constant 0 : i32
      %dma_start3A_279 = arith.constant 0 : i32
      %dma_start3A_280 = tpu.memref_slice %arg18[%dma_start3A_278, %dma_start3A_279] : memref<10240x64xbf16, #tpu.memory_space<vmem_shared>> -> memref<10240x64xbf16, #tpu.memory_space<vmem_shared>>
      tpu.enqueue_indirect_dma source(%dma_start3A_280 : memref<10240x64xbf16, #tpu.memory_space<vmem_shared>>) target(%arg13 : memref<128x64xbf16, #tpu.memory_space<vmem>>) offsets(%dma_start3A_277 : memref<128xi32, #tpu.memory_space<vmem>>) semaphore(%arg25 : memref<!tpu.dma_semaphore, #tpu.memory_space<semaphore_mem>>)
      %mul3A_281 = arith.constant 10 : i32
      %mul3A_282 = arith.muli %scan3A_173, %mul3A_281 : i32
      %add3A_283 = arith.constant 6 : i32
      %add3A_284 = arith.addi %mul3A_282, %add3A_283 : i32
      %dma_wait3A_285 = arith.constant 0 : i32
      %dma_wait3A_286 = tpu.memref_slice %arg6[%add3A_284, %dma_wait3A_285] : memref<160x128xi32, #tpu.memory_space<vmem>> -> memref<1x128xi32, #tpu.memory_space<vmem>>
      %dma_wait3A_287 = tpu.memref_squeeze %dma_wait3A_286 : memref<1x128xi32, #tpu.memory_space<vmem>> -> memref<128xi32, #tpu.memory_space<vmem>>
      %dma_wait3A_288 = arith.constant 0 : i32
      %dma_wait3A_289 = arith.constant 0 : i32
      %dma_wait3A_290 = tpu.memref_slice %arg18[%dma_wait3A_288, %dma_wait3A_289] : memref<10240x64xbf16, #tpu.memory_space<vmem_shared>> -> memref<10240x64xbf16, #tpu.memory_space<vmem_shared>>
      tpu.wait_indirect_dma semaphore(%arg26 : memref<!tpu.dma_semaphore, #tpu.memory_space<semaphore_mem>>) src(%dma_wait3A_290 : memref<10240x64xbf16, #tpu.memory_space<vmem_shared>>) dst(%arg14 : memref<128x64xbf16, #tpu.memory_space<vmem>>)
      "tpu.region"() ({
        %run_scoped3A_353 = tpu.sem_alloc : memref<!tpu.dma_semaphore, #tpu.memory_space<semaphore_mem>>
        %dma_start3A_354 = arith.constant 0 : i32
        %dma_start3A_355 = tpu.memref_slice %arg7[%add3A_284, %dma_start3A_354] : memref<160x128xi32, #tpu.memory_space<vmem>> -> memref<1x128xi32, #tpu.memory_space<vmem>>
        %dma_start3A_356 = tpu.memref_squeeze %dma_start3A_355 : memref<1x128xi32, #tpu.memory_space<vmem>> -> memref<128xi32, #tpu.memory_space<vmem>>
        %dma_start3A_357 = arith.constant 0 : i32
        %dma_start3A_358 = arith.constant 0 : i32
        %dma_start3A_359 = tpu.memref_slice %arg19[%dma_start3A_357, %dma_start3A_358] : memref<10240x64xbf16, #tpu.memory_space<vmem_shared>> -> memref<10240x64xbf16, #tpu.memory_space<vmem_shared>>
        tpu.enqueue_indirect_dma source(%arg14 : memref<128x64xbf16, #tpu.memory_space<vmem>>) target(%dma_start3A_359 : memref<10240x64xbf16, #tpu.memory_space<vmem_shared>>) offsets(%dma_start3A_356 : memref<128xi32, #tpu.memory_space<vmem>>) semaphore(%run_scoped3A_353 : memref<!tpu.dma_semaphore, #tpu.memory_space<semaphore_mem>>) {add = true}
        %dma_wait3A_360 = arith.constant 0 : i32
        %dma_wait3A_361 = tpu.memref_slice %arg7[%add3A_284, %dma_wait3A_360] : memref<160x128xi32, #tpu.memory_space<vmem>> -> memref<1x128xi32, #tpu.memory_space<vmem>>
        %dma_wait3A_362 = tpu.memref_squeeze %dma_wait3A_361 : memref<1x128xi32, #tpu.memory_space<vmem>> -> memref<128xi32, #tpu.memory_space<vmem>>
        %dma_wait3A_363 = arith.constant 0 : i32
        %dma_wait3A_364 = arith.constant 0 : i32
        %dma_wait3A_365 = tpu.memref_slice %arg19[%dma_wait3A_363, %dma_wait3A_364] : memref<10240x64xbf16, #tpu.memory_space<vmem_shared>> -> memref<10240x64xbf16, #tpu.memory_space<vmem_shared>>
        tpu.wait_indirect_dma semaphore(%run_scoped3A_353 : memref<!tpu.dma_semaphore, #tpu.memory_space<semaphore_mem>>) src(%arg14 : memref<128x64xbf16, #tpu.memory_space<vmem>>) dst(%dma_wait3A_365 : memref<10240x64xbf16, #tpu.memory_space<vmem_shared>>)
        tpu.yield
      }) : () -> ()
      %add3A_291 = arith.constant 10 : i32
      %add3A_292 = arith.addi %add3A_284, %add3A_291 : i32
      %dma_start3A_293 = arith.constant 0 : i32
      %dma_start3A_294 = tpu.memref_slice %arg6[%add3A_292, %dma_start3A_293] : memref<160x128xi32, #tpu.memory_space<vmem>> -> memref<1x128xi32, #tpu.memory_space<vmem>>
      %dma_start3A_295 = tpu.memref_squeeze %dma_start3A_294 : memref<1x128xi32, #tpu.memory_space<vmem>> -> memref<128xi32, #tpu.memory_space<vmem>>
      %dma_start3A_296 = arith.constant 0 : i32
      %dma_start3A_297 = arith.constant 0 : i32
      %dma_start3A_298 = tpu.memref_slice %arg18[%dma_start3A_296, %dma_start3A_297] : memref<10240x64xbf16, #tpu.memory_space<vmem_shared>> -> memref<10240x64xbf16, #tpu.memory_space<vmem_shared>>
      tpu.enqueue_indirect_dma source(%dma_start3A_298 : memref<10240x64xbf16, #tpu.memory_space<vmem_shared>>) target(%arg14 : memref<128x64xbf16, #tpu.memory_space<vmem>>) offsets(%dma_start3A_295 : memref<128xi32, #tpu.memory_space<vmem>>) semaphore(%arg26 : memref<!tpu.dma_semaphore, #tpu.memory_space<semaphore_mem>>)
      %mul3A_299 = arith.constant 10 : i32
      %mul3A_300 = arith.muli %scan3A_173, %mul3A_299 : i32
      %add3A_301 = arith.constant 7 : i32
      %add3A_302 = arith.addi %mul3A_300, %add3A_301 : i32
      %dma_wait3A_303 = arith.constant 0 : i32
      %dma_wait3A_304 = tpu.memref_slice %arg6[%add3A_302, %dma_wait3A_303] : memref<160x128xi32, #tpu.memory_space<vmem>> -> memref<1x128xi32, #tpu.memory_space<vmem>>
      %dma_wait3A_305 = tpu.memref_squeeze %dma_wait3A_304 : memref<1x128xi32, #tpu.memory_space<vmem>> -> memref<128xi32, #tpu.memory_space<vmem>>
      %dma_wait3A_306 = arith.constant 0 : i32
      %dma_wait3A_307 = arith.constant 0 : i32
      %dma_wait3A_308 = tpu.memref_slice %arg18[%dma_wait3A_306, %dma_wait3A_307] : memref<10240x64xbf16, #tpu.memory_space<vmem_shared>> -> memref<10240x64xbf16, #tpu.memory_space<vmem_shared>>
      tpu.wait_indirect_dma semaphore(%arg27 : memref<!tpu.dma_semaphore, #tpu.memory_space<semaphore_mem>>) src(%dma_wait3A_308 : memref<10240x64xbf16, #tpu.memory_space<vmem_shared>>) dst(%arg15 : memref<128x64xbf16, #tpu.memory_space<vmem>>)
      "tpu.region"() ({
        %run_scoped3A_353 = tpu.sem_alloc : memref<!tpu.dma_semaphore, #tpu.memory_space<semaphore_mem>>
        %dma_start3A_354 = arith.constant 0 : i32
        %dma_start3A_355 = tpu.memref_slice %arg7[%add3A_302, %dma_start3A_354] : memref<160x128xi32, #tpu.memory_space<vmem>> -> memref<1x128xi32, #tpu.memory_space<vmem>>
        %dma_start3A_356 = tpu.memref_squeeze %dma_start3A_355 : memref<1x128xi32, #tpu.memory_space<vmem>> -> memref<128xi32, #tpu.memory_space<vmem>>
        %dma_start3A_357 = arith.constant 0 : i32
        %dma_start3A_358 = arith.constant 0 : i32
        %dma_start3A_359 = tpu.memref_slice %arg19[%dma_start3A_357, %dma_start3A_358] : memref<10240x64xbf16, #tpu.memory_space<vmem_shared>> -> memref<10240x64xbf16, #tpu.memory_space<vmem_shared>>
        tpu.enqueue_indirect_dma source(%arg15 : memref<128x64xbf16, #tpu.memory_space<vmem>>) target(%dma_start3A_359 : memref<10240x64xbf16, #tpu.memory_space<vmem_shared>>) offsets(%dma_start3A_356 : memref<128xi32, #tpu.memory_space<vmem>>) semaphore(%run_scoped3A_353 : memref<!tpu.dma_semaphore, #tpu.memory_space<semaphore_mem>>) {add = true}
        %dma_wait3A_360 = arith.constant 0 : i32
        %dma_wait3A_361 = tpu.memref_slice %arg7[%add3A_302, %dma_wait3A_360] : memref<160x128xi32, #tpu.memory_space<vmem>> -> memref<1x128xi32, #tpu.memory_space<vmem>>
        %dma_wait3A_362 = tpu.memref_squeeze %dma_wait3A_361 : memref<1x128xi32, #tpu.memory_space<vmem>> -> memref<128xi32, #tpu.memory_space<vmem>>
        %dma_wait3A_363 = arith.constant 0 : i32
        %dma_wait3A_364 = arith.constant 0 : i32
        %dma_wait3A_365 = tpu.memref_slice %arg19[%dma_wait3A_363, %dma_wait3A_364] : memref<10240x64xbf16, #tpu.memory_space<vmem_shared>> -> memref<10240x64xbf16, #tpu.memory_space<vmem_shared>>
        tpu.wait_indirect_dma semaphore(%run_scoped3A_353 : memref<!tpu.dma_semaphore, #tpu.memory_space<semaphore_mem>>) src(%arg15 : memref<128x64xbf16, #tpu.memory_space<vmem>>) dst(%dma_wait3A_365 : memref<10240x64xbf16, #tpu.memory_space<vmem_shared>>)
        tpu.yield
      }) : () -> ()
      %add3A_309 = arith.constant 10 : i32
      %add3A_310 = arith.addi %add3A_302, %add3A_309 : i32
      %dma_start3A_311 = arith.constant 0 : i32
      %dma_start3A_312 = tpu.memref_slice %arg6[%add3A_310, %dma_start3A_311] : memref<160x128xi32, #tpu.memory_space<vmem>> -> memref<1x128xi32, #tpu.memory_space<vmem>>
      %dma_start3A_313 = tpu.memref_squeeze %dma_start3A_312 : memref<1x128xi32, #tpu.memory_space<vmem>> -> memref<128xi32, #tpu.memory_space<vmem>>
      %dma_start3A_314 = arith.constant 0 : i32
      %dma_start3A_315 = arith.constant 0 : i32
      %dma_start3A_316 = tpu.memref_slice %arg18[%dma_start3A_314, %dma_start3A_315] : memref<10240x64xbf16, #tpu.memory_space<vmem_shared>> -> memref<10240x64xbf16, #tpu.memory_space<vmem_shared>>
      tpu.enqueue_indirect_dma source(%dma_start3A_316 : memref<10240x64xbf16, #tpu.memory_space<vmem_shared>>) target(%arg15 : memref<128x64xbf16, #tpu.memory_space<vmem>>) offsets(%dma_start3A_313 : memref<128xi32, #tpu.memory_space<vmem>>) semaphore(%arg27 : memref<!tpu.dma_semaphore, #tpu.memory_space<semaphore_mem>>)
      %mul3A_317 = arith.constant 10 : i32
      %mul3A_318 = arith.muli %scan3A_173, %mul3A_317 : i32
      %add3A_319 = arith.constant 8 : i32
      %add3A_320 = arith.addi %mul3A_318, %add3A_319 : i32
      %dma_wait3A_321 = arith.constant 0 : i32
      %dma_wait3A_322 = tpu.memref_slice %arg6[%add3A_320, %dma_wait3A_321] : memref<160x128xi32, #tpu.memory_space<vmem>> -> memref<1x128xi32, #tpu.memory_space<vmem>>
      %dma_wait3A_323 = tpu.memref_squeeze %dma_wait3A_322 : memref<1x128xi32, #tpu.memory_space<vmem>> -> memref<128xi32, #tpu.memory_space<vmem>>
      %dma_wait3A_324 = arith.constant 0 : i32
      %dma_wait3A_325 = arith.constant 0 : i32
      %dma_wait3A_326 = tpu.memref_slice %arg18[%dma_wait3A_324, %dma_wait3A_325] : memref<10240x64xbf16, #tpu.memory_space<vmem_shared>> -> memref<10240x64xbf16, #tpu.memory_space<vmem_shared>>
      tpu.wait_indirect_dma semaphore(%arg28 : memref<!tpu.dma_semaphore, #tpu.memory_space<semaphore_mem>>) src(%dma_wait3A_326 : memref<10240x64xbf16, #tpu.memory_space<vmem_shared>>) dst(%arg16 : memref<128x64xbf16, #tpu.memory_space<vmem>>)
      "tpu.region"() ({
        %run_scoped3A_353 = tpu.sem_alloc : memref<!tpu.dma_semaphore, #tpu.memory_space<semaphore_mem>>
        %dma_start3A_354 = arith.constant 0 : i32
        %dma_start3A_355 = tpu.memref_slice %arg7[%add3A_320, %dma_start3A_354] : memref<160x128xi32, #tpu.memory_space<vmem>> -> memref<1x128xi32, #tpu.memory_space<vmem>>
        %dma_start3A_356 = tpu.memref_squeeze %dma_start3A_355 : memref<1x128xi32, #tpu.memory_space<vmem>> -> memref<128xi32, #tpu.memory_space<vmem>>
        %dma_start3A_357 = arith.constant 0 : i32
        %dma_start3A_358 = arith.constant 0 : i32
        %dma_start3A_359 = tpu.memref_slice %arg19[%dma_start3A_357, %dma_start3A_358] : memref<10240x64xbf16, #tpu.memory_space<vmem_shared>> -> memref<10240x64xbf16, #tpu.memory_space<vmem_shared>>
        tpu.enqueue_indirect_dma source(%arg16 : memref<128x64xbf16, #tpu.memory_space<vmem>>) target(%dma_start3A_359 : memref<10240x64xbf16, #tpu.memory_space<vmem_shared>>) offsets(%dma_start3A_356 : memref<128xi32, #tpu.memory_space<vmem>>) semaphore(%run_scoped3A_353 : memref<!tpu.dma_semaphore, #tpu.memory_space<semaphore_mem>>) {add = true}
        %dma_wait3A_360 = arith.constant 0 : i32
        %dma_wait3A_361 = tpu.memref_slice %arg7[%add3A_320, %dma_wait3A_360] : memref<160x128xi32, #tpu.memory_space<vmem>> -> memref<1x128xi32, #tpu.memory_space<vmem>>
        %dma_wait3A_362 = tpu.memref_squeeze %dma_wait3A_361 : memref<1x128xi32, #tpu.memory_space<vmem>> -> memref<128xi32, #tpu.memory_space<vmem>>
        %dma_wait3A_363 = arith.constant 0 : i32
        %dma_wait3A_364 = arith.constant 0 : i32
        %dma_wait3A_365 = tpu.memref_slice %arg19[%dma_wait3A_363, %dma_wait3A_364] : memref<10240x64xbf16, #tpu.memory_space<vmem_shared>> -> memref<10240x64xbf16, #tpu.memory_space<vmem_shared>>
        tpu.wait_indirect_dma semaphore(%run_scoped3A_353 : memref<!tpu.dma_semaphore, #tpu.memory_space<semaphore_mem>>) src(%arg16 : memref<128x64xbf16, #tpu.memory_space<vmem>>) dst(%dma_wait3A_365 : memref<10240x64xbf16, #tpu.memory_space<vmem_shared>>)
        tpu.yield
      }) : () -> ()
      %add3A_327 = arith.constant 10 : i32
      %add3A_328 = arith.addi %add3A_320, %add3A_327 : i32
      %dma_start3A_329 = arith.constant 0 : i32
      %dma_start3A_330 = tpu.memref_slice %arg6[%add3A_328, %dma_start3A_329] : memref<160x128xi32, #tpu.memory_space<vmem>> -> memref<1x128xi32, #tpu.memory_space<vmem>>
      %dma_start3A_331 = tpu.memref_squeeze %dma_start3A_330 : memref<1x128xi32, #tpu.memory_space<vmem>> -> memref<128xi32, #tpu.memory_space<vmem>>
      %dma_start3A_332 = arith.constant 0 : i32
      %dma_start3A_333 = arith.constant 0 : i32
      %dma_start3A_334 = tpu.memref_slice %arg18[%dma_start3A_332, %dma_start3A_333] : memref<10240x64xbf16, #tpu.memory_space<vmem_shared>> -> memref<10240x64xbf16, #tpu.memory_space<vmem_shared>>
      tpu.enqueue_indirect_dma source(%dma_start3A_334 : memref<10240x64xbf16, #tpu.memory_space<vmem_shared>>) target(%arg16 : memref<128x64xbf16, #tpu.memory_space<vmem>>) offsets(%dma_start3A_331 : memref<128xi32, #tpu.memory_space<vmem>>) semaphore(%arg28 : memref<!tpu.dma_semaphore, #tpu.memory_space<semaphore_mem>>)
      %mul3A_335 = arith.constant 10 : i32
      %mul3A_336 = arith.muli %scan3A_173, %mul3A_335 : i32
      %add3A_337 = arith.constant 9 : i32
      %add3A_338 = arith.addi %mul3A_336, %add3A_337 : i32
      %dma_wait3A_339 = arith.constant 0 : i32
      %dma_wait3A_340 = tpu.memref_slice %arg6[%add3A_338, %dma_wait3A_339] : memref<160x128xi32, #tpu.memory_space<vmem>> -> memref<1x128xi32, #tpu.memory_space<vmem>>
      %dma_wait3A_341 = tpu.memref_squeeze %dma_wait3A_340 : memref<1x128xi32, #tpu.memory_space<vmem>> -> memref<128xi32, #tpu.memory_space<vmem>>
      %dma_wait3A_342 = arith.constant 0 : i32
      %dma_wait3A_343 = arith.constant 0 : i32
      %dma_wait3A_344 = tpu.memref_slice %arg18[%dma_wait3A_342, %dma_wait3A_343] : memref<10240x64xbf16, #tpu.memory_space<vmem_shared>> -> memref<10240x64xbf16, #tpu.memory_space<vmem_shared>>
      tpu.wait_indirect_dma semaphore(%arg29 : memref<!tpu.dma_semaphore, #tpu.memory_space<semaphore_mem>>) src(%dma_wait3A_344 : memref<10240x64xbf16, #tpu.memory_space<vmem_shared>>) dst(%arg17 : memref<128x64xbf16, #tpu.memory_space<vmem>>)
      "tpu.region"() ({
        %run_scoped3A_353 = tpu.sem_alloc : memref<!tpu.dma_semaphore, #tpu.memory_space<semaphore_mem>>
        %dma_start3A_354 = arith.constant 0 : i32
        %dma_start3A_355 = tpu.memref_slice %arg7[%add3A_338, %dma_start3A_354] : memref<160x128xi32, #tpu.memory_space<vmem>> -> memref<1x128xi32, #tpu.memory_space<vmem>>
        %dma_start3A_356 = tpu.memref_squeeze %dma_start3A_355 : memref<1x128xi32, #tpu.memory_space<vmem>> -> memref<128xi32, #tpu.memory_space<vmem>>
        %dma_start3A_357 = arith.constant 0 : i32
        %dma_start3A_358 = arith.constant 0 : i32
        %dma_start3A_359 = tpu.memref_slice %arg19[%dma_start3A_357, %dma_start3A_358] : memref<10240x64xbf16, #tpu.memory_space<vmem_shared>> -> memref<10240x64xbf16, #tpu.memory_space<vmem_shared>>
        tpu.enqueue_indirect_dma source(%arg17 : memref<128x64xbf16, #tpu.memory_space<vmem>>) target(%dma_start3A_359 : memref<10240x64xbf16, #tpu.memory_space<vmem_shared>>) offsets(%dma_start3A_356 : memref<128xi32, #tpu.memory_space<vmem>>) semaphore(%run_scoped3A_353 : memref<!tpu.dma_semaphore, #tpu.memory_space<semaphore_mem>>) {add = true}
        %dma_wait3A_360 = arith.constant 0 : i32
        %dma_wait3A_361 = tpu.memref_slice %arg7[%add3A_338, %dma_wait3A_360] : memref<160x128xi32, #tpu.memory_space<vmem>> -> memref<1x128xi32, #tpu.memory_space<vmem>>
        %dma_wait3A_362 = tpu.memref_squeeze %dma_wait3A_361 : memref<1x128xi32, #tpu.memory_space<vmem>> -> memref<128xi32, #tpu.memory_space<vmem>>
        %dma_wait3A_363 = arith.constant 0 : i32
        %dma_wait3A_364 = arith.constant 0 : i32
        %dma_wait3A_365 = tpu.memref_slice %arg19[%dma_wait3A_363, %dma_wait3A_364] : memref<10240x64xbf16, #tpu.memory_space<vmem_shared>> -> memref<10240x64xbf16, #tpu.memory_space<vmem_shared>>
        tpu.wait_indirect_dma semaphore(%run_scoped3A_353 : memref<!tpu.dma_semaphore, #tpu.memory_space<semaphore_mem>>) src(%arg17 : memref<128x64xbf16, #tpu.memory_space<vmem>>) dst(%dma_wait3A_365 : memref<10240x64xbf16, #tpu.memory_space<vmem_shared>>)
        tpu.yield
      }) : () -> ()
      %add3A_345 = arith.constant 10 : i32
      %add3A_346 = arith.addi %add3A_338, %add3A_345 : i32
      %dma_start3A_347 = arith.constant 0 : i32
      %dma_start3A_348 = tpu.memref_slice %arg6[%add3A_346, %dma_start3A_347] : memref<160x128xi32, #tpu.memory_space<vmem>> -> memref<1x128xi32, #tpu.memory_space<vmem>>
      %dma_start3A_349 = tpu.memref_squeeze %dma_start3A_348 : memref<1x128xi32, #tpu.memory_space<vmem>> -> memref<128xi32, #tpu.memory_space<vmem>>
      %dma_start3A_350 = arith.constant 0 : i32
      %dma_start3A_351 = arith.constant 0 : i32
      %dma_start3A_352 = tpu.memref_slice %arg18[%dma_start3A_350, %dma_start3A_351] : memref<10240x64xbf16, #tpu.memory_space<vmem_shared>> -> memref<10240x64xbf16, #tpu.memory_space<vmem_shared>>
      tpu.enqueue_indirect_dma source(%dma_start3A_352 : memref<10240x64xbf16, #tpu.memory_space<vmem_shared>>) target(%arg17 : memref<128x64xbf16, #tpu.memory_space<vmem>>) offsets(%dma_start3A_349 : memref<128xi32, #tpu.memory_space<vmem>>) semaphore(%arg29 : memref<!tpu.dma_semaphore, #tpu.memory_space<semaphore_mem>>)
    }
    %scan3A_89 = arith.constant 15 : i32
    %dma_wait3A = arith.constant 150 : i32
    %dma_wait3A_90 = arith.constant 0 : i32
    %dma_wait3A_91 = tpu.memref_slice %arg6[%dma_wait3A, %dma_wait3A_90] : memref<160x128xi32, #tpu.memory_space<vmem>> -> memref<1x128xi32, #tpu.memory_space<vmem>>
    %dma_wait3A_92 = tpu.memref_squeeze %dma_wait3A_91 : memref<1x128xi32, #tpu.memory_space<vmem>> -> memref<128xi32, #tpu.memory_space<vmem>>
    %dma_wait3A_93 = arith.constant 0 : i32
    %dma_wait3A_94 = arith.constant 0 : i32
    %dma_wait3A_95 = tpu.memref_slice %arg18[%dma_wait3A_93, %dma_wait3A_94] : memref<10240x64xbf16, #tpu.memory_space<vmem_shared>> -> memref<10240x64xbf16, #tpu.memory_space<vmem_shared>>
    tpu.wait_indirect_dma semaphore(%arg20 : memref<!tpu.dma_semaphore, #tpu.memory_space<semaphore_mem>>) src(%dma_wait3A_95 : memref<10240x64xbf16, #tpu.memory_space<vmem_shared>>) dst(%arg8 : memref<128x64xbf16, #tpu.memory_space<vmem>>)
    %run_scoped3A = arith.constant 150 : i32
    "tpu.region"() ({
      %run_scoped3A_173 = tpu.sem_alloc : memref<!tpu.dma_semaphore, #tpu.memory_space<semaphore_mem>>
      %dma_start3A_174 = arith.constant 0 : i32
      %dma_start3A_175 = tpu.memref_slice %arg7[%run_scoped3A, %dma_start3A_174] : memref<160x128xi32, #tpu.memory_space<vmem>> -> memref<1x128xi32, #tpu.memory_space<vmem>>
      %dma_start3A_176 = tpu.memref_squeeze %dma_start3A_175 : memref<1x128xi32, #tpu.memory_space<vmem>> -> memref<128xi32, #tpu.memory_space<vmem>>
      %dma_start3A_177 = arith.constant 0 : i32
      %dma_start3A_178 = arith.constant 0 : i32
      %dma_start3A_179 = tpu.memref_slice %arg19[%dma_start3A_177, %dma_start3A_178] : memref<10240x64xbf16, #tpu.memory_space<vmem_shared>> -> memref<10240x64xbf16, #tpu.memory_space<vmem_shared>>
      tpu.enqueue_indirect_dma source(%arg8 : memref<128x64xbf16, #tpu.memory_space<vmem>>) target(%dma_start3A_179 : memref<10240x64xbf16, #tpu.memory_space<vmem_shared>>) offsets(%dma_start3A_176 : memref<128xi32, #tpu.memory_space<vmem>>) semaphore(%run_scoped3A_173 : memref<!tpu.dma_semaphore, #tpu.memory_space<semaphore_mem>>) {add = true}
      %dma_wait3A_180 = arith.constant 0 : i32
      %dma_wait3A_181 = tpu.memref_slice %arg7[%run_scoped3A, %dma_wait3A_180] : memref<160x128xi32, #tpu.memory_space<vmem>> -> memref<1x128xi32, #tpu.memory_space<vmem>>
      %dma_wait3A_182 = tpu.memref_squeeze %dma_wait3A_181 : memref<1x128xi32, #tpu.memory_space<vmem>> -> memref<128xi32, #tpu.memory_space<vmem>>
      %dma_wait3A_183 = arith.constant 0 : i32
      %dma_wait3A_184 = arith.constant 0 : i32
      %dma_wait3A_185 = tpu.memref_slice %arg19[%dma_wait3A_183, %dma_wait3A_184] : memref<10240x64xbf16, #tpu.memory_space<vmem_shared>> -> memref<10240x64xbf16, #tpu.memory_space<vmem_shared>>
      tpu.wait_indirect_dma semaphore(%run_scoped3A_173 : memref<!tpu.dma_semaphore, #tpu.memory_space<semaphore_mem>>) src(%arg8 : memref<128x64xbf16, #tpu.memory_space<vmem>>) dst(%dma_wait3A_185 : memref<10240x64xbf16, #tpu.memory_space<vmem_shared>>)
      tpu.yield
    }) : () -> ()
    %dma_wait3A_96 = arith.constant 151 : i32
    %dma_wait3A_97 = arith.constant 0 : i32
    %dma_wait3A_98 = tpu.memref_slice %arg6[%dma_wait3A_96, %dma_wait3A_97] : memref<160x128xi32, #tpu.memory_space<vmem>> -> memref<1x128xi32, #tpu.memory_space<vmem>>
    %dma_wait3A_99 = tpu.memref_squeeze %dma_wait3A_98 : memref<1x128xi32, #tpu.memory_space<vmem>> -> memref<128xi32, #tpu.memory_space<vmem>>
    %dma_wait3A_100 = arith.constant 0 : i32
    %dma_wait3A_101 = arith.constant 0 : i32
    %dma_wait3A_102 = tpu.memref_slice %arg18[%dma_wait3A_100, %dma_wait3A_101] : memref<10240x64xbf16, #tpu.memory_space<vmem_shared>> -> memref<10240x64xbf16, #tpu.memory_space<vmem_shared>>
    tpu.wait_indirect_dma semaphore(%arg21 : memref<!tpu.dma_semaphore, #tpu.memory_space<semaphore_mem>>) src(%dma_wait3A_102 : memref<10240x64xbf16, #tpu.memory_space<vmem_shared>>) dst(%arg9 : memref<128x64xbf16, #tpu.memory_space<vmem>>)
    %run_scoped3A_103 = arith.constant 151 : i32
    "tpu.region"() ({
      %run_scoped3A_173 = tpu.sem_alloc : memref<!tpu.dma_semaphore, #tpu.memory_space<semaphore_mem>>
      %dma_start3A_174 = arith.constant 0 : i32
      %dma_start3A_175 = tpu.memref_slice %arg7[%run_scoped3A_103, %dma_start3A_174] : memref<160x128xi32, #tpu.memory_space<vmem>> -> memref<1x128xi32, #tpu.memory_space<vmem>>
      %dma_start3A_176 = tpu.memref_squeeze %dma_start3A_175 : memref<1x128xi32, #tpu.memory_space<vmem>> -> memref<128xi32, #tpu.memory_space<vmem>>
      %dma_start3A_177 = arith.constant 0 : i32
      %dma_start3A_178 = arith.constant 0 : i32
      %dma_start3A_179 = tpu.memref_slice %arg19[%dma_start3A_177, %dma_start3A_178] : memref<10240x64xbf16, #tpu.memory_space<vmem_shared>> -> memref<10240x64xbf16, #tpu.memory_space<vmem_shared>>
      tpu.enqueue_indirect_dma source(%arg9 : memref<128x64xbf16, #tpu.memory_space<vmem>>) target(%dma_start3A_179 : memref<10240x64xbf16, #tpu.memory_space<vmem_shared>>) offsets(%dma_start3A_176 : memref<128xi32, #tpu.memory_space<vmem>>) semaphore(%run_scoped3A_173 : memref<!tpu.dma_semaphore, #tpu.memory_space<semaphore_mem>>) {add = true}
      %dma_wait3A_180 = arith.constant 0 : i32
      %dma_wait3A_181 = tpu.memref_slice %arg7[%run_scoped3A_103, %dma_wait3A_180] : memref<160x128xi32, #tpu.memory_space<vmem>> -> memref<1x128xi32, #tpu.memory_space<vmem>>
      %dma_wait3A_182 = tpu.memref_squeeze %dma_wait3A_181 : memref<1x128xi32, #tpu.memory_space<vmem>> -> memref<128xi32, #tpu.memory_space<vmem>>
      %dma_wait3A_183 = arith.constant 0 : i32
      %dma_wait3A_184 = arith.constant 0 : i32
      %dma_wait3A_185 = tpu.memref_slice %arg19[%dma_wait3A_183, %dma_wait3A_184] : memref<10240x64xbf16, #tpu.memory_space<vmem_shared>> -> memref<10240x64xbf16, #tpu.memory_space<vmem_shared>>
      tpu.wait_indirect_dma semaphore(%run_scoped3A_173 : memref<!tpu.dma_semaphore, #tpu.memory_space<semaphore_mem>>) src(%arg9 : memref<128x64xbf16, #tpu.memory_space<vmem>>) dst(%dma_wait3A_185 : memref<10240x64xbf16, #tpu.memory_space<vmem_shared>>)
      tpu.yield
    }) : () -> ()
    %dma_wait3A_104 = arith.constant 152 : i32
    %dma_wait3A_105 = arith.constant 0 : i32
    %dma_wait3A_106 = tpu.memref_slice %arg6[%dma_wait3A_104, %dma_wait3A_105] : memref<160x128xi32, #tpu.memory_space<vmem>> -> memref<1x128xi32, #tpu.memory_space<vmem>>
    %dma_wait3A_107 = tpu.memref_squeeze %dma_wait3A_106 : memref<1x128xi32, #tpu.memory_space<vmem>> -> memref<128xi32, #tpu.memory_space<vmem>>
    %dma_wait3A_108 = arith.constant 0 : i32
    %dma_wait3A_109 = arith.constant 0 : i32
    %dma_wait3A_110 = tpu.memref_slice %arg18[%dma_wait3A_108, %dma_wait3A_109] : memref<10240x64xbf16, #tpu.memory_space<vmem_shared>> -> memref<10240x64xbf16, #tpu.memory_space<vmem_shared>>
    tpu.wait_indirect_dma semaphore(%arg22 : memref<!tpu.dma_semaphore, #tpu.memory_space<semaphore_mem>>) src(%dma_wait3A_110 : memref<10240x64xbf16, #tpu.memory_space<vmem_shared>>) dst(%arg10 : memref<128x64xbf16, #tpu.memory_space<vmem>>)
    %run_scoped3A_111 = arith.constant 152 : i32
    "tpu.region"() ({
      %run_scoped3A_173 = tpu.sem_alloc : memref<!tpu.dma_semaphore, #tpu.memory_space<semaphore_mem>>
      %dma_start3A_174 = arith.constant 0 : i32
      %dma_start3A_175 = tpu.memref_slice %arg7[%run_scoped3A_111, %dma_start3A_174] : memref<160x128xi32, #tpu.memory_space<vmem>> -> memref<1x128xi32, #tpu.memory_space<vmem>>
      %dma_start3A_176 = tpu.memref_squeeze %dma_start3A_175 : memref<1x128xi32, #tpu.memory_space<vmem>> -> memref<128xi32, #tpu.memory_space<vmem>>
      %dma_start3A_177 = arith.constant 0 : i32
      %dma_start3A_178 = arith.constant 0 : i32
      %dma_start3A_179 = tpu.memref_slice %arg19[%dma_start3A_177, %dma_start3A_178] : memref<10240x64xbf16, #tpu.memory_space<vmem_shared>> -> memref<10240x64xbf16, #tpu.memory_space<vmem_shared>>
      tpu.enqueue_indirect_dma source(%arg10 : memref<128x64xbf16, #tpu.memory_space<vmem>>) target(%dma_start3A_179 : memref<10240x64xbf16, #tpu.memory_space<vmem_shared>>) offsets(%dma_start3A_176 : memref<128xi32, #tpu.memory_space<vmem>>) semaphore(%run_scoped3A_173 : memref<!tpu.dma_semaphore, #tpu.memory_space<semaphore_mem>>) {add = true}
      %dma_wait3A_180 = arith.constant 0 : i32
      %dma_wait3A_181 = tpu.memref_slice %arg7[%run_scoped3A_111, %dma_wait3A_180] : memref<160x128xi32, #tpu.memory_space<vmem>> -> memref<1x128xi32, #tpu.memory_space<vmem>>
      %dma_wait3A_182 = tpu.memref_squeeze %dma_wait3A_181 : memref<1x128xi32, #tpu.memory_space<vmem>> -> memref<128xi32, #tpu.memory_space<vmem>>
      %dma_wait3A_183 = arith.constant 0 : i32
      %dma_wait3A_184 = arith.constant 0 : i32
      %dma_wait3A_185 = tpu.memref_slice %arg19[%dma_wait3A_183, %dma_wait3A_184] : memref<10240x64xbf16, #tpu.memory_space<vmem_shared>> -> memref<10240x64xbf16, #tpu.memory_space<vmem_shared>>
      tpu.wait_indirect_dma semaphore(%run_scoped3A_173 : memref<!tpu.dma_semaphore, #tpu.memory_space<semaphore_mem>>) src(%arg10 : memref<128x64xbf16, #tpu.memory_space<vmem>>) dst(%dma_wait3A_185 : memref<10240x64xbf16, #tpu.memory_space<vmem_shared>>)
      tpu.yield
    }) : () -> ()
    %dma_wait3A_112 = arith.constant 153 : i32
    %dma_wait3A_113 = arith.constant 0 : i32
    %dma_wait3A_114 = tpu.memref_slice %arg6[%dma_wait3A_112, %dma_wait3A_113] : memref<160x128xi32, #tpu.memory_space<vmem>> -> memref<1x128xi32, #tpu.memory_space<vmem>>
    %dma_wait3A_115 = tpu.memref_squeeze %dma_wait3A_114 : memref<1x128xi32, #tpu.memory_space<vmem>> -> memref<128xi32, #tpu.memory_space<vmem>>
    %dma_wait3A_116 = arith.constant 0 : i32
    %dma_wait3A_117 = arith.constant 0 : i32
    %dma_wait3A_118 = tpu.memref_slice %arg18[%dma_wait3A_116, %dma_wait3A_117] : memref<10240x64xbf16, #tpu.memory_space<vmem_shared>> -> memref<10240x64xbf16, #tpu.memory_space<vmem_shared>>
    tpu.wait_indirect_dma semaphore(%arg23 : memref<!tpu.dma_semaphore, #tpu.memory_space<semaphore_mem>>) src(%dma_wait3A_118 : memref<10240x64xbf16, #tpu.memory_space<vmem_shared>>) dst(%arg11 : memref<128x64xbf16, #tpu.memory_space<vmem>>)
    %run_scoped3A_119 = arith.constant 153 : i32
    "tpu.region"() ({
      %run_scoped3A_173 = tpu.sem_alloc : memref<!tpu.dma_semaphore, #tpu.memory_space<semaphore_mem>>
      %dma_start3A_174 = arith.constant 0 : i32
      %dma_start3A_175 = tpu.memref_slice %arg7[%run_scoped3A_119, %dma_start3A_174] : memref<160x128xi32, #tpu.memory_space<vmem>> -> memref<1x128xi32, #tpu.memory_space<vmem>>
      %dma_start3A_176 = tpu.memref_squeeze %dma_start3A_175 : memref<1x128xi32, #tpu.memory_space<vmem>> -> memref<128xi32, #tpu.memory_space<vmem>>
      %dma_start3A_177 = arith.constant 0 : i32
      %dma_start3A_178 = arith.constant 0 : i32
      %dma_start3A_179 = tpu.memref_slice %arg19[%dma_start3A_177, %dma_start3A_178] : memref<10240x64xbf16, #tpu.memory_space<vmem_shared>> -> memref<10240x64xbf16, #tpu.memory_space<vmem_shared>>
      tpu.enqueue_indirect_dma source(%arg11 : memref<128x64xbf16, #tpu.memory_space<vmem>>) target(%dma_start3A_179 : memref<10240x64xbf16, #tpu.memory_space<vmem_shared>>) offsets(%dma_start3A_176 : memref<128xi32, #tpu.memory_space<vmem>>) semaphore(%run_scoped3A_173 : memref<!tpu.dma_semaphore, #tpu.memory_space<semaphore_mem>>) {add = true}
      %dma_wait3A_180 = arith.constant 0 : i32
      %dma_wait3A_181 = tpu.memref_slice %arg7[%run_scoped3A_119, %dma_wait3A_180] : memref<160x128xi32, #tpu.memory_space<vmem>> -> memref<1x128xi32, #tpu.memory_space<vmem>>
      %dma_wait3A_182 = tpu.memref_squeeze %dma_wait3A_181 : memref<1x128xi32, #tpu.memory_space<vmem>> -> memref<128xi32, #tpu.memory_space<vmem>>
      %dma_wait3A_183 = arith.constant 0 : i32
      %dma_wait3A_184 = arith.constant 0 : i32
      %dma_wait3A_185 = tpu.memref_slice %arg19[%dma_wait3A_183, %dma_wait3A_184] : memref<10240x64xbf16, #tpu.memory_space<vmem_shared>> -> memref<10240x64xbf16, #tpu.memory_space<vmem_shared>>
      tpu.wait_indirect_dma semaphore(%run_scoped3A_173 : memref<!tpu.dma_semaphore, #tpu.memory_space<semaphore_mem>>) src(%arg11 : memref<128x64xbf16, #tpu.memory_space<vmem>>) dst(%dma_wait3A_185 : memref<10240x64xbf16, #tpu.memory_space<vmem_shared>>)
      tpu.yield
    }) : () -> ()
    %dma_wait3A_120 = arith.constant 154 : i32
    %dma_wait3A_121 = arith.constant 0 : i32
    %dma_wait3A_122 = tpu.memref_slice %arg6[%dma_wait3A_120, %dma_wait3A_121] : memref<160x128xi32, #tpu.memory_space<vmem>> -> memref<1x128xi32, #tpu.memory_space<vmem>>
    %dma_wait3A_123 = tpu.memref_squeeze %dma_wait3A_122 : memref<1x128xi32, #tpu.memory_space<vmem>> -> memref<128xi32, #tpu.memory_space<vmem>>
    %dma_wait3A_124 = arith.constant 0 : i32
    %dma_wait3A_125 = arith.constant 0 : i32
    %dma_wait3A_126 = tpu.memref_slice %arg18[%dma_wait3A_124, %dma_wait3A_125] : memref<10240x64xbf16, #tpu.memory_space<vmem_shared>> -> memref<10240x64xbf16, #tpu.memory_space<vmem_shared>>
    tpu.wait_indirect_dma semaphore(%arg24 : memref<!tpu.dma_semaphore, #tpu.memory_space<semaphore_mem>>) src(%dma_wait3A_126 : memref<10240x64xbf16, #tpu.memory_space<vmem_shared>>) dst(%arg12 : memref<128x64xbf16, #tpu.memory_space<vmem>>)
    %run_scoped3A_127 = arith.constant 154 : i32
    "tpu.region"() ({
      %run_scoped3A_173 = tpu.sem_alloc : memref<!tpu.dma_semaphore, #tpu.memory_space<semaphore_mem>>
      %dma_start3A_174 = arith.constant 0 : i32
      %dma_start3A_175 = tpu.memref_slice %arg7[%run_scoped3A_127, %dma_start3A_174] : memref<160x128xi32, #tpu.memory_space<vmem>> -> memref<1x128xi32, #tpu.memory_space<vmem>>
      %dma_start3A_176 = tpu.memref_squeeze %dma_start3A_175 : memref<1x128xi32, #tpu.memory_space<vmem>> -> memref<128xi32, #tpu.memory_space<vmem>>
      %dma_start3A_177 = arith.constant 0 : i32
      %dma_start3A_178 = arith.constant 0 : i32
      %dma_start3A_179 = tpu.memref_slice %arg19[%dma_start3A_177, %dma_start3A_178] : memref<10240x64xbf16, #tpu.memory_space<vmem_shared>> -> memref<10240x64xbf16, #tpu.memory_space<vmem_shared>>
      tpu.enqueue_indirect_dma source(%arg12 : memref<128x64xbf16, #tpu.memory_space<vmem>>) target(%dma_start3A_179 : memref<10240x64xbf16, #tpu.memory_space<vmem_shared>>) offsets(%dma_start3A_176 : memref<128xi32, #tpu.memory_space<vmem>>) semaphore(%run_scoped3A_173 : memref<!tpu.dma_semaphore, #tpu.memory_space<semaphore_mem>>) {add = true}
      %dma_wait3A_180 = arith.constant 0 : i32
      %dma_wait3A_181 = tpu.memref_slice %arg7[%run_scoped3A_127, %dma_wait3A_180] : memref<160x128xi32, #tpu.memory_space<vmem>> -> memref<1x128xi32, #tpu.memory_space<vmem>>
      %dma_wait3A_182 = tpu.memref_squeeze %dma_wait3A_181 : memref<1x128xi32, #tpu.memory_space<vmem>> -> memref<128xi32, #tpu.memory_space<vmem>>
      %dma_wait3A_183 = arith.constant 0 : i32
      %dma_wait3A_184 = arith.constant 0 : i32
      %dma_wait3A_185 = tpu.memref_slice %arg19[%dma_wait3A_183, %dma_wait3A_184] : memref<10240x64xbf16, #tpu.memory_space<vmem_shared>> -> memref<10240x64xbf16, #tpu.memory_space<vmem_shared>>
      tpu.wait_indirect_dma semaphore(%run_scoped3A_173 : memref<!tpu.dma_semaphore, #tpu.memory_space<semaphore_mem>>) src(%arg12 : memref<128x64xbf16, #tpu.memory_space<vmem>>) dst(%dma_wait3A_185 : memref<10240x64xbf16, #tpu.memory_space<vmem_shared>>)
      tpu.yield
    }) : () -> ()
    %dma_wait3A_128 = arith.constant 155 : i32
    %dma_wait3A_129 = arith.constant 0 : i32
    %dma_wait3A_130 = tpu.memref_slice %arg6[%dma_wait3A_128, %dma_wait3A_129] : memref<160x128xi32, #tpu.memory_space<vmem>> -> memref<1x128xi32, #tpu.memory_space<vmem>>
    %dma_wait3A_131 = tpu.memref_squeeze %dma_wait3A_130 : memref<1x128xi32, #tpu.memory_space<vmem>> -> memref<128xi32, #tpu.memory_space<vmem>>
    %dma_wait3A_132 = arith.constant 0 : i32
    %dma_wait3A_133 = arith.constant 0 : i32
    %dma_wait3A_134 = tpu.memref_slice %arg18[%dma_wait3A_132, %dma_wait3A_133] : memref<10240x64xbf16, #tpu.memory_space<vmem_shared>> -> memref<10240x64xbf16, #tpu.memory_space<vmem_shared>>
    tpu.wait_indirect_dma semaphore(%arg25 : memref<!tpu.dma_semaphore, #tpu.memory_space<semaphore_mem>>) src(%dma_wait3A_134 : memref<10240x64xbf16, #tpu.memory_space<vmem_shared>>) dst(%arg13 : memref<128x64xbf16, #tpu.memory_space<vmem>>)
    %run_scoped3A_135 = arith.constant 155 : i32
    "tpu.region"() ({
      %run_scoped3A_173 = tpu.sem_alloc : memref<!tpu.dma_semaphore, #tpu.memory_space<semaphore_mem>>
      %dma_start3A_174 = arith.constant 0 : i32
      %dma_start3A_175 = tpu.memref_slice %arg7[%run_scoped3A_135, %dma_start3A_174] : memref<160x128xi32, #tpu.memory_space<vmem>> -> memref<1x128xi32, #tpu.memory_space<vmem>>
      %dma_start3A_176 = tpu.memref_squeeze %dma_start3A_175 : memref<1x128xi32, #tpu.memory_space<vmem>> -> memref<128xi32, #tpu.memory_space<vmem>>
      %dma_start3A_177 = arith.constant 0 : i32
      %dma_start3A_178 = arith.constant 0 : i32
      %dma_start3A_179 = tpu.memref_slice %arg19[%dma_start3A_177, %dma_start3A_178] : memref<10240x64xbf16, #tpu.memory_space<vmem_shared>> -> memref<10240x64xbf16, #tpu.memory_space<vmem_shared>>
      tpu.enqueue_indirect_dma source(%arg13 : memref<128x64xbf16, #tpu.memory_space<vmem>>) target(%dma_start3A_179 : memref<10240x64xbf16, #tpu.memory_space<vmem_shared>>) offsets(%dma_start3A_176 : memref<128xi32, #tpu.memory_space<vmem>>) semaphore(%run_scoped3A_173 : memref<!tpu.dma_semaphore, #tpu.memory_space<semaphore_mem>>) {add = true}
      %dma_wait3A_180 = arith.constant 0 : i32
      %dma_wait3A_181 = tpu.memref_slice %arg7[%run_scoped3A_135, %dma_wait3A_180] : memref<160x128xi32, #tpu.memory_space<vmem>> -> memref<1x128xi32, #tpu.memory_space<vmem>>
      %dma_wait3A_182 = tpu.memref_squeeze %dma_wait3A_181 : memref<1x128xi32, #tpu.memory_space<vmem>> -> memref<128xi32, #tpu.memory_space<vmem>>
      %dma_wait3A_183 = arith.constant 0 : i32
      %dma_wait3A_184 = arith.constant 0 : i32
      %dma_wait3A_185 = tpu.memref_slice %arg19[%dma_wait3A_183, %dma_wait3A_184] : memref<10240x64xbf16, #tpu.memory_space<vmem_shared>> -> memref<10240x64xbf16, #tpu.memory_space<vmem_shared>>
      tpu.wait_indirect_dma semaphore(%run_scoped3A_173 : memref<!tpu.dma_semaphore, #tpu.memory_space<semaphore_mem>>) src(%arg13 : memref<128x64xbf16, #tpu.memory_space<vmem>>) dst(%dma_wait3A_185 : memref<10240x64xbf16, #tpu.memory_space<vmem_shared>>)
      tpu.yield
    }) : () -> ()
    %dma_wait3A_136 = arith.constant 156 : i32
    %dma_wait3A_137 = arith.constant 0 : i32
    %dma_wait3A_138 = tpu.memref_slice %arg6[%dma_wait3A_136, %dma_wait3A_137] : memref<160x128xi32, #tpu.memory_space<vmem>> -> memref<1x128xi32, #tpu.memory_space<vmem>>
    %dma_wait3A_139 = tpu.memref_squeeze %dma_wait3A_138 : memref<1x128xi32, #tpu.memory_space<vmem>> -> memref<128xi32, #tpu.memory_space<vmem>>
    %dma_wait3A_140 = arith.constant 0 : i32
    %dma_wait3A_141 = arith.constant 0 : i32
    %dma_wait3A_142 = tpu.memref_slice %arg18[%dma_wait3A_140, %dma_wait3A_141] : memref<10240x64xbf16, #tpu.memory_space<vmem_shared>> -> memref<10240x64xbf16, #tpu.memory_space<vmem_shared>>
    tpu.wait_indirect_dma semaphore(%arg26 : memref<!tpu.dma_semaphore, #tpu.memory_space<semaphore_mem>>) src(%dma_wait3A_142 : memref<10240x64xbf16, #tpu.memory_space<vmem_shared>>) dst(%arg14 : memref<128x64xbf16, #tpu.memory_space<vmem>>)
    %run_scoped3A_143 = arith.constant 156 : i32
    "tpu.region"() ({
      %run_scoped3A_173 = tpu.sem_alloc : memref<!tpu.dma_semaphore, #tpu.memory_space<semaphore_mem>>
      %dma_start3A_174 = arith.constant 0 : i32
      %dma_start3A_175 = tpu.memref_slice %arg7[%run_scoped3A_143, %dma_start3A_174] : memref<160x128xi32, #tpu.memory_space<vmem>> -> memref<1x128xi32, #tpu.memory_space<vmem>>
      %dma_start3A_176 = tpu.memref_squeeze %dma_start3A_175 : memref<1x128xi32, #tpu.memory_space<vmem>> -> memref<128xi32, #tpu.memory_space<vmem>>
      %dma_start3A_177 = arith.constant 0 : i32
      %dma_start3A_178 = arith.constant 0 : i32
      %dma_start3A_179 = tpu.memref_slice %arg19[%dma_start3A_177, %dma_start3A_178] : memref<10240x64xbf16, #tpu.memory_space<vmem_shared>> -> memref<10240x64xbf16, #tpu.memory_space<vmem_shared>>
      tpu.enqueue_indirect_dma source(%arg14 : memref<128x64xbf16, #tpu.memory_space<vmem>>) target(%dma_start3A_179 : memref<10240x64xbf16, #tpu.memory_space<vmem_shared>>) offsets(%dma_start3A_176 : memref<128xi32, #tpu.memory_space<vmem>>) semaphore(%run_scoped3A_173 : memref<!tpu.dma_semaphore, #tpu.memory_space<semaphore_mem>>) {add = true}
      %dma_wait3A_180 = arith.constant 0 : i32
      %dma_wait3A_181 = tpu.memref_slice %arg7[%run_scoped3A_143, %dma_wait3A_180] : memref<160x128xi32, #tpu.memory_space<vmem>> -> memref<1x128xi32, #tpu.memory_space<vmem>>
      %dma_wait3A_182 = tpu.memref_squeeze %dma_wait3A_181 : memref<1x128xi32, #tpu.memory_space<vmem>> -> memref<128xi32, #tpu.memory_space<vmem>>
      %dma_wait3A_183 = arith.constant 0 : i32
      %dma_wait3A_184 = arith.constant 0 : i32
      %dma_wait3A_185 = tpu.memref_slice %arg19[%dma_wait3A_183, %dma_wait3A_184] : memref<10240x64xbf16, #tpu.memory_space<vmem_shared>> -> memref<10240x64xbf16, #tpu.memory_space<vmem_shared>>
      tpu.wait_indirect_dma semaphore(%run_scoped3A_173 : memref<!tpu.dma_semaphore, #tpu.memory_space<semaphore_mem>>) src(%arg14 : memref<128x64xbf16, #tpu.memory_space<vmem>>) dst(%dma_wait3A_185 : memref<10240x64xbf16, #tpu.memory_space<vmem_shared>>)
      tpu.yield
    }) : () -> ()
    %dma_wait3A_144 = arith.constant 157 : i32
    %dma_wait3A_145 = arith.constant 0 : i32
    %dma_wait3A_146 = tpu.memref_slice %arg6[%dma_wait3A_144, %dma_wait3A_145] : memref<160x128xi32, #tpu.memory_space<vmem>> -> memref<1x128xi32, #tpu.memory_space<vmem>>
    %dma_wait3A_147 = tpu.memref_squeeze %dma_wait3A_146 : memref<1x128xi32, #tpu.memory_space<vmem>> -> memref<128xi32, #tpu.memory_space<vmem>>
    %dma_wait3A_148 = arith.constant 0 : i32
    %dma_wait3A_149 = arith.constant 0 : i32
    %dma_wait3A_150 = tpu.memref_slice %arg18[%dma_wait3A_148, %dma_wait3A_149] : memref<10240x64xbf16, #tpu.memory_space<vmem_shared>> -> memref<10240x64xbf16, #tpu.memory_space<vmem_shared>>
    tpu.wait_indirect_dma semaphore(%arg27 : memref<!tpu.dma_semaphore, #tpu.memory_space<semaphore_mem>>) src(%dma_wait3A_150 : memref<10240x64xbf16, #tpu.memory_space<vmem_shared>>) dst(%arg15 : memref<128x64xbf16, #tpu.memory_space<vmem>>)
    %run_scoped3A_151 = arith.constant 157 : i32
    "tpu.region"() ({
      %run_scoped3A_173 = tpu.sem_alloc : memref<!tpu.dma_semaphore, #tpu.memory_space<semaphore_mem>>
      %dma_start3A_174 = arith.constant 0 : i32
      %dma_start3A_175 = tpu.memref_slice %arg7[%run_scoped3A_151, %dma_start3A_174] : memref<160x128xi32, #tpu.memory_space<vmem>> -> memref<1x128xi32, #tpu.memory_space<vmem>>
      %dma_start3A_176 = tpu.memref_squeeze %dma_start3A_175 : memref<1x128xi32, #tpu.memory_space<vmem>> -> memref<128xi32, #tpu.memory_space<vmem>>
      %dma_start3A_177 = arith.constant 0 : i32
      %dma_start3A_178 = arith.constant 0 : i32
      %dma_start3A_179 = tpu.memref_slice %arg19[%dma_start3A_177, %dma_start3A_178] : memref<10240x64xbf16, #tpu.memory_space<vmem_shared>> -> memref<10240x64xbf16, #tpu.memory_space<vmem_shared>>
      tpu.enqueue_indirect_dma source(%arg15 : memref<128x64xbf16, #tpu.memory_space<vmem>>) target(%dma_start3A_179 : memref<10240x64xbf16, #tpu.memory_space<vmem_shared>>) offsets(%dma_start3A_176 : memref<128xi32, #tpu.memory_space<vmem>>) semaphore(%run_scoped3A_173 : memref<!tpu.dma_semaphore, #tpu.memory_space<semaphore_mem>>) {add = true}
      %dma_wait3A_180 = arith.constant 0 : i32
      %dma_wait3A_181 = tpu.memref_slice %arg7[%run_scoped3A_151, %dma_wait3A_180] : memref<160x128xi32, #tpu.memory_space<vmem>> -> memref<1x128xi32, #tpu.memory_space<vmem>>
      %dma_wait3A_182 = tpu.memref_squeeze %dma_wait3A_181 : memref<1x128xi32, #tpu.memory_space<vmem>> -> memref<128xi32, #tpu.memory_space<vmem>>
      %dma_wait3A_183 = arith.constant 0 : i32
      %dma_wait3A_184 = arith.constant 0 : i32
      %dma_wait3A_185 = tpu.memref_slice %arg19[%dma_wait3A_183, %dma_wait3A_184] : memref<10240x64xbf16, #tpu.memory_space<vmem_shared>> -> memref<10240x64xbf16, #tpu.memory_space<vmem_shared>>
      tpu.wait_indirect_dma semaphore(%run_scoped3A_173 : memref<!tpu.dma_semaphore, #tpu.memory_space<semaphore_mem>>) src(%arg15 : memref<128x64xbf16, #tpu.memory_space<vmem>>) dst(%dma_wait3A_185 : memref<10240x64xbf16, #tpu.memory_space<vmem_shared>>)
      tpu.yield
    }) : () -> ()
    %dma_wait3A_152 = arith.constant 158 : i32
    %dma_wait3A_153 = arith.constant 0 : i32
    %dma_wait3A_154 = tpu.memref_slice %arg6[%dma_wait3A_152, %dma_wait3A_153] : memref<160x128xi32, #tpu.memory_space<vmem>> -> memref<1x128xi32, #tpu.memory_space<vmem>>
    %dma_wait3A_155 = tpu.memref_squeeze %dma_wait3A_154 : memref<1x128xi32, #tpu.memory_space<vmem>> -> memref<128xi32, #tpu.memory_space<vmem>>
    %dma_wait3A_156 = arith.constant 0 : i32
    %dma_wait3A_157 = arith.constant 0 : i32
    %dma_wait3A_158 = tpu.memref_slice %arg18[%dma_wait3A_156, %dma_wait3A_157] : memref<10240x64xbf16, #tpu.memory_space<vmem_shared>> -> memref<10240x64xbf16, #tpu.memory_space<vmem_shared>>
    tpu.wait_indirect_dma semaphore(%arg28 : memref<!tpu.dma_semaphore, #tpu.memory_space<semaphore_mem>>) src(%dma_wait3A_158 : memref<10240x64xbf16, #tpu.memory_space<vmem_shared>>) dst(%arg16 : memref<128x64xbf16, #tpu.memory_space<vmem>>)
    %run_scoped3A_159 = arith.constant 158 : i32
    "tpu.region"() ({
      %run_scoped3A_173 = tpu.sem_alloc : memref<!tpu.dma_semaphore, #tpu.memory_space<semaphore_mem>>
      %dma_start3A_174 = arith.constant 0 : i32
      %dma_start3A_175 = tpu.memref_slice %arg7[%run_scoped3A_159, %dma_start3A_174] : memref<160x128xi32, #tpu.memory_space<vmem>> -> memref<1x128xi32, #tpu.memory_space<vmem>>
      %dma_start3A_176 = tpu.memref_squeeze %dma_start3A_175 : memref<1x128xi32, #tpu.memory_space<vmem>> -> memref<128xi32, #tpu.memory_space<vmem>>
      %dma_start3A_177 = arith.constant 0 : i32
      %dma_start3A_178 = arith.constant 0 : i32
      %dma_start3A_179 = tpu.memref_slice %arg19[%dma_start3A_177, %dma_start3A_178] : memref<10240x64xbf16, #tpu.memory_space<vmem_shared>> -> memref<10240x64xbf16, #tpu.memory_space<vmem_shared>>
      tpu.enqueue_indirect_dma source(%arg16 : memref<128x64xbf16, #tpu.memory_space<vmem>>) target(%dma_start3A_179 : memref<10240x64xbf16, #tpu.memory_space<vmem_shared>>) offsets(%dma_start3A_176 : memref<128xi32, #tpu.memory_space<vmem>>) semaphore(%run_scoped3A_173 : memref<!tpu.dma_semaphore, #tpu.memory_space<semaphore_mem>>) {add = true}
      %dma_wait3A_180 = arith.constant 0 : i32
      %dma_wait3A_181 = tpu.memref_slice %arg7[%run_scoped3A_159, %dma_wait3A_180] : memref<160x128xi32, #tpu.memory_space<vmem>> -> memref<1x128xi32, #tpu.memory_space<vmem>>
      %dma_wait3A_182 = tpu.memref_squeeze %dma_wait3A_181 : memref<1x128xi32, #tpu.memory_space<vmem>> -> memref<128xi32, #tpu.memory_space<vmem>>
      %dma_wait3A_183 = arith.constant 0 : i32
      %dma_wait3A_184 = arith.constant 0 : i32
      %dma_wait3A_185 = tpu.memref_slice %arg19[%dma_wait3A_183, %dma_wait3A_184] : memref<10240x64xbf16, #tpu.memory_space<vmem_shared>> -> memref<10240x64xbf16, #tpu.memory_space<vmem_shared>>
      tpu.wait_indirect_dma semaphore(%run_scoped3A_173 : memref<!tpu.dma_semaphore, #tpu.memory_space<semaphore_mem>>) src(%arg16 : memref<128x64xbf16, #tpu.memory_space<vmem>>) dst(%dma_wait3A_185 : memref<10240x64xbf16, #tpu.memory_space<vmem_shared>>)
      tpu.yield
    }) : () -> ()
    %dma_wait3A_160 = arith.constant 159 : i32
    %dma_wait3A_161 = arith.constant 0 : i32
    %dma_wait3A_162 = tpu.memref_slice %arg6[%dma_wait3A_160, %dma_wait3A_161] : memref<160x128xi32, #tpu.memory_space<vmem>> -> memref<1x128xi32, #tpu.memory_space<vmem>>
    %dma_wait3A_163 = tpu.memref_squeeze %dma_wait3A_162 : memref<1x128xi32, #tpu.memory_space<vmem>> -> memref<128xi32, #tpu.memory_space<vmem>>
    %dma_wait3A_164 = arith.constant 0 : i32
    %dma_wait3A_165 = arith.constant 0 : i32
    %dma_wait3A_166 = tpu.memref_slice %arg18[%dma_wait3A_164, %dma_wait3A_165] : memref<10240x64xbf16, #tpu.memory_space<vmem_shared>> -> memref<10240x64xbf16, #tpu.memory_space<vmem_shared>>
    tpu.wait_indirect_dma semaphore(%arg29 : memref<!tpu.dma_semaphore, #tpu.memory_space<semaphore_mem>>) src(%dma_wait3A_166 : memref<10240x64xbf16, #tpu.memory_space<vmem_shared>>) dst(%arg17 : memref<128x64xbf16, #tpu.memory_space<vmem>>)
    %run_scoped3A_167 = arith.constant 159 : i32
    "tpu.region"() ({
      %run_scoped3A_173 = tpu.sem_alloc : memref<!tpu.dma_semaphore, #tpu.memory_space<semaphore_mem>>
      %dma_start3A_174 = arith.constant 0 : i32
      %dma_start3A_175 = tpu.memref_slice %arg7[%run_scoped3A_167, %dma_start3A_174] : memref<160x128xi32, #tpu.memory_space<vmem>> -> memref<1x128xi32, #tpu.memory_space<vmem>>
      %dma_start3A_176 = tpu.memref_squeeze %dma_start3A_175 : memref<1x128xi32, #tpu.memory_space<vmem>> -> memref<128xi32, #tpu.memory_space<vmem>>
      %dma_start3A_177 = arith.constant 0 : i32
      %dma_start3A_178 = arith.constant 0 : i32
      %dma_start3A_179 = tpu.memref_slice %arg19[%dma_start3A_177, %dma_start3A_178] : memref<10240x64xbf16, #tpu.memory_space<vmem_shared>> -> memref<10240x64xbf16, #tpu.memory_space<vmem_shared>>
      tpu.enqueue_indirect_dma source(%arg17 : memref<128x64xbf16, #tpu.memory_space<vmem>>) target(%dma_start3A_179 : memref<10240x64xbf16, #tpu.memory_space<vmem_shared>>) offsets(%dma_start3A_176 : memref<128xi32, #tpu.memory_space<vmem>>) semaphore(%run_scoped3A_173 : memref<!tpu.dma_semaphore, #tpu.memory_space<semaphore_mem>>) {add = true}
      %dma_wait3A_180 = arith.constant 0 : i32
      %dma_wait3A_181 = tpu.memref_slice %arg7[%run_scoped3A_167, %dma_wait3A_180] : memref<160x128xi32, #tpu.memory_space<vmem>> -> memref<1x128xi32, #tpu.memory_space<vmem>>
      %dma_wait3A_182 = tpu.memref_squeeze %dma_wait3A_181 : memref<1x128xi32, #tpu.memory_space<vmem>> -> memref<128xi32, #tpu.memory_space<vmem>>
      %dma_wait3A_183 = arith.constant 0 : i32
      %dma_wait3A_184 = arith.constant 0 : i32
      %dma_wait3A_185 = tpu.memref_slice %arg19[%dma_wait3A_183, %dma_wait3A_184] : memref<10240x64xbf16, #tpu.memory_space<vmem_shared>> -> memref<10240x64xbf16, #tpu.memory_space<vmem_shared>>
      tpu.wait_indirect_dma semaphore(%run_scoped3A_173 : memref<!tpu.dma_semaphore, #tpu.memory_space<semaphore_mem>>) src(%arg17 : memref<128x64xbf16, #tpu.memory_space<vmem>>) dst(%dma_wait3A_185 : memref<10240x64xbf16, #tpu.memory_space<vmem_shared>>)
      tpu.yield
    }) : () -> ()
    %barrier3A_168 = arith.constant 0 : index
    tpu.barrier barrier_id(%barrier3A_168)
    %mul3A_169 = arith.constant 640 : i32
    %mul3A_170 = arith.muli %arg1, %mul3A_169 : i32
    %mul3A_171 = arith.constant 640 : i32
    %mul3A_172 = arith.muli %arg1, %mul3A_171 : i32
    "tpu.region"() ({
      %run_scoped3A_173 = tpu.sem_alloc : memref<!tpu.dma_semaphore, #tpu.memory_space<semaphore_mem>>
      %dma_start3A_174 = arith.constant 0 : i32
      %dma_start3A_175 = tpu.memref_slice %arg5[%arg0, %mul3A_172, %dma_start3A_174] : memref<2x10240x64xbf16, #tpu.memory_space<hbm>> -> memref<1x640x64xbf16, #tpu.memory_space<hbm>>
      %dma_start3A_176 = tpu.memref_squeeze %dma_start3A_175 : memref<1x640x64xbf16, #tpu.memory_space<hbm>> -> memref<640x64xbf16, #tpu.memory_space<hbm>>
      %dma_start3A_177 = arith.constant 0 : i32
      %dma_start3A_178 = tpu.memref_slice %arg19[%mul3A_170, %dma_start3A_177] : memref<10240x64xbf16, #tpu.memory_space<vmem_shared>> -> memref<640x64xbf16, #tpu.memory_space<vmem_shared>>
      tpu.enqueue_dma source(%dma_start3A_178 : memref<640x64xbf16, #tpu.memory_space<vmem_shared>>) target(%dma_start3A_176 : memref<640x64xbf16, #tpu.memory_space<hbm>>) target_semaphore(%run_scoped3A_173 : memref<!tpu.dma_semaphore, #tpu.memory_space<semaphore_mem>>)
      %dma_wait3A_179 = arith.constant 0 : i32
      %dma_wait3A_180 = tpu.memref_slice %arg5[%arg0, %mul3A_172, %dma_wait3A_179] : memref<2x10240x64xbf16, #tpu.memory_space<hbm>> -> memref<1x640x64xbf16, #tpu.memory_space<hbm>>
      %dma_wait3A_181 = tpu.memref_squeeze %dma_wait3A_180 : memref<1x640x64xbf16, #tpu.memory_space<hbm>> -> memref<640x64xbf16, #tpu.memory_space<hbm>>
      %dma_wait3A_182 = arith.constant 0 : i32
      %dma_wait3A_183 = tpu.memref_slice %arg19[%mul3A_170, %dma_wait3A_182] : memref<10240x64xbf16, #tpu.memory_space<vmem_shared>> -> memref<640x64xbf16, #tpu.memory_space<vmem_shared>>
      tpu.wait_dma2 semaphore(%run_scoped3A_173 : memref<!tpu.dma_semaphore, #tpu.memory_space<semaphore_mem>>) src(%dma_wait3A_183 : memref<640x64xbf16, #tpu.memory_space<vmem_shared>>) dst(%dma_wait3A_181 : memref<640x64xbf16, #tpu.memory_space<hbm>>)
      tpu.yield
    }) : () -> ()
    return
  }
}

#map = affine_map<(d0, d1) -> (0)>
#map1 = affine_map<(d0, d1) -> (0, 0)>
module attributes {stable_mosaic.version = 14 : i64} {
  func.func @_deg_kernel(%arg0: i32, %arg1: i32, %arg2: memref<320000xi32, #tpu.memory_space<hbm>>, %arg3: memref<10000xf32, #tpu.memory_space<hbm>>, %arg4: memref<10240xf32, #tpu.memory_space<hbm>>, %arg5: memref<2x10240xf32, #tpu.memory_space<hbm>>, %arg6: memref<10000xi32, #tpu.memory_space<vmem>>, %arg7: memref<10000xf32, #tpu.memory_space<vmem>>, %arg8: memref<10240xf32, #tpu.memory_space<vmem_shared>>) attributes {dimension_semantics = [#tpu.dimension_semantics<core_parallel>, #tpu.dimension_semantics<subcore_parallel>], iteration_bounds = array<i64: 2, 16>, scalar_prefetch = 0 : i64, scratch_operands = 3 : i64, tpu.core_type = #tpu.core_type<sc_vector_subcore>, window_params = [{transform_indices = #map}, {transform_indices = #map}, {transform_indices = #map}, {transform_indices = #map1}]} {
    %mul3A = arith.constant 2 : i32
    %mul3A_0 = arith.muli %arg1, %mul3A : i32
    %add3A = arith.addi %mul3A_0, %arg0 : i32
    %mul3A_1 = arith.constant 640 : i32
    %mul3A_2 = arith.muli %arg1, %mul3A_1 : i32
    %mul3A_3 = arith.constant 640 : i32
    %mul3A_4 = arith.muli %arg1, %mul3A_3 : i32
    "tpu.region"() ({
      %run_scoped3A = tpu.sem_alloc : memref<!tpu.dma_semaphore, #tpu.memory_space<semaphore_mem>>
      %dma_start3A = tpu.memref_slice %arg8[%mul3A_4] : memref<10240xf32, #tpu.memory_space<vmem_shared>> -> memref<640xf32, #tpu.memory_space<vmem_shared>>
      %dma_start3A_12 = tpu.memref_slice %arg4[%mul3A_2] : memref<10240xf32, #tpu.memory_space<hbm>> -> memref<640xf32, #tpu.memory_space<hbm>>
      tpu.enqueue_dma source(%dma_start3A_12 : memref<640xf32, #tpu.memory_space<hbm>>) target(%dma_start3A : memref<640xf32, #tpu.memory_space<vmem_shared>>) target_semaphore(%run_scoped3A : memref<!tpu.dma_semaphore, #tpu.memory_space<semaphore_mem>>)
      %dma_wait3A = tpu.memref_slice %arg8[%mul3A_4] : memref<10240xf32, #tpu.memory_space<vmem_shared>> -> memref<640xf32, #tpu.memory_space<vmem_shared>>
      %dma_wait3A_13 = tpu.memref_slice %arg4[%mul3A_2] : memref<10240xf32, #tpu.memory_space<hbm>> -> memref<640xf32, #tpu.memory_space<hbm>>
      tpu.wait_dma2 semaphore(%run_scoped3A : memref<!tpu.dma_semaphore, #tpu.memory_space<semaphore_mem>>) src(%dma_wait3A_13 : memref<640xf32, #tpu.memory_space<hbm>>) dst(%dma_wait3A : memref<640xf32, #tpu.memory_space<vmem_shared>>)
      tpu.yield
    }) : () -> ()
    %mul3A_5 = arith.constant 10000 : i32
    %mul3A_6 = arith.muli %add3A, %mul3A_5 : i32
    "tpu.region"() ({
      %run_scoped3A = tpu.sem_alloc : memref<!tpu.dma_semaphore, #tpu.memory_space<semaphore_mem>>
      %dma_start3A = tpu.memref_slice %arg2[%mul3A_6] : memref<320000xi32, #tpu.memory_space<hbm>> -> memref<10000xi32, #tpu.memory_space<hbm>>
      %dma_start3A_12 = tpu.memref_slice %arg2[%mul3A_6] : memref<320000xi32, #tpu.memory_space<hbm>> -> memref<10000xi32, #tpu.memory_space<hbm>>
      tpu.enqueue_dma source(%dma_start3A_12 : memref<10000xi32, #tpu.memory_space<hbm>>) target(%arg6 : memref<10000xi32, #tpu.memory_space<vmem>>) target_semaphore(%run_scoped3A : memref<!tpu.dma_semaphore, #tpu.memory_space<semaphore_mem>>)
      %dma_wait3A = tpu.memref_slice %arg2[%mul3A_6] : memref<320000xi32, #tpu.memory_space<hbm>> -> memref<10000xi32, #tpu.memory_space<hbm>>
      %dma_wait3A_13 = tpu.memref_slice %arg2[%mul3A_6] : memref<320000xi32, #tpu.memory_space<hbm>> -> memref<10000xi32, #tpu.memory_space<hbm>>
      tpu.wait_dma2 semaphore(%run_scoped3A : memref<!tpu.dma_semaphore, #tpu.memory_space<semaphore_mem>>) src(%dma_wait3A_13 : memref<10000xi32, #tpu.memory_space<hbm>>) dst(%arg6 : memref<10000xi32, #tpu.memory_space<vmem>>)
      tpu.yield
    }) : () -> ()
    "tpu.region"() ({
      %run_scoped3A = tpu.sem_alloc : memref<!tpu.dma_semaphore, #tpu.memory_space<semaphore_mem>>
      tpu.enqueue_dma source(%arg3 : memref<10000xf32, #tpu.memory_space<hbm>>) target(%arg7 : memref<10000xf32, #tpu.memory_space<vmem>>) target_semaphore(%run_scoped3A : memref<!tpu.dma_semaphore, #tpu.memory_space<semaphore_mem>>)
      tpu.wait_dma2 semaphore(%run_scoped3A : memref<!tpu.dma_semaphore, #tpu.memory_space<semaphore_mem>>) src(%arg3 : memref<10000xf32, #tpu.memory_space<hbm>>) dst(%arg7 : memref<10000xf32, #tpu.memory_space<vmem>>)
      tpu.yield
    }) : () -> ()
    %barrier3A = arith.constant 0 : index
    tpu.barrier barrier_id(%barrier3A)
    "tpu.region"() ({
      %run_scoped3A = tpu.sem_alloc : memref<!tpu.dma_semaphore, #tpu.memory_space<semaphore_mem>>
      %dma_start3A = arith.constant 0 : i32
      %dma_start3A_12 = tpu.memref_slice %arg8[%dma_start3A] : memref<10240xf32, #tpu.memory_space<vmem_shared>> -> memref<10240xf32, #tpu.memory_space<vmem_shared>>
      tpu.enqueue_indirect_dma source(%arg7 : memref<10000xf32, #tpu.memory_space<vmem>>) target(%dma_start3A_12 : memref<10240xf32, #tpu.memory_space<vmem_shared>>) offsets(%arg6 : memref<10000xi32, #tpu.memory_space<vmem>>) semaphore(%run_scoped3A : memref<!tpu.dma_semaphore, #tpu.memory_space<semaphore_mem>>) {add = true}
      %dma_wait3A = arith.constant 0 : i32
      %dma_wait3A_13 = tpu.memref_slice %arg8[%dma_wait3A] : memref<10240xf32, #tpu.memory_space<vmem_shared>> -> memref<10240xf32, #tpu.memory_space<vmem_shared>>
      tpu.wait_indirect_dma semaphore(%run_scoped3A : memref<!tpu.dma_semaphore, #tpu.memory_space<semaphore_mem>>) src(%arg7 : memref<10000xf32, #tpu.memory_space<vmem>>) dst(%dma_wait3A_13 : memref<10240xf32, #tpu.memory_space<vmem_shared>>)
      tpu.yield
    }) : () -> ()
    %barrier3A_7 = arith.constant 0 : index
    tpu.barrier barrier_id(%barrier3A_7)
    %mul3A_8 = arith.constant 640 : i32
    %mul3A_9 = arith.muli %arg1, %mul3A_8 : i32
    %mul3A_10 = arith.constant 640 : i32
    %mul3A_11 = arith.muli %arg1, %mul3A_10 : i32
    "tpu.region"() ({
      %run_scoped3A = tpu.sem_alloc : memref<!tpu.dma_semaphore, #tpu.memory_space<semaphore_mem>>
      %dma_start3A = tpu.memref_slice %arg5[%arg0, %mul3A_11] : memref<2x10240xf32, #tpu.memory_space<hbm>> -> memref<1x640xf32, #tpu.memory_space<hbm>>
      %dma_start3A_12 = tpu.memref_squeeze %dma_start3A : memref<1x640xf32, #tpu.memory_space<hbm>> -> memref<640xf32, #tpu.memory_space<hbm>>
      %dma_start3A_13 = tpu.memref_slice %arg8[%mul3A_9] : memref<10240xf32, #tpu.memory_space<vmem_shared>> -> memref<640xf32, #tpu.memory_space<vmem_shared>>
      tpu.enqueue_dma source(%dma_start3A_13 : memref<640xf32, #tpu.memory_space<vmem_shared>>) target(%dma_start3A_12 : memref<640xf32, #tpu.memory_space<hbm>>) target_semaphore(%run_scoped3A : memref<!tpu.dma_semaphore, #tpu.memory_space<semaphore_mem>>)
      %dma_wait3A = tpu.memref_slice %arg5[%arg0, %mul3A_11] : memref<2x10240xf32, #tpu.memory_space<hbm>> -> memref<1x640xf32, #tpu.memory_space<hbm>>
      %dma_wait3A_14 = tpu.memref_squeeze %dma_wait3A : memref<1x640xf32, #tpu.memory_space<hbm>> -> memref<640xf32, #tpu.memory_space<hbm>>
      %dma_wait3A_15 = tpu.memref_slice %arg8[%mul3A_9] : memref<10240xf32, #tpu.memory_space<vmem_shared>> -> memref<640xf32, #tpu.memory_space<vmem_shared>>
      tpu.wait_dma2 semaphore(%run_scoped3A : memref<!tpu.dma_semaphore, #tpu.memory_space<semaphore_mem>>) src(%dma_wait3A_15 : memref<640xf32, #tpu.memory_space<vmem_shared>>) dst(%dma_wait3A_14 : memref<640xf32, #tpu.memory_space<hbm>>)
      tpu.yield
    }) : () -> ()
    return
  }
}

module attributes {stable_mosaic.version = 14 : i64} {
  func.func @_y1_body(%arg0: i32, %arg1: memref<2x1024xf32, #tpu.memory_space<vmem>>, %arg2: memref<1024x128xf32, #tpu.memory_space<vmem>>, %arg3: memref<128x128xf32, #tpu.memory_space<vmem>>, %arg4: memref<2x1024x64xbf16, #tpu.memory_space<vmem>>) attributes {dimension_semantics = [#tpu.dimension_semantics<arbitrary>], iteration_bounds = array<i64: 10>, scalar_prefetch = 0 : i64, scratch_operands = 0 : i64, tpu.core_type = #tpu.core_type<tc>, window_params = [{transform_indices = @transform_0, window_bounds = array<i64: 2, 1024>}, {transform_indices = @transform_1, window_bounds = array<i64: 1024, 128>}, {pipeline_mode = #tpu.pipeline_mode<synchronous>, transform_indices = @transform_2, window_bounds = array<i64: 128, 128>}, {transform_indices = @transform_3, window_bounds = array<i64: 2, 1024, 64>}]} {
    %get3A = arith.constant 0 : index
    %get3A_0 = arith.constant 0 : index
    %get3A_1 = vector.load %arg1[%get3A, %get3A_0] : memref<2x1024xf32, #tpu.memory_space<vmem>>, vector<1x1024xf32>
    %get3A_2 = vector.shape_cast %get3A_1 : vector<1x1024xf32> to vector<1024xf32>
    %get3A_3 = arith.constant 1 : index
    %get3A_4 = arith.constant 0 : index
    %get3A_5 = vector.load %arg1[%get3A_3, %get3A_4] : memref<2x1024xf32, #tpu.memory_space<vmem>>, vector<1x1024xf32>
    %get3A_6 = vector.shape_cast %get3A_5 : vector<1x1024xf32> to vector<1024xf32>
    %add3A = arith.addf %get3A_2, %get3A_6 : vector<1024xf32>
    %add3A_7 = arith.constant 1.000000e+00 : f32
    %add3A_8 = vector.broadcast %add3A_7 : f32 to vector<1024xf32>
    %add3A_9 = arith.addf %add3A, %add3A_8 : vector<1024xf32>
    %rsqrt3A = math.rsqrt %add3A_9 : vector<1024xf32>
    %get3A_10 = arith.constant 0 : index
    %get3A_11 = arith.constant 0 : index
    %get3A_12 = vector.load %arg2[%get3A_10, %get3A_11] : memref<1024x128xf32, #tpu.memory_space<vmem>>, vector<1024x128xf32>
    %get3A_13 = arith.constant 0 : index
    %get3A_14 = arith.constant 0 : index
    %get3A_15 = vector.load %arg3[%get3A_13, %get3A_14] : memref<128x128xf32, #tpu.memory_space<vmem>>, vector<128x128xf32>
    %dot_general3A = arith.constant dense<0.000000e+00> : vector<1024x128xf32>
    %dot_general3A_16 = tpu.matmul %get3A_12, %get3A_15, %dot_general3A {dimension_numbers = #tpu.dot_dimension_numbers<[1], [0], [0], [1], [0, 0, 1, 1], [], []>, transpose_lhs_hint = false} : vector<1024x128xf32>, vector<128x128xf32>, vector<1024x128xf32> -> vector<1024x128xf32>
    %broadcast_in_dim3A = vector.shape_cast %rsqrt3A : vector<1024xf32> to vector<1024x1xf32>
    %mul3A = vector.broadcast %broadcast_in_dim3A : vector<1024x1xf32> to vector<1024x128xf32>
    %mul3A_17 = arith.mulf %dot_general3A_16, %mul3A : vector<1024x128xf32>
    %slice3A = vector.extract_strided_slice %mul3A_17 {offsets = [0, 0], sizes = [1024, 64], strides = [1, 1]} : vector<1024x128xf32> to vector<1024x64xf32>
    %slice3A_18 = vector.extract_strided_slice %mul3A_17 {offsets = [0, 64], sizes = [1024, 64], strides = [1, 1]} : vector<1024x128xf32> to vector<1024x64xf32>
    %stack3A = vector.shape_cast %slice3A : vector<1024x64xf32> to vector<1x1024x64xf32>
    %stack3A_19 = vector.shape_cast %slice3A_18 : vector<1024x64xf32> to vector<1x1024x64xf32>
    %stack3A_20 = tpu.concatenate %stack3A, %stack3A_19 in 0 : vector<1x1024x64xf32>, vector<1x1024x64xf32> -> vector<2x1024x64xf32>
    %convert_element_type3A = arith.truncf %stack3A_20 : vector<2x1024x64xf32> to vector<2x1024x64xbf16>
    %swap3A = arith.constant 0 : index
    %swap3A_21 = arith.constant 0 : index
    %swap3A_22 = arith.constant 0 : index
    %swap3A_23 = vector.load %arg4[%swap3A, %swap3A_21, %swap3A_22] : memref<2x1024x64xbf16, #tpu.memory_space<vmem>>, vector<2x1024x64xbf16>
    tpu.vector_store %arg4[%swap3A, %swap3A_21, %swap3A_22], %convert_element_type3A {strides = array<i32>} : memref<2x1024x64xbf16, #tpu.memory_space<vmem>>, vector<2x1024x64xbf16>,
    return
  }
  func.func @transform_0(%arg0: i32) -> (i32, i32) {
    %c0_i32 = arith.constant 0 : i32
    %c0_i32_0 = arith.constant 0 : i32
    return %c0_i32, %arg0 : i32, i32
  }
  func.func @transform_1(%arg0: i32) -> (i32, i32) {
    %c0_i32 = arith.constant 0 : i32
    %c0_i32_0 = arith.constant 0 : i32
    return %arg0, %c0_i32 : i32, i32
  }
  func.func @transform_2(%arg0: i32) -> (i32, i32) {
    %c0_i32 = arith.constant 0 : i32
    %c0_i32_0 = arith.constant 0 : i32
    %c0_i32_1 = arith.constant 0 : i32
    return %c0_i32, %c0_i32_0 : i32, i32
  }
  func.func @transform_3(%arg0: i32) -> (i32, i32, i32) {
    %c0_i32 = arith.constant 0 : i32
    %c0_i32_0 = arith.constant 0 : i32
    %c0_i32_1 = arith.constant 0 : i32
    return %c0_i32, %arg0, %c0_i32_0 : i32, i32, i32
  }
}

module attributes {stable_mosaic.version = 14 : i64} {
  func.func @_y2_body(%arg0: i32, %arg1: memref<2x1024xf32, #tpu.memory_space<vmem>>, %arg2: memref<2x1024x64xbf16, #tpu.memory_space<vmem>>, %arg3: memref<2x1024x64xbf16, #tpu.memory_space<vmem>>, %arg4: memref<1x128xf32, #tpu.memory_space<vmem>>, %arg5: memref<128x128xf32, #tpu.memory_space<vmem>>, %arg6: memref<2x1024x64xbf16, #tpu.memory_space<vmem>>) attributes {dimension_semantics = [#tpu.dimension_semantics<arbitrary>], iteration_bounds = array<i64: 10>, scalar_prefetch = 0 : i64, scratch_operands = 0 : i64, tpu.core_type = #tpu.core_type<tc>, window_params = [{transform_indices = @transform_0, window_bounds = array<i64: 2, 1024>}, {transform_indices = @transform_1, window_bounds = array<i64: 2, 1024, 64>}, {transform_indices = @transform_2, window_bounds = array<i64: 2, 1024, 64>}, {pipeline_mode = #tpu.pipeline_mode<synchronous>, transform_indices = @transform_3, window_bounds = array<i64: 1, 128>}, {pipeline_mode = #tpu.pipeline_mode<synchronous>, transform_indices = @transform_4, window_bounds = array<i64: 128, 128>}, {transform_indices = @transform_5, window_bounds = array<i64: 2, 1024, 64>}]} {
    %get3A = arith.constant 0 : index
    %get3A_0 = arith.constant 0 : index
    %get3A_1 = vector.load %arg1[%get3A, %get3A_0] : memref<2x1024xf32, #tpu.memory_space<vmem>>, vector<1x1024xf32>
    %get3A_2 = vector.shape_cast %get3A_1 : vector<1x1024xf32> to vector<1024xf32>
    %get3A_3 = arith.constant 1 : index
    %get3A_4 = arith.constant 0 : index
    %get3A_5 = vector.load %arg1[%get3A_3, %get3A_4] : memref<2x1024xf32, #tpu.memory_space<vmem>>, vector<1x1024xf32>
    %get3A_6 = vector.shape_cast %get3A_5 : vector<1x1024xf32> to vector<1024xf32>
    %add3A = arith.addf %get3A_2, %get3A_6 : vector<1024xf32>
    %add3A_7 = arith.constant 1.000000e+00 : f32
    %add3A_8 = vector.broadcast %add3A_7 : f32 to vector<1024xf32>
    %add3A_9 = arith.addf %add3A, %add3A_8 : vector<1024xf32>
    %rsqrt3A = math.rsqrt %add3A_9 : vector<1024xf32>
    %get3A_10 = arith.constant 0 : index
    %get3A_11 = arith.constant 0 : index
    %get3A_12 = arith.constant 0 : index
    %get3A_13 = vector.load %arg2[%get3A_10, %get3A_11, %get3A_12] : memref<2x1024x64xbf16, #tpu.memory_space<vmem>>, vector<1x1024x64xbf16>
    %get3A_14 = vector.shape_cast %get3A_13 : vector<1x1024x64xbf16> to vector<1024x64xbf16>
    %convert_element_type3A = arith.extf %get3A_14 : vector<1024x64xbf16> to vector<1024x64xf32>
    %get3A_15 = arith.constant 0 : index
    %get3A_16 = arith.constant 0 : index
    %get3A_17 = arith.constant 0 : index
    %get3A_18 = vector.load %arg3[%get3A_15, %get3A_16, %get3A_17] : memref<2x1024x64xbf16, #tpu.memory_space<vmem>>, vector<1x1024x64xbf16>
    %get3A_19 = vector.shape_cast %get3A_18 : vector<1x1024x64xbf16> to vector<1024x64xbf16>
    %convert_element_type3A_20 = arith.extf %get3A_19 : vector<1024x64xbf16> to vector<1024x64xf32>
    %add3A_21 = arith.addf %convert_element_type3A, %convert_element_type3A_20 : vector<1024x64xf32>
    %get3A_22 = arith.constant 1 : index
    %get3A_23 = arith.constant 0 : index
    %get3A_24 = arith.constant 0 : index
    %get3A_25 = vector.load %arg2[%get3A_22, %get3A_23, %get3A_24] : memref<2x1024x64xbf16, #tpu.memory_space<vmem>>, vector<1x1024x64xbf16>
    %get3A_26 = vector.shape_cast %get3A_25 : vector<1x1024x64xbf16> to vector<1024x64xbf16>
    %convert_element_type3A_27 = arith.extf %get3A_26 : vector<1024x64xbf16> to vector<1024x64xf32>
    %get3A_28 = arith.constant 1 : index
    %get3A_29 = arith.constant 0 : index
    %get3A_30 = arith.constant 0 : index
    %get3A_31 = vector.load %arg3[%get3A_28, %get3A_29, %get3A_30] : memref<2x1024x64xbf16, #tpu.memory_space<vmem>>, vector<1x1024x64xbf16>
    %get3A_32 = vector.shape_cast %get3A_31 : vector<1x1024x64xbf16> to vector<1024x64xbf16>
    %convert_element_type3A_33 = arith.extf %get3A_32 : vector<1024x64xbf16> to vector<1024x64xf32>
    %add3A_34 = arith.addf %convert_element_type3A_27, %convert_element_type3A_33 : vector<1024x64xf32>
    %concatenate3A = tpu.concatenate %add3A_21, %add3A_34 in 1 : vector<1024x64xf32>, vector<1024x64xf32> -> vector<1024x128xf32>
    %broadcast_in_dim3A = vector.shape_cast %rsqrt3A : vector<1024xf32> to vector<1024x1xf32>
    %mul3A = vector.broadcast %broadcast_in_dim3A : vector<1024x1xf32> to vector<1024x128xf32>
    %mul3A_35 = arith.mulf %concatenate3A, %mul3A : vector<1024x128xf32>
    %get3A_36 = arith.constant 0 : index
    %get3A_37 = arith.constant 0 : index
    %get3A_38 = vector.load %arg4[%get3A_36, %get3A_37] : memref<1x128xf32, #tpu.memory_space<vmem>>, vector<1x128xf32>
    %get3A_39 = vector.shape_cast %get3A_38 : vector<1x128xf32> to vector<128xf32>
    %broadcast_in_dim3A_40 = vector.shape_cast %get3A_39 : vector<128xf32> to vector<1x128xf32>
    %add3A_41 = vector.broadcast %broadcast_in_dim3A_40 : vector<1x128xf32> to vector<1024x128xf32>
    %add3A_42 = arith.addf %mul3A_35, %add3A_41 : vector<1024x128xf32>
    %max3A = arith.constant 0.000000e+00 : f32
    %max3A_43 = vector.broadcast %max3A : f32 to vector<1024x128xf32>
    %max3A_44 = arith.maximumf %add3A_42, %max3A_43 : vector<1024x128xf32>
    %get3A_45 = arith.constant 0 : index
    %get3A_46 = arith.constant 0 : index
    %get3A_47 = vector.load %arg5[%get3A_45, %get3A_46] : memref<128x128xf32, #tpu.memory_space<vmem>>, vector<128x128xf32>
    %dot_general3A = arith.constant dense<0.000000e+00> : vector<1024x128xf32>
    %dot_general3A_48 = tpu.matmul %max3A_44, %get3A_47, %dot_general3A {dimension_numbers = #tpu.dot_dimension_numbers<[1], [0], [0], [1], [0, 0, 1, 1], [], []>, transpose_lhs_hint = false} : vector<1024x128xf32>, vector<128x128xf32>, vector<1024x128xf32> -> vector<1024x128xf32>
    %broadcast_in_dim3A_49 = vector.shape_cast %rsqrt3A : vector<1024xf32> to vector<1024x1xf32>
    %mul3A_50 = vector.broadcast %broadcast_in_dim3A_49 : vector<1024x1xf32> to vector<1024x128xf32>
    %mul3A_51 = arith.mulf %dot_general3A_48, %mul3A_50 : vector<1024x128xf32>
    %slice3A = vector.extract_strided_slice %mul3A_51 {offsets = [0, 0], sizes = [1024, 64], strides = [1, 1]} : vector<1024x128xf32> to vector<1024x64xf32>
    %slice3A_52 = vector.extract_strided_slice %mul3A_51 {offsets = [0, 64], sizes = [1024, 64], strides = [1, 1]} : vector<1024x128xf32> to vector<1024x64xf32>
    %stack3A = vector.shape_cast %slice3A : vector<1024x64xf32> to vector<1x1024x64xf32>
    %stack3A_53 = vector.shape_cast %slice3A_52 : vector<1024x64xf32> to vector<1x1024x64xf32>
    %stack3A_54 = tpu.concatenate %stack3A, %stack3A_53 in 0 : vector<1x1024x64xf32>, vector<1x1024x64xf32> -> vector<2x1024x64xf32>
    %convert_element_type3A_55 = arith.truncf %stack3A_54 : vector<2x1024x64xf32> to vector<2x1024x64xbf16>
    %swap3A = arith.constant 0 : index
    %swap3A_56 = arith.constant 0 : index
    %swap3A_57 = arith.constant 0 : index
    %swap3A_58 = vector.load %arg6[%swap3A, %swap3A_56, %swap3A_57] : memref<2x1024x64xbf16, #tpu.memory_space<vmem>>, vector<2x1024x64xbf16>
    tpu.vector_store %arg6[%swap3A, %swap3A_56, %swap3A_57], %convert_element_type3A_55 {strides = array<i32>} : memref<2x1024x64xbf16, #tpu.memory_space<vmem>>, vector<2x1024x64xbf16>,
    return
  }
  func.func @transform_0(%arg0: i32) -> (i32, i32) {
    %c0_i32 = arith.constant 0 : i32
    %c0_i32_0 = arith.constant 0 : i32
    return %c0_i32, %arg0 : i32, i32
  }
  func.func @transform_1(%arg0: i32) -> (i32, i32, i32) {
    %c0_i32 = arith.constant 0 : i32
    %c0_i32_0 = arith.constant 0 : i32
    %c0_i32_1 = arith.constant 0 : i32
    return %c0_i32, %arg0, %c0_i32_0 : i32, i32, i32
  }
  func.func @transform_2(%arg0: i32) -> (i32, i32, i32) {
    %c0_i32 = arith.constant 0 : i32
    %c0_i32_0 = arith.constant 0 : i32
    %c0_i32_1 = arith.constant 0 : i32
    return %c0_i32, %arg0, %c0_i32_0 : i32, i32, i32
  }
  func.func @transform_3(%arg0: i32) -> (i32, i32) {
    %c0_i32 = arith.constant 0 : i32
    %c0_i32_0 = arith.constant 0 : i32
    %c0_i32_1 = arith.constant 0 : i32
    return %c0_i32, %c0_i32_0 : i32, i32
  }
  func.func @transform_4(%arg0: i32) -> (i32, i32) {
    %c0_i32 = arith.constant 0 : i32
    %c0_i32_0 = arith.constant 0 : i32
    %c0_i32_1 = arith.constant 0 : i32
    return %c0_i32, %c0_i32_0 : i32, i32
  }
  func.func @transform_5(%arg0: i32) -> (i32, i32, i32) {
    %c0_i32 = arith.constant 0 : i32
    %c0_i32_0 = arith.constant 0 : i32
    %c0_i32_1 = arith.constant 0 : i32
    return %c0_i32, %arg0, %c0_i32_0 : i32, i32, i32
  }
}

module attributes {stable_mosaic.version = 14 : i64} {
  func.func @_out_body(%arg0: i32, %arg1: memref<2x1024xf32, #tpu.memory_space<vmem>>, %arg2: memref<2x1024x64xbf16, #tpu.memory_space<vmem>>, %arg3: memref<2x1024x64xbf16, #tpu.memory_space<vmem>>, %arg4: memref<1x128xf32, #tpu.memory_space<vmem>>, %arg5: memref<1024x128xf32, #tpu.memory_space<vmem>>) attributes {dimension_semantics = [#tpu.dimension_semantics<arbitrary>], iteration_bounds = array<i64: 10>, scalar_prefetch = 0 : i64, scratch_operands = 0 : i64, tpu.core_type = #tpu.core_type<tc>, window_params = [{transform_indices = @transform_0, window_bounds = array<i64: 2, 1024>}, {transform_indices = @transform_1, window_bounds = array<i64: 2, 1024, 64>}, {transform_indices = @transform_2, window_bounds = array<i64: 2, 1024, 64>}, {pipeline_mode = #tpu.pipeline_mode<synchronous>, transform_indices = @transform_3, window_bounds = array<i64: 1, 128>}, {transform_indices = @transform_4, window_bounds = array<i64: 1024, 128>}]} {
    %get3A = arith.constant 0 : index
    %get3A_0 = arith.constant 0 : index
    %get3A_1 = vector.load %arg1[%get3A, %get3A_0] : memref<2x1024xf32, #tpu.memory_space<vmem>>, vector<1x1024xf32>
    %get3A_2 = vector.shape_cast %get3A_1 : vector<1x1024xf32> to vector<1024xf32>
    %get3A_3 = arith.constant 1 : index
    %get3A_4 = arith.constant 0 : index
    %get3A_5 = vector.load %arg1[%get3A_3, %get3A_4] : memref<2x1024xf32, #tpu.memory_space<vmem>>, vector<1x1024xf32>
    %get3A_6 = vector.shape_cast %get3A_5 : vector<1x1024xf32> to vector<1024xf32>
    %add3A = arith.addf %get3A_2, %get3A_6 : vector<1024xf32>
    %add3A_7 = arith.constant 1.000000e+00 : f32
    %add3A_8 = vector.broadcast %add3A_7 : f32 to vector<1024xf32>
    %add3A_9 = arith.addf %add3A, %add3A_8 : vector<1024xf32>
    %rsqrt3A = math.rsqrt %add3A_9 : vector<1024xf32>
    %get3A_10 = arith.constant 0 : index
    %get3A_11 = arith.constant 0 : index
    %get3A_12 = arith.constant 0 : index
    %get3A_13 = vector.load %arg2[%get3A_10, %get3A_11, %get3A_12] : memref<2x1024x64xbf16, #tpu.memory_space<vmem>>, vector<1x1024x64xbf16>
    %get3A_14 = vector.shape_cast %get3A_13 : vector<1x1024x64xbf16> to vector<1024x64xbf16>
    %convert_element_type3A = arith.extf %get3A_14 : vector<1024x64xbf16> to vector<1024x64xf32>
    %get3A_15 = arith.constant 0 : index
    %get3A_16 = arith.constant 0 : index
    %get3A_17 = arith.constant 0 : index
    %get3A_18 = vector.load %arg3[%get3A_15, %get3A_16, %get3A_17] : memref<2x1024x64xbf16, #tpu.memory_space<vmem>>, vector<1x1024x64xbf16>
    %get3A_19 = vector.shape_cast %get3A_18 : vector<1x1024x64xbf16> to vector<1024x64xbf16>
    %convert_element_type3A_20 = arith.extf %get3A_19 : vector<1024x64xbf16> to vector<1024x64xf32>
    %add3A_21 = arith.addf %convert_element_type3A, %convert_element_type3A_20 : vector<1024x64xf32>
    %get3A_22 = arith.constant 1 : index
    %get3A_23 = arith.constant 0 : index
    %get3A_24 = arith.constant 0 : index
    %get3A_25 = vector.load %arg2[%get3A_22, %get3A_23, %get3A_24] : memref<2x1024x64xbf16, #tpu.memory_space<vmem>>, vector<1x1024x64xbf16>
    %get3A_26 = vector.shape_cast %get3A_25 : vector<1x1024x64xbf16> to vector<1024x64xbf16>
    %convert_element_type3A_27 = arith.extf %get3A_26 : vector<1024x64xbf16> to vector<1024x64xf32>
    %get3A_28 = arith.constant 1 : index
    %get3A_29 = arith.constant 0 : index
    %get3A_30 = arith.constant 0 : index
    %get3A_31 = vector.load %arg3[%get3A_28, %get3A_29, %get3A_30] : memref<2x1024x64xbf16, #tpu.memory_space<vmem>>, vector<1x1024x64xbf16>
    %get3A_32 = vector.shape_cast %get3A_31 : vector<1x1024x64xbf16> to vector<1024x64xbf16>
    %convert_element_type3A_33 = arith.extf %get3A_32 : vector<1024x64xbf16> to vector<1024x64xf32>
    %add3A_34 = arith.addf %convert_element_type3A_27, %convert_element_type3A_33 : vector<1024x64xf32>
    %concatenate3A = tpu.concatenate %add3A_21, %add3A_34 in 1 : vector<1024x64xf32>, vector<1024x64xf32> -> vector<1024x128xf32>
    %broadcast_in_dim3A = vector.shape_cast %rsqrt3A : vector<1024xf32> to vector<1024x1xf32>
    %mul3A = vector.broadcast %broadcast_in_dim3A : vector<1024x1xf32> to vector<1024x128xf32>
    %mul3A_35 = arith.mulf %concatenate3A, %mul3A : vector<1024x128xf32>
    %get3A_36 = arith.constant 0 : index
    %get3A_37 = arith.constant 0 : index
    %get3A_38 = vector.load %arg4[%get3A_36, %get3A_37] : memref<1x128xf32, #tpu.memory_space<vmem>>, vector<1x128xf32>
    %get3A_39 = vector.shape_cast %get3A_38 : vector<1x128xf32> to vector<128xf32>
    %broadcast_in_dim3A_40 = vector.shape_cast %get3A_39 : vector<128xf32> to vector<1x128xf32>
    %add3A_41 = vector.broadcast %broadcast_in_dim3A_40 : vector<1x128xf32> to vector<1024x128xf32>
    %add3A_42 = arith.addf %mul3A_35, %add3A_41 : vector<1024x128xf32>
    %swap3A = arith.constant 0 : index
    %swap3A_43 = arith.constant 0 : index
    %swap3A_44 = vector.load %arg5[%swap3A, %swap3A_43] : memref<1024x128xf32, #tpu.memory_space<vmem>>, vector<1024x128xf32>
    tpu.vector_store %arg5[%swap3A, %swap3A_43], %add3A_42 {strides = array<i32>} : memref<1024x128xf32, #tpu.memory_space<vmem>>, vector<1024x128xf32>,
    return
  }
  func.func @transform_0(%arg0: i32) -> (i32, i32) {
    %c0_i32 = arith.constant 0 : i32
    %c0_i32_0 = arith.constant 0 : i32
    return %c0_i32, %arg0 : i32, i32
  }
  func.func @transform_1(%arg0: i32) -> (i32, i32, i32) {
    %c0_i32 = arith.constant 0 : i32
    %c0_i32_0 = arith.constant 0 : i32
    %c0_i32_1 = arith.constant 0 : i32
    return %c0_i32, %arg0, %c0_i32_0 : i32, i32, i32
  }
  func.func @transform_2(%arg0: i32) -> (i32, i32, i32) {
    %c0_i32 = arith.constant 0 : i32
    %c0_i32_0 = arith.constant 0 : i32
    %c0_i32_1 = arith.constant 0 : i32
    return %c0_i32, %arg0, %c0_i32_0 : i32, i32, i32
  }
  func.func @transform_3(%arg0: i32) -> (i32, i32) {
    %c0_i32 = arith.constant 0 : i32
    %c0_i32_0 = arith.constant 0 : i32
    %c0_i32_1 = arith.constant 0 : i32
    return %c0_i32, %c0_i32_0 : i32, i32
  }
  func.func @transform_4(%arg0: i32) -> (i32, i32) {
    %c0_i32 = arith.constant 0 : i32
    %c0_i32_0 = arith.constant 0 : i32
    return %arg0, %c0_i32 : i32, i32
  }
}

</mosaic_0001>

<sc_bundles>
// kernel: kernel.11.cloned.1.call-start
scs
__scs_entry_jumppad:
0x0: {  	(pc) =	sbr.rel $0x88, $3  }
0x1: {  	(tag) =	ssettag $0x0;
	lr =	simm.s32 $0x1  }
0x2: {  	[smem:$0x3F9B] =	sst lr;
	_ =	strace $0xD0000000  }
0x3: {  	_ = 	snop  }
0x4: {  	_ = 	snop  }
0x5: {  	_ = 	snop  }
0x6: {  	_ = 	snop  }
0x7: {  	_ = 	snop  }
__scs_overlays_trampoline_lowered:
0x8: {  	[smem:$0x3FAA] =	sst s0  }
0x9: {  	[smem:$0x3FAB] =	sst s1  }
0xa: {  	[smem:$0x3FAC] =	sst s2  }
0xb: {  	[smem:$0x3FAD] =	sst s3  }
0xc: {  	[smem:$0x3FAE] =	sst s4  }
0xd: {  	[smem:$0x3FAF] =	sst s5  }
0xe: {  	[smem:$0x3FB0] =	sst s6  }
0xf: {  	[smem:$0x3FB1] =	sst s7  }
0x10: {  	[smem:$0x3FB2] =	sst s8  }
0x11: {  	[smem:$0x3FB3] =	sst s9;
	s0 =	simm.s32 @!p0 $0x0  }
0x12: {  	s1 =	sld [smem:$0x3F99];
	s0 =	simm.s32 @p0 $0x1  }
0x13: {  	[smem:$0x3FB4] =	sst s0;
	s0 =	simm.s32 @!p1 $0x0  }
0x14: {  	s2 =	sld [smem:$0x3F98];
	s0 =	simm.s32 @p1 $0x1  }
0x15: {  	[smem:$0x3FB5] =	sst s0;
	s0 =	simm.s32 @!p2 $0x0  }
0x16: {  	s3 =	sld [smem:$0x3FDB];
	s0 =	simm.s32 @p2 $0x1  }
0x17: {  	s4 =	simm.s32 $0x1BF5;
	[smem:$0x3FB7] =	sst s0  }
0x18: {  	s0 =	sld [smem:$0x3F9A];
	_ =	swait.ge [sflag:s4], $0x0  }
0x19: {  	s7 =	sld [smem:$0x3F9B]  }
0x1a: {  	s8 =	sadd.s32 $0xFFFFE003, lr  }
0x1b: {  	s9 =	sadd.s32 $0xFFFFFEF7, lr;
	s5 =	simm.s32 $0xFFFFFFFF;
	p2 =	slt.u32 s8, $0xFFFFF086  }
0x1c: {  	p1 =	slt.u32 s9, $0xF7A;
	s5 =	simm.s32 @!p2 $0x0  }
0x1d: {  	s5 =	simm.s32 @p1 $0x1;
	p0 =	seq.s32 s7, s2  }
0x1e: {  	s7 =	smul.u32 @!p0 $0xF7A, s2;
	p2 =	seq.s32 @!p0 s5, $0x0  }
0x1f: {  	s9 =	smul.u32 $0xF7A, s1;
	s8 =	simm.s32 @!p0 $0x1BF5;
	p2 =	por !p2, p0  }
0x20: {  	[sflag:s8] =	ssyncset.s32 @!p0 $0xFFFFF086;
	s6 =	sadd.s32 @!p0 s3, s7;
	s7 =	simm.s32 @!p0 $0x108  }
0x21: {  	s3 =	sadd.s32 s3, s9;
	s6 =	sadd.s32 @!p0 $0x88, s6;
	s7 =	simm.s32 @p2 $0x1082  }
0x22: {  	[simem:s7], [sflag:s8] =	dma.local @!p0 [hbm:s6], $0xF7A  }
0x23: {  	s9 =	sor.u32 $0xD0000000, s2;
	s6 =	simm.s32 $0x108;
	_ =	swait.ge @!p0 [sflag:s8], $0x0  }
0x24: {  	s3 =	sadd.s32 $0x88, s3;
	s6 =	simm.s32 @!p1 $0x1082;
	[sflag:s4] =	ssyncset.s32 $0xFFFFF086  }
0x25: {  	[simem:s6], [sflag:s4] =	dma.local [hbm:s3], $0xF7A  }
0x26: {  	[smem:$0x3F9B] =	sst s1;
	(tag) =	ssettag s2;
	_ =	strace s9  }
0x27: {  	s1 =	sld [smem:$0x3FAB]  }
0x28: {  	s2 =	sld [smem:$0x3FAC]  }
0x29: {  	s4 =	sld [smem:$0x3FAE]  }
0x2a: {  	p0 =	seq.s32 s5, $0x0;
	s5 =	sld [smem:$0x3FAF]  }
0x2b: {  	s6 =	sld [smem:$0x3FB0]  }
0x2c: {  	s7 =	sld [smem:$0x3FB1]  }
0x2d: {  	s3 =	simm.s32 $0x108;
	s8 =	sld [smem:$0x3FB2]  }
0x2e: {  	s3 =	simm.s32 @!p0 $0x1082;
	s9 =	sld [smem:$0x3FB3]  }
0x2f: {  	lr =	sadd.s32 s0, s3;
	s0 =	sld [smem:$0x3FAA]  }
0x30: {  	s3 =	sld [smem:$0x3FAD]  }
0x31: {  	[smem:$0x3FB6] =	sst s10  }
0x32: {  	s10 =	sld [smem:$0x3FB4];
	_ =	sdelay $0x3  }
0x33: {  	p0 =	seq.s32 s10, $0x1;
	s10 =	sld [smem:$0x3FB6];
	_ =	sdelay $0x3  }
0x34: {  	[smem:$0x3FB6] =	sst s10  }
0x35: {  	s10 =	sld [smem:$0x3FB5];
	_ =	sdelay $0x3  }
0x36: {  	p1 =	seq.s32 s10, $0x1;
	s10 =	sld [smem:$0x3FB6];
	_ =	sdelay $0x3  }
0x37: {  	[smem:$0x3FB6] =	sst s10  }
0x38: {  	s10 =	sld [smem:$0x3FB7]  }
0x39: {  	_ = 	snop;
	(pc) =	sbr.ind lr, $3  }
0x3a: {  	_ = 	snop  }
0x3b: {  	_ = 	snop  }
0x3c: {  	p2 =	seq.s32 s10, $0x1;
	s10 =	sld [smem:$0x3FB6]  }
0x3d: {  	_ =	shalt  }
0x3e: {  	_ =	shalt  }
0x3f: {  	_ =	shalt  }
0x40: {  	_ =	shalt  }
0x41: {  	_ =	shalt  }
0x42: {  	_ =	shalt  }
0x43: {  	_ =	shalt  }
0x44: {  	_ =	shalt  }
0x45: {  	_ =	shalt  }
0x46: {  	_ =	shalt  }
0x47: {  	_ =	shalt  }
0x48: {  	_ =	shalt  }
0x49: {  	_ =	shalt  }
0x4a: {  	_ =	shalt  }
0x4b: {  	_ =	shalt  }
0x4c: {  	_ =	shalt  }
0x4d: {  	_ =	shalt  }
0x4e: {  	_ =	shalt  }
0x4f: {  	_ =	shalt  }
0x50: {  	_ =	shalt  }
0x51: {  	_ =	shalt  }
0x52: {  	_ =	shalt  }
0x53: {  	_ =	shalt  }
0x54: {  	_ =	shalt  }
0x55: {  	_ =	shalt  }
0x56: {  	_ =	shalt  }
0x57: {  	_ =	shalt  }
0x58: {  	_ =	shalt  }
0x59: {  	_ =	shalt  }
0x5a: {  	_ =	shalt  }
0x5b: {  	_ =	shalt  }
0x5c: {  	_ =	shalt  }
0x5d: {  	_ =	shalt  }
0x5e: {  	_ =	shalt  }
0x5f: {  	_ =	shalt  }
0x60: {  	_ =	shalt  }
0x61: {  	_ =	shalt  }
0x62: {  	_ =	shalt  }
0x63: {  	_ =	shalt  }
0x64: {  	_ =	shalt  }
0x65: {  	_ =	shalt  }
0x66: {  	_ =	shalt  }
0x67: {  	_ =	shalt  }
0x68: {  	_ =	shalt  }
0x69: {  	_ =	shalt  }
0x6a: {  	_ =	shalt  }
0x6b: {  	_ =	shalt  }
0x6c: {  	_ =	shalt  }
0x6d: {  	_ =	shalt  }
0x6e: {  	_ =	shalt  }
0x6f: {  	_ =	shalt  }
0x70: {  	_ =	shalt  }
0x71: {  	_ =	shalt  }
0x72: {  	_ =	shalt  }
0x73: {  	_ =	shalt  }
0x74: {  	_ =	shalt  }
0x75: {  	_ =	shalt  }
0x76: {  	_ =	shalt  }
0x77: {  	_ =	shalt  }
0x78: {  	_ =	shalt  }
0x79: {  	_ =	shalt  }
0x7a: {  	_ =	shalt  }
0x7b: {  	_ =	shalt  }
0x7c: {  	_ =	shalt  }
0x7d: {  	_ =	shalt  }
0x7e: {  	_ =	shalt  }
0x7f: {  	_ =	shalt  }
0x80: {  	_ =	shalt  }
0x81: {  	_ =	shalt  }
0x82: {  	_ =	shalt  }
0x83: {  	_ =	shalt  }
0x84: {  	_ =	shalt  }
0x85: {  	_ =	shalt  }
0x86: {  	_ =	shalt  }
0x87: {  	_ =	shalt  }
.Lfunc_end0:
.L_simem_size_0:
called_computation.1_lowered:
.L_overlay_start_0:
0x88: {  	s2 =	sld [smem:$0x3FD9]  }
0x89: {  	s3 =	sld [smem:$0x3FFE];
	_ =	sdelay $0x1  }
0x8a: {  	s1 =	srdreg.scid  }
0x8b: {  	s0 =	sand.u32 $0x1, s1  }
0x8c: {  	s17 =	sshll.u32 s0, $0xA;
	s2 =	sadd.s32 s3, s2  }
0x8d: {  	s2 =	sadd.s32 s2, s17  }
0x8e: {  	[smem:$0x3FC2] =	sst s2  }
0x8f: {  	_ = 	snop  }
0x90: {  	s2 =	sld [smem:$0x3FD0];
	(tm) =	ssettm $0x1  }
0x91: {  	s18 =	sld [smem:$0x3FFB];
	_ =	sdelay $0x3  }
0x92: {  	_ =	strace s18  }
0x93: {  	s3 =	sld [smem:$0x3FFC];
	_ =	sdelay $0x3  }
0x94: {  	_ =	strace s3  }
0x95: {  	s3 =	sld [smem:$0x3FFD];
	_ =	sdelay $0x3  }
0x96: {  	_ =	strace s3  }
0x97: {  	_ =	strace $0x8FFFFFFF  }
0x98: {  	s19 =	sld [smem:$0x3FDB];
	_ =	sdelay $0x1  }
0x99: {  	s4 =	simm.s32 $_scs_section_size  }
0x9a: {  	s5 =	simm.s32 $_size__tile_overlayer_lowered;
	s6 =	simm.s32 $_tile_overlayer_lowered  }
0x9b: {  	s22 =	simm.s32 $0x1BFF;
	s21 =	sshll.u32 s6, $0x1;
	s3 =	sadd.s32 s4, s19  }
0x9c: {  	s7 =	simm.s32 $0x0;
	s20 =	sshll.u32 s5, $0x1;
	s5 =	sadd.s32 s21, s3  }
0x9d: {  	[timem:s7], [sflag:s22] =	dma.local [hbm:s5], s20  }
0x9e: {  	_ =	swait.ge [sflag:s22], s20  }
0x9f: {  	s4 =	ssub.s32 $0x0, s20;
	[sflag:s22] =	ssyncset.done $0x0  }
0xa0: {  	[sflag:s22] =	ssyncadd.s32 s4;
	_ =	sdelay $0x1  }
0xa1: {  	s23 =	simm.s32 $0x1B8B  }
0xa2: {  	_ =	swait.ge [sflag:s23], $0x1  }
0xa3: {  	[sflag:s23] =	ssyncset.done $0x0  }
0xa4: {  	s25 =	simm.s32 $0x1B8E;
	s24 =	sld [smem:$0x3FFE];
	[sflag:s23] =	ssyncadd.s32 $0xFFFFFFFF  }
0xa5: {  	s26 =	simm.s32 $execute0_lowered;
	[smem:$0x3FD2] =	sst s25  }
0xa6: {  	s5 =	sshll.u32 s26, $0x1;
	_ =	strace $0x80000049;
	[dreg:$0x1] =	wrdreg $0xFFFFFFFF  }
0xa7: {  	s28 =	simm.s32 $_size_execute0_lowered;
	s3 =	sadd.s32 s3, s5;
	[dreg:$0x0] =	wrdreg $0x0  }
0xa8: {  	s5 =	sshll.u32 s28, $0x1;
	[dreg:$0x2] =	wrdreg s3  }
0xa9: {  	[dreg:$0x3] =	wrdreg s5  }
0xaa: {  	[dreg:$0x4] =	wrdreg $0xC0  }
0xab: {  	_ =	task [dreg:s7], $0x5FFFF  }
0xac: {  	[dreg:$0x1] =	wrdreg $0xFFFFFFFF  }
0xad: {  	[dreg:$0x0] =	wrdreg $0x60  }
0xae: {  	[dreg:$0x2] =	wrdreg s24  }
0xaf: {  	[dreg:$0x3] =	wrdreg s2  }
0xb0: {  	[dreg:$0x4] =	wrdreg $0x140000  }
0xb1: {  	[dreg:$0x5] =	wrdreg $0x190000  }
0xb2: {  	[dreg:$0x6] =	wrdreg $0x9  }
0xb3: {  	_ =	task.clear_ibuf [dreg:s7], $0x7FFFF;
	_ =	strace $0x90000049  }
0xb4: {  	s29 =	simm.s32 $0x9;
	_ =	strace $0x8000004B  }
0xb5: {  	_ =	swait.ge [sflag:s29], $0x1  }
0xb6: {  	[sflag:s29] =	ssyncadd.s32 $0xFFFFFFFF  }
0xb7: {  	_ =	strace $0x9000004B  }
0xb8: {  	_ =	sfence  }
0xb9: {  	s30 =	sld [smem:$0x0];
	_ =	sdelay $0x2  }
0xba: {  	s31 =	sshll.u32 s1, $0xD;
	s1 =	sshrl.u32 s1, $0x2  }
0xbb: {  	s3 =	sand.u32 $0x4000, s31;
	s1 =	sadd.s32 s1, s30  }
0xbc: {  	s0 =	sor.u32 s3, s0;
	s1 =	sshll.u32 s1, $0x11  }
0xbd: {  	s0 =	sor.u32 s1, s0  }
0xbe: {  	s0 =	sadd.s32 $0x8F2B, s0  }
0xbf: {  	[sflag:s0] =	ssyncadd.remote.s32 $0x1  }
0xc0: {  	_ =	sfence.sel $0xFFFF  }
0xc1: {  	[dreg:$0x0] =	wrdreg $0xFFFFFFFF;
	(pc) =	sbr.abs _section_cstart, $3  }
0xc2: {  	[dreg:$0x1] =	wrdreg $0xFFFFFFFF  }
0xc3: {  	_ =	task.clear_ibuf [dreg:s7], $0x2FFFF;
	_ =	strace $0x9FFFFFFF  }
0xc4: {  	(tm) =	ssettm $0x7FFFFFFF  }
0xc5: {  	_ =	shalt  }
tec
execute0_lowered:
.L_overlay_start_1:
0x0: {  	(tag) =	ssettag $0x1  }
0x1: {  	s0 =	rddreg [dreg:$0x0]  }
0x2: {  	s1 =	rddreg [dreg:$0x1]  }
0x3: {  	s2 =	rddreg [dreg:$0x2]  }
0x4: {  	s12 =	stileid.u32;
	s4 =	srdreg.scid  }
0x5: {  	s3 =	rddreg [dreg:$0x3];
	s20 =	simm.s32 $0x80;
	s29 =	simm.s32 $0xE000  }
0x6: {  	s31 =	simm.s32 $0xF000;
	s28 =	simm.s32 $0x12000;
	s6 =	smul.u32 $0xA000, s12  }
0x7: {  	s30 =	simm.s32 $0x3;
	s13 =	simm.s32 $0xA;
	s8 =	smul.u32 $0xA00, s12  }
0x8: {  	s5 =	sand.u32 $0x1, s4;
	s4 =	simm.s32 $0x0;
	s14 =	smul.u32 $0x14000, s12  }
0x9: {  	s16 =	sshll.u32 s12, $0x6;
	s12 =	simm.s32 $0x9;
	[smem:$0x7FF] =	sst s4  }
0xa: {  	s7 =	smul.u32 $0xA0000, s5;
	s5 =	ssub.s32 $0x2, s5;
	_ =	strace $0x8000004A  }
0xb: {  	s9 =	sadd.s32 s8, s0;
	s10 =	sshrl.u32 s5, $0x1;
	s11 =	sshrl.u32 s6, $0x1  }
0xc: {  	s17 =	sshrl.u32 s14, $0x2;
	s1 =	sadd.s32 s1, s8;
	s8 =	simm.s32 $0x5  }
0xd: {  	s7 =	sadd.s32 s6, s7;
	s5 =	ssub.s32 s5, s10;
	s15 =	sadd.s32 s11, s2  }
0xe: {  	s6 =	sor.u32 $0x1C0B, s16;
	[dreg:$0x6] =	wrdreg s1;
	s18 =	sadd.s32 $0xC000, s9  }
0xf: {  	s19 =	sadd.s32 s11, s3;
	s1 =	simm.s32 $0x13000;
	s9 =	simm.s32 $0x6  }
0x10: {  	s10 =	simm.s32 $0x7;
	s11 =	simm.s32 $0x8;
	s7 =	sshrl.u32 s7, $0x4  }
0x11: {  	[dreg:$0x7] =	wrdreg s18;
	s21 =	smax.u32 s5, $0x1;
	s26 =	sshrl.u32 s15, $0x3  }
0x12: {  	s18 =	simm.s32 $0xA000;
	s0 =	sadd.s32 s7, s0;
	[dreg:$0x9] =	wrdreg s21  }
0x13: {  	s5 =	simm.s32 $0x4;
	[dreg:$0xe] =	wrdreg s26;
	s7 =	sadd.s32 $0x16000, s0  }
0x14: {  	s0 =	sadd.s32 $0x2A000, s0;
	[dreg:$0x5] =	wrdreg s7;
	s7 =	sadd.s32 s17, s3  }
0x15: {  	s21 =	simm.s32 $0xB000;
	[dreg:$0x8] =	wrdreg s0;
	s22 =	sadd.s32 $0x1000, s7  }
0x16: {  	s26 =	simm.s32 $0xD000;
	s23 =	sadd.s32 $0x2000, s7;
	[dreg:$0xa] =	wrdreg s22  }
0x17: {  	s17 =	simm.s32 $0xB;
	s24 =	sadd.s32 $0x3000, s7;
	[dreg:$0xb] =	wrdreg s23  }
0x18: {  	s0 =	simm.s32 $0x10000;
	s25 =	sadd.s32 $0x4000, s7;
	[dreg:$0xc] =	wrdreg s24  }
0x19: {  	[dreg:$0xd] =	wrdreg s25;
	s23 =	simm.s32 $0xC000;
	s25 =	sshrl.u32 s19, $0x3  }
0x1a: {  	v0 =	vimm.bf16 $0.0e+00;
	s22 =	simm.s32 $0x11000;
	s19 =	simm.s32 $0x1;
	s24 =	simm.s32 $0x2  }
.LBB2_1:
0x1b: {  	s14 =	rddreg [dreg:$0x5]  }
0x1c: {  	s15 =	rddreg [dreg:$0xe]  }
0x1d: {  	[spmem:s15], [sflag:s6] =	dma.local [hbm:s14], $0xA00  }
0x1e: {  	_ =	swait.ge [sflag:s17], $0xA00  }
0x1f: {  	[sflag:s17] =	ssyncset.done $0x0  }
0x20: {  	s14 =	simm.s32 $0x80;
	s15 =	simm.s32 $0x0;
	[sflag:s17] =	ssyncadd.s32 $0xFFFFF600  }
.LBB2_2:
0x21: {  	p0 =	sne.s32 s14, $0x3F80;
	[tilespmem:s15+$0xA000] =	vst v0;
	s16 =	smov.u32 s14;
	s14 =	sadd.s32 $0x80, s14  }
.Ltmp0:
0x22: {  	[tilespmem:s15+$0xA010] =	vst v0;
	(pc) =	sbr.rel @p0 .LBB2_2-.Ltmp0, $2  }
0x23: {  	_ =	sdelay $0x2  }
0x24: {  	s15 =	sshra.s32 s16, $0x2  }
0x25: {  	[tilespmem:s15+$0xA000] =	vst v0  }
0x26: {  	[tilespmem:s15+$0xA010] =	vst v0  }
0x27: {  	[spmem:s7] =	stream.linear.scatter [tilespmem:s18], [sflag:$0xB], $0x1000, $0x38;
	[tilespmem:$0x1E000] =	vst v63  }
0x28: {  	_ =	swait.ge [sflag:s17], $0x1000  }
0x29: {  	[sflag:s17] =	ssyncset.done $0x0  }
0x2a: {  	s14 =	rddreg [dreg:$0xa];
	[sflag:s17] =	ssyncadd.s32 $0xFFFFF000  }
0x2b: {  	[spmem:s14] =	stream.linear.scatter [tilespmem:s18], [sflag:$0xB], $0x1000, $0x38;
	[tilespmem:$0x1E000] =	vst v63  }
0x2c: {  	_ =	swait.ge [sflag:s17], $0x1000  }
0x2d: {  	[sflag:s17] =	ssyncset.done $0x0  }
0x2e: {  	s15 =	rddreg [dreg:$0xb];
	[sflag:s17] =	ssyncadd.s32 $0xFFFFF000  }
0x2f: {  	[spmem:s15] =	stream.linear.scatter [tilespmem:s18], [sflag:$0xB], $0x1000, $0x38;
	[tilespmem:$0x1E000] =	vst v63  }
0x30: {  	_ =	swait.ge [sflag:s17], $0x1000  }
0x31: {  	[sflag:s17] =	ssyncset.done $0x0  }
0x32: {  	s16 =	rddreg [dreg:$0xc];
	[sflag:s17] =	ssyncadd.s32 $0xFFFFF000  }
0x33: {  	[spmem:s16] =	stream.linear.scatter [tilespmem:s18], [sflag:$0xB], $0x1000, $0x38;
	[tilespmem:$0x1E000] =	vst v63  }
0x34: {  	_ =	swait.ge [sflag:s17], $0x1000  }
0x35: {  	[sflag:s17] =	ssyncset.done $0x0  }
0x36: {  	s15 =	rddreg [dreg:$0xd];
	[sflag:s17] =	ssyncadd.s32 $0xFFFFF000  }
0x37: {  	[spmem:s15] =	stream.linear.scatter [tilespmem:s18], [sflag:$0xB], $0x1000, $0x38;
	[tilespmem:$0x1E000] =	vst v63  }
0x38: {  	_ =	swait.ge [sflag:s17], $0x1000  }
0x39: {  	[sflag:s17] =	ssyncset.done $0x0  }
0x3a: {  	[sflag:s17] =	ssyncadd.s32 $0xFFFFF000  }
0x3b: {  	[bflag:$0x0] =	sbarrier.arrive $0xFFFF  }
0x3c: {  	s14 =	simm.s32 $0x0;
	s16 =	rddreg [dreg:$0x6]  }
0x3d: {  	[tilespmem:s14], [sflag:$0xB] =	stream.linear.gather [hbm4b:s16+s14], $0x5000, $0x38;
	[tilespmem:$0x1E000] =	vst v63  }
0x3e: {  	_ =	swait.ge [sflag:s17], $0x5000  }
0x3f: {  	[sflag:s17] =	ssyncset.done $0x0  }
0x40: {  	s16 =	simm.s32 $0x5000;
	s15 =	rddreg [dreg:$0x7];
	[sflag:s17] =	ssyncadd.s32 $0xFFFFB000  }
0x41: {  	[tilespmem:s16], [sflag:$0xB] =	stream.linear.gather [hbm4b:s15+s14], $0x5000, $0x38;
	[tilespmem:$0x1E000] =	vst v63  }
0x42: {  	_ =	swait.ge [sflag:s17], $0x5000  }
0x43: {  	[sflag:s17] =	ssyncset.done $0x0  }
0x44: {  	[sflag:s17] =	ssyncadd.s32 $0xFFFFB000  }
0x45: {  	[tilespmem:s18], [sflag:$0x1] =	stream.indirect.gather [spmem:s2], $0x20, s14, s20, $0xb8;
	[tilespmem:$0x1E000] =	vst v63  }
0x46: {  	_ = 	snop  }
0x47: {  	[tilespmem:s21], [sflag:$0x2] =	stream.indirect.gather [spmem:s2], $0x20, s20, s20, $0xb8;
	[tilespmem:$0x1E000] =	vst v63  }
0x48: {  	s16 =	simm.s32 $0x100  }
0x49: {  	[tilespmem:s23], [sflag:$0x3] =	stream.indirect.gather [spmem:s2], $0x20, s16, s20, $0xb8;
	[tilespmem:$0x1E000] =	vst v63  }
0x4a: {  	s15 =	simm.s32 $0x180  }
0x4b: {  	[tilespmem:s26], [sflag:$0x4] =	stream.indirect.gather [spmem:s2], $0x20, s15, s20, $0xb8;
	[tilespmem:$0x1E000] =	vst v63  }
0x4c: {  	s16 =	simm.s32 $0x200  }
0x4d: {  	[tilespmem:s29], [sflag:$0x5] =	stream.indirect.gather [spmem:s2], $0x20, s16, s20, $0xb8;
	[tilespmem:$0x1E000] =	vst v63  }
0x4e: {  	s15 =	simm.s32 $0x280  }
0x4f: {  	[tilespmem:s31], [sflag:$0x6] =	stream.indirect.gather [spmem:s2], $0x20, s15, s20, $0xb8;
	[tilespmem:$0x1E000] =	vst v63  }
0x50: {  	s16 =	simm.s32 $0x300  }
0x51: {  	[tilespmem:s0], [sflag:$0x7] =	stream.indirect.gather [spmem:s2], $0x20, s16, s20, $0xb8;
	[tilespmem:$0x1E000] =	vst v63  }
0x52: {  	s15 =	simm.s32 $0x380  }
0x53: {  	[tilespmem:s22], [sflag:$0x8] =	stream.indirect.gather [spmem:s2], $0x20, s15, s20, $0xb8;
	[tilespmem:$0x1E000] =	vst v63  }
0x54: {  	s16 =	simm.s32 $0x400  }
0x55: {  	[tilespmem:s28], [sflag:$0x9] =	stream.indirect.gather [spmem:s2], $0x20, s16, s20, $0xb8;
	[tilespmem:$0x1E000] =	vst v63  }
0x56: {  	s15 =	simm.s32 $0x480  }
0x57: {  	[tilespmem:s1], [sflag:$0xA] =	stream.indirect.gather [spmem:s2], $0x20, s15, s20, $0xb8;
	[tilespmem:$0x1E000] =	vst v63  }
0x58: {  	_ =	swait.ge [sflag:s19], $0x1000  }
0x59: {  	[sflag:s19] =	ssyncset.done $0x0  }
0x5a: {  	s16 =	simm.s32 $0x5000;
	[sflag:s19] =	ssyncadd.s32 $0xFFFFF000  }
0x5b: {  	[spmem:s3] =	stream.indirect.scatter.add.bf16 [tilespmem:s18], [sflag:$0xB], $0x20, s16, s20, $0xb8;
	[tilespmem:$0x1E000] =	vst v63  }
0x5c: {  	_ =	swait.ge [sflag:s17], $0x1000  }
0x5d: {  	[sflag:s17] =	ssyncset.done $0x0  }
0x5e: {  	s15 =	simm.s32 $0x500;
	[sflag:s17] =	ssyncadd.s32 $0xFFFFF000  }
0x5f: {  	[tilespmem:s18], [sflag:$0x1] =	stream.indirect.gather [spmem:s2], $0x20, s15, s20, $0xb8;
	[tilespmem:$0x1E000] =	vst v63  }
0x60: {  	_ =	swait.ge [sflag:s24], $0x1000  }
0x61: {  	[sflag:s24] =	ssyncset.done $0x0  }
0x62: {  	s16 =	simm.s32 $0x5080;
	[sflag:s24] =	ssyncadd.s32 $0xFFFFF000  }
0x63: {  	[spmem:s3] =	stream.indirect.scatter.add.bf16 [tilespmem:s21], [sflag:$0xB], $0x20, s16, s20, $0xb8;
	[tilespmem:$0x1E000] =	vst v63  }
0x64: {  	_ =	swait.ge [sflag:s17], $0x1000  }
0x65: {  	[sflag:s17] =	ssyncset.done $0x0  }
0x66: {  	s15 =	simm.s32 $0x580;
	[sflag:s17] =	ssyncadd.s32 $0xFFFFF000  }
0x67: {  	[tilespmem:s21], [sflag:$0x2] =	stream.indirect.gather [spmem:s2], $0x20, s15, s20, $0xb8;
	[tilespmem:$0x1E000] =	vst v63  }
0x68: {  	_ =	swait.ge [sflag:s30], $0x1000  }
0x69: {  	[sflag:s30] =	ssyncset.done $0x0  }
0x6a: {  	s16 =	simm.s32 $0x5100;
	[sflag:s30] =	ssyncadd.s32 $0xFFFFF000  }
0x6b: {  	[spmem:s3] =	stream.indirect.scatter.add.bf16 [tilespmem:s23], [sflag:$0xB], $0x20, s16, s20, $0xb8;
	[tilespmem:$0x1E000] =	vst v63  }
0x6c: {  	_ =	swait.ge [sflag:s17], $0x1000  }
0x6d: {  	[sflag:s17] =	ssyncset.done $0x0  }
0x6e: {  	s15 =	simm.s32 $0x600;
	[sflag:s17] =	ssyncadd.s32 $0xFFFFF000  }
0x6f: {  	[tilespmem:s23], [sflag:$0x3] =	stream.indirect.gather [spmem:s2], $0x20, s15, s20, $0xb8;
	[tilespmem:$0x1E000] =	vst v63  }
0x70: {  	_ =	swait.ge [sflag:s5], $0x1000  }
0x71: {  	[sflag:s5] =	ssyncset.done $0x0  }
0x72: {  	s16 =	simm.s32 $0x5180;
	[sflag:s5] =	ssyncadd.s32 $0xFFFFF000  }
0x73: {  	[spmem:s3] =	stream.indirect.scatter.add.bf16 [tilespmem:s26], [sflag:$0xB], $0x20, s16, s20, $0xb8;
	[tilespmem:$0x1E000] =	vst v63  }
0x74: {  	_ =	swait.ge [sflag:s17], $0x1000  }
0x75: {  	[sflag:s17] =	ssyncset.done $0x0  }
0x76: {  	s15 =	simm.s32 $0x680;
	[sflag:s17] =	ssyncadd.s32 $0xFFFFF000  }
0x77: {  	[tilespmem:s26], [sflag:$0x4] =	stream.indirect.gather [spmem:s2], $0x20, s15, s20, $0xb8;
	[tilespmem:$0x1E000] =	vst v63  }
0x78: {  	_ =	swait.ge [sflag:s8], $0x1000  }
0x79: {  	[sflag:s8] =	ssyncset.done $0x0  }
0x7a: {  	s16 =	simm.s32 $0x5200;
	[sflag:s8] =	ssyncadd.s32 $0xFFFFF000  }
0x7b: {  	[spmem:s3] =	stream.indirect.scatter.add.bf16 [tilespmem:s29], [sflag:$0xB], $0x20, s16, s20, $0xb8;
	[tilespmem:$0x1E000] =	vst v63  }
0x7c: {  	_ =	swait.ge [sflag:s17], $0x1000  }
0x7d: {  	[sflag:s17] =	ssyncset.done $0x0  }
0x7e: {  	s15 =	simm.s32 $0x700;
	[sflag:s17] =	ssyncadd.s32 $0xFFFFF000  }
0x7f: {  	[tilespmem:s29], [sflag:$0x5] =	stream.indirect.gather [spmem:s2], $0x20, s15, s20, $0xb8;
	[tilespmem:$0x1E000] =	vst v63  }
0x80: {  	_ =	swait.ge [sflag:s9], $0x1000  }
0x81: {  	[sflag:s9] =	ssyncset.done $0x0  }
0x82: {  	s16 =	simm.s32 $0x5280;
	[sflag:s9] =	ssyncadd.s32 $0xFFFFF000  }
0x83: {  	[spmem:s3] =	stream.indirect.scatter.add.bf16 [tilespmem:s31], [sflag:$0xB], $0x20, s16, s20, $0xb8;
	[tilespmem:$0x1E000] =	vst v63  }
0x84: {  	_ =	swait.ge [sflag:s17], $0x1000  }
0x85: {  	[sflag:s17] =	ssyncset.done $0x0  }
0x86: {  	s15 =	simm.s32 $0x780;
	[sflag:s17] =	ssyncadd.s32 $0xFFFFF000  }
0x87: {  	[tilespmem:s31], [sflag:$0x6] =	stream.indirect.gather [spmem:s2], $0x20, s15, s20, $0xb8;
	[tilespmem:$0x1E000] =	vst v63  }
0x88: {  	_ =	swait.ge [sflag:s10], $0x1000  }
0x89: {  	[sflag:s10] =	ssyncset.done $0x0  }
0x8a: {  	s16 =	simm.s32 $0x5300;
	[sflag:s10] =	ssyncadd.s32 $0xFFFFF000  }
0x8b: {  	[spmem:s3] =	stream.indirect.scatter.add.bf16 [tilespmem:s0], [sflag:$0xB], $0x20, s16, s20, $0xb8;
	[tilespmem:$0x1E000] =	vst v63  }
0x8c: {  	_ =	swait.ge [sflag:s17], $0x1000  }
0x8d: {  	[sflag:s17] =	ssyncset.done $0x0  }
0x8e: {  	s15 =	simm.s32 $0x800;
	[sflag:s17] =	ssyncadd.s32 $0xFFFFF000  }
0x8f: {  	[tilespmem:s0], [sflag:$0x7] =	stream.indirect.gather [spmem:s2], $0x20, s15, s20, $0xb8;
	[tilespmem:$0x1E000] =	vst v63  }
0x90: {  	_ =	swait.ge [sflag:s11], $0x1000  }
0x91: {  	[sflag:s11] =	ssyncset.done $0x0  }
0x92: {  	s16 =	simm.s32 $0x5380;
	[sflag:s11] =	ssyncadd.s32 $0xFFFFF000  }
0x93: {  	[spmem:s3] =	stream.indirect.scatter.add.bf16 [tilespmem:s22], [sflag:$0xB], $0x20, s16, s20, $0xb8;
	[tilespmem:$0x1E000] =	vst v63  }
0x94: {  	_ =	swait.ge [sflag:s17], $0x1000  }
0x95: {  	[sflag:s17] =	ssyncset.done $0x0  }
0x96: {  	s15 =	simm.s32 $0x880;
	[sflag:s17] =	ssyncadd.s32 $0xFFFFF000  }
0x97: {  	[tilespmem:s22], [sflag:$0x8] =	stream.indirect.gather [spmem:s2], $0x20, s15, s20, $0xb8;
	[tilespmem:$0x1E000] =	vst v63  }
0x98: {  	_ =	swait.ge [sflag:s12], $0x1000  }
0x99: {  	[sflag:s12] =	ssyncset.done $0x0  }
0x9a: {  	s16 =	simm.s32 $0x5400;
	[sflag:s12] =	ssyncadd.s32 $0xFFFFF000  }
0x9b: {  	[spmem:s3] =	stream.indirect.scatter.add.bf16 [tilespmem:s28], [sflag:$0xB], $0x20, s16, s20, $0xb8;
	[tilespmem:$0x1E000] =	vst v63  }
0x9c: {  	_ =	swait.ge [sflag:s17], $0x1000  }
0x9d: {  	[sflag:s17] =	ssyncset.done $0x0  }
0x9e: {  	s15 =	simm.s32 $0x900;
	[sflag:s17] =	ssyncadd.s32 $0xFFFFF000  }
0x9f: {  	[tilespmem:s28], [sflag:$0x9] =	stream.indirect.gather [spmem:s2], $0x20, s15, s20, $0xb8;
	[tilespmem:$0x1E000] =	vst v63  }
0xa0: {  	_ =	swait.ge [sflag:s13], $0x1000  }
0xa1: {  	[sflag:s13] =	ssyncset.done $0x0  }
0xa2: {  	s16 =	simm.s32 $0x5480;
	[sflag:s13] =	ssyncadd.s32 $0xFFFFF000  }
0xa3: {  	[spmem:s3] =	stream.indirect.scatter.add.bf16 [tilespmem:s1], [sflag:$0xB], $0x20, s16, s20, $0xb8;
	[tilespmem:$0x1E000] =	vst v63  }
0xa4: {  	_ =	swait.ge [sflag:s17], $0x1000  }
0xa5: {  	[sflag:s17] =	ssyncset.done $0x0  }
0xa6: {  	s14 =	simm.s32 $0x1400;
	s15 =	simm.s32 $0x980;
	[sflag:s17] =	ssyncadd.s32 $0xFFFFF000  }
.LBB2_4:
0xa7: {  	[tilespmem:s1], [sflag:$0xA] =	stream.indirect.gather [spmem:s2], $0x20, s15, s20, $0xb8;
	[tilespmem:$0x1E000] =	vst v63  }
0xa8: {  	s15 =	smov.u32 s14  }
0xa9: {  	p0 =	sne.s32 s14, $0x11800;
	s14 =	sadd.s32 $0x1400, s14;
	_ =	swait.ge [sflag:s19], $0x1000  }
0xaa: {  	s15 =	sshra.s32 s15, $0x2;
	[sflag:s19] =	ssyncset.done $0x0  }
0xab: {  	s16 =	sadd.s32 $0x5000, s15;
	[sflag:s19] =	ssyncadd.s32 $0xFFFFF000  }
0xac: {  	[spmem:s3] =	stream.indirect.scatter.add.bf16 [tilespmem:s18], [sflag:$0xB], $0x20, s16, s20, $0xb8;
	[tilespmem:$0x1E000] =	vst v63  }
0xad: {  	_ =	swait.ge [sflag:s17], $0x1000  }
0xae: {  	[sflag:s17] =	ssyncset.done $0x0  }
0xaf: {  	s16 =	sadd.s32 $0x500, s15;
	[sflag:s17] =	ssyncadd.s32 $0xFFFFF000  }
0xb0: {  	[tilespmem:s18], [sflag:$0x1] =	stream.indirect.gather [spmem:s2], $0x20, s16, s20, $0xb8;
	[tilespmem:$0x1E000] =	vst v63  }
0xb1: {  	_ =	swait.ge [sflag:s24], $0x1000  }
0xb2: {  	[sflag:s24] =	ssyncset.done $0x0  }
0xb3: {  	s16 =	sadd.s32 $0x5080, s15;
	[sflag:s24] =	ssyncadd.s32 $0xFFFFF000  }
0xb4: {  	[spmem:s3] =	stream.indirect.scatter.add.bf16 [tilespmem:s21], [sflag:$0xB], $0x20, s16, s20, $0xb8;
	[tilespmem:$0x1E000] =	vst v63  }
0xb5: {  	_ =	swait.ge [sflag:s17], $0x1000  }
0xb6: {  	[sflag:s17] =	ssyncset.done $0x0  }
0xb7: {  	s16 =	sadd.s32 $0x580, s15;
	[sflag:s17] =	ssyncadd.s32 $0xFFFFF000  }
0xb8: {  	[tilespmem:s21], [sflag:$0x2] =	stream.indirect.gather [spmem:s2], $0x20, s16, s20, $0xb8;
	[tilespmem:$0x1E000] =	vst v63  }
0xb9: {  	_ =	swait.ge [sflag:s30], $0x1000  }
0xba: {  	[sflag:s30] =	ssyncset.done $0x0  }
0xbb: {  	s16 =	sadd.s32 $0x5100, s15;
	[sflag:s30] =	ssyncadd.s32 $0xFFFFF000  }
0xbc: {  	[spmem:s3] =	stream.indirect.scatter.add.bf16 [tilespmem:s23], [sflag:$0xB], $0x20, s16, s20, $0xb8;
	[tilespmem:$0x1E000] =	vst v63  }
0xbd: {  	_ =	swait.ge [sflag:s17], $0x1000  }
0xbe: {  	[sflag:s17] =	ssyncset.done $0x0  }
0xbf: {  	s16 =	sadd.s32 $0x600, s15;
	[sflag:s17] =	ssyncadd.s32 $0xFFFFF000  }
0xc0: {  	[tilespmem:s23], [sflag:$0x3] =	stream.indirect.gather [spmem:s2], $0x20, s16, s20, $0xb8;
	[tilespmem:$0x1E000] =	vst v63  }
0xc1: {  	_ =	swait.ge [sflag:s5], $0x1000  }
0xc2: {  	[sflag:s5] =	ssyncset.done $0x0  }
0xc3: {  	s16 =	sadd.s32 $0x5180, s15;
	[sflag:s5] =	ssyncadd.s32 $0xFFFFF000  }
0xc4: {  	[spmem:s3] =	stream.indirect.scatter.add.bf16 [tilespmem:s26], [sflag:$0xB], $0x20, s16, s20, $0xb8;
	[tilespmem:$0x1E000] =	vst v63  }
0xc5: {  	_ =	swait.ge [sflag:s17], $0x1000  }
0xc6: {  	[sflag:s17] =	ssyncset.done $0x0  }
0xc7: {  	s16 =	sadd.s32 $0x680, s15;
	[sflag:s17] =	ssyncadd.s32 $0xFFFFF000  }
0xc8: {  	[tilespmem:s26], [sflag:$0x4] =	stream.indirect.gather [spmem:s2], $0x20, s16, s20, $0xb8;
	[tilespmem:$0x1E000] =	vst v63  }
0xc9: {  	_ =	swait.ge [sflag:s8], $0x1000  }
0xca: {  	[sflag:s8] =	ssyncset.done $0x0  }
0xcb: {  	s16 =	sadd.s32 $0x5200, s15;
	[sflag:s8] =	ssyncadd.s32 $0xFFFFF000  }
0xcc: {  	[spmem:s3] =	stream.indirect.scatter.add.bf16 [tilespmem:s29], [sflag:$0xB], $0x20, s16, s20, $0xb8;
	[tilespmem:$0x1E000] =	vst v63  }
0xcd: {  	_ =	swait.ge [sflag:s17], $0x1000  }
0xce: {  	[sflag:s17] =	ssyncset.done $0x0  }
0xcf: {  	s16 =	sadd.s32 $0x700, s15;
	[sflag:s17] =	ssyncadd.s32 $0xFFFFF000  }
0xd0: {  	[tilespmem:s29], [sflag:$0x5] =	stream.indirect.gather [spmem:s2], $0x20, s16, s20, $0xb8;
	[tilespmem:$0x1E000] =	vst v63  }
0xd1: {  	_ =	swait.ge [sflag:s9], $0x1000  }
0xd2: {  	[sflag:s9] =	ssyncset.done $0x0  }
0xd3: {  	s16 =	sadd.s32 $0x5280, s15;
	[sflag:s9] =	ssyncadd.s32 $0xFFFFF000  }
0xd4: {  	[spmem:s3] =	stream.indirect.scatter.add.bf16 [tilespmem:s31], [sflag:$0xB], $0x20, s16, s20, $0xb8;
	[tilespmem:$0x1E000] =	vst v63  }
0xd5: {  	_ =	swait.ge [sflag:s17], $0x1000  }
0xd6: {  	[sflag:s17] =	ssyncset.done $0x0  }
0xd7: {  	s16 =	sadd.s32 $0x780, s15;
	[sflag:s17] =	ssyncadd.s32 $0xFFFFF000  }
0xd8: {  	[tilespmem:s31], [sflag:$0x6] =	stream.indirect.gather [spmem:s2], $0x20, s16, s20, $0xb8;
	[tilespmem:$0x1E000] =	vst v63  }
0xd9: {  	_ =	swait.ge [sflag:s10], $0x1000  }
0xda: {  	[sflag:s10] =	ssyncset.done $0x0  }
0xdb: {  	s16 =	sadd.s32 $0x5300, s15;
	[sflag:s10] =	ssyncadd.s32 $0xFFFFF000  }
0xdc: {  	[spmem:s3] =	stream.indirect.scatter.add.bf16 [tilespmem:s0], [sflag:$0xB], $0x20, s16, s20, $0xb8;
	[tilespmem:$0x1E000] =	vst v63  }
0xdd: {  	_ =	swait.ge [sflag:s17], $0x1000  }
0xde: {  	[sflag:s17] =	ssyncset.done $0x0  }
0xdf: {  	s16 =	sadd.s32 $0x800, s15;
	[sflag:s17] =	ssyncadd.s32 $0xFFFFF000  }
0xe0: {  	[tilespmem:s0], [sflag:$0x7] =	stream.indirect.gather [spmem:s2], $0x20, s16, s20, $0xb8;
	[tilespmem:$0x1E000] =	vst v63  }
0xe1: {  	_ =	swait.ge [sflag:s11], $0x1000  }
0xe2: {  	[sflag:s11] =	ssyncset.done $0x0  }
0xe3: {  	s16 =	sadd.s32 $0x5380, s15;
	[sflag:s11] =	ssyncadd.s32 $0xFFFFF000  }
0xe4: {  	[spmem:s3] =	stream.indirect.scatter.add.bf16 [tilespmem:s22], [sflag:$0xB], $0x20, s16, s20, $0xb8;
	[tilespmem:$0x1E000] =	vst v63  }
0xe5: {  	_ =	swait.ge [sflag:s17], $0x1000  }
0xe6: {  	[sflag:s17] =	ssyncset.done $0x0  }
0xe7: {  	s16 =	sadd.s32 $0x880, s15;
	[sflag:s17] =	ssyncadd.s32 $0xFFFFF000  }
0xe8: {  	[tilespmem:s22], [sflag:$0x8] =	stream.indirect.gather [spmem:s2], $0x20, s16, s20, $0xb8;
	[tilespmem:$0x1E000] =	vst v63  }
0xe9: {  	_ =	swait.ge [sflag:s12], $0x1000  }
0xea: {  	[sflag:s12] =	ssyncset.done $0x0  }
0xeb: {  	s16 =	sadd.s32 $0x5400, s15;
	[sflag:s12] =	ssyncadd.s32 $0xFFFFF000  }
0xec: {  	[spmem:s3] =	stream.indirect.scatter.add.bf16 [tilespmem:s28], [sflag:$0xB], $0x20, s16, s20, $0xb8;
	[tilespmem:$0x1E000] =	vst v63  }
0xed: {  	_ =	swait.ge [sflag:s17], $0x1000  }
0xee: {  	[sflag:s17] =	ssyncset.done $0x0  }
0xef: {  	s16 =	sadd.s32 $0x900, s15;
	[sflag:s17] =	ssyncadd.s32 $0xFFFFF000  }
0xf0: {  	[tilespmem:s28], [sflag:$0x9] =	stream.indirect.gather [spmem:s2], $0x20, s16, s20, $0xb8;
	[tilespmem:$0x1E000] =	vst v63  }
0xf1: {  	_ =	swait.ge [sflag:s13], $0x1000  }
0xf2: {  	[sflag:s13] =	ssyncset.done $0x0  }
.Ltmp1:
0xf3: {  	s16 =	sadd.s32 $0x5480, s15;
	[sflag:s13] =	ssyncadd.s32 $0xFFFFF000;
	(pc) =	sbr.rel @p0 .LBB2_4-.Ltmp1, $4  }
0xf4: {  	[spmem:s3] =	stream.indirect.scatter.add.bf16 [tilespmem:s1], [sflag:$0xB], $0x20, s16, s20, $0xb8;
	[tilespmem:$0x1E000] =	vst v63  }
0xf5: {  	_ =	swait.ge [sflag:s17], $0x1000  }
0xf6: {  	[sflag:s17] =	ssyncset.done $0x0  }
0xf7: {  	s15 =	sadd.s32 $0x980, s15;
	[sflag:s17] =	ssyncadd.s32 $0xFFFFF000  }
0xf8: {  	[tilespmem:s1], [sflag:$0xA] =	stream.indirect.gather [spmem:s2], $0x20, s15, s20, $0xb8;
	[tilespmem:$0x1E000] =	vst v63  }
0xf9: {  	_ =	swait.ge [sflag:s19], $0x1000  }
0xfa: {  	[sflag:s19] =	ssyncset.done $0x0  }
0xfb: {  	s14 =	simm.s32 $0x9B00;
	[sflag:s19] =	ssyncadd.s32 $0xFFFFF000  }
0xfc: {  	[spmem:s3] =	stream.indirect.scatter.add.bf16 [tilespmem:s18], [sflag:$0xB], $0x20, s14, s20, $0xb8;
	[tilespmem:$0x1E000] =	vst v63  }
0xfd: {  	_ =	swait.ge [sflag:s17], $0x1000  }
0xfe: {  	[sflag:s17] =	ssyncset.done $0x0  }
0xff: {  	[sflag:s17] =	ssyncadd.s32 $0xFFFFF000  }
0x100: {  	_ =	swait.ge [sflag:s24], $0x1000  }
0x101: {  	[sflag:s24] =	ssyncset.done $0x0  }
0x102: {  	s16 =	simm.s32 $0x9B80;
	[sflag:s24] =	ssyncadd.s32 $0xFFFFF000  }
0x103: {  	[spmem:s3] =	stream.indirect.scatter.add.bf16 [tilespmem:s21], [sflag:$0xB], $0x20, s16, s20, $0xb8;
	[tilespmem:$0x1E000] =	vst v63  }
0x104: {  	_ =	swait.ge [sflag:s17], $0x1000  }
0x105: {  	[sflag:s17] =	ssyncset.done $0x0  }
0x106: {  	[sflag:s17] =	ssyncadd.s32 $0xFFFFF000  }
0x107: {  	_ =	swait.ge [sflag:s30], $0x1000  }
0x108: {  	[sflag:s30] =	ssyncset.done $0x0  }
0x109: {  	s15 =	simm.s32 $0x9C00;
	[sflag:s30] =	ssyncadd.s32 $0xFFFFF000  }
0x10a: {  	[spmem:s3] =	stream.indirect.scatter.add.bf16 [tilespmem:s23], [sflag:$0xB], $0x20, s15, s20, $0xb8;
	[tilespmem:$0x1E000] =	vst v63  }
0x10b: {  	_ =	swait.ge [sflag:s17], $0x1000  }
0x10c: {  	[sflag:s17] =	ssyncset.done $0x0  }
0x10d: {  	[sflag:s17] =	ssyncadd.s32 $0xFFFFF000  }
0x10e: {  	_ =	swait.ge [sflag:s5], $0x1000  }
0x10f: {  	[sflag:s5] =	ssyncset.done $0x0  }
0x110: {  	s16 =	simm.s32 $0x9C80;
	[sflag:s5] =	ssyncadd.s32 $0xFFFFF000  }
0x111: {  	[spmem:s3] =	stream.indirect.scatter.add.bf16 [tilespmem:s26], [sflag:$0xB], $0x20, s16, s20, $0xb8;
	[tilespmem:$0x1E000] =	vst v63  }
0x112: {  	_ =	swait.ge [sflag:s17], $0x1000  }
0x113: {  	[sflag:s17] =	ssyncset.done $0x0  }
0x114: {  	[sflag:s17] =	ssyncadd.s32 $0xFFFFF000  }
0x115: {  	_ =	swait.ge [sflag:s8], $0x1000  }
0x116: {  	[sflag:s8] =	ssyncset.done $0x0  }
0x117: {  	s15 =	simm.s32 $0x9D00;
	[sflag:s8] =	ssyncadd.s32 $0xFFFFF000  }
0x118: {  	[spmem:s3] =	stream.indirect.scatter.add.bf16 [tilespmem:s29], [sflag:$0xB], $0x20, s15, s20, $0xb8;
	[tilespmem:$0x1E000] =	vst v63  }
0x119: {  	_ =	swait.ge [sflag:s17], $0x1000  }
0x11a: {  	[sflag:s17] =	ssyncset.done $0x0  }
0x11b: {  	[sflag:s17] =	ssyncadd.s32 $0xFFFFF000  }
0x11c: {  	_ =	swait.ge [sflag:s9], $0x1000  }
0x11d: {  	[sflag:s9] =	ssyncset.done $0x0  }
0x11e: {  	s16 =	simm.s32 $0x9D80;
	[sflag:s9] =	ssyncadd.s32 $0xFFFFF000  }
0x11f: {  	[spmem:s3] =	stream.indirect.scatter.add.bf16 [tilespmem:s31], [sflag:$0xB], $0x20, s16, s20, $0xb8;
	[tilespmem:$0x1E000] =	vst v63  }
0x120: {  	_ =	swait.ge [sflag:s17], $0x1000  }
0x121: {  	[sflag:s17] =	ssyncset.done $0x0  }
0x122: {  	[sflag:s17] =	ssyncadd.s32 $0xFFFFF000  }
0x123: {  	_ =	swait.ge [sflag:s10], $0x1000  }
0x124: {  	[sflag:s10] =	ssyncset.done $0x0  }
0x125: {  	s15 =	simm.s32 $0x9E00;
	[sflag:s10] =	ssyncadd.s32 $0xFFFFF000  }
0x126: {  	[spmem:s3] =	stream.indirect.scatter.add.bf16 [tilespmem:s0], [sflag:$0xB], $0x20, s15, s20, $0xb8;
	[tilespmem:$0x1E000] =	vst v63  }
0x127: {  	_ =	swait.ge [sflag:s17], $0x1000  }
0x128: {  	[sflag:s17] =	ssyncset.done $0x0  }
0x129: {  	[sflag:s17] =	ssyncadd.s32 $0xFFFFF000  }
0x12a: {  	_ =	swait.ge [sflag:s11], $0x1000  }
0x12b: {  	[sflag:s11] =	ssyncset.done $0x0  }
0x12c: {  	s16 =	simm.s32 $0x9E80;
	[sflag:s11] =	ssyncadd.s32 $0xFFFFF000  }
0x12d: {  	[spmem:s3] =	stream.indirect.scatter.add.bf16 [tilespmem:s22], [sflag:$0xB], $0x20, s16, s20, $0xb8;
	[tilespmem:$0x1E000] =	vst v63  }
0x12e: {  	_ =	swait.ge [sflag:s17], $0x1000  }
0x12f: {  	[sflag:s17] =	ssyncset.done $0x0  }
0x130: {  	[sflag:s17] =	ssyncadd.s32 $0xFFFFF000  }
0x131: {  	_ =	swait.ge [sflag:s12], $0x1000  }
0x132: {  	[sflag:s12] =	ssyncset.done $0x0  }
0x133: {  	s15 =	simm.s32 $0x9F00;
	[sflag:s12] =	ssyncadd.s32 $0xFFFFF000  }
0x134: {  	[spmem:s3] =	stream.indirect.scatter.add.bf16 [tilespmem:s28], [sflag:$0xB], $0x20, s15, s20, $0xb8;
	[tilespmem:$0x1E000] =	vst v63  }
0x135: {  	_ =	swait.ge [sflag:s17], $0x1000  }
0x136: {  	[sflag:s17] =	ssyncset.done $0x0  }
0x137: {  	[sflag:s17] =	ssyncadd.s32 $0xFFFFF000  }
0x138: {  	_ =	swait.ge [sflag:s13], $0x1000  }
0x139: {  	[sflag:s13] =	ssyncset.done $0x0  }
0x13a: {  	s16 =	simm.s32 $0x9F80;
	[sflag:s13] =	ssyncadd.s32 $0xFFFFF000  }
0x13b: {  	[spmem:s3] =	stream.indirect.scatter.add.bf16 [tilespmem:s1], [sflag:$0xB], $0x20, s16, s20, $0xb8;
	[tilespmem:$0x1E000] =	vst v63  }
0x13c: {  	_ =	swait.ge [sflag:s17], $0x1000  }
0x13d: {  	[sflag:s17] =	ssyncset.done $0x0  }
0x13e: {  	[sflag:s17] =	ssyncadd.s32 $0xFFFFF000  }
0x13f: {  	[bflag:$0x0] =	sbarrier.arrive $0xFFFF  }
0x140: {  	s15 =	rddreg [dreg:$0x8]  }
0x141: {  	[hbm:s15], [sflag:s6] =	dma.local [spmem:s25], $0xA00  }
0x142: {  	_ =	swait.ge [sflag:s17], $0xA00  }
0x143: {  	s4 =	sadd.s32 $0x1, s4;
	s16 =	rddreg [dreg:$0x9]  }
0x144: {  	p0 =	sne.s32 s4, s16  }
.Ltmp2:
0x145: {  	_ = 	snop;
	(pc) =	sbr.rel @p0 .LBB2_1-.Ltmp2, $3  }
0x146: {  	_ =	sdelay $0x1  }
0x147: {  	[sflag:s17] =	ssyncset.done $0x0  }
0x148: {  	[sflag:s17] =	ssyncadd.s32 $0xFFFFF600  }
0x149: {  	_ =	sfence.sel $0x180000  }
0x14a: {  	[bflag:$0x0] =	sbarrier.arrive $0xFFFF  }
0x14b: {  	_ =	strace $0x9000004A  }
0x14c: {  	s0 =	stileid.u32;
	[bflag:$0x2] =	sbarrier.arrive $0xFFFF  }
0x14d: {  	p0 =	sne.s32 s0, $0x0;
	s0 =	rddreg [dreg:$0x4]  }
0x14e: {  	s0 =	sadd.s32 @!p0 $0x100000, s0  }
0x14f: {  	[sflag:s0] =	ssyncadd.tile.s32 @!p0 $0x1;
	_ =	shalt  }
.Lfunc_end2:
_tile_overlayer_lowered:
.L_overlay_start_2:
0x150: {  	(tag) =	ssettag $0x2  }
0x151: {  	s0 =	rddreg [dreg:$0x0];
	s2 =	stileid.u32  }
0x152: {  	s1 =	rddreg [dreg:$0x1];
	p0 =	sne.s32 s2, $0x0  }
0x153: {  	s3 =	rddreg [dreg:$0x2];
	[bflag:$0x3] =	sbarrier.arrive $0xFFFF;
	s2 =	simm.s32 @!p0 $0x1C0B  }
0x154: {  	[timem:s3], [sflag:s2] =	dma.local @!p0 [hbm:s0], s1  }
0x155: {  	s0 =	simm.s32 @!p0 $0xB  }
0x156: {  	_ =	swait.ge @!p0 [sflag:s0], s1  }
0x157: {  	s1 =	ssub.s32 @!p0 $0x0, s1;
	[sflag:s0] =	ssyncset.done @!p0 $0x0  }
0x158: {  	[sflag:s0] =	ssyncadd.s32 @!p0 s1  }
0x159: {  	[bflag:$0x3] =	sbarrier.arrive $0xFFFF  }
0x15a: {  	_ =	shalt  }

// kernel: kernel.14.cloned.1.call-start
scs
__scs_entry_jumppad:
0x0: {  	(pc) =	sbr.rel $0x88, $3  }
0x1: {  	(tag) =	ssettag $0x0;
	lr =	simm.s32 $0x1  }
0x2: {  	[smem:$0x3F9B] =	sst lr;
	_ =	strace $0xD0000000  }
0x3: {  	_ = 	snop  }
0x4: {  	_ = 	snop  }
0x5: {  	_ = 	snop  }
0x6: {  	_ = 	snop  }
0x7: {  	_ = 	snop  }
__scs_overlays_trampoline_lowered:
0x8: {  	[smem:$0x3FAA] =	sst s0  }
0x9: {  	[smem:$0x3FAB] =	sst s1  }
0xa: {  	[smem:$0x3FAC] =	sst s2  }
0xb: {  	[smem:$0x3FAD] =	sst s3  }
0xc: {  	[smem:$0x3FAE] =	sst s4  }
0xd: {  	[smem:$0x3FAF] =	sst s5  }
0xe: {  	[smem:$0x3FB0] =	sst s6  }
0xf: {  	[smem:$0x3FB1] =	sst s7  }
0x10: {  	[smem:$0x3FB2] =	sst s8  }
0x11: {  	[smem:$0x3FB3] =	sst s9;
	s0 =	simm.s32 @!p0 $0x0  }
0x12: {  	s1 =	sld [smem:$0x3F99];
	s0 =	simm.s32 @p0 $0x1  }
0x13: {  	[smem:$0x3FB4] =	sst s0;
	s0 =	simm.s32 @!p1 $0x0  }
0x14: {  	s2 =	sld [smem:$0x3F98];
	s0 =	simm.s32 @p1 $0x1  }
0x15: {  	[smem:$0x3FB5] =	sst s0;
	s0 =	simm.s32 @!p2 $0x0  }
0x16: {  	s3 =	sld [smem:$0x3FDB];
	s0 =	simm.s32 @p2 $0x1  }
0x17: {  	s4 =	simm.s32 $0x1BF5;
	[smem:$0x3FB7] =	sst s0  }
0x18: {  	s0 =	sld [smem:$0x3F9A];
	_ =	swait.ge [sflag:s4], $0x0  }
0x19: {  	s7 =	sld [smem:$0x3F9B]  }
0x1a: {  	s8 =	sadd.s32 $0xFFFFE003, lr  }
0x1b: {  	s9 =	sadd.s32 $0xFFFFFEF7, lr;
	s5 =	simm.s32 $0xFFFFFFFF;
	p2 =	slt.u32 s8, $0xFFFFF086  }
0x1c: {  	p1 =	slt.u32 s9, $0xF7A;
	s5 =	simm.s32 @!p2 $0x0  }
0x1d: {  	s5 =	simm.s32 @p1 $0x1;
	p0 =	seq.s32 s7, s2  }
0x1e: {  	s7 =	smul.u32 @!p0 $0xF7A, s2;
	p2 =	seq.s32 @!p0 s5, $0x0  }
0x1f: {  	s9 =	smul.u32 $0xF7A, s1;
	s8 =	simm.s32 @!p0 $0x1BF5;
	p2 =	por !p2, p0  }
0x20: {  	[sflag:s8] =	ssyncset.s32 @!p0 $0xFFFFF086;
	s6 =	sadd.s32 @!p0 s3, s7;
	s7 =	simm.s32 @!p0 $0x108  }
0x21: {  	s3 =	sadd.s32 s3, s9;
	s6 =	sadd.s32 @!p0 $0x88, s6;
	s7 =	simm.s32 @p2 $0x1082  }
0x22: {  	[simem:s7], [sflag:s8] =	dma.local @!p0 [hbm:s6], $0xF7A  }
0x23: {  	s9 =	sor.u32 $0xD0000000, s2;
	s6 =	simm.s32 $0x108;
	_ =	swait.ge @!p0 [sflag:s8], $0x0  }
0x24: {  	s3 =	sadd.s32 $0x88, s3;
	s6 =	simm.s32 @!p1 $0x1082;
	[sflag:s4] =	ssyncset.s32 $0xFFFFF086  }
0x25: {  	[simem:s6], [sflag:s4] =	dma.local [hbm:s3], $0xF7A  }
0x26: {  	[smem:$0x3F9B] =	sst s1;
	(tag) =	ssettag s2;
	_ =	strace s9  }
0x27: {  	s1 =	sld [smem:$0x3FAB]  }
0x28: {  	s2 =	sld [smem:$0x3FAC]  }
0x29: {  	s4 =	sld [smem:$0x3FAE]  }
0x2a: {  	p0 =	seq.s32 s5, $0x0;
	s5 =	sld [smem:$0x3FAF]  }
0x2b: {  	s6 =	sld [smem:$0x3FB0]  }
0x2c: {  	s7 =	sld [smem:$0x3FB1]  }
0x2d: {  	s3 =	simm.s32 $0x108;
	s8 =	sld [smem:$0x3FB2]  }
0x2e: {  	s3 =	simm.s32 @!p0 $0x1082;
	s9 =	sld [smem:$0x3FB3]  }
0x2f: {  	lr =	sadd.s32 s0, s3;
	s0 =	sld [smem:$0x3FAA]  }
0x30: {  	s3 =	sld [smem:$0x3FAD]  }
0x31: {  	[smem:$0x3FB6] =	sst s10  }
0x32: {  	s10 =	sld [smem:$0x3FB4];
	_ =	sdelay $0x3  }
0x33: {  	p0 =	seq.s32 s10, $0x1;
	s10 =	sld [smem:$0x3FB6];
	_ =	sdelay $0x3  }
0x34: {  	[smem:$0x3FB6] =	sst s10  }
0x35: {  	s10 =	sld [smem:$0x3FB5];
	_ =	sdelay $0x3  }
0x36: {  	p1 =	seq.s32 s10, $0x1;
	s10 =	sld [smem:$0x3FB6];
	_ =	sdelay $0x3  }
0x37: {  	[smem:$0x3FB6] =	sst s10  }
0x38: {  	s10 =	sld [smem:$0x3FB7]  }
0x39: {  	_ = 	snop;
	(pc) =	sbr.ind lr, $3  }
0x3a: {  	_ = 	snop  }
0x3b: {  	_ = 	snop  }
0x3c: {  	p2 =	seq.s32 s10, $0x1;
	s10 =	sld [smem:$0x3FB6]  }
0x3d: {  	_ =	shalt  }
0x3e: {  	_ =	shalt  }
0x3f: {  	_ =	shalt  }
0x40: {  	_ =	shalt  }
0x41: {  	_ =	shalt  }
0x42: {  	_ =	shalt  }
0x43: {  	_ =	shalt  }
0x44: {  	_ =	shalt  }
0x45: {  	_ =	shalt  }
0x46: {  	_ =	shalt  }
0x47: {  	_ =	shalt  }
0x48: {  	_ =	shalt  }
0x49: {  	_ =	shalt  }
0x4a: {  	_ =	shalt  }
0x4b: {  	_ =	shalt  }
0x4c: {  	_ =	shalt  }
0x4d: {  	_ =	shalt  }
0x4e: {  	_ =	shalt  }
0x4f: {  	_ =	shalt  }
0x50: {  	_ =	shalt  }
0x51: {  	_ =	shalt  }
0x52: {  	_ =	shalt  }
0x53: {  	_ =	shalt  }
0x54: {  	_ =	shalt  }
0x55: {  	_ =	shalt  }
0x56: {  	_ =	shalt  }
0x57: {  	_ =	shalt  }
0x58: {  	_ =	shalt  }
0x59: {  	_ =	shalt  }
0x5a: {  	_ =	shalt  }
0x5b: {  	_ =	shalt  }
0x5c: {  	_ =	shalt  }
0x5d: {  	_ =	shalt  }
0x5e: {  	_ =	shalt  }
0x5f: {  	_ =	shalt  }
0x60: {  	_ =	shalt  }
0x61: {  	_ =	shalt  }
0x62: {  	_ =	shalt  }
0x63: {  	_ =	shalt  }
0x64: {  	_ =	shalt  }
0x65: {  	_ =	shalt  }
0x66: {  	_ =	shalt  }
0x67: {  	_ =	shalt  }
0x68: {  	_ =	shalt  }
0x69: {  	_ =	shalt  }
0x6a: {  	_ =	shalt  }
0x6b: {  	_ =	shalt  }
0x6c: {  	_ =	shalt  }
0x6d: {  	_ =	shalt  }
0x6e: {  	_ =	shalt  }
0x6f: {  	_ =	shalt  }
0x70: {  	_ =	shalt  }
0x71: {  	_ =	shalt  }
0x72: {  	_ =	shalt  }
0x73: {  	_ =	shalt  }
0x74: {  	_ =	shalt  }
0x75: {  	_ =	shalt  }
0x76: {  	_ =	shalt  }
0x77: {  	_ =	shalt  }
0x78: {  	_ =	shalt  }
0x79: {  	_ =	shalt  }
0x7a: {  	_ =	shalt  }
0x7b: {  	_ =	shalt  }
0x7c: {  	_ =	shalt  }
0x7d: {  	_ =	shalt  }
0x7e: {  	_ =	shalt  }
0x7f: {  	_ =	shalt  }
0x80: {  	_ =	shalt  }
0x81: {  	_ =	shalt  }
0x82: {  	_ =	shalt  }
0x83: {  	_ =	shalt  }
0x84: {  	_ =	shalt  }
0x85: {  	_ =	shalt  }
0x86: {  	_ =	shalt  }
0x87: {  	_ =	shalt  }
.Lfunc_end0:
.L_simem_size_0:
called_computation.2_lowered:
.L_overlay_start_0:
0x88: {  	s2 =	sld [smem:$0x3FD9]  }
0x89: {  	s3 =	sld [smem:$0x3FFE];
	_ =	sdelay $0x1  }
0x8a: {  	s1 =	srdreg.scid  }
0x8b: {  	s0 =	sand.u32 $0x1, s1  }
0x8c: {  	s17 =	sshll.u32 s0, $0xA;
	s2 =	sadd.s32 s3, s2  }
0x8d: {  	s2 =	sadd.s32 s2, s17  }
0x8e: {  	[smem:$0x3FC2] =	sst s2  }
0x8f: {  	_ = 	snop  }
0x90: {  	s2 =	sld [smem:$0x3FD0];
	(tm) =	ssettm $0x1  }
0x91: {  	s18 =	sld [smem:$0x3FFB];
	_ =	sdelay $0x3  }
0x92: {  	_ =	strace s18  }
0x93: {  	s3 =	sld [smem:$0x3FFC];
	_ =	sdelay $0x3  }
0x94: {  	_ =	strace s3  }
0x95: {  	s3 =	sld [smem:$0x3FFD];
	_ =	sdelay $0x3  }
0x96: {  	_ =	strace s3  }
0x97: {  	_ =	strace $0x8FFFFFFF  }
0x98: {  	s19 =	sld [smem:$0x3FDB];
	_ =	sdelay $0x1  }
0x99: {  	s4 =	simm.s32 $_scs_section_size  }
0x9a: {  	s5 =	simm.s32 $_size__tile_overlayer_lowered;
	s6 =	simm.s32 $_tile_overlayer_lowered  }
0x9b: {  	s22 =	simm.s32 $0x1BFF;
	s21 =	sshll.u32 s6, $0x1;
	s3 =	sadd.s32 s4, s19  }
0x9c: {  	s7 =	simm.s32 $0x0;
	s20 =	sshll.u32 s5, $0x1;
	s5 =	sadd.s32 s21, s3  }
0x9d: {  	[timem:s7], [sflag:s22] =	dma.local [hbm:s5], s20  }
0x9e: {  	_ =	swait.ge [sflag:s22], s20  }
0x9f: {  	s4 =	ssub.s32 $0x0, s20;
	[sflag:s22] =	ssyncset.done $0x0  }
0xa0: {  	[sflag:s22] =	ssyncadd.s32 s4;
	_ =	sdelay $0x1  }
0xa1: {  	s23 =	simm.s32 $0x1B8B  }
0xa2: {  	_ =	swait.ge [sflag:s23], $0x1  }
0xa3: {  	[sflag:s23] =	ssyncset.done $0x0  }
0xa4: {  	s25 =	simm.s32 $0x1B8E;
	s24 =	sld [smem:$0x3FFE];
	[sflag:s23] =	ssyncadd.s32 $0xFFFFFFFF  }
0xa5: {  	s26 =	simm.s32 $execute0_lowered;
	[smem:$0x3FD2] =	sst s25  }
0xa6: {  	s5 =	sshll.u32 s26, $0x1;
	_ =	strace $0x8000004C;
	[dreg:$0x1] =	wrdreg $0xFFFFFFFF  }
0xa7: {  	s28 =	simm.s32 $_size_execute0_lowered;
	s3 =	sadd.s32 s3, s5;
	[dreg:$0x0] =	wrdreg $0x0  }
0xa8: {  	s5 =	sshll.u32 s28, $0x1;
	[dreg:$0x2] =	wrdreg s3  }
0xa9: {  	[dreg:$0x3] =	wrdreg s5  }
0xaa: {  	[dreg:$0x4] =	wrdreg $0xC0  }
0xab: {  	_ =	task [dreg:s7], $0x5FFFF  }
0xac: {  	[dreg:$0x1] =	wrdreg $0xFFFFFFFF  }
0xad: {  	[dreg:$0x0] =	wrdreg $0x60  }
0xae: {  	[dreg:$0x2] =	wrdreg s24  }
0xaf: {  	[dreg:$0x3] =	wrdreg s2  }
0xb0: {  	[dreg:$0x4] =	wrdreg $0x140000  }
0xb1: {  	[dreg:$0x5] =	wrdreg $0x190000  }
0xb2: {  	[dreg:$0x6] =	wrdreg $0x9  }
0xb3: {  	_ =	task.clear_ibuf [dreg:s7], $0x7FFFF;
	_ =	strace $0x9000004C  }
0xb4: {  	s29 =	simm.s32 $0x9;
	_ =	strace $0x8000004E  }
0xb5: {  	_ =	swait.ge [sflag:s29], $0x1  }
0xb6: {  	[sflag:s29] =	ssyncadd.s32 $0xFFFFFFFF  }
0xb7: {  	_ =	strace $0x9000004E  }
0xb8: {  	_ =	sfence  }
0xb9: {  	s30 =	sld [smem:$0x0];
	_ =	sdelay $0x2  }
0xba: {  	s31 =	sshll.u32 s1, $0xD;
	s1 =	sshrl.u32 s1, $0x2  }
0xbb: {  	s3 =	sand.u32 $0x4000, s31;
	s1 =	sadd.s32 s1, s30  }
0xbc: {  	s0 =	sor.u32 s3, s0;
	s1 =	sshll.u32 s1, $0x11  }
0xbd: {  	s0 =	sor.u32 s1, s0  }
0xbe: {  	s0 =	sadd.s32 $0x8F2B, s0  }
0xbf: {  	[sflag:s0] =	ssyncadd.remote.s32 $0x1  }
0xc0: {  	_ =	sfence.sel $0xFFFF  }
0xc1: {  	[dreg:$0x0] =	wrdreg $0xFFFFFFFF;
	(pc) =	sbr.abs _section_cstart, $3  }
0xc2: {  	[dreg:$0x1] =	wrdreg $0xFFFFFFFF  }
0xc3: {  	_ =	task.clear_ibuf [dreg:s7], $0x2FFFF;
	_ =	strace $0x9FFFFFFF  }
0xc4: {  	(tm) =	ssettm $0x7FFFFFFF  }
0xc5: {  	_ =	shalt  }
tec
execute0_lowered:
.L_overlay_start_1:
0x0: {  	(tag) =	ssettag $0x1  }
0x1: {  	s0 =	rddreg [dreg:$0x0]  }
0x2: {  	s1 =	rddreg [dreg:$0x1]  }
0x3: {  	s2 =	rddreg [dreg:$0x2]  }
0x4: {  	s12 =	stileid.u32;
	s4 =	srdreg.scid  }
0x5: {  	s3 =	rddreg [dreg:$0x3];
	s20 =	simm.s32 $0x80;
	s29 =	simm.s32 $0xE000  }
0x6: {  	s31 =	simm.s32 $0xF000;
	s28 =	simm.s32 $0x12000;
	s6 =	smul.u32 $0xA000, s12  }
0x7: {  	s30 =	simm.s32 $0x3;
	s13 =	simm.s32 $0xA;
	s8 =	smul.u32 $0xA00, s12  }
0x8: {  	s5 =	sand.u32 $0x1, s4;
	s4 =	simm.s32 $0x0;
	s14 =	smul.u32 $0x14000, s12  }
0x9: {  	s16 =	sshll.u32 s12, $0x6;
	s12 =	simm.s32 $0x9;
	[smem:$0x7FF] =	sst s4  }
0xa: {  	s7 =	smul.u32 $0xA0000, s5;
	s5 =	ssub.s32 $0x2, s5;
	_ =	strace $0x8000004D  }
0xb: {  	s9 =	sadd.s32 s8, s0;
	s10 =	sshrl.u32 s5, $0x1;
	s11 =	sshrl.u32 s6, $0x1  }
0xc: {  	s17 =	sshrl.u32 s14, $0x2;
	s1 =	sadd.s32 s1, s8;
	s8 =	simm.s32 $0x5  }
0xd: {  	s7 =	sadd.s32 s6, s7;
	s5 =	ssub.s32 s5, s10;
	s15 =	sadd.s32 s11, s2  }
0xe: {  	s6 =	sor.u32 $0x1C0B, s16;
	[dreg:$0x6] =	wrdreg s1;
	s18 =	sadd.s32 $0xC000, s9  }
0xf: {  	s19 =	sadd.s32 s11, s3;
	s1 =	simm.s32 $0x13000;
	s9 =	simm.s32 $0x6  }
0x10: {  	s10 =	simm.s32 $0x7;
	s11 =	simm.s32 $0x8;
	s7 =	sshrl.u32 s7, $0x4  }
0x11: {  	[dreg:$0x7] =	wrdreg s18;
	s21 =	smax.u32 s5, $0x1;
	s26 =	sshrl.u32 s15, $0x3  }
0x12: {  	s18 =	simm.s32 $0xA000;
	s0 =	sadd.s32 s7, s0;
	[dreg:$0x9] =	wrdreg s21  }
0x13: {  	s5 =	simm.s32 $0x4;
	[dreg:$0xe] =	wrdreg s26;
	s7 =	sadd.s32 $0x16000, s0  }
0x14: {  	s0 =	sadd.s32 $0x2A000, s0;
	[dreg:$0x5] =	wrdreg s7;
	s7 =	sadd.s32 s17, s3  }
0x15: {  	s21 =	simm.s32 $0xB000;
	[dreg:$0x8] =	wrdreg s0;
	s22 =	sadd.s32 $0x1000, s7  }
0x16: {  	s26 =	simm.s32 $0xD000;
	s23 =	sadd.s32 $0x2000, s7;
	[dreg:$0xa] =	wrdreg s22  }
0x17: {  	s17 =	simm.s32 $0xB;
	s24 =	sadd.s32 $0x3000, s7;
	[dreg:$0xb] =	wrdreg s23  }
0x18: {  	s0 =	simm.s32 $0x10000;
	s25 =	sadd.s32 $0x4000, s7;
	[dreg:$0xc] =	wrdreg s24  }
0x19: {  	[dreg:$0xd] =	wrdreg s25;
	s23 =	simm.s32 $0xC000;
	s25 =	sshrl.u32 s19, $0x3  }
0x1a: {  	v0 =	vimm.bf16 $0.0e+00;
	s22 =	simm.s32 $0x11000;
	s19 =	simm.s32 $0x1;
	s24 =	simm.s32 $0x2  }
.LBB2_1:
0x1b: {  	s14 =	rddreg [dreg:$0x5]  }
0x1c: {  	s15 =	rddreg [dreg:$0xe]  }
0x1d: {  	[spmem:s15], [sflag:s6] =	dma.local [hbm:s14], $0xA00  }
0x1e: {  	_ =	swait.ge [sflag:s17], $0xA00  }
0x1f: {  	[sflag:s17] =	ssyncset.done $0x0  }
0x20: {  	s14 =	simm.s32 $0x80;
	s15 =	simm.s32 $0x0;
	[sflag:s17] =	ssyncadd.s32 $0xFFFFF600  }
.LBB2_2:
0x21: {  	p0 =	sne.s32 s14, $0x3F80;
	[tilespmem:s15+$0xA000] =	vst v0;
	s16 =	smov.u32 s14;
	s14 =	sadd.s32 $0x80, s14  }
.Ltmp0:
0x22: {  	[tilespmem:s15+$0xA010] =	vst v0;
	(pc) =	sbr.rel @p0 .LBB2_2-.Ltmp0, $2  }
0x23: {  	_ =	sdelay $0x2  }
0x24: {  	s15 =	sshra.s32 s16, $0x2  }
0x25: {  	[tilespmem:s15+$0xA000] =	vst v0  }
0x26: {  	[tilespmem:s15+$0xA010] =	vst v0  }
0x27: {  	[spmem:s7] =	stream.linear.scatter [tilespmem:s18], [sflag:$0xB], $0x1000, $0x38;
	[tilespmem:$0x1E000] =	vst v63  }
0x28: {  	_ =	swait.ge [sflag:s17], $0x1000  }
0x29: {  	[sflag:s17] =	ssyncset.done $0x0  }
0x2a: {  	s14 =	rddreg [dreg:$0xa];
	[sflag:s17] =	ssyncadd.s32 $0xFFFFF000  }
0x2b: {  	[spmem:s14] =	stream.linear.scatter [tilespmem:s18], [sflag:$0xB], $0x1000, $0x38;
	[tilespmem:$0x1E000] =	vst v63  }
0x2c: {  	_ =	swait.ge [sflag:s17], $0x1000  }
0x2d: {  	[sflag:s17] =	ssyncset.done $0x0  }
0x2e: {  	s15 =	rddreg [dreg:$0xb];
	[sflag:s17] =	ssyncadd.s32 $0xFFFFF000  }
0x2f: {  	[spmem:s15] =	stream.linear.scatter [tilespmem:s18], [sflag:$0xB], $0x1000, $0x38;
	[tilespmem:$0x1E000] =	vst v63  }
0x30: {  	_ =	swait.ge [sflag:s17], $0x1000  }
0x31: {  	[sflag:s17] =	ssyncset.done $0x0  }
0x32: {  	s16 =	rddreg [dreg:$0xc];
	[sflag:s17] =	ssyncadd.s32 $0xFFFFF000  }
0x33: {  	[spmem:s16] =	stream.linear.scatter [tilespmem:s18], [sflag:$0xB], $0x1000, $0x38;
	[tilespmem:$0x1E000] =	vst v63  }
0x34: {  	_ =	swait.ge [sflag:s17], $0x1000  }
0x35: {  	[sflag:s17] =	ssyncset.done $0x0  }
0x36: {  	s15 =	rddreg [dreg:$0xd];
	[sflag:s17] =	ssyncadd.s32 $0xFFFFF000  }
0x37: {  	[spmem:s15] =	stream.linear.scatter [tilespmem:s18], [sflag:$0xB], $0x1000, $0x38;
	[tilespmem:$0x1E000] =	vst v63  }
0x38: {  	_ =	swait.ge [sflag:s17], $0x1000  }
0x39: {  	[sflag:s17] =	ssyncset.done $0x0  }
0x3a: {  	[sflag:s17] =	ssyncadd.s32 $0xFFFFF000  }
0x3b: {  	[bflag:$0x0] =	sbarrier.arrive $0xFFFF  }
0x3c: {  	s14 =	simm.s32 $0x0;
	s16 =	rddreg [dreg:$0x6]  }
0x3d: {  	[tilespmem:s14], [sflag:$0xB] =	stream.linear.gather [hbm4b:s16+s14], $0x5000, $0x38;
	[tilespmem:$0x1E000] =	vst v63  }
0x3e: {  	_ =	swait.ge [sflag:s17], $0x5000  }
0x3f: {  	[sflag:s17] =	ssyncset.done $0x0  }
0x40: {  	s16 =	simm.s32 $0x5000;
	s15 =	rddreg [dreg:$0x7];
	[sflag:s17] =	ssyncadd.s32 $0xFFFFB000  }
0x41: {  	[tilespmem:s16], [sflag:$0xB] =	stream.linear.gather [hbm4b:s15+s14], $0x5000, $0x38;
	[tilespmem:$0x1E000] =	vst v63  }
0x42: {  	_ =	swait.ge [sflag:s17], $0x5000  }
0x43: {  	[sflag:s17] =	ssyncset.done $0x0  }
0x44: {  	[sflag:s17] =	ssyncadd.s32 $0xFFFFB000  }
0x45: {  	[tilespmem:s18], [sflag:$0x1] =	stream.indirect.gather [spmem:s2], $0x20, s14, s20, $0xb8;
	[tilespmem:$0x1E000] =	vst v63  }
0x46: {  	_ = 	snop  }
0x47: {  	[tilespmem:s21], [sflag:$0x2] =	stream.indirect.gather [spmem:s2], $0x20, s20, s20, $0xb8;
	[tilespmem:$0x1E000] =	vst v63  }
0x48: {  	s16 =	simm.s32 $0x100  }
0x49: {  	[tilespmem:s23], [sflag:$0x3] =	stream.indirect.gather [spmem:s2], $0x20, s16, s20, $0xb8;
	[tilespmem:$0x1E000] =	vst v63  }
0x4a: {  	s15 =	simm.s32 $0x180  }
0x4b: {  	[tilespmem:s26], [sflag:$0x4] =	stream.indirect.gather [spmem:s2], $0x20, s15, s20, $0xb8;
	[tilespmem:$0x1E000] =	vst v63  }
0x4c: {  	s16 =	simm.s32 $0x200  }
0x4d: {  	[tilespmem:s29], [sflag:$0x5] =	stream.indirect.gather [spmem:s2], $0x20, s16, s20, $0xb8;
	[tilespmem:$0x1E000] =	vst v63  }
0x4e: {  	s15 =	simm.s32 $0x280  }
0x4f: {  	[tilespmem:s31], [sflag:$0x6] =	stream.indirect.gather [spmem:s2], $0x20, s15, s20, $0xb8;
	[tilespmem:$0x1E000] =	vst v63  }
0x50: {  	s16 =	simm.s32 $0x300  }
0x51: {  	[tilespmem:s0], [sflag:$0x7] =	stream.indirect.gather [spmem:s2], $0x20, s16, s20, $0xb8;
	[tilespmem:$0x1E000] =	vst v63  }
0x52: {  	s15 =	simm.s32 $0x380  }
0x53: {  	[tilespmem:s22], [sflag:$0x8] =	stream.indirect.gather [spmem:s2], $0x20, s15, s20, $0xb8;
	[tilespmem:$0x1E000] =	vst v63  }
0x54: {  	s16 =	simm.s32 $0x400  }
0x55: {  	[tilespmem:s28], [sflag:$0x9] =	stream.indirect.gather [spmem:s2], $0x20, s16, s20, $0xb8;
	[tilespmem:$0x1E000] =	vst v63  }
0x56: {  	s15 =	simm.s32 $0x480  }
0x57: {  	[tilespmem:s1], [sflag:$0xA] =	stream.indirect.gather [spmem:s2], $0x20, s15, s20, $0xb8;
	[tilespmem:$0x1E000] =	vst v63  }
0x58: {  	_ =	swait.ge [sflag:s19], $0x1000  }
0x59: {  	[sflag:s19] =	ssyncset.done $0x0  }
0x5a: {  	s16 =	simm.s32 $0x5000;
	[sflag:s19] =	ssyncadd.s32 $0xFFFFF000  }
0x5b: {  	[spmem:s3] =	stream.indirect.scatter.add.bf16 [tilespmem:s18], [sflag:$0xB], $0x20, s16, s20, $0xb8;
	[tilespmem:$0x1E000] =	vst v63  }
0x5c: {  	_ =	swait.ge [sflag:s17], $0x1000  }
0x5d: {  	[sflag:s17] =	ssyncset.done $0x0  }
0x5e: {  	s15 =	simm.s32 $0x500;
	[sflag:s17] =	ssyncadd.s32 $0xFFFFF000  }
0x5f: {  	[tilespmem:s18], [sflag:$0x1] =	stream.indirect.gather [spmem:s2], $0x20, s15, s20, $0xb8;
	[tilespmem:$0x1E000] =	vst v63  }
0x60: {  	_ =	swait.ge [sflag:s24], $0x1000  }
0x61: {  	[sflag:s24] =	ssyncset.done $0x0  }
0x62: {  	s16 =	simm.s32 $0x5080;
	[sflag:s24] =	ssyncadd.s32 $0xFFFFF000  }
0x63: {  	[spmem:s3] =	stream.indirect.scatter.add.bf16 [tilespmem:s21], [sflag:$0xB], $0x20, s16, s20, $0xb8;
	[tilespmem:$0x1E000] =	vst v63  }
0x64: {  	_ =	swait.ge [sflag:s17], $0x1000  }
0x65: {  	[sflag:s17] =	ssyncset.done $0x0  }
0x66: {  	s15 =	simm.s32 $0x580;
	[sflag:s17] =	ssyncadd.s32 $0xFFFFF000  }
0x67: {  	[tilespmem:s21], [sflag:$0x2] =	stream.indirect.gather [spmem:s2], $0x20, s15, s20, $0xb8;
	[tilespmem:$0x1E000] =	vst v63  }
0x68: {  	_ =	swait.ge [sflag:s30], $0x1000  }
0x69: {  	[sflag:s30] =	ssyncset.done $0x0  }
0x6a: {  	s16 =	simm.s32 $0x5100;
	[sflag:s30] =	ssyncadd.s32 $0xFFFFF000  }
0x6b: {  	[spmem:s3] =	stream.indirect.scatter.add.bf16 [tilespmem:s23], [sflag:$0xB], $0x20, s16, s20, $0xb8;
	[tilespmem:$0x1E000] =	vst v63  }
0x6c: {  	_ =	swait.ge [sflag:s17], $0x1000  }
0x6d: {  	[sflag:s17] =	ssyncset.done $0x0  }
0x6e: {  	s15 =	simm.s32 $0x600;
	[sflag:s17] =	ssyncadd.s32 $0xFFFFF000  }
0x6f: {  	[tilespmem:s23], [sflag:$0x3] =	stream.indirect.gather [spmem:s2], $0x20, s15, s20, $0xb8;
	[tilespmem:$0x1E000] =	vst v63  }
0x70: {  	_ =	swait.ge [sflag:s5], $0x1000  }
0x71: {  	[sflag:s5] =	ssyncset.done $0x0  }
0x72: {  	s16 =	simm.s32 $0x5180;
	[sflag:s5] =	ssyncadd.s32 $0xFFFFF000  }
0x73: {  	[spmem:s3] =	stream.indirect.scatter.add.bf16 [tilespmem:s26], [sflag:$0xB], $0x20, s16, s20, $0xb8;
	[tilespmem:$0x1E000] =	vst v63  }
0x74: {  	_ =	swait.ge [sflag:s17], $0x1000  }
0x75: {  	[sflag:s17] =	ssyncset.done $0x0  }
0x76: {  	s15 =	simm.s32 $0x680;
	[sflag:s17] =	ssyncadd.s32 $0xFFFFF000  }
0x77: {  	[tilespmem:s26], [sflag:$0x4] =	stream.indirect.gather [spmem:s2], $0x20, s15, s20, $0xb8;
	[tilespmem:$0x1E000] =	vst v63  }
0x78: {  	_ =	swait.ge [sflag:s8], $0x1000  }
0x79: {  	[sflag:s8] =	ssyncset.done $0x0  }
0x7a: {  	s16 =	simm.s32 $0x5200;
	[sflag:s8] =	ssyncadd.s32 $0xFFFFF000  }
0x7b: {  	[spmem:s3] =	stream.indirect.scatter.add.bf16 [tilespmem:s29], [sflag:$0xB], $0x20, s16, s20, $0xb8;
	[tilespmem:$0x1E000] =	vst v63  }
0x7c: {  	_ =	swait.ge [sflag:s17], $0x1000  }
0x7d: {  	[sflag:s17] =	ssyncset.done $0x0  }
0x7e: {  	s15 =	simm.s32 $0x700;
	[sflag:s17] =	ssyncadd.s32 $0xFFFFF000  }
0x7f: {  	[tilespmem:s29], [sflag:$0x5] =	stream.indirect.gather [spmem:s2], $0x20, s15, s20, $0xb8;
	[tilespmem:$0x1E000] =	vst v63  }
0x80: {  	_ =	swait.ge [sflag:s9], $0x1000  }
0x81: {  	[sflag:s9] =	ssyncset.done $0x0  }
0x82: {  	s16 =	simm.s32 $0x5280;
	[sflag:s9] =	ssyncadd.s32 $0xFFFFF000  }
0x83: {  	[spmem:s3] =	stream.indirect.scatter.add.bf16 [tilespmem:s31], [sflag:$0xB], $0x20, s16, s20, $0xb8;
	[tilespmem:$0x1E000] =	vst v63  }
0x84: {  	_ =	swait.ge [sflag:s17], $0x1000  }
0x85: {  	[sflag:s17] =	ssyncset.done $0x0  }
0x86: {  	s15 =	simm.s32 $0x780;
	[sflag:s17] =	ssyncadd.s32 $0xFFFFF000  }
0x87: {  	[tilespmem:s31], [sflag:$0x6] =	stream.indirect.gather [spmem:s2], $0x20, s15, s20, $0xb8;
	[tilespmem:$0x1E000] =	vst v63  }
0x88: {  	_ =	swait.ge [sflag:s10], $0x1000  }
0x89: {  	[sflag:s10] =	ssyncset.done $0x0  }
0x8a: {  	s16 =	simm.s32 $0x5300;
	[sflag:s10] =	ssyncadd.s32 $0xFFFFF000  }
0x8b: {  	[spmem:s3] =	stream.indirect.scatter.add.bf16 [tilespmem:s0], [sflag:$0xB], $0x20, s16, s20, $0xb8;
	[tilespmem:$0x1E000] =	vst v63  }
0x8c: {  	_ =	swait.ge [sflag:s17], $0x1000  }
0x8d: {  	[sflag:s17] =	ssyncset.done $0x0  }
0x8e: {  	s15 =	simm.s32 $0x800;
	[sflag:s17] =	ssyncadd.s32 $0xFFFFF000  }
0x8f: {  	[tilespmem:s0], [sflag:$0x7] =	stream.indirect.gather [spmem:s2], $0x20, s15, s20, $0xb8;
	[tilespmem:$0x1E000] =	vst v63  }
0x90: {  	_ =	swait.ge [sflag:s11], $0x1000  }
0x91: {  	[sflag:s11] =	ssyncset.done $0x0  }
0x92: {  	s16 =	simm.s32 $0x5380;
	[sflag:s11] =	ssyncadd.s32 $0xFFFFF000  }
0x93: {  	[spmem:s3] =	stream.indirect.scatter.add.bf16 [tilespmem:s22], [sflag:$0xB], $0x20, s16, s20, $0xb8;
	[tilespmem:$0x1E000] =	vst v63  }
0x94: {  	_ =	swait.ge [sflag:s17], $0x1000  }
0x95: {  	[sflag:s17] =	ssyncset.done $0x0  }
0x96: {  	s15 =	simm.s32 $0x880;
	[sflag:s17] =	ssyncadd.s32 $0xFFFFF000  }
0x97: {  	[tilespmem:s22], [sflag:$0x8] =	stream.indirect.gather [spmem:s2], $0x20, s15, s20, $0xb8;
	[tilespmem:$0x1E000] =	vst v63  }
0x98: {  	_ =	swait.ge [sflag:s12], $0x1000  }
0x99: {  	[sflag:s12] =	ssyncset.done $0x0  }
0x9a: {  	s16 =	simm.s32 $0x5400;
	[sflag:s12] =	ssyncadd.s32 $0xFFFFF000  }
0x9b: {  	[spmem:s3] =	stream.indirect.scatter.add.bf16 [tilespmem:s28], [sflag:$0xB], $0x20, s16, s20, $0xb8;
	[tilespmem:$0x1E000] =	vst v63  }
0x9c: {  	_ =	swait.ge [sflag:s17], $0x1000  }
0x9d: {  	[sflag:s17] =	ssyncset.done $0x0  }
0x9e: {  	s15 =	simm.s32 $0x900;
	[sflag:s17] =	ssyncadd.s32 $0xFFFFF000  }
0x9f: {  	[tilespmem:s28], [sflag:$0x9] =	stream.indirect.gather [spmem:s2], $0x20, s15, s20, $0xb8;
	[tilespmem:$0x1E000] =	vst v63  }
0xa0: {  	_ =	swait.ge [sflag:s13], $0x1000  }
0xa1: {  	[sflag:s13] =	ssyncset.done $0x0  }
0xa2: {  	s16 =	simm.s32 $0x5480;
	[sflag:s13] =	ssyncadd.s32 $0xFFFFF000  }
0xa3: {  	[spmem:s3] =	stream.indirect.scatter.add.bf16 [tilespmem:s1], [sflag:$0xB], $0x20, s16, s20, $0xb8;
	[tilespmem:$0x1E000] =	vst v63  }
0xa4: {  	_ =	swait.ge [sflag:s17], $0x1000  }
0xa5: {  	[sflag:s17] =	ssyncset.done $0x0  }
0xa6: {  	s14 =	simm.s32 $0x1400;
	s15 =	simm.s32 $0x980;
	[sflag:s17] =	ssyncadd.s32 $0xFFFFF000  }
.LBB2_4:
0xa7: {  	[tilespmem:s1], [sflag:$0xA] =	stream.indirect.gather [spmem:s2], $0x20, s15, s20, $0xb8;
	[tilespmem:$0x1E000] =	vst v63  }
0xa8: {  	s15 =	smov.u32 s14  }
0xa9: {  	p0 =	sne.s32 s14, $0x11800;
	s14 =	sadd.s32 $0x1400, s14;
	_ =	swait.ge [sflag:s19], $0x1000  }
0xaa: {  	s15 =	sshra.s32 s15, $0x2;
	[sflag:s19] =	ssyncset.done $0x0  }
0xab: {  	s16 =	sadd.s32 $0x5000, s15;
	[sflag:s19] =	ssyncadd.s32 $0xFFFFF000  }
0xac: {  	[spmem:s3] =	stream.indirect.scatter.add.bf16 [tilespmem:s18], [sflag:$0xB], $0x20, s16, s20, $0xb8;
	[tilespmem:$0x1E000] =	vst v63  }
0xad: {  	_ =	swait.ge [sflag:s17], $0x1000  }
0xae: {  	[sflag:s17] =	ssyncset.done $0x0  }
0xaf: {  	s16 =	sadd.s32 $0x500, s15;
	[sflag:s17] =	ssyncadd.s32 $0xFFFFF000  }
0xb0: {  	[tilespmem:s18], [sflag:$0x1] =	stream.indirect.gather [spmem:s2], $0x20, s16, s20, $0xb8;
	[tilespmem:$0x1E000] =	vst v63  }
0xb1: {  	_ =	swait.ge [sflag:s24], $0x1000  }
0xb2: {  	[sflag:s24] =	ssyncset.done $0x0  }
0xb3: {  	s16 =	sadd.s32 $0x5080, s15;
	[sflag:s24] =	ssyncadd.s32 $0xFFFFF000  }
0xb4: {  	[spmem:s3] =	stream.indirect.scatter.add.bf16 [tilespmem:s21], [sflag:$0xB], $0x20, s16, s20, $0xb8;
	[tilespmem:$0x1E000] =	vst v63  }
0xb5: {  	_ =	swait.ge [sflag:s17], $0x1000  }
0xb6: {  	[sflag:s17] =	ssyncset.done $0x0  }
0xb7: {  	s16 =	sadd.s32 $0x580, s15;
	[sflag:s17] =	ssyncadd.s32 $0xFFFFF000  }
0xb8: {  	[tilespmem:s21], [sflag:$0x2] =	stream.indirect.gather [spmem:s2], $0x20, s16, s20, $0xb8;
	[tilespmem:$0x1E000] =	vst v63  }
0xb9: {  	_ =	swait.ge [sflag:s30], $0x1000  }
0xba: {  	[sflag:s30] =	ssyncset.done $0x0  }
0xbb: {  	s16 =	sadd.s32 $0x5100, s15;
	[sflag:s30] =	ssyncadd.s32 $0xFFFFF000  }
0xbc: {  	[spmem:s3] =	stream.indirect.scatter.add.bf16 [tilespmem:s23], [sflag:$0xB], $0x20, s16, s20, $0xb8;
	[tilespmem:$0x1E000] =	vst v63  }
0xbd: {  	_ =	swait.ge [sflag:s17], $0x1000  }
0xbe: {  	[sflag:s17] =	ssyncset.done $0x0  }
0xbf: {  	s16 =	sadd.s32 $0x600, s15;
	[sflag:s17] =	ssyncadd.s32 $0xFFFFF000  }
0xc0: {  	[tilespmem:s23], [sflag:$0x3] =	stream.indirect.gather [spmem:s2], $0x20, s16, s20, $0xb8;
	[tilespmem:$0x1E000] =	vst v63  }
0xc1: {  	_ =	swait.ge [sflag:s5], $0x1000  }
0xc2: {  	[sflag:s5] =	ssyncset.done $0x0  }
0xc3: {  	s16 =	sadd.s32 $0x5180, s15;
	[sflag:s5] =	ssyncadd.s32 $0xFFFFF000  }
0xc4: {  	[spmem:s3] =	stream.indirect.scatter.add.bf16 [tilespmem:s26], [sflag:$0xB], $0x20, s16, s20, $0xb8;
	[tilespmem:$0x1E000] =	vst v63  }
0xc5: {  	_ =	swait.ge [sflag:s17], $0x1000  }
0xc6: {  	[sflag:s17] =	ssyncset.done $0x0  }
0xc7: {  	s16 =	sadd.s32 $0x680, s15;
	[sflag:s17] =	ssyncadd.s32 $0xFFFFF000  }
0xc8: {  	[tilespmem:s26], [sflag:$0x4] =	stream.indirect.gather [spmem:s2], $0x20, s16, s20, $0xb8;
	[tilespmem:$0x1E000] =	vst v63  }
0xc9: {  	_ =	swait.ge [sflag:s8], $0x1000  }
0xca: {  	[sflag:s8] =	ssyncset.done $0x0  }
0xcb: {  	s16 =	sadd.s32 $0x5200, s15;
	[sflag:s8] =	ssyncadd.s32 $0xFFFFF000  }
0xcc: {  	[spmem:s3] =	stream.indirect.scatter.add.bf16 [tilespmem:s29], [sflag:$0xB], $0x20, s16, s20, $0xb8;
	[tilespmem:$0x1E000] =	vst v63  }
0xcd: {  	_ =	swait.ge [sflag:s17], $0x1000  }
0xce: {  	[sflag:s17] =	ssyncset.done $0x0  }
0xcf: {  	s16 =	sadd.s32 $0x700, s15;
	[sflag:s17] =	ssyncadd.s32 $0xFFFFF000  }
0xd0: {  	[tilespmem:s29], [sflag:$0x5] =	stream.indirect.gather [spmem:s2], $0x20, s16, s20, $0xb8;
	[tilespmem:$0x1E000] =	vst v63  }
0xd1: {  	_ =	swait.ge [sflag:s9], $0x1000  }
0xd2: {  	[sflag:s9] =	ssyncset.done $0x0  }
0xd3: {  	s16 =	sadd.s32 $0x5280, s15;
	[sflag:s9] =	ssyncadd.s32 $0xFFFFF000  }
0xd4: {  	[spmem:s3] =	stream.indirect.scatter.add.bf16 [tilespmem:s31], [sflag:$0xB], $0x20, s16, s20, $0xb8;
	[tilespmem:$0x1E000] =	vst v63  }
0xd5: {  	_ =	swait.ge [sflag:s17], $0x1000  }
0xd6: {  	[sflag:s17] =	ssyncset.done $0x0  }
0xd7: {  	s16 =	sadd.s32 $0x780, s15;
	[sflag:s17] =	ssyncadd.s32 $0xFFFFF000  }
0xd8: {  	[tilespmem:s31], [sflag:$0x6] =	stream.indirect.gather [spmem:s2], $0x20, s16, s20, $0xb8;
	[tilespmem:$0x1E000] =	vst v63  }
0xd9: {  	_ =	swait.ge [sflag:s10], $0x1000  }
0xda: {  	[sflag:s10] =	ssyncset.done $0x0  }
0xdb: {  	s16 =	sadd.s32 $0x5300, s15;
	[sflag:s10] =	ssyncadd.s32 $0xFFFFF000  }
0xdc: {  	[spmem:s3] =	stream.indirect.scatter.add.bf16 [tilespmem:s0], [sflag:$0xB], $0x20, s16, s20, $0xb8;
	[tilespmem:$0x1E000] =	vst v63  }
0xdd: {  	_ =	swait.ge [sflag:s17], $0x1000  }
0xde: {  	[sflag:s17] =	ssyncset.done $0x0  }
0xdf: {  	s16 =	sadd.s32 $0x800, s15;
	[sflag:s17] =	ssyncadd.s32 $0xFFFFF000  }
0xe0: {  	[tilespmem:s0], [sflag:$0x7] =	stream.indirect.gather [spmem:s2], $0x20, s16, s20, $0xb8;
	[tilespmem:$0x1E000] =	vst v63  }
0xe1: {  	_ =	swait.ge [sflag:s11], $0x1000  }
0xe2: {  	[sflag:s11] =	ssyncset.done $0x0  }
0xe3: {  	s16 =	sadd.s32 $0x5380, s15;
	[sflag:s11] =	ssyncadd.s32 $0xFFFFF000  }
0xe4: {  	[spmem:s3] =	stream.indirect.scatter.add.bf16 [tilespmem:s22], [sflag:$0xB], $0x20, s16, s20, $0xb8;
	[tilespmem:$0x1E000] =	vst v63  }
0xe5: {  	_ =	swait.ge [sflag:s17], $0x1000  }
0xe6: {  	[sflag:s17] =	ssyncset.done $0x0  }
0xe7: {  	s16 =	sadd.s32 $0x880, s15;
	[sflag:s17] =	ssyncadd.s32 $0xFFFFF000  }
0xe8: {  	[tilespmem:s22], [sflag:$0x8] =	stream.indirect.gather [spmem:s2], $0x20, s16, s20, $0xb8;
	[tilespmem:$0x1E000] =	vst v63  }
0xe9: {  	_ =	swait.ge [sflag:s12], $0x1000  }
0xea: {  	[sflag:s12] =	ssyncset.done $0x0  }
0xeb: {  	s16 =	sadd.s32 $0x5400, s15;
	[sflag:s12] =	ssyncadd.s32 $0xFFFFF000  }
0xec: {  	[spmem:s3] =	stream.indirect.scatter.add.bf16 [tilespmem:s28], [sflag:$0xB], $0x20, s16, s20, $0xb8;
	[tilespmem:$0x1E000] =	vst v63  }
0xed: {  	_ =	swait.ge [sflag:s17], $0x1000  }
0xee: {  	[sflag:s17] =	ssyncset.done $0x0  }
0xef: {  	s16 =	sadd.s32 $0x900, s15;
	[sflag:s17] =	ssyncadd.s32 $0xFFFFF000  }
0xf0: {  	[tilespmem:s28], [sflag:$0x9] =	stream.indirect.gather [spmem:s2], $0x20, s16, s20, $0xb8;
	[tilespmem:$0x1E000] =	vst v63  }
0xf1: {  	_ =	swait.ge [sflag:s13], $0x1000  }
0xf2: {  	[sflag:s13] =	ssyncset.done $0x0  }
.Ltmp1:
0xf3: {  	s16 =	sadd.s32 $0x5480, s15;
	[sflag:s13] =	ssyncadd.s32 $0xFFFFF000;
	(pc) =	sbr.rel @p0 .LBB2_4-.Ltmp1, $4  }
0xf4: {  	[spmem:s3] =	stream.indirect.scatter.add.bf16 [tilespmem:s1], [sflag:$0xB], $0x20, s16, s20, $0xb8;
	[tilespmem:$0x1E000] =	vst v63  }
0xf5: {  	_ =	swait.ge [sflag:s17], $0x1000  }
0xf6: {  	[sflag:s17] =	ssyncset.done $0x0  }
0xf7: {  	s15 =	sadd.s32 $0x980, s15;
	[sflag:s17] =	ssyncadd.s32 $0xFFFFF000  }
0xf8: {  	[tilespmem:s1], [sflag:$0xA] =	stream.indirect.gather [spmem:s2], $0x20, s15, s20, $0xb8;
	[tilespmem:$0x1E000] =	vst v63  }
0xf9: {  	_ =	swait.ge [sflag:s19], $0x1000  }
0xfa: {  	[sflag:s19] =	ssyncset.done $0x0  }
0xfb: {  	s14 =	simm.s32 $0x9B00;
	[sflag:s19] =	ssyncadd.s32 $0xFFFFF000  }
0xfc: {  	[spmem:s3] =	stream.indirect.scatter.add.bf16 [tilespmem:s18], [sflag:$0xB], $0x20, s14, s20, $0xb8;
	[tilespmem:$0x1E000] =	vst v63  }
0xfd: {  	_ =	swait.ge [sflag:s17], $0x1000  }
0xfe: {  	[sflag:s17] =	ssyncset.done $0x0  }
0xff: {  	[sflag:s17] =	ssyncadd.s32 $0xFFFFF000  }
0x100: {  	_ =	swait.ge [sflag:s24], $0x1000  }
0x101: {  	[sflag:s24] =	ssyncset.done $0x0  }
0x102: {  	s16 =	simm.s32 $0x9B80;
	[sflag:s24] =	ssyncadd.s32 $0xFFFFF000  }
0x103: {  	[spmem:s3] =	stream.indirect.scatter.add.bf16 [tilespmem:s21], [sflag:$0xB], $0x20, s16, s20, $0xb8;
	[tilespmem:$0x1E000] =	vst v63  }
0x104: {  	_ =	swait.ge [sflag:s17], $0x1000  }
0x105: {  	[sflag:s17] =	ssyncset.done $0x0  }
0x106: {  	[sflag:s17] =	ssyncadd.s32 $0xFFFFF000  }
0x107: {  	_ =	swait.ge [sflag:s30], $0x1000  }
0x108: {  	[sflag:s30] =	ssyncset.done $0x0  }
0x109: {  	s15 =	simm.s32 $0x9C00;
	[sflag:s30] =	ssyncadd.s32 $0xFFFFF000  }
0x10a: {  	[spmem:s3] =	stream.indirect.scatter.add.bf16 [tilespmem:s23], [sflag:$0xB], $0x20, s15, s20, $0xb8;
	[tilespmem:$0x1E000] =	vst v63  }
0x10b: {  	_ =	swait.ge [sflag:s17], $0x1000  }
0x10c: {  	[sflag:s17] =	ssyncset.done $0x0  }
0x10d: {  	[sflag:s17] =	ssyncadd.s32 $0xFFFFF000  }
0x10e: {  	_ =	swait.ge [sflag:s5], $0x1000  }
0x10f: {  	[sflag:s5] =	ssyncset.done $0x0  }
0x110: {  	s16 =	simm.s32 $0x9C80;
	[sflag:s5] =	ssyncadd.s32 $0xFFFFF000  }
0x111: {  	[spmem:s3] =	stream.indirect.scatter.add.bf16 [tilespmem:s26], [sflag:$0xB], $0x20, s16, s20, $0xb8;
	[tilespmem:$0x1E000] =	vst v63  }
0x112: {  	_ =	swait.ge [sflag:s17], $0x1000  }
0x113: {  	[sflag:s17] =	ssyncset.done $0x0  }
0x114: {  	[sflag:s17] =	ssyncadd.s32 $0xFFFFF000  }
0x115: {  	_ =	swait.ge [sflag:s8], $0x1000  }
0x116: {  	[sflag:s8] =	ssyncset.done $0x0  }
0x117: {  	s15 =	simm.s32 $0x9D00;
	[sflag:s8] =	ssyncadd.s32 $0xFFFFF000  }
0x118: {  	[spmem:s3] =	stream.indirect.scatter.add.bf16 [tilespmem:s29], [sflag:$0xB], $0x20, s15, s20, $0xb8;
	[tilespmem:$0x1E000] =	vst v63  }
0x119: {  	_ =	swait.ge [sflag:s17], $0x1000  }
0x11a: {  	[sflag:s17] =	ssyncset.done $0x0  }
0x11b: {  	[sflag:s17] =	ssyncadd.s32 $0xFFFFF000  }
0x11c: {  	_ =	swait.ge [sflag:s9], $0x1000  }
0x11d: {  	[sflag:s9] =	ssyncset.done $0x0  }
0x11e: {  	s16 =	simm.s32 $0x9D80;
	[sflag:s9] =	ssyncadd.s32 $0xFFFFF000  }
0x11f: {  	[spmem:s3] =	stream.indirect.scatter.add.bf16 [tilespmem:s31], [sflag:$0xB], $0x20, s16, s20, $0xb8;
	[tilespmem:$0x1E000] =	vst v63  }
0x120: {  	_ =	swait.ge [sflag:s17], $0x1000  }
0x121: {  	[sflag:s17] =	ssyncset.done $0x0  }
0x122: {  	[sflag:s17] =	ssyncadd.s32 $0xFFFFF000  }
0x123: {  	_ =	swait.ge [sflag:s10], $0x1000  }
0x124: {  	[sflag:s10] =	ssyncset.done $0x0  }
0x125: {  	s15 =	simm.s32 $0x9E00;
	[sflag:s10] =	ssyncadd.s32 $0xFFFFF000  }
0x126: {  	[spmem:s3] =	stream.indirect.scatter.add.bf16 [tilespmem:s0], [sflag:$0xB], $0x20, s15, s20, $0xb8;
	[tilespmem:$0x1E000] =	vst v63  }
0x127: {  	_ =	swait.ge [sflag:s17], $0x1000  }
0x128: {  	[sflag:s17] =	ssyncset.done $0x0  }
0x129: {  	[sflag:s17] =	ssyncadd.s32 $0xFFFFF000  }
0x12a: {  	_ =	swait.ge [sflag:s11], $0x1000  }
0x12b: {  	[sflag:s11] =	ssyncset.done $0x0  }
0x12c: {  	s16 =	simm.s32 $0x9E80;
	[sflag:s11] =	ssyncadd.s32 $0xFFFFF000  }
0x12d: {  	[spmem:s3] =	stream.indirect.scatter.add.bf16 [tilespmem:s22], [sflag:$0xB], $0x20, s16, s20, $0xb8;
	[tilespmem:$0x1E000] =	vst v63  }
0x12e: {  	_ =	swait.ge [sflag:s17], $0x1000  }
0x12f: {  	[sflag:s17] =	ssyncset.done $0x0  }
0x130: {  	[sflag:s17] =	ssyncadd.s32 $0xFFFFF000  }
0x131: {  	_ =	swait.ge [sflag:s12], $0x1000  }
0x132: {  	[sflag:s12] =	ssyncset.done $0x0  }
0x133: {  	s15 =	simm.s32 $0x9F00;
	[sflag:s12] =	ssyncadd.s32 $0xFFFFF000  }
0x134: {  	[spmem:s3] =	stream.indirect.scatter.add.bf16 [tilespmem:s28], [sflag:$0xB], $0x20, s15, s20, $0xb8;
	[tilespmem:$0x1E000] =	vst v63  }
0x135: {  	_ =	swait.ge [sflag:s17], $0x1000  }
0x136: {  	[sflag:s17] =	ssyncset.done $0x0  }
0x137: {  	[sflag:s17] =	ssyncadd.s32 $0xFFFFF000  }
0x138: {  	_ =	swait.ge [sflag:s13], $0x1000  }
0x139: {  	[sflag:s13] =	ssyncset.done $0x0  }
0x13a: {  	s16 =	simm.s32 $0x9F80;
	[sflag:s13] =	ssyncadd.s32 $0xFFFFF000  }
0x13b: {  	[spmem:s3] =	stream.indirect.scatter.add.bf16 [tilespmem:s1], [sflag:$0xB], $0x20, s16, s20, $0xb8;
	[tilespmem:$0x1E000] =	vst v63  }
0x13c: {  	_ =	swait.ge [sflag:s17], $0x1000  }
0x13d: {  	[sflag:s17] =	ssyncset.done $0x0  }
0x13e: {  	[sflag:s17] =	ssyncadd.s32 $0xFFFFF000  }
0x13f: {  	[bflag:$0x0] =	sbarrier.arrive $0xFFFF  }
0x140: {  	s15 =	rddreg [dreg:$0x8]  }
0x141: {  	[hbm:s15], [sflag:s6] =	dma.local [spmem:s25], $0xA00  }
0x142: {  	_ =	swait.ge [sflag:s17], $0xA00  }
0x143: {  	s4 =	sadd.s32 $0x1, s4;
	s16 =	rddreg [dreg:$0x9]  }
0x144: {  	p0 =	sne.s32 s4, s16  }
.Ltmp2:
0x145: {  	_ = 	snop;
	(pc) =	sbr.rel @p0 .LBB2_1-.Ltmp2, $3  }
0x146: {  	_ =	sdelay $0x1  }
0x147: {  	[sflag:s17] =	ssyncset.done $0x0  }
0x148: {  	[sflag:s17] =	ssyncadd.s32 $0xFFFFF600  }
0x149: {  	_ =	sfence.sel $0x180000  }
0x14a: {  	[bflag:$0x0] =	sbarrier.arrive $0xFFFF  }
0x14b: {  	_ =	strace $0x9000004D  }
0x14c: {  	s0 =	stileid.u32;
	[bflag:$0x2] =	sbarrier.arrive $0xFFFF  }
0x14d: {  	p0 =	sne.s32 s0, $0x0;
	s0 =	rddreg [dreg:$0x4]  }
0x14e: {  	s0 =	sadd.s32 @!p0 $0x100000, s0  }
0x14f: {  	[sflag:s0] =	ssyncadd.tile.s32 @!p0 $0x1;
	_ =	shalt  }
.Lfunc_end2:
_tile_overlayer_lowered:
.L_overlay_start_2:
0x150: {  	(tag) =	ssettag $0x2  }
0x151: {  	s0 =	rddreg [dreg:$0x0];
	s2 =	stileid.u32  }
0x152: {  	s1 =	rddreg [dreg:$0x1];
	p0 =	sne.s32 s2, $0x0  }
0x153: {  	s3 =	rddreg [dreg:$0x2];
	[bflag:$0x3] =	sbarrier.arrive $0xFFFF;
	s2 =	simm.s32 @!p0 $0x1C0B  }
0x154: {  	[timem:s3], [sflag:s2] =	dma.local @!p0 [hbm:s0], s1  }
0x155: {  	s0 =	simm.s32 @!p0 $0xB  }
0x156: {  	_ =	swait.ge @!p0 [sflag:s0], s1  }
0x157: {  	s1 =	ssub.s32 @!p0 $0x0, s1;
	[sflag:s0] =	ssyncset.done @!p0 $0x0  }
0x158: {  	[sflag:s0] =	ssyncadd.s32 @!p0 s1  }
0x159: {  	[bflag:$0x3] =	sbarrier.arrive $0xFFFF  }
0x15a: {  	_ =	shalt  }

// kernel: kernel.8.cloned.1.call-start
scs
__scs_entry_jumppad:
0x0: {  	(pc) =	sbr.rel $0x88, $3  }
0x1: {  	(tag) =	ssettag $0x0;
	lr =	simm.s32 $0x1  }
0x2: {  	[smem:$0x3F9B] =	sst lr;
	_ =	strace $0xD0000000  }
0x3: {  	_ = 	snop  }
0x4: {  	_ = 	snop  }
0x5: {  	_ = 	snop  }
0x6: {  	_ = 	snop  }
0x7: {  	_ = 	snop  }
__scs_overlays_trampoline_lowered:
0x8: {  	[smem:$0x3FAA] =	sst s0  }
0x9: {  	[smem:$0x3FAB] =	sst s1  }
0xa: {  	[smem:$0x3FAC] =	sst s2  }
0xb: {  	[smem:$0x3FAD] =	sst s3  }
0xc: {  	[smem:$0x3FAE] =	sst s4  }
0xd: {  	[smem:$0x3FAF] =	sst s5  }
0xe: {  	[smem:$0x3FB0] =	sst s6  }
0xf: {  	[smem:$0x3FB1] =	sst s7  }
0x10: {  	[smem:$0x3FB2] =	sst s8  }
0x11: {  	[smem:$0x3FB3] =	sst s9;
	s0 =	simm.s32 @!p0 $0x0  }
0x12: {  	s1 =	sld [smem:$0x3F99];
	s0 =	simm.s32 @p0 $0x1  }
0x13: {  	[smem:$0x3FB4] =	sst s0;
	s0 =	simm.s32 @!p1 $0x0  }
0x14: {  	s2 =	sld [smem:$0x3F98];
	s0 =	simm.s32 @p1 $0x1  }
0x15: {  	[smem:$0x3FB5] =	sst s0;
	s0 =	simm.s32 @!p2 $0x0  }
0x16: {  	s3 =	sld [smem:$0x3FDB];
	s0 =	simm.s32 @p2 $0x1  }
0x17: {  	s4 =	simm.s32 $0x1BF5;
	[smem:$0x3FB7] =	sst s0  }
0x18: {  	s0 =	sld [smem:$0x3F9A];
	_ =	swait.ge [sflag:s4], $0x0  }
0x19: {  	s7 =	sld [smem:$0x3F9B]  }
0x1a: {  	s8 =	sadd.s32 $0xFFFFE003, lr  }
0x1b: {  	s9 =	sadd.s32 $0xFFFFFEF7, lr;
	s5 =	simm.s32 $0xFFFFFFFF;
	p2 =	slt.u32 s8, $0xFFFFF086  }
0x1c: {  	p1 =	slt.u32 s9, $0xF7A;
	s5 =	simm.s32 @!p2 $0x0  }
0x1d: {  	s5 =	simm.s32 @p1 $0x1;
	p0 =	seq.s32 s7, s2  }
0x1e: {  	s7 =	smul.u32 @!p0 $0xF7A, s2;
	p2 =	seq.s32 @!p0 s5, $0x0  }
0x1f: {  	s9 =	smul.u32 $0xF7A, s1;
	s8 =	simm.s32 @!p0 $0x1BF5;
	p2 =	por !p2, p0  }
0x20: {  	[sflag:s8] =	ssyncset.s32 @!p0 $0xFFFFF086;
	s6 =	sadd.s32 @!p0 s3, s7;
	s7 =	simm.s32 @!p0 $0x108  }
0x21: {  	s3 =	sadd.s32 s3, s9;
	s6 =	sadd.s32 @!p0 $0x88, s6;
	s7 =	simm.s32 @p2 $0x1082  }
0x22: {  	[simem:s7], [sflag:s8] =	dma.local @!p0 [hbm:s6], $0xF7A  }
0x23: {  	s9 =	sor.u32 $0xD0000000, s2;
	s6 =	simm.s32 $0x108;
	_ =	swait.ge @!p0 [sflag:s8], $0x0  }
0x24: {  	s3 =	sadd.s32 $0x88, s3;
	s6 =	simm.s32 @!p1 $0x1082;
	[sflag:s4] =	ssyncset.s32 $0xFFFFF086  }
0x25: {  	[simem:s6], [sflag:s4] =	dma.local [hbm:s3], $0xF7A  }
0x26: {  	[smem:$0x3F9B] =	sst s1;
	(tag) =	ssettag s2;
	_ =	strace s9  }
0x27: {  	s1 =	sld [smem:$0x3FAB]  }
0x28: {  	s2 =	sld [smem:$0x3FAC]  }
0x29: {  	s4 =	sld [smem:$0x3FAE]  }
0x2a: {  	p0 =	seq.s32 s5, $0x0;
	s5 =	sld [smem:$0x3FAF]  }
0x2b: {  	s6 =	sld [smem:$0x3FB0]  }
0x2c: {  	s7 =	sld [smem:$0x3FB1]  }
0x2d: {  	s3 =	simm.s32 $0x108;
	s8 =	sld [smem:$0x3FB2]  }
0x2e: {  	s3 =	simm.s32 @!p0 $0x1082;
	s9 =	sld [smem:$0x3FB3]  }
0x2f: {  	lr =	sadd.s32 s0, s3;
	s0 =	sld [smem:$0x3FAA]  }
0x30: {  	s3 =	sld [smem:$0x3FAD]  }
0x31: {  	[smem:$0x3FB6] =	sst s10  }
0x32: {  	s10 =	sld [smem:$0x3FB4];
	_ =	sdelay $0x3  }
0x33: {  	p0 =	seq.s32 s10, $0x1;
	s10 =	sld [smem:$0x3FB6];
	_ =	sdelay $0x3  }
0x34: {  	[smem:$0x3FB6] =	sst s10  }
0x35: {  	s10 =	sld [smem:$0x3FB5];
	_ =	sdelay $0x3  }
0x36: {  	p1 =	seq.s32 s10, $0x1;
	s10 =	sld [smem:$0x3FB6];
	_ =	sdelay $0x3  }
0x37: {  	[smem:$0x3FB6] =	sst s10  }
0x38: {  	s10 =	sld [smem:$0x3FB7]  }
0x39: {  	_ = 	snop;
	(pc) =	sbr.ind lr, $3  }
0x3a: {  	_ = 	snop  }
0x3b: {  	_ = 	snop  }
0x3c: {  	p2 =	seq.s32 s10, $0x1;
	s10 =	sld [smem:$0x3FB6]  }
0x3d: {  	_ =	shalt  }
0x3e: {  	_ =	shalt  }
0x3f: {  	_ =	shalt  }
0x40: {  	_ =	shalt  }
0x41: {  	_ =	shalt  }
0x42: {  	_ =	shalt  }
0x43: {  	_ =	shalt  }
0x44: {  	_ =	shalt  }
0x45: {  	_ =	shalt  }
0x46: {  	_ =	shalt  }
0x47: {  	_ =	shalt  }
0x48: {  	_ =	shalt  }
0x49: {  	_ =	shalt  }
0x4a: {  	_ =	shalt  }
0x4b: {  	_ =	shalt  }
0x4c: {  	_ =	shalt  }
0x4d: {  	_ =	shalt  }
0x4e: {  	_ =	shalt  }
0x4f: {  	_ =	shalt  }
0x50: {  	_ =	shalt  }
0x51: {  	_ =	shalt  }
0x52: {  	_ =	shalt  }
0x53: {  	_ =	shalt  }
0x54: {  	_ =	shalt  }
0x55: {  	_ =	shalt  }
0x56: {  	_ =	shalt  }
0x57: {  	_ =	shalt  }
0x58: {  	_ =	shalt  }
0x59: {  	_ =	shalt  }
0x5a: {  	_ =	shalt  }
0x5b: {  	_ =	shalt  }
0x5c: {  	_ =	shalt  }
0x5d: {  	_ =	shalt  }
0x5e: {  	_ =	shalt  }
0x5f: {  	_ =	shalt  }
0x60: {  	_ =	shalt  }
0x61: {  	_ =	shalt  }
0x62: {  	_ =	shalt  }
0x63: {  	_ =	shalt  }
0x64: {  	_ =	shalt  }
0x65: {  	_ =	shalt  }
0x66: {  	_ =	shalt  }
0x67: {  	_ =	shalt  }
0x68: {  	_ =	shalt  }
0x69: {  	_ =	shalt  }
0x6a: {  	_ =	shalt  }
0x6b: {  	_ =	shalt  }
0x6c: {  	_ =	shalt  }
0x6d: {  	_ =	shalt  }
0x6e: {  	_ =	shalt  }
0x6f: {  	_ =	shalt  }
0x70: {  	_ =	shalt  }
0x71: {  	_ =	shalt  }
0x72: {  	_ =	shalt  }
0x73: {  	_ =	shalt  }
0x74: {  	_ =	shalt  }
0x75: {  	_ =	shalt  }
0x76: {  	_ =	shalt  }
0x77: {  	_ =	shalt  }
0x78: {  	_ =	shalt  }
0x79: {  	_ =	shalt  }
0x7a: {  	_ =	shalt  }
0x7b: {  	_ =	shalt  }
0x7c: {  	_ =	shalt  }
0x7d: {  	_ =	shalt  }
0x7e: {  	_ =	shalt  }
0x7f: {  	_ =	shalt  }
0x80: {  	_ =	shalt  }
0x81: {  	_ =	shalt  }
0x82: {  	_ =	shalt  }
0x83: {  	_ =	shalt  }
0x84: {  	_ =	shalt  }
0x85: {  	_ =	shalt  }
0x86: {  	_ =	shalt  }
0x87: {  	_ =	shalt  }
.Lfunc_end0:
.L_simem_size_0:
called_computation_lowered:
.L_overlay_start_0:
0x88: {  	s2 =	sld [smem:$0x3FD9]  }
0x89: {  	s3 =	sld [smem:$0x3FFE];
	_ =	sdelay $0x1  }
0x8a: {  	s1 =	srdreg.scid  }
0x8b: {  	s0 =	sand.u32 $0x1, s1  }
0x8c: {  	s16 =	sshll.u32 s0, $0xA;
	s2 =	sadd.s32 s3, s2  }
0x8d: {  	s2 =	sadd.s32 s2, s16  }
0x8e: {  	[smem:$0x3FC2] =	sst s2  }
0x8f: {  	_ = 	snop  }
0x90: {  	(tm) =	ssettm $0x1  }
0x91: {  	s17 =	sld [smem:$0x3FFB];
	_ =	sdelay $0x3  }
0x92: {  	_ =	strace s17  }
0x93: {  	s2 =	sld [smem:$0x3FFC];
	_ =	sdelay $0x3  }
0x94: {  	_ =	strace s2  }
0x95: {  	s2 =	sld [smem:$0x3FFD];
	_ =	sdelay $0x3  }
0x96: {  	_ =	strace s2  }
0x97: {  	_ =	strace $0x8FFFFFFF  }
0x98: {  	s18 =	sld [smem:$0x3FDB];
	_ =	sdelay $0x1  }
0x99: {  	s19 =	simm.s32 $_scs_section_size  }
0x9a: {  	s4 =	simm.s32 $_size__tile_overlayer_lowered;
	s5 =	simm.s32 $_tile_overlayer_lowered  }
0x9b: {  	s22 =	simm.s32 $0x1BFF;
	s21 =	sshll.u32 s5, $0x1;
	s2 =	sadd.s32 s19, s18  }
0x9c: {  	s6 =	simm.s32 $0x0;
	s20 =	sshll.u32 s4, $0x1;
	s4 =	sadd.s32 s21, s2  }
0x9d: {  	[timem:s6], [sflag:s22] =	dma.local [hbm:s4], s20  }
0x9e: {  	_ =	swait.ge [sflag:s22], s20  }
0x9f: {  	s3 =	ssub.s32 $0x0, s20;
	[sflag:s22] =	ssyncset.done $0x0  }
0xa0: {  	[sflag:s22] =	ssyncadd.s32 s3;
	_ =	sdelay $0x1  }
0xa1: {  	s23 =	simm.s32 $0x1B8B  }
0xa2: {  	_ =	swait.ge [sflag:s23], $0x1  }
0xa3: {  	[sflag:s23] =	ssyncset.done $0x0  }
0xa4: {  	s25 =	simm.s32 $0x1B8E;
	s24 =	sld [smem:$0x3FFE];
	[sflag:s23] =	ssyncadd.s32 $0xFFFFFFFF  }
0xa5: {  	s26 =	simm.s32 $execute0_lowered;
	[smem:$0x3FD2] =	sst s25  }
0xa6: {  	s4 =	sshll.u32 s26, $0x1;
	_ =	strace $0x80000046;
	[dreg:$0x1] =	wrdreg $0xFFFFFFFF  }
0xa7: {  	s28 =	simm.s32 $_size_execute0_lowered;
	s2 =	sadd.s32 s2, s4;
	[dreg:$0x0] =	wrdreg $0x0  }
0xa8: {  	s4 =	sshll.u32 s28, $0x1;
	[dreg:$0x2] =	wrdreg s2  }
0xa9: {  	[dreg:$0x3] =	wrdreg s4  }
0xaa: {  	[dreg:$0x4] =	wrdreg $0xC0  }
0xab: {  	_ =	task [dreg:s6], $0x5FFFF  }
0xac: {  	[dreg:$0x1] =	wrdreg $0xFFFFFFFF  }
0xad: {  	[dreg:$0x0] =	wrdreg $0x60  }
0xae: {  	[dreg:$0x2] =	wrdreg s24  }
0xaf: {  	[dreg:$0x3] =	wrdreg $0x4F000  }
0xb0: {  	[dreg:$0x4] =	wrdreg $0x9  }
0xb1: {  	_ =	task.clear_ibuf [dreg:s6], $0x5FFFF;
	_ =	strace $0x90000046  }
0xb2: {  	s29 =	simm.s32 $0x9;
	_ =	strace $0x80000048  }
0xb3: {  	_ =	swait.ge [sflag:s29], $0x1  }
0xb4: {  	[sflag:s29] =	ssyncadd.s32 $0xFFFFFFFF  }
0xb5: {  	_ =	strace $0x90000048  }
0xb6: {  	_ =	sfence  }
0xb7: {  	s30 =	sld [smem:$0x0];
	_ =	sdelay $0x2  }
0xb8: {  	s31 =	sshll.u32 s1, $0xD;
	s1 =	sshrl.u32 s1, $0x2  }
0xb9: {  	s3 =	sand.u32 $0x4000, s31;
	s1 =	sadd.s32 s1, s30  }
0xba: {  	s0 =	sor.u32 s3, s0;
	s1 =	sshll.u32 s1, $0x11  }
0xbb: {  	s0 =	sor.u32 s1, s0  }
0xbc: {  	s0 =	sadd.s32 $0x8F2B, s0  }
0xbd: {  	[sflag:s0] =	ssyncadd.remote.s32 $0x1  }
0xbe: {  	_ =	sfence.sel $0xFFFF  }
0xbf: {  	[dreg:$0x0] =	wrdreg $0xFFFFFFFF;
	(pc) =	sbr.abs _section_cstart, $3  }
0xc0: {  	[dreg:$0x1] =	wrdreg $0xFFFFFFFF  }
0xc1: {  	_ =	task.clear_ibuf [dreg:s6], $0x2FFFF;
	_ =	strace $0x9FFFFFFF  }
0xc2: {  	(tm) =	ssettm $0x7FFFFFFF  }
0xc3: {  	_ =	shalt  }
tec
execute0_lowered:
.L_overlay_start_1:
0x0: {  	(tag) =	ssettag $0x1  }
0x1: {  	s12 =	rddreg [dreg:$0x0]  }
0x2: {  	s2 =	rddreg [dreg:$0x1]  }
0x3: {  	s0 =	rddreg [dreg:$0x2]  }
0x4: {  	s1 =	stileid.u32;
	s4 =	srdreg.scid;
	s3 =	simm.s32 $0x0  }
0x5: {  	s5 =	smul.u32 $0x280, s1;
	s11 =	sand.u32 $0x1, s4;
	s25 =	sshll.u32 s1, $0x1  }
0x6: {  	[smem:$0x7FF] =	sst s3;
	s29 =	sshll.u32 s1, $0x6;
	s4 =	sor.u32 s11, s25  }
0x7: {  	_ =	strace $0x80000047;
	s6 =	sshrl.u32 s5, $0x3;
	s8 =	smul.u32 $0x4E2, s4  }
0x8: {  	s28 =	sadd.s32 s5, s2;
	s5 =	sor.u32 $0x1C01, s29;
	s26 =	sadd.s32 s6, s12  }
0x9: {  	s7 =	sshrl.u32 s28, $0x3;
	s6 =	simm.s32 $0x1;
	s4 =	sadd.s32 $0xAA00, s26  }
0xa: {  	[spmem:s7], [sflag:s5] =	dma.local [hbm:s4], $0x50  }
0xb: {  	_ =	swait.ge [sflag:s6], $0x50  }
0xc: {  	s8 =	sadd.s32 s8, s12;
	[sflag:s6] =	ssyncset.done $0x0  }
0xd: {  	s8 =	sadd.s32 $0xC00, s8;
	[sflag:s6] =	ssyncadd.s32 $0xFFFFFFB0  }
0xe: {  	[tilespmem:s3], [sflag:$0x1] =	stream.linear.gather [hbm4b:s8+s3], $0x2710, $0x38;
	[tilespmem:$0x5180] =	vst v63  }
0xf: {  	_ =	swait.ge [sflag:s6], $0x2710  }
0x10: {  	[sflag:s6] =	ssyncset.done $0x0  }
0x11: {  	s10 =	simm.s32 $0x2780;
	s9 =	sadd.s32 $0xB000, s12;
	[sflag:s6] =	ssyncadd.s32 $0xFFFFD8F0  }
0x12: {  	[tilespmem:s10], [sflag:$0x1] =	stream.linear.gather [hbm4b:s9+s3], $0x2780, $0x38;
	[tilespmem:$0x5180] =	vst v63  }
0x13: {  	s13 =	smul.u32 $0x500, s1;
	_ =	swait.ge [sflag:s6], $0x2780  }
0x14: {  	s14 =	sshll.u32 s11, $0x7;
	s30 =	ssub.s32 $0x2, s11;
	[sflag:s6] =	ssyncset.done $0x0  }
0x15: {  	s11 =	simm.s32 $0x2710;
	s15 =	sshrl.u32 s30, $0x1;
	[sflag:s6] =	ssyncadd.s32 $0xFFFFD880  }
0x16: {  	s13 =	sor.u32 s14, s13;
	s31 =	ssub.s32 s30, s15;
	[bflag:$0x0] =	sbarrier.arrive $0xFFFF  }
0x17: {  	[spmem:s2] =	stream.indirect.scatter.add.f32 [tilespmem:s10], [sflag:$0x1], $0x1, s3, s11, $0xb8;
	[tilespmem:$0x5180] =	vst v63  }
0x18: {  	s14 =	simm.s32 $0x10;
	s15 =	smax.u32 s31, $0x1;
	_ =	swait.ge [sflag:s6], $0x2710  }
0x19: {  	s13 =	sshrl.u32 s13, $0x3;
	p0 =	sne.s32 s15, $0x1;
	[sflag:s6] =	ssyncset.done $0x0  }
.Ltmp0:
0x1a: {  	s12 =	sadd.s32 s13, s12;
	[sflag:s6] =	ssyncadd.s32 $0xFFFFD8F0;
	(pc) =	sbr.rel @!p0 .LBB2_2-.Ltmp0, $4  }
0x1b: {  	s13 =	simm.s32 $0x20;
	s12 =	sadd.s32 $0xB600, s12;
	[bflag:$0x0] =	sbarrier.arrive $0xFFFF  }
0x1c: {  	[hbm:s12@s13], [sflag:s5] =	dma.strided [spmem:s7@s14], $0x50, s6, $0x10   }
0x1d: {  	_ =	swait.ge [sflag:s6], $0x50  }
0x1e: {  	s15 =	sadd.s32 $0xFFFFFFFF, s15;
	[sflag:s6] =	ssyncset.done $0x0  }
.LBB2_1:
0x1f: {  	p0 =	sne.s32 s15, $0x1;
	s15 =	sadd.s32 $0xFFFFFFFF, s15;
	[sflag:s6] =	ssyncadd.s32 $0xFFFFFFB0  }
0x20: {  	[spmem:s7], [sflag:s5] =	dma.local [hbm:s4], $0x50  }
0x21: {  	_ =	swait.ge [sflag:s6], $0x50  }
0x22: {  	[sflag:s6] =	ssyncset.done $0x0  }
0x23: {  	[sflag:s6] =	ssyncadd.s32 $0xFFFFFFB0  }
0x24: {  	[tilespmem:s3], [sflag:$0x1] =	stream.linear.gather [hbm4b:s8+s3], $0x2710, $0x38;
	[tilespmem:$0x5180] =	vst v63  }
0x25: {  	_ =	swait.ge [sflag:s6], $0x2710  }
0x26: {  	[sflag:s6] =	ssyncset.done $0x0  }
0x27: {  	[sflag:s6] =	ssyncadd.s32 $0xFFFFD8F0  }
0x28: {  	[tilespmem:s10], [sflag:$0x1] =	stream.linear.gather [hbm4b:s9+s3], $0x2780, $0x38;
	[tilespmem:$0x5180] =	vst v63  }
0x29: {  	_ =	swait.ge [sflag:s6], $0x2780  }
0x2a: {  	[sflag:s6] =	ssyncset.done $0x0  }
0x2b: {  	[sflag:s6] =	ssyncadd.s32 $0xFFFFD880  }
0x2c: {  	[bflag:$0x0] =	sbarrier.arrive $0xFFFF  }
0x2d: {  	[spmem:s2] =	stream.indirect.scatter.add.f32 [tilespmem:s10], [sflag:$0x1], $0x1, s3, s11, $0xb8;
	[tilespmem:$0x5180] =	vst v63  }
0x2e: {  	_ =	swait.ge [sflag:s6], $0x2710  }
0x2f: {  	[sflag:s6] =	ssyncset.done $0x0  }
.Ltmp1:
0x30: {  	[sflag:s6] =	ssyncadd.s32 $0xFFFFD8F0;
	(pc) =	sbr.rel @p0 .LBB2_1-.Ltmp1, $4  }
0x31: {  	[bflag:$0x0] =	sbarrier.arrive $0xFFFF  }
0x32: {  	[hbm:s12@s13], [sflag:s5] =	dma.strided [spmem:s7@s14], $0x50, s6, $0x10   }
0x33: {  	_ =	swait.ge [sflag:s6], $0x50  }
0x34: {  	[sflag:s6] =	ssyncset.done $0x0  }
.LBB2_2:
0x35: {  	[sflag:s6] =	ssyncadd.s32 $0xFFFFFFB0  }
0x36: {  	_ =	sfence.sel $0x180000  }
0x37: {  	[bflag:$0x0] =	sbarrier.arrive $0xFFFF  }
0x38: {  	p0 =	sne.s32 s1, $0x0;
	_ =	strace $0x90000047  }
0x39: {  	s0 =	sadd.s32 @!p0 $0x100000, s0;
	[bflag:$0x2] =	sbarrier.arrive $0xFFFF  }
0x3a: {  	[sflag:s0] =	ssyncadd.tile.s32 @!p0 $0x1;
	_ =	shalt  }
.Lfunc_end2:
_tile_overlayer_lowered:
.L_overlay_start_2:
0x3b: {  	(tag) =	ssettag $0x2  }
0x3c: {  	s0 =	rddreg [dreg:$0x0];
	s2 =	stileid.u32  }
0x3d: {  	s1 =	rddreg [dreg:$0x1];
	p0 =	sne.s32 s2, $0x0  }
0x3e: {  	s3 =	rddreg [dreg:$0x2];
	[bflag:$0x3] =	sbarrier.arrive $0xFFFF;
	s2 =	simm.s32 @!p0 $0x1C01  }
0x3f: {  	[timem:s3], [sflag:s2] =	dma.local @!p0 [hbm:s0], s1  }
0x40: {  	s0 =	simm.s32 @!p0 $0x1  }
0x41: {  	_ =	swait.ge @!p0 [sflag:s0], s1  }
0x42: {  	s1 =	ssub.s32 @!p0 $0x0, s1;
	[sflag:s0] =	ssyncset.done @!p0 $0x0  }
0x43: {  	[sflag:s0] =	ssyncadd.s32 @!p0 s1  }
0x44: {  	[bflag:$0x3] =	sbarrier.arrive $0xFFFF  }
0x45: {  	_ =	shalt  }

</sc_bundles>
